<compile_context>
chip_gen: v7x
topology: tpu7x:2x2x1
jax: 0.10.2.dev20260603
libtpu: 0.0.44.dev20260713+nightly
codegen_flags: <defaults>
</compile_context>

<pallas_src>
import functools

import jax
import jax.numpy as jnp
from jax import lax
from jax.experimental import pallas as pl
from jax.experimental.pallas import tpu as pltpu
from jax.experimental.pallas import tpu_sc as plsc

N = 10000
E = 160000
LATDIM = 256
HALF = 128
NSUB = 16
EPW = E // NSUB
CH = 40
NCHUNK = EPW // CH
NP = 10240
NORMROWS = NP // 8
RPS = NP // NSUB
TROWS = NP + NORMROWS
ZPS = TROWS // NSUB
EPB = 16
EPS = 1e-8
L = 16


_RB = 1000


def _qkv_body(emb, qT, kT, vT, q2, k2, v2):
    x = emb[...]
    q = jnp.dot(x, qT[...], preferred_element_type=jnp.float32)
    k = jnp.dot(x, kT[...], preferred_element_type=jnp.float32)
    v = jnp.dot(x, vT[...], preferred_element_type=jnp.float32)
    for c in range(2):
        q2[c] = q[:, HALF * c:HALF * (c + 1)]
        k2[c] = k[:, HALF * c:HALF * (c + 1)]
        v2[c] = v[:, HALF * c:HALF * (c + 1)]


def _qkv(embeds, qTrans, kTrans, vTrans):
    out2 = jax.ShapeDtypeStruct((2, N, HALF), jnp.float32)
    spec2 = pl.BlockSpec((2, _RB, HALF), lambda i: (0, i, 0))
    return pl.pallas_call(
        _qkv_body,
        grid=(N // _RB,),
        in_specs=[
            pl.BlockSpec((_RB, LATDIM), lambda i: (i, 0)),
            pl.BlockSpec((LATDIM, LATDIM), lambda i: (0, 0)),
            pl.BlockSpec((LATDIM, LATDIM), lambda i: (0, 0)),
            pl.BlockSpec((LATDIM, LATDIM), lambda i: (0, 0)),
        ],
        out_specs=[spec2, spec2, spec2],
        out_shape=[out2, out2, out2],
    )(embeds, qTrans, kTrans, vTrans)


def _sc_body(q2, k2, v2, rows_hbm, cols_hbm, out_hbm,
             rows_v, rowsq_v, cols_v, colsq_v, nidx_v, qbuf, kbuf, vbuf,
             sbuf, attbuf, contrib, obuf, nbuf, acc_sh, sem_q, sem_k, sem_v):
    c = lax.axis_index("c")
    s = lax.axis_index("s")
    iota = lax.iota(jnp.int32, L)
    zv = jnp.zeros((L,), jnp.float32)
    r0s = s * RPS

    @pl.loop(0, EPB)
    def _(i):
        for j in range(HALF // L):
            obuf[i, pl.ds(j * L, L)] = zv

    @pl.loop(0, CH)
    def _(i):
        for j in range(HALF // L):
            attbuf[i, pl.ds(j * L, L)] = zv

    @pl.loop(0, ZPS // EPB)
    def _(b):
        pltpu.sync_copy(obuf, acc_sh.at[pl.ds(s * ZPS + b * EPB, EPB)])

    plsc.subcore_barrier()

    e_base = s * EPW
    cNv = jnp.full((L,), c * N, jnp.int32)
    NPv = jnp.full((L,), NP, jnp.int32)
    pat_r = iota // 4
    pat_c = iota % 4

    @pl.loop(0, NCHUNK)
    def _(ch):
        e0 = e_base + ch * CH
        pltpu.sync_copy(rows_hbm.at[pl.ds(e0, CH)], rows_v)
        pltpu.sync_copy(cols_hbm.at[pl.ds(e0, CH)], cols_v)

        for t0 in (0, L, CH - L):
            rv = rows_v[pl.ds(t0, L)]
            rowsq_v[pl.ds(t0, L)] = rv + cNv
            nidx_v[pl.ds(t0, L)] = lax.shift_right_logical(rv, 3) + NPv
            colsq_v[pl.ds(t0, L)] = cols_v[pl.ds(t0, L)] + cNv

        cp_q = pltpu.async_copy(q2.at[rowsq_v], qbuf, sem_q)
        cp_k = pltpu.async_copy(k2.at[colsq_v], kbuf, sem_k)
        cp_v = pltpu.async_copy(v2.at[colsq_v], vbuf, sem_v)
        cp_q.wait()
        cp_k.wait()
        cp_v.wait()

        @pl.loop(0, CH, unroll=4)
        def _(e):
            for h in range(4):
                a = qbuf[e, pl.ds(32 * h, L)] * kbuf[e, pl.ds(32 * h, L)]
                b = (qbuf[e, pl.ds(32 * h + L, L)]
                     * kbuf[e, pl.ds(32 * h + L, L)])
                sbuf[e, pl.ds(L * h, L)] = a + b

        @pl.loop(0, CH // 4, unroll=2)
        def _(g):
            ridx = g * 4 + pat_r
            cid0 = pat_c * L
            gs = [plsc.load_gather(sbuf, [ridx, cid0 + l])
                  for l in range(L)]
            while len(gs) > 1:
                gs = [gs[i] + gs[i + 1] for i in range(0, len(gs), 2)]
            tot = gs[0]
            att = jnp.exp(jnp.clip(tot, -10.0, 10.0))
            rv = plsc.load_gather(rows_v, [ridx])
            colpos = lax.shift_left(rv & 7, 4) + pat_c
            plsc.store_scatter(attbuf, [ridx, colpos], att)
            plsc.store_scatter(sbuf, [ridx, pat_c], att)

        @pl.loop(0, CH, unroll=4)
        def _(e):
            att4 = sbuf[e, pl.ds(0, L)]
            for h in range(4):
                av = jnp.full((L,), att4[h], jnp.float32)
                for j in range(2):
                    col = 32 * h + L * j
                    contrib[e, pl.ds(col, L)] = av * vbuf[e, pl.ds(col, L)]

        pltpu.sync_copy(contrib, acc_sh.at[rows_v], add=True)
        pltpu.sync_copy(attbuf, acc_sh.at[nidx_v], add=True)

        @pl.loop(0, CH // 4, unroll=2)
        def _(g):
            ridx = g * 4 + pat_r
            rv = plsc.load_gather(rows_v, [ridx])
            colpos = lax.shift_left(rv & 7, 4) + pat_c
            plsc.store_scatter(attbuf, [ridx, colpos], zv)

    plsc.subcore_barrier()

    @pl.loop(0, RPS // EPB)
    def _(b):
        r0 = r0s + b * EPB
        pltpu.sync_copy(acc_sh.at[pl.ds(r0, EPB)], obuf)
        pltpu.sync_copy(
            acc_sh.at[pl.ds(NP + s * (RPS // 8) + b * (EPB // 8), EPB // 8)],
            nbuf)

        for i in range(EPB):
            n_row = nbuf[i // 8, pl.ds((i % 8) * L, L)]
            for h in range(4):
                nv = jnp.full((L,), n_row[h], jnp.float32) + EPS
                for j in range(2):
                    col = 32 * h + L * j
                    obuf[i, pl.ds(col, L)] = obuf[i, pl.ds(col, L)] / nv

        pltpu.sync_copy(obuf, out_hbm.at[pl.ds(c * NP + r0, EPB)])


_sc_call = functools.partial(
    pl.kernel,
    out_type=jax.ShapeDtypeStruct((2 * NP, HALF), jnp.float32),
    mesh=plsc.VectorSubcoreMesh(core_axis_name="c", subcore_axis_name="s"),
    compiler_params=pltpu.CompilerParams(needs_layout_passes=False),
    scratch_types=[
        pltpu.VMEM((CH,), jnp.int32),
        pltpu.VMEM((CH,), jnp.int32),
        pltpu.VMEM((CH,), jnp.int32),
        pltpu.VMEM((CH,), jnp.int32),
        pltpu.VMEM((CH,), jnp.int32),
        pltpu.VMEM((CH, HALF), jnp.float32),
        pltpu.VMEM((CH, HALF), jnp.float32),
        pltpu.VMEM((CH, HALF), jnp.float32),
        pltpu.VMEM((CH, 4 * L), jnp.float32),
        pltpu.VMEM((CH, HALF), jnp.float32),
        pltpu.VMEM((CH, HALF), jnp.float32),
        pltpu.VMEM((EPB, HALF), jnp.float32),
        pltpu.VMEM((EPB // 8, HALF), jnp.float32),
        pltpu.VMEM_SHARED((TROWS, HALF), jnp.float32),
        pltpu.SemaphoreType.DMA,
        pltpu.SemaphoreType.DMA,
        pltpu.SemaphoreType.DMA,
    ],
)(_sc_body)


def kernel(embeds, edge_index, qTrans, kTrans, vTrans):
    q2, k2, v2 = _qkv(embeds, qTrans, kTrans, vTrans)
    q2 = q2.reshape(2 * N, HALF)
    k2 = k2.reshape(2 * N, HALF)
    v2 = v2.reshape(2 * N, HALF)
    rows = edge_index[0]
    cols = edge_index[1]
    o2 = _sc_call(q2, k2, v2, rows, cols)
    return jnp.concatenate([o2[:N], o2[NP:NP + N]], axis=1)

# --- scband reference (transcript-rebuilt; emitter-appended) ---
"""Pipeline reference for scband-gtlayer-41283225649459 (READ-ONLY COPY).

The authoritative reference and input builder live on the scoring server;
editing this copy changes nothing except your own understanding.
"""

import jax, jax.numpy as jnp
import numpy as np

N = 10000
E = 160000
LATDIM = 256
HEAD = 8
DH = LATDIM // HEAD

def _xavier(key, shape):
    lim = float(np.sqrt(6.0 / (shape[0] + shape[1])))
    return jax.random.uniform(key, shape, minval=-lim, maxval=lim, dtype=jnp.float32)

def setup_inputs(seed: int = 0) -> dict:
    key = jax.random.key(seed)
    k1, k2, k3, k4, k5 = jax.random.split(key, 5)
    embeds = jax.random.normal(k1, (N, LATDIM), dtype=jnp.float32)
    edge_index = jax.random.randint(k2, (2, E), 0, N, dtype=jnp.int32)
    qTrans = _xavier(k3, (LATDIM, LATDIM))
    kTrans = _xavier(k4, (LATDIM, LATDIM))
    vTrans = _xavier(k5, (LATDIM, LATDIM))
    return {"embeds": embeds, "edge_index": edge_index, "qTrans": qTrans, "kTrans": kTrans, "vTrans": vTrans}

def reference(embeds, edge_index, qTrans, kTrans, vTrans):
    rows = edge_index[0, :]
    cols = edge_index[1, :]
    rowEmbeds = jnp.take(embeds, rows, axis=0)
    colEmbeds = jnp.take(embeds, cols, axis=0)
    qEmbeds = (rowEmbeds @ qTrans).reshape(-1, HEAD, DH)
    kEmbeds = (colEmbeds @ kTrans).reshape(-1, HEAD, DH)
    vEmbeds = (colEmbeds @ vTrans).reshape(-1, HEAD, DH)
    att = jnp.einsum('ehd,ehd->eh', qEmbeds, kEmbeds)
    att = jnp.clip(att, -10.0, 10.0)
    expAtt = jnp.exp(att)
    attNorm = jnp.zeros((N, HEAD), dtype=jnp.float32).at[rows].add(expAtt)
    attNorm = jnp.take(attNorm, rows, axis=0)
    att = expAtt / (attNorm + 1e-08)
    resEmbeds = jnp.einsum('eh,ehd->ehd', att, vEmbeds).reshape(-1, LATDIM)
    out = jnp.zeros((N, LATDIM), dtype=jnp.float32).at[rows].add(resEmbeds)
    return out

if __name__ == "__main__":
    import jax
    _d = setup_inputs()
    print(jax.jit(kernel)(*tuple(_d.values())))

</pallas_src>

<mosaic_0001>
#map = affine_map<(d0, d1) -> (0, 0)>
#map1 = affine_map<(d0, d1) -> (0)>
module attributes {stable_mosaic.version = 14 : i64} {
  func.func @_sc_body(%arg0: i32, %arg1: i32, %arg2: memref<20000x128xf32, #tpu.memory_space<hbm>>, %arg3: memref<20000x128xf32, #tpu.memory_space<hbm>>, %arg4: memref<20000x128xf32, #tpu.memory_space<hbm>>, %arg5: memref<160000xi32, #tpu.memory_space<hbm>>, %arg6: memref<160000xi32, #tpu.memory_space<hbm>>, %arg7: memref<20480x128xf32, #tpu.memory_space<hbm>>, %arg8: memref<40xi32, #tpu.memory_space<vmem>>, %arg9: memref<40xi32, #tpu.memory_space<vmem>>, %arg10: memref<40xi32, #tpu.memory_space<vmem>>, %arg11: memref<40xi32, #tpu.memory_space<vmem>>, %arg12: memref<40xi32, #tpu.memory_space<vmem>>, %arg13: memref<40x128xf32, #tpu.memory_space<vmem>>, %arg14: memref<40x128xf32, #tpu.memory_space<vmem>>, %arg15: memref<40x128xf32, #tpu.memory_space<vmem>>, %arg16: memref<40x64xf32, #tpu.memory_space<vmem>>, %arg17: memref<40x128xf32, #tpu.memory_space<vmem>>, %arg18: memref<40x128xf32, #tpu.memory_space<vmem>>, %arg19: memref<16x128xf32, #tpu.memory_space<vmem>>, %arg20: memref<2x128xf32, #tpu.memory_space<vmem>>, %arg21: memref<11520x128xf32, #tpu.memory_space<vmem_shared>>, %arg22: memref<!tpu.dma_semaphore, #tpu.memory_space<semaphore_mem>>, %arg23: memref<!tpu.dma_semaphore, #tpu.memory_space<semaphore_mem>>, %arg24: memref<!tpu.dma_semaphore, #tpu.memory_space<semaphore_mem>>) attributes {dimension_semantics = [#tpu.dimension_semantics<core_parallel>, #tpu.dimension_semantics<subcore_parallel>], iteration_bounds = array<i64: 2, 16>, scalar_prefetch = 0 : i64, scratch_operands = 17 : i64, tpu.core_type = #tpu.core_type<sc_vector_subcore>, window_params = [{transform_indices = #map}, {transform_indices = #map}, {transform_indices = #map}, {transform_indices = #map1}, {transform_indices = #map1}, {transform_indices = #map}]} {
    %iota3A = tpu.iota {dimensions = array<i32: 0>} : vector<16xi32>
    %broadcast_in_dim3A = arith.constant 0.000000e+00 : f32
    %broadcast_in_dim3A_0 = vector.broadcast %broadcast_in_dim3A : f32 to vector<16xf32>
    %mul3A = arith.constant 640 : i32
    %mul3A_1 = arith.muli %arg1, %mul3A : i32
    %scan3A = arith.constant 0 : i32
    %scan3A_2 = arith.constant 16 : i32
    %scan3A_3 = arith.addi %scan3A, %scan3A_2 : i32
    %scan3A_4 = arith.constant 1 : i32
    scf.for %scan3A_76 = %scan3A to %scan3A_3 step %scan3A_4  : i32 {
      %mul3A_77 = arith.constant 1 : i32
      %mul3A_78 = arith.muli %scan3A_76, %mul3A_77 : i32
      %add3A_79 = arith.constant 0 : i32
      %add3A_80 = arith.addi %add3A_79, %mul3A_78 : i32
      %swap3A = arith.index_cast %add3A_80 : i32 to index
      %swap3A_81 = arith.constant 0 : index
      %swap3A_82 = tpu.vector_load %arg19[%swap3A, %swap3A_81] {strides = array<i32>} : memref<16x128xf32, #tpu.memory_space<vmem>>, vector<16xf32>,
      tpu.vector_store %arg19[%swap3A, %swap3A_81], %broadcast_in_dim3A_0 {strides = array<i32>} : memref<16x128xf32, #tpu.memory_space<vmem>>, vector<16xf32>,
      %swap3A_83 = arith.index_cast %add3A_80 : i32 to index
      %swap3A_84 = arith.constant 16 : index
      %swap3A_85 = tpu.vector_load %arg19[%swap3A_83, %swap3A_84] {strides = array<i32>} : memref<16x128xf32, #tpu.memory_space<vmem>>, vector<16xf32>,
      tpu.vector_store %arg19[%swap3A_83, %swap3A_84], %broadcast_in_dim3A_0 {strides = array<i32>} : memref<16x128xf32, #tpu.memory_space<vmem>>, vector<16xf32>,
      %swap3A_86 = arith.index_cast %add3A_80 : i32 to index
      %swap3A_87 = arith.constant 32 : index
      %swap3A_88 = tpu.vector_load %arg19[%swap3A_86, %swap3A_87] {strides = array<i32>} : memref<16x128xf32, #tpu.memory_space<vmem>>, vector<16xf32>,
      tpu.vector_store %arg19[%swap3A_86, %swap3A_87], %broadcast_in_dim3A_0 {strides = array<i32>} : memref<16x128xf32, #tpu.memory_space<vmem>>, vector<16xf32>,
      %swap3A_89 = arith.index_cast %add3A_80 : i32 to index
      %swap3A_90 = arith.constant 48 : index
      %swap3A_91 = tpu.vector_load %arg19[%swap3A_89, %swap3A_90] {strides = array<i32>} : memref<16x128xf32, #tpu.memory_space<vmem>>, vector<16xf32>,
      tpu.vector_store %arg19[%swap3A_89, %swap3A_90], %broadcast_in_dim3A_0 {strides = array<i32>} : memref<16x128xf32, #tpu.memory_space<vmem>>, vector<16xf32>,
      %swap3A_92 = arith.index_cast %add3A_80 : i32 to index
      %swap3A_93 = arith.constant 64 : index
      %swap3A_94 = tpu.vector_load %arg19[%swap3A_92, %swap3A_93] {strides = array<i32>} : memref<16x128xf32, #tpu.memory_space<vmem>>, vector<16xf32>,
      tpu.vector_store %arg19[%swap3A_92, %swap3A_93], %broadcast_in_dim3A_0 {strides = array<i32>} : memref<16x128xf32, #tpu.memory_space<vmem>>, vector<16xf32>,
      %swap3A_95 = arith.index_cast %add3A_80 : i32 to index
      %swap3A_96 = arith.constant 80 : index
      %swap3A_97 = tpu.vector_load %arg19[%swap3A_95, %swap3A_96] {strides = array<i32>} : memref<16x128xf32, #tpu.memory_space<vmem>>, vector<16xf32>,
      tpu.vector_store %arg19[%swap3A_95, %swap3A_96], %broadcast_in_dim3A_0 {strides = array<i32>} : memref<16x128xf32, #tpu.memory_space<vmem>>, vector<16xf32>,
      %swap3A_98 = arith.index_cast %add3A_80 : i32 to index
      %swap3A_99 = arith.constant 96 : index
      %swap3A_100 = tpu.vector_load %arg19[%swap3A_98, %swap3A_99] {strides = array<i32>} : memref<16x128xf32, #tpu.memory_space<vmem>>, vector<16xf32>,
      tpu.vector_store %arg19[%swap3A_98, %swap3A_99], %broadcast_in_dim3A_0 {strides = array<i32>} : memref<16x128xf32, #tpu.memory_space<vmem>>, vector<16xf32>,
      %swap3A_101 = arith.index_cast %add3A_80 : i32 to index
      %swap3A_102 = arith.constant 112 : index
      %swap3A_103 = tpu.vector_load %arg19[%swap3A_101, %swap3A_102] {strides = array<i32>} : memref<16x128xf32, #tpu.memory_space<vmem>>, vector<16xf32>,
      tpu.vector_store %arg19[%swap3A_101, %swap3A_102], %broadcast_in_dim3A_0 {strides = array<i32>} : memref<16x128xf32, #tpu.memory_space<vmem>>, vector<16xf32>,
    }
    %scan3A_5 = arith.constant 16 : i32
    %scan3A_6 = arith.constant 0 : i32
    %scan3A_7 = arith.constant 40 : i32
    %scan3A_8 = arith.addi %scan3A_6, %scan3A_7 : i32
    %scan3A_9 = arith.constant 1 : i32
    scf.for %scan3A_76 = %scan3A_6 to %scan3A_8 step %scan3A_9  : i32 {
      %mul3A_77 = arith.constant 1 : i32
      %mul3A_78 = arith.muli %scan3A_76, %mul3A_77 : i32
      %add3A_79 = arith.constant 0 : i32
      %add3A_80 = arith.addi %add3A_79, %mul3A_78 : i32
      %swap3A = arith.index_cast %add3A_80 : i32 to index
      %swap3A_81 = arith.constant 0 : index
      %swap3A_82 = tpu.vector_load %arg17[%swap3A, %swap3A_81] {strides = array<i32>} : memref<40x128xf32, #tpu.memory_space<vmem>>, vector<16xf32>,
      tpu.vector_store %arg17[%swap3A, %swap3A_81], %broadcast_in_dim3A_0 {strides = array<i32>} : memref<40x128xf32, #tpu.memory_space<vmem>>, vector<16xf32>,
      %swap3A_83 = arith.index_cast %add3A_80 : i32 to index
      %swap3A_84 = arith.constant 16 : index
      %swap3A_85 = tpu.vector_load %arg17[%swap3A_83, %swap3A_84] {strides = array<i32>} : memref<40x128xf32, #tpu.memory_space<vmem>>, vector<16xf32>,
      tpu.vector_store %arg17[%swap3A_83, %swap3A_84], %broadcast_in_dim3A_0 {strides = array<i32>} : memref<40x128xf32, #tpu.memory_space<vmem>>, vector<16xf32>,
      %swap3A_86 = arith.index_cast %add3A_80 : i32 to index
      %swap3A_87 = arith.constant 32 : index
      %swap3A_88 = tpu.vector_load %arg17[%swap3A_86, %swap3A_87] {strides = array<i32>} : memref<40x128xf32, #tpu.memory_space<vmem>>, vector<16xf32>,
      tpu.vector_store %arg17[%swap3A_86, %swap3A_87], %broadcast_in_dim3A_0 {strides = array<i32>} : memref<40x128xf32, #tpu.memory_space<vmem>>, vector<16xf32>,
      %swap3A_89 = arith.index_cast %add3A_80 : i32 to index
      %swap3A_90 = arith.constant 48 : index
      %swap3A_91 = tpu.vector_load %arg17[%swap3A_89, %swap3A_90] {strides = array<i32>} : memref<40x128xf32, #tpu.memory_space<vmem>>, vector<16xf32>,
      tpu.vector_store %arg17[%swap3A_89, %swap3A_90], %broadcast_in_dim3A_0 {strides = array<i32>} : memref<40x128xf32, #tpu.memory_space<vmem>>, vector<16xf32>,
      %swap3A_92 = arith.index_cast %add3A_80 : i32 to index
      %swap3A_93 = arith.constant 64 : index
      %swap3A_94 = tpu.vector_load %arg17[%swap3A_92, %swap3A_93] {strides = array<i32>} : memref<40x128xf32, #tpu.memory_space<vmem>>, vector<16xf32>,
      tpu.vector_store %arg17[%swap3A_92, %swap3A_93], %broadcast_in_dim3A_0 {strides = array<i32>} : memref<40x128xf32, #tpu.memory_space<vmem>>, vector<16xf32>,
      %swap3A_95 = arith.index_cast %add3A_80 : i32 to index
      %swap3A_96 = arith.constant 80 : index
      %swap3A_97 = tpu.vector_load %arg17[%swap3A_95, %swap3A_96] {strides = array<i32>} : memref<40x128xf32, #tpu.memory_space<vmem>>, vector<16xf32>,
      tpu.vector_store %arg17[%swap3A_95, %swap3A_96], %broadcast_in_dim3A_0 {strides = array<i32>} : memref<40x128xf32, #tpu.memory_space<vmem>>, vector<16xf32>,
      %swap3A_98 = arith.index_cast %add3A_80 : i32 to index
      %swap3A_99 = arith.constant 96 : index
      %swap3A_100 = tpu.vector_load %arg17[%swap3A_98, %swap3A_99] {strides = array<i32>} : memref<40x128xf32, #tpu.memory_space<vmem>>, vector<16xf32>,
      tpu.vector_store %arg17[%swap3A_98, %swap3A_99], %broadcast_in_dim3A_0 {strides = array<i32>} : memref<40x128xf32, #tpu.memory_space<vmem>>, vector<16xf32>,
      %swap3A_101 = arith.index_cast %add3A_80 : i32 to index
      %swap3A_102 = arith.constant 112 : index
      %swap3A_103 = tpu.vector_load %arg17[%swap3A_101, %swap3A_102] {strides = array<i32>} : memref<40x128xf32, #tpu.memory_space<vmem>>, vector<16xf32>,
      tpu.vector_store %arg17[%swap3A_101, %swap3A_102], %broadcast_in_dim3A_0 {strides = array<i32>} : memref<40x128xf32, #tpu.memory_space<vmem>>, vector<16xf32>,
    }
    %scan3A_10 = arith.constant 40 : i32
    %scan3A_11 = arith.constant 0 : i32
    %scan3A_12 = arith.constant 45 : i32
    %scan3A_13 = arith.addi %scan3A_11, %scan3A_12 : i32
    %scan3A_14 = arith.constant 1 : i32
    scf.for %scan3A_76 = %scan3A_11 to %scan3A_13 step %scan3A_14  : i32 {
      %mul3A_77 = arith.constant 1 : i32
      %mul3A_78 = arith.muli %scan3A_76, %mul3A_77 : i32
      %add3A_79 = arith.constant 0 : i32
      %add3A_80 = arith.addi %add3A_79, %mul3A_78 : i32
      %mul3A_81 = arith.constant 720 : i32
      %mul3A_82 = arith.muli %arg1, %mul3A_81 : i32
      %mul3A_83 = arith.constant 16 : i32
      %mul3A_84 = arith.muli %add3A_80, %mul3A_83 : i32
      %add3A_85 = arith.addi %mul3A_82, %mul3A_84 : i32
      "tpu.region"() ({
        %run_scoped3A = tpu.sem_alloc : memref<!tpu.dma_semaphore, #tpu.memory_space<semaphore_mem>>
        %dma_start3A = arith.constant 0 : i32
        %dma_start3A_86 = tpu.memref_slice %arg21[%add3A_85, %dma_start3A] : memref<11520x128xf32, #tpu.memory_space<vmem_shared>> -> memref<16x128xf32, #tpu.memory_space<vmem_shared>>
        %dma_start3A_87 = arith.constant 0 : i32
        %dma_start3A_88 = tpu.memref_slice %arg21[%add3A_85, %dma_start3A_87] : memref<11520x128xf32, #tpu.memory_space<vmem_shared>> -> memref<16x128xf32, #tpu.memory_space<vmem_shared>>
        tpu.enqueue_dma source(%arg19 : memref<16x128xf32, #tpu.memory_space<vmem>>) target(%dma_start3A_88 : memref<16x128xf32, #tpu.memory_space<vmem_shared>>) target_semaphore(%run_scoped3A : memref<!tpu.dma_semaphore, #tpu.memory_space<semaphore_mem>>)
        %dma_wait3A = arith.constant 0 : i32
        %dma_wait3A_89 = tpu.memref_slice %arg21[%add3A_85, %dma_wait3A] : memref<11520x128xf32, #tpu.memory_space<vmem_shared>> -> memref<16x128xf32, #tpu.memory_space<vmem_shared>>
        %dma_wait3A_90 = arith.constant 0 : i32
        %dma_wait3A_91 = tpu.memref_slice %arg21[%add3A_85, %dma_wait3A_90] : memref<11520x128xf32, #tpu.memory_space<vmem_shared>> -> memref<16x128xf32, #tpu.memory_space<vmem_shared>>
        tpu.wait_dma2 semaphore(%run_scoped3A : memref<!tpu.dma_semaphore, #tpu.memory_space<semaphore_mem>>) src(%arg19 : memref<16x128xf32, #tpu.memory_space<vmem>>) dst(%dma_wait3A_91 : memref<16x128xf32, #tpu.memory_space<vmem_shared>>)
        tpu.yield
      }) : () -> ()
    }
    %scan3A_15 = arith.constant 45 : i32
    %barrier3A = arith.constant 0 : index
    tpu.barrier barrier_id(%barrier3A)
    %mul3A_16 = arith.constant 10000 : i32
    %mul3A_17 = arith.muli %arg1, %mul3A_16 : i32
    %mul3A_18 = arith.constant 10000 : i32
    %mul3A_19 = arith.muli %arg0, %mul3A_18 : i32
    %broadcast_in_dim3A_20 = vector.broadcast %mul3A_19 : i32 to vector<16xi32>
    %broadcast_in_dim3A_21 = arith.constant 10240 : i32
    %broadcast_in_dim3A_22 = vector.broadcast %broadcast_in_dim3A_21 : i32 to vector<16xi32>
    %jit3A = arith.constant 4 : i32
    %div3A = vector.broadcast %jit3A : i32 to vector<16xi32>
    %div3A_23 = arith.divsi %iota3A, %div3A : vector<16xi32>
    %sign3A = arith.constant 0 : i32
    %sign3A_24 = vector.broadcast %sign3A : i32 to vector<16xi32>
    %sign3A_25 = arith.cmpi sgt, %iota3A, %sign3A_24 : vector<16xi32>
    %sign3A_26 = arith.extui %sign3A_25 : vector<16xi1> to vector<16xi32>
    %sign3A_27 = arith.constant 0 : i32
    %sign3A_28 = vector.broadcast %sign3A_27 : i32 to vector<16xi32>
    %sign3A_29 = arith.cmpi slt, %iota3A, %sign3A_28 : vector<16xi32>
    %sign3A_30 = arith.extui %sign3A_29 : vector<16xi1> to vector<16xi32>
    %sign3A_31 = arith.subi %sign3A_26, %sign3A_30 : vector<16xi32>
    %sign3A_32 = arith.constant 0 : i32
    %sign3A_33 = arith.cmpi sgt, %jit3A, %sign3A_32 : i32
    %sign3A_34 = arith.extui %sign3A_33 : i1 to i32
    %sign3A_35 = arith.constant 0 : i32
    %sign3A_36 = arith.cmpi slt, %jit3A, %sign3A_35 : i32
    %sign3A_37 = arith.extui %sign3A_36 : i1 to i32
    %sign3A_38 = arith.subi %sign3A_34, %sign3A_37 : i32
    %ne3A = vector.broadcast %sign3A_38 : i32 to vector<16xi32>
    %ne3A_39 = arith.cmpi ne, %sign3A_31, %ne3A : vector<16xi32>
    %rem3A = vector.broadcast %jit3A : i32 to vector<16xi32>
    %rem3A_40 = arith.remsi %iota3A, %rem3A : vector<16xi32>
    %ne3A_41 = arith.constant 0 : i32
    %ne3A_42 = vector.broadcast %ne3A_41 : i32 to vector<16xi32>
    %ne3A_43 = arith.cmpi ne, %rem3A_40, %ne3A_42 : vector<16xi32>
    %and3A = arith.andi %ne3A_39, %ne3A_43 : vector<16xi1>
    %sub3A = arith.constant 1 : i32
    %sub3A_44 = vector.broadcast %sub3A : i32 to vector<16xi32>
    %sub3A_45 = arith.subi %div3A_23, %sub3A_44 : vector<16xi32>
    %select_n3A = arith.select %and3A, %sub3A_45, %div3A_23 : vector<16xi1>, vector<16xi32>
    %jit3A_46 = arith.constant 4 : i32
    %eq3A = arith.constant 0 : i32
    %eq3A_47 = arith.cmpi eq, %jit3A_46, %eq3A : i32
    %jit3A_48 = arith.constant 1 : i32
    %select_n3A_49 = arith.select %eq3A_47, %jit3A_48, %jit3A_46 : i32
    %rem3A_50 = vector.broadcast %select_n3A_49 : i32 to vector<16xi32>
    %rem3A_51 = arith.remsi %iota3A, %rem3A_50 : vector<16xi32>
    %ne3A_52 = arith.constant 0 : i32
    %ne3A_53 = vector.broadcast %ne3A_52 : i32 to vector<16xi32>
    %ne3A_54 = arith.cmpi ne, %rem3A_51, %ne3A_53 : vector<16xi32>
    %lt3A = arith.constant 0 : i32
    %lt3A_55 = vector.broadcast %lt3A : i32 to vector<16xi32>
    %lt3A_56 = arith.cmpi slt, %rem3A_51, %lt3A_55 : vector<16xi32>
    %lt3A_57 = arith.constant 0 : i32
    %lt3A_58 = arith.cmpi slt, %select_n3A_49, %lt3A_57 : i32
    %ne3A_59 = vector.broadcast %lt3A_58 : i1 to vector<16xi1>
    %ne3A_60 = vector.broadcast %ne3A_59 : vector<16xi1> to vector<16xi1>
    %ne3A_61 = arith.xori %lt3A_56, %ne3A_60 : vector<16xi1>
    %and3A_62 = arith.andi %ne3A_61, %ne3A_54 : vector<16xi1>
    %add3A = vector.broadcast %select_n3A_49 : i32 to vector<16xi32>
    %add3A_63 = arith.addi %rem3A_51, %add3A : vector<16xi32>
    %select_n3A_64 = arith.select %and3A_62, %add3A_63, %rem3A_51 : vector<16xi1>, vector<16xi32>
    %scan3A_65 = arith.constant 0 : i32
    %scan3A_66 = arith.constant 250 : i32
    %scan3A_67 = arith.addi %scan3A_65, %scan3A_66 : i32
    %scan3A_68 = arith.constant 1 : i32
    scf.for %scan3A_76 = %scan3A_65 to %scan3A_67 step %scan3A_68  : i32 {
      %mul3A_77 = arith.constant 1 : i32
      %mul3A_78 = arith.muli %scan3A_76, %mul3A_77 : i32
      %add3A_79 = arith.constant 0 : i32
      %add3A_80 = arith.addi %add3A_79, %mul3A_78 : i32
      %mul3A_81 = arith.constant 40 : i32
      %mul3A_82 = arith.muli %add3A_80, %mul3A_81 : i32
      %add3A_83 = arith.addi %mul3A_17, %mul3A_82 : i32
      "tpu.region"() ({
        %run_scoped3A = tpu.sem_alloc : memref<!tpu.dma_semaphore, #tpu.memory_space<semaphore_mem>>
        %dma_start3A_165 = tpu.memref_slice %arg5[%add3A_83] : memref<160000xi32, #tpu.memory_space<hbm>> -> memref<40xi32, #tpu.memory_space<hbm>>
        %dma_start3A_166 = tpu.memref_slice %arg5[%add3A_83] : memref<160000xi32, #tpu.memory_space<hbm>> -> memref<40xi32, #tpu.memory_space<hbm>>
        tpu.enqueue_dma source(%dma_start3A_166 : memref<40xi32, #tpu.memory_space<hbm>>) target(%arg8 : memref<40xi32, #tpu.memory_space<vmem>>) target_semaphore(%run_scoped3A : memref<!tpu.dma_semaphore, #tpu.memory_space<semaphore_mem>>)
        %dma_wait3A_167 = tpu.memref_slice %arg5[%add3A_83] : memref<160000xi32, #tpu.memory_space<hbm>> -> memref<40xi32, #tpu.memory_space<hbm>>
        %dma_wait3A_168 = tpu.memref_slice %arg5[%add3A_83] : memref<160000xi32, #tpu.memory_space<hbm>> -> memref<40xi32, #tpu.memory_space<hbm>>
        tpu.wait_dma2 semaphore(%run_scoped3A : memref<!tpu.dma_semaphore, #tpu.memory_space<semaphore_mem>>) src(%dma_wait3A_168 : memref<40xi32, #tpu.memory_space<hbm>>) dst(%arg8 : memref<40xi32, #tpu.memory_space<vmem>>)
        tpu.yield
      }) : () -> ()
      "tpu.region"() ({
        %run_scoped3A = tpu.sem_alloc : memref<!tpu.dma_semaphore, #tpu.memory_space<semaphore_mem>>
        %dma_start3A_165 = tpu.memref_slice %arg6[%add3A_83] : memref<160000xi32, #tpu.memory_space<hbm>> -> memref<40xi32, #tpu.memory_space<hbm>>
        %dma_start3A_166 = tpu.memref_slice %arg6[%add3A_83] : memref<160000xi32, #tpu.memory_space<hbm>> -> memref<40xi32, #tpu.memory_space<hbm>>
        tpu.enqueue_dma source(%dma_start3A_166 : memref<40xi32, #tpu.memory_space<hbm>>) target(%arg10 : memref<40xi32, #tpu.memory_space<vmem>>) target_semaphore(%run_scoped3A : memref<!tpu.dma_semaphore, #tpu.memory_space<semaphore_mem>>)
        %dma_wait3A_167 = tpu.memref_slice %arg6[%add3A_83] : memref<160000xi32, #tpu.memory_space<hbm>> -> memref<40xi32, #tpu.memory_space<hbm>>
        %dma_wait3A_168 = tpu.memref_slice %arg6[%add3A_83] : memref<160000xi32, #tpu.memory_space<hbm>> -> memref<40xi32, #tpu.memory_space<hbm>>
        tpu.wait_dma2 semaphore(%run_scoped3A : memref<!tpu.dma_semaphore, #tpu.memory_space<semaphore_mem>>) src(%dma_wait3A_168 : memref<40xi32, #tpu.memory_space<hbm>>) dst(%arg10 : memref<40xi32, #tpu.memory_space<vmem>>)
        tpu.yield
      }) : () -> ()
      %get3A = arith.constant 0 : index
      %get3A_84 = tpu.vector_load %arg8[%get3A] {strides = array<i32>} : memref<40xi32, #tpu.memory_space<vmem>>, vector<16xi32>,
      %add3A_85 = arith.addi %get3A_84, %broadcast_in_dim3A_20 : vector<16xi32>
      %swap3A = arith.constant 0 : index
      %swap3A_86 = tpu.vector_load %arg9[%swap3A] {strides = array<i32>} : memref<40xi32, #tpu.memory_space<vmem>>, vector<16xi32>,
      tpu.vector_store %arg9[%swap3A], %add3A_85 {strides = array<i32>} : memref<40xi32, #tpu.memory_space<vmem>>, vector<16xi32>,
      %shift_right_logical3A = arith.constant 3 : i32
      %shift_right_logical3A_87 = vector.broadcast %shift_right_logical3A : i32 to vector<16xi32>
      %shift_right_logical3A_88 = arith.shrui %get3A_84, %shift_right_logical3A_87 : vector<16xi32>
      %add3A_89 = arith.addi %shift_right_logical3A_88, %broadcast_in_dim3A_22 : vector<16xi32>
      %swap3A_90 = arith.constant 0 : index
      %swap3A_91 = tpu.vector_load %arg12[%swap3A_90] {strides = array<i32>} : memref<40xi32, #tpu.memory_space<vmem>>, vector<16xi32>,
      tpu.vector_store %arg12[%swap3A_90], %add3A_89 {strides = array<i32>} : memref<40xi32, #tpu.memory_space<vmem>>, vector<16xi32>,
      %get3A_92 = arith.constant 0 : index
      %get3A_93 = tpu.vector_load %arg10[%get3A_92] {strides = array<i32>} : memref<40xi32, #tpu.memory_space<vmem>>, vector<16xi32>,
      %add3A_94 = arith.addi %get3A_93, %broadcast_in_dim3A_20 : vector<16xi32>
      %swap3A_95 = arith.constant 0 : index
      %swap3A_96 = tpu.vector_load %arg11[%swap3A_95] {strides = array<i32>} : memref<40xi32, #tpu.memory_space<vmem>>, vector<16xi32>,
      tpu.vector_store %arg11[%swap3A_95], %add3A_94 {strides = array<i32>} : memref<40xi32, #tpu.memory_space<vmem>>, vector<16xi32>,
      %get3A_97 = arith.constant 16 : index
      %get3A_98 = tpu.vector_load %arg8[%get3A_97] {strides = array<i32>} : memref<40xi32, #tpu.memory_space<vmem>>, vector<16xi32>,
      %add3A_99 = arith.addi %get3A_98, %broadcast_in_dim3A_20 : vector<16xi32>
      %swap3A_100 = arith.constant 16 : index
      %swap3A_101 = tpu.vector_load %arg9[%swap3A_100] {strides = array<i32>} : memref<40xi32, #tpu.memory_space<vmem>>, vector<16xi32>,
      tpu.vector_store %arg9[%swap3A_100], %add3A_99 {strides = array<i32>} : memref<40xi32, #tpu.memory_space<vmem>>, vector<16xi32>,
      %shift_right_logical3A_102 = arith.constant 3 : i32
      %shift_right_logical3A_103 = vector.broadcast %shift_right_logical3A_102 : i32 to vector<16xi32>
      %shift_right_logical3A_104 = arith.shrui %get3A_98, %shift_right_logical3A_103 : vector<16xi32>
      %add3A_105 = arith.addi %shift_right_logical3A_104, %broadcast_in_dim3A_22 : vector<16xi32>
      %swap3A_106 = arith.constant 16 : index
      %swap3A_107 = tpu.vector_load %arg12[%swap3A_106] {strides = array<i32>} : memref<40xi32, #tpu.memory_space<vmem>>, vector<16xi32>,
      tpu.vector_store %arg12[%swap3A_106], %add3A_105 {strides = array<i32>} : memref<40xi32, #tpu.memory_space<vmem>>, vector<16xi32>,
      %get3A_108 = arith.constant 16 : index
      %get3A_109 = tpu.vector_load %arg10[%get3A_108] {strides = array<i32>} : memref<40xi32, #tpu.memory_space<vmem>>, vector<16xi32>,
      %add3A_110 = arith.addi %get3A_109, %broadcast_in_dim3A_20 : vector<16xi32>
      %swap3A_111 = arith.constant 16 : index
      %swap3A_112 = tpu.vector_load %arg11[%swap3A_111] {strides = array<i32>} : memref<40xi32, #tpu.memory_space<vmem>>, vector<16xi32>,
      tpu.vector_store %arg11[%swap3A_111], %add3A_110 {strides = array<i32>} : memref<40xi32, #tpu.memory_space<vmem>>, vector<16xi32>,
      %get3A_113 = arith.constant 24 : index
      %get3A_114 = tpu.vector_load %arg8[%get3A_113] {strides = array<i32>} : memref<40xi32, #tpu.memory_space<vmem>>, vector<16xi32>,
      %add3A_115 = arith.addi %get3A_114, %broadcast_in_dim3A_20 : vector<16xi32>
      %swap3A_116 = arith.constant 24 : index
      %swap3A_117 = tpu.vector_load %arg9[%swap3A_116] {strides = array<i32>} : memref<40xi32, #tpu.memory_space<vmem>>, vector<16xi32>,
      tpu.vector_store %arg9[%swap3A_116], %add3A_115 {strides = array<i32>} : memref<40xi32, #tpu.memory_space<vmem>>, vector<16xi32>,
      %shift_right_logical3A_118 = arith.constant 3 : i32
      %shift_right_logical3A_119 = vector.broadcast %shift_right_logical3A_118 : i32 to vector<16xi32>
      %shift_right_logical3A_120 = arith.shrui %get3A_114, %shift_right_logical3A_119 : vector<16xi32>
      %add3A_121 = arith.addi %shift_right_logical3A_120, %broadcast_in_dim3A_22 : vector<16xi32>
      %swap3A_122 = arith.constant 24 : index
      %swap3A_123 = tpu.vector_load %arg12[%swap3A_122] {strides = array<i32>} : memref<40xi32, #tpu.memory_space<vmem>>, vector<16xi32>,
      tpu.vector_store %arg12[%swap3A_122], %add3A_121 {strides = array<i32>} : memref<40xi32, #tpu.memory_space<vmem>>, vector<16xi32>,
      %get3A_124 = arith.constant 24 : index
      %get3A_125 = tpu.vector_load %arg10[%get3A_124] {strides = array<i32>} : memref<40xi32, #tpu.memory_space<vmem>>, vector<16xi32>,
      %add3A_126 = arith.addi %get3A_125, %broadcast_in_dim3A_20 : vector<16xi32>
      %swap3A_127 = arith.constant 24 : index
      %swap3A_128 = tpu.vector_load %arg11[%swap3A_127] {strides = array<i32>} : memref<40xi32, #tpu.memory_space<vmem>>, vector<16xi32>,
      tpu.vector_store %arg11[%swap3A_127], %add3A_126 {strides = array<i32>} : memref<40xi32, #tpu.memory_space<vmem>>, vector<16xi32>,
      %dma_start3A = arith.constant 0 : i32
      %dma_start3A_129 = arith.constant 0 : i32
      %dma_start3A_130 = tpu.memref_slice %arg2[%dma_start3A, %dma_start3A_129] : memref<20000x128xf32, #tpu.memory_space<hbm>> -> memref<20000x128xf32, #tpu.memory_space<hbm>>
      tpu.enqueue_indirect_dma source(%dma_start3A_130 : memref<20000x128xf32, #tpu.memory_space<hbm>>) target(%arg13 : memref<40x128xf32, #tpu.memory_space<vmem>>) offsets(%arg9 : memref<40xi32, #tpu.memory_space<vmem>>) semaphore(%arg22 : memref<!tpu.dma_semaphore, #tpu.memory_space<semaphore_mem>>)
      %dma_start3A_131 = arith.constant 0 : i32
      %dma_start3A_132 = arith.constant 0 : i32
      %dma_start3A_133 = tpu.memref_slice %arg3[%dma_start3A_131, %dma_start3A_132] : memref<20000x128xf32, #tpu.memory_space<hbm>> -> memref<20000x128xf32, #tpu.memory_space<hbm>>
      tpu.enqueue_indirect_dma source(%dma_start3A_133 : memref<20000x128xf32, #tpu.memory_space<hbm>>) target(%arg14 : memref<40x128xf32, #tpu.memory_space<vmem>>) offsets(%arg11 : memref<40xi32, #tpu.memory_space<vmem>>) semaphore(%arg23 : memref<!tpu.dma_semaphore, #tpu.memory_space<semaphore_mem>>)
      %dma_start3A_134 = arith.constant 0 : i32
      %dma_start3A_135 = arith.constant 0 : i32
      %dma_start3A_136 = tpu.memref_slice %arg4[%dma_start3A_134, %dma_start3A_135] : memref<20000x128xf32, #tpu.memory_space<hbm>> -> memref<20000x128xf32, #tpu.memory_space<hbm>>
      tpu.enqueue_indirect_dma source(%dma_start3A_136 : memref<20000x128xf32, #tpu.memory_space<hbm>>) target(%arg15 : memref<40x128xf32, #tpu.memory_space<vmem>>) offsets(%arg11 : memref<40xi32, #tpu.memory_space<vmem>>) semaphore(%arg24 : memref<!tpu.dma_semaphore, #tpu.memory_space<semaphore_mem>>)
      %dma_wait3A = arith.constant 0 : i32
      %dma_wait3A_137 = arith.constant 0 : i32
      %dma_wait3A_138 = tpu.memref_slice %arg2[%dma_wait3A, %dma_wait3A_137] : memref<20000x128xf32, #tpu.memory_space<hbm>> -> memref<20000x128xf32, #tpu.memory_space<hbm>>
      tpu.wait_indirect_dma semaphore(%arg22 : memref<!tpu.dma_semaphore, #tpu.memory_space<semaphore_mem>>) src(%dma_wait3A_138 : memref<20000x128xf32, #tpu.memory_space<hbm>>) dst(%arg13 : memref<40x128xf32, #tpu.memory_space<vmem>>)
      %dma_wait3A_139 = arith.constant 0 : i32
      %dma_wait3A_140 = arith.constant 0 : i32
      %dma_wait3A_141 = tpu.memref_slice %arg3[%dma_wait3A_139, %dma_wait3A_140] : memref<20000x128xf32, #tpu.memory_space<hbm>> -> memref<20000x128xf32, #tpu.memory_space<hbm>>
      tpu.wait_indirect_dma semaphore(%arg23 : memref<!tpu.dma_semaphore, #tpu.memory_space<semaphore_mem>>) src(%dma_wait3A_141 : memref<20000x128xf32, #tpu.memory_space<hbm>>) dst(%arg14 : memref<40x128xf32, #tpu.memory_space<vmem>>)
      %dma_wait3A_142 = arith.constant 0 : i32
      %dma_wait3A_143 = arith.constant 0 : i32
      %dma_wait3A_144 = tpu.memref_slice %arg4[%dma_wait3A_142, %dma_wait3A_143] : memref<20000x128xf32, #tpu.memory_space<hbm>> -> memref<20000x128xf32, #tpu.memory_space<hbm>>
      tpu.wait_indirect_dma semaphore(%arg24 : memref<!tpu.dma_semaphore, #tpu.memory_space<semaphore_mem>>) src(%dma_wait3A_144 : memref<20000x128xf32, #tpu.memory_space<hbm>>) dst(%arg15 : memref<40x128xf32, #tpu.memory_space<vmem>>)
      %scan3A_145 = arith.constant 0 : i32
      %scan3A_146 = arith.constant 40 : i32
      %scan3A_147 = arith.addi %scan3A_145, %scan3A_146 : i32
      %scan3A_148 = arith.constant 4 : i32
      scf.for %scan3A_165 = %scan3A_145 to %scan3A_147 step %scan3A_148  : i32 {
        %mul3A_166 = arith.constant 1 : i32
        %mul3A_167 = arith.muli %scan3A_165, %mul3A_166 : i32
        %add3A_168 = arith.constant 0 : i32
        %add3A_169 = arith.addi %add3A_168, %mul3A_167 : i32
        %get3A_170 = arith.index_cast %add3A_169 : i32 to index
        %get3A_171 = arith.constant 0 : index
        %get3A_172 = tpu.vector_load %arg13[%get3A_170, %get3A_171] {strides = array<i32>} : memref<40x128xf32, #tpu.memory_space<vmem>>, vector<16xf32>,
        %get3A_173 = arith.index_cast %add3A_169 : i32 to index
        %get3A_174 = arith.constant 0 : index
        %get3A_175 = tpu.vector_load %arg14[%get3A_173, %get3A_174] {strides = array<i32>} : memref<40x128xf32, #tpu.memory_space<vmem>>, vector<16xf32>,
        %mul3A_176 = arith.mulf %get3A_172, %get3A_175 : vector<16xf32>
        %get3A_177 = arith.index_cast %add3A_169 : i32 to index
        %get3A_178 = arith.constant 16 : index
        %get3A_179 = tpu.vector_load %arg13[%get3A_177, %get3A_178] {strides = array<i32>} : memref<40x128xf32, #tpu.memory_space<vmem>>, vector<16xf32>,
        %get3A_180 = arith.index_cast %add3A_169 : i32 to index
        %get3A_181 = arith.constant 16 : index
        %get3A_182 = tpu.vector_load %arg14[%get3A_180, %get3A_181] {strides = array<i32>} : memref<40x128xf32, #tpu.memory_space<vmem>>, vector<16xf32>,
        %mul3A_183 = arith.mulf %get3A_179, %get3A_182 : vector<16xf32>
        %add3A_184 = arith.addf %mul3A_176, %mul3A_183 : vector<16xf32>
        %swap3A_185 = arith.index_cast %add3A_169 : i32 to index
        %swap3A_186 = arith.constant 0 : index
        %swap3A_187 = tpu.vector_load %arg16[%swap3A_185, %swap3A_186] {strides = array<i32>} : memref<40x64xf32, #tpu.memory_space<vmem>>, vector<16xf32>,
        tpu.vector_store %arg16[%swap3A_185, %swap3A_186], %add3A_184 {strides = array<i32>} : memref<40x64xf32, #tpu.memory_space<vmem>>, vector<16xf32>,
        %get3A_188 = arith.index_cast %add3A_169 : i32 to index
        %get3A_189 = arith.constant 32 : index
        %get3A_190 = tpu.vector_load %arg13[%get3A_188, %get3A_189] {strides = array<i32>} : memref<40x128xf32, #tpu.memory_space<vmem>>, vector<16xf32>,
        %get3A_191 = arith.index_cast %add3A_169 : i32 to index
        %get3A_192 = arith.constant 32 : index
        %get3A_193 = tpu.vector_load %arg14[%get3A_191, %get3A_192] {strides = array<i32>} : memref<40x128xf32, #tpu.memory_space<vmem>>, vector<16xf32>,
        %mul3A_194 = arith.mulf %get3A_190, %get3A_193 : vector<16xf32>
        %get3A_195 = arith.index_cast %add3A_169 : i32 to index
        %get3A_196 = arith.constant 48 : index
        %get3A_197 = tpu.vector_load %arg13[%get3A_195, %get3A_196] {strides = array<i32>} : memref<40x128xf32, #tpu.memory_space<vmem>>, vector<16xf32>,
        %get3A_198 = arith.index_cast %add3A_169 : i32 to index
        %get3A_199 = arith.constant 48 : index
        %get3A_200 = tpu.vector_load %arg14[%get3A_198, %get3A_199] {strides = array<i32>} : memref<40x128xf32, #tpu.memory_space<vmem>>, vector<16xf32>,
        %mul3A_201 = arith.mulf %get3A_197, %get3A_200 : vector<16xf32>
        %add3A_202 = arith.addf %mul3A_194, %mul3A_201 : vector<16xf32>
        %swap3A_203 = arith.index_cast %add3A_169 : i32 to index
        %swap3A_204 = arith.constant 16 : index
        %swap3A_205 = tpu.vector_load %arg16[%swap3A_203, %swap3A_204] {strides = array<i32>} : memref<40x64xf32, #tpu.memory_space<vmem>>, vector<16xf32>,
        tpu.vector_store %arg16[%swap3A_203, %swap3A_204], %add3A_202 {strides = array<i32>} : memref<40x64xf32, #tpu.memory_space<vmem>>, vector<16xf32>,
        %get3A_206 = arith.index_cast %add3A_169 : i32 to index
        %get3A_207 = arith.constant 64 : index
        %get3A_208 = tpu.vector_load %arg13[%get3A_206, %get3A_207] {strides = array<i32>} : memref<40x128xf32, #tpu.memory_space<vmem>>, vector<16xf32>,
        %get3A_209 = arith.index_cast %add3A_169 : i32 to index
        %get3A_210 = arith.constant 64 : index
        %get3A_211 = tpu.vector_load %arg14[%get3A_209, %get3A_210] {strides = array<i32>} : memref<40x128xf32, #tpu.memory_space<vmem>>, vector<16xf32>,
        %mul3A_212 = arith.mulf %get3A_208, %get3A_211 : vector<16xf32>
        %get3A_213 = arith.index_cast %add3A_169 : i32 to index
        %get3A_214 = arith.constant 80 : index
        %get3A_215 = tpu.vector_load %arg13[%get3A_213, %get3A_214] {strides = array<i32>} : memref<40x128xf32, #tpu.memory_space<vmem>>, vector<16xf32>,
        %get3A_216 = arith.index_cast %add3A_169 : i32 to index
        %get3A_217 = arith.constant 80 : index
        %get3A_218 = tpu.vector_load %arg14[%get3A_216, %get3A_217] {strides = array<i32>} : memref<40x128xf32, #tpu.memory_space<vmem>>, vector<16xf32>,
        %mul3A_219 = arith.mulf %get3A_215, %get3A_218 : vector<16xf32>
        %add3A_220 = arith.addf %mul3A_212, %mul3A_219 : vector<16xf32>
        %swap3A_221 = arith.index_cast %add3A_169 : i32 to index
        %swap3A_222 = arith.constant 32 : index
        %swap3A_223 = tpu.vector_load %arg16[%swap3A_221, %swap3A_222] {strides = array<i32>} : memref<40x64xf32, #tpu.memory_space<vmem>>, vector<16xf32>,
        tpu.vector_store %arg16[%swap3A_221, %swap3A_222], %add3A_220 {strides = array<i32>} : memref<40x64xf32, #tpu.memory_space<vmem>>, vector<16xf32>,
        %get3A_224 = arith.index_cast %add3A_169 : i32 to index
        %get3A_225 = arith.constant 96 : index
        %get3A_226 = tpu.vector_load %arg13[%get3A_224, %get3A_225] {strides = array<i32>} : memref<40x128xf32, #tpu.memory_space<vmem>>, vector<16xf32>,
        %get3A_227 = arith.index_cast %add3A_169 : i32 to index
        %get3A_228 = arith.constant 96 : index
        %get3A_229 = tpu.vector_load %arg14[%get3A_227, %get3A_228] {strides = array<i32>} : memref<40x128xf32, #tpu.memory_space<vmem>>, vector<16xf32>,
        %mul3A_230 = arith.mulf %get3A_226, %get3A_229 : vector<16xf32>
        %get3A_231 = arith.index_cast %add3A_169 : i32 to index
        %get3A_232 = arith.constant 112 : index
        %get3A_233 = tpu.vector_load %arg13[%get3A_231, %get3A_232] {strides = array<i32>} : memref<40x128xf32, #tpu.memory_space<vmem>>, vector<16xf32>,
        %get3A_234 = arith.index_cast %add3A_169 : i32 to index
        %get3A_235 = arith.constant 112 : index
        %get3A_236 = tpu.vector_load %arg14[%get3A_234, %get3A_235] {strides = array<i32>} : memref<40x128xf32, #tpu.memory_space<vmem>>, vector<16xf32>,
        %mul3A_237 = arith.mulf %get3A_233, %get3A_236 : vector<16xf32>
        %add3A_238 = arith.addf %mul3A_230, %mul3A_237 : vector<16xf32>
        %swap3A_239 = arith.index_cast %add3A_169 : i32 to index
        %swap3A_240 = arith.constant 48 : index
        %swap3A_241 = tpu.vector_load %arg16[%swap3A_239, %swap3A_240] {strides = array<i32>} : memref<40x64xf32, #tpu.memory_space<vmem>>, vector<16xf32>,
        tpu.vector_store %arg16[%swap3A_239, %swap3A_240], %add3A_238 {strides = array<i32>} : memref<40x64xf32, #tpu.memory_space<vmem>>, vector<16xf32>,
        %scan3A_242 = arith.constant 1 : i32
        %scan3A_243 = arith.addi %scan3A_165, %scan3A_242 : i32
        %mul3A_244 = arith.constant 1 : i32
        %mul3A_245 = arith.muli %scan3A_243, %mul3A_244 : i32
        %add3A_246 = arith.constant 0 : i32
        %add3A_247 = arith.addi %add3A_246, %mul3A_245 : i32
        %get3A_248 = arith.index_cast %add3A_247 : i32 to index
        %get3A_249 = arith.constant 0 : index
        %get3A_250 = tpu.vector_load %arg13[%get3A_248, %get3A_249] {strides = array<i32>} : memref<40x128xf32, #tpu.memory_space<vmem>>, vector<16xf32>,
        %get3A_251 = arith.index_cast %add3A_247 : i32 to index
        %get3A_252 = arith.constant 0 : index
        %get3A_253 = tpu.vector_load %arg14[%get3A_251, %get3A_252] {strides = array<i32>} : memref<40x128xf32, #tpu.memory_space<vmem>>, vector<16xf32>,
        %mul3A_254 = arith.mulf %get3A_250, %get3A_253 : vector<16xf32>
        %get3A_255 = arith.index_cast %add3A_247 : i32 to index
        %get3A_256 = arith.constant 16 : index
        %get3A_257 = tpu.vector_load %arg13[%get3A_255, %get3A_256] {strides = array<i32>} : memref<40x128xf32, #tpu.memory_space<vmem>>, vector<16xf32>,
        %get3A_258 = arith.index_cast %add3A_247 : i32 to index
        %get3A_259 = arith.constant 16 : index
        %get3A_260 = tpu.vector_load %arg14[%get3A_258, %get3A_259] {strides = array<i32>} : memref<40x128xf32, #tpu.memory_space<vmem>>, vector<16xf32>,
        %mul3A_261 = arith.mulf %get3A_257, %get3A_260 : vector<16xf32>
        %add3A_262 = arith.addf %mul3A_254, %mul3A_261 : vector<16xf32>
        %swap3A_263 = arith.index_cast %add3A_247 : i32 to index
        %swap3A_264 = arith.constant 0 : index
        %swap3A_265 = tpu.vector_load %arg16[%swap3A_263, %swap3A_264] {strides = array<i32>} : memref<40x64xf32, #tpu.memory_space<vmem>>, vector<16xf32>,
        tpu.vector_store %arg16[%swap3A_263, %swap3A_264], %add3A_262 {strides = array<i32>} : memref<40x64xf32, #tpu.memory_space<vmem>>, vector<16xf32>,
        %get3A_266 = arith.index_cast %add3A_247 : i32 to index
        %get3A_267 = arith.constant 32 : index
        %get3A_268 = tpu.vector_load %arg13[%get3A_266, %get3A_267] {strides = array<i32>} : memref<40x128xf32, #tpu.memory_space<vmem>>, vector<16xf32>,
        %get3A_269 = arith.index_cast %add3A_247 : i32 to index
        %get3A_270 = arith.constant 32 : index
        %get3A_271 = tpu.vector_load %arg14[%get3A_269, %get3A_270] {strides = array<i32>} : memref<40x128xf32, #tpu.memory_space<vmem>>, vector<16xf32>,
        %mul3A_272 = arith.mulf %get3A_268, %get3A_271 : vector<16xf32>
        %get3A_273 = arith.index_cast %add3A_247 : i32 to index
        %get3A_274 = arith.constant 48 : index
        %get3A_275 = tpu.vector_load %arg13[%get3A_273, %get3A_274] {strides = array<i32>} : memref<40x128xf32, #tpu.memory_space<vmem>>, vector<16xf32>,
        %get3A_276 = arith.index_cast %add3A_247 : i32 to index
        %get3A_277 = arith.constant 48 : index
        %get3A_278 = tpu.vector_load %arg14[%get3A_276, %get3A_277] {strides = array<i32>} : memref<40x128xf32, #tpu.memory_space<vmem>>, vector<16xf32>,
        %mul3A_279 = arith.mulf %get3A_275, %get3A_278 : vector<16xf32>
        %add3A_280 = arith.addf %mul3A_272, %mul3A_279 : vector<16xf32>
        %swap3A_281 = arith.index_cast %add3A_247 : i32 to index
        %swap3A_282 = arith.constant 16 : index
        %swap3A_283 = tpu.vector_load %arg16[%swap3A_281, %swap3A_282] {strides = array<i32>} : memref<40x64xf32, #tpu.memory_space<vmem>>, vector<16xf32>,
        tpu.vector_store %arg16[%swap3A_281, %swap3A_282], %add3A_280 {strides = array<i32>} : memref<40x64xf32, #tpu.memory_space<vmem>>, vector<16xf32>,
        %get3A_284 = arith.index_cast %add3A_247 : i32 to index
        %get3A_285 = arith.constant 64 : index
        %get3A_286 = tpu.vector_load %arg13[%get3A_284, %get3A_285] {strides = array<i32>} : memref<40x128xf32, #tpu.memory_space<vmem>>, vector<16xf32>,
        %get3A_287 = arith.index_cast %add3A_247 : i32 to index
        %get3A_288 = arith.constant 64 : index
        %get3A_289 = tpu.vector_load %arg14[%get3A_287, %get3A_288] {strides = array<i32>} : memref<40x128xf32, #tpu.memory_space<vmem>>, vector<16xf32>,
        %mul3A_290 = arith.mulf %get3A_286, %get3A_289 : vector<16xf32>
        %get3A_291 = arith.index_cast %add3A_247 : i32 to index
        %get3A_292 = arith.constant 80 : index
        %get3A_293 = tpu.vector_load %arg13[%get3A_291, %get3A_292] {strides = array<i32>} : memref<40x128xf32, #tpu.memory_space<vmem>>, vector<16xf32>,
        %get3A_294 = arith.index_cast %add3A_247 : i32 to index
        %get3A_295 = arith.constant 80 : index
        %get3A_296 = tpu.vector_load %arg14[%get3A_294, %get3A_295] {strides = array<i32>} : memref<40x128xf32, #tpu.memory_space<vmem>>, vector<16xf32>,
        %mul3A_297 = arith.mulf %get3A_293, %get3A_296 : vector<16xf32>
        %add3A_298 = arith.addf %mul3A_290, %mul3A_297 : vector<16xf32>
        %swap3A_299 = arith.index_cast %add3A_247 : i32 to index
        %swap3A_300 = arith.constant 32 : index
        %swap3A_301 = tpu.vector_load %arg16[%swap3A_299, %swap3A_300] {strides = array<i32>} : memref<40x64xf32, #tpu.memory_space<vmem>>, vector<16xf32>,
        tpu.vector_store %arg16[%swap3A_299, %swap3A_300], %add3A_298 {strides = array<i32>} : memref<40x64xf32, #tpu.memory_space<vmem>>, vector<16xf32>,
        %get3A_302 = arith.index_cast %add3A_247 : i32 to index
        %get3A_303 = arith.constant 96 : index
        %get3A_304 = tpu.vector_load %arg13[%get3A_302, %get3A_303] {strides = array<i32>} : memref<40x128xf32, #tpu.memory_space<vmem>>, vector<16xf32>,
        %get3A_305 = arith.index_cast %add3A_247 : i32 to index
        %get3A_306 = arith.constant 96 : index
        %get3A_307 = tpu.vector_load %arg14[%get3A_305, %get3A_306] {strides = array<i32>} : memref<40x128xf32, #tpu.memory_space<vmem>>, vector<16xf32>,
        %mul3A_308 = arith.mulf %get3A_304, %get3A_307 : vector<16xf32>
        %get3A_309 = arith.index_cast %add3A_247 : i32 to index
        %get3A_310 = arith.constant 112 : index
        %get3A_311 = tpu.vector_load %arg13[%get3A_309, %get3A_310] {strides = array<i32>} : memref<40x128xf32, #tpu.memory_space<vmem>>, vector<16xf32>,
        %get3A_312 = arith.index_cast %add3A_247 : i32 to index
        %get3A_313 = arith.constant 112 : index
        %get3A_314 = tpu.vector_load %arg14[%get3A_312, %get3A_313] {strides = array<i32>} : memref<40x128xf32, #tpu.memory_space<vmem>>, vector<16xf32>,
        %mul3A_315 = arith.mulf %get3A_311, %get3A_314 : vector<16xf32>
        %add3A_316 = arith.addf %mul3A_308, %mul3A_315 : vector<16xf32>
        %swap3A_317 = arith.index_cast %add3A_247 : i32 to index
        %swap3A_318 = arith.constant 48 : index
        %swap3A_319 = tpu.vector_load %arg16[%swap3A_317, %swap3A_318] {strides = array<i32>} : memref<40x64xf32, #tpu.memory_space<vmem>>, vector<16xf32>,
        tpu.vector_store %arg16[%swap3A_317, %swap3A_318], %add3A_316 {strides = array<i32>} : memref<40x64xf32, #tpu.memory_space<vmem>>, vector<16xf32>,
        %scan3A_320 = arith.constant 2 : i32
        %scan3A_321 = arith.addi %scan3A_165, %scan3A_320 : i32
        %mul3A_322 = arith.constant 1 : i32
        %mul3A_323 = arith.muli %scan3A_321, %mul3A_322 : i32
        %add3A_324 = arith.constant 0 : i32
        %add3A_325 = arith.addi %add3A_324, %mul3A_323 : i32
        %get3A_326 = arith.index_cast %add3A_325 : i32 to index
        %get3A_327 = arith.constant 0 : index
        %get3A_328 = tpu.vector_load %arg13[%get3A_326, %get3A_327] {strides = array<i32>} : memref<40x128xf32, #tpu.memory_space<vmem>>, vector<16xf32>,
        %get3A_329 = arith.index_cast %add3A_325 : i32 to index
        %get3A_330 = arith.constant 0 : index
        %get3A_331 = tpu.vector_load %arg14[%get3A_329, %get3A_330] {strides = array<i32>} : memref<40x128xf32, #tpu.memory_space<vmem>>, vector<16xf32>,
        %mul3A_332 = arith.mulf %get3A_328, %get3A_331 : vector<16xf32>
        %get3A_333 = arith.index_cast %add3A_325 : i32 to index
        %get3A_334 = arith.constant 16 : index
        %get3A_335 = tpu.vector_load %arg13[%get3A_333, %get3A_334] {strides = array<i32>} : memref<40x128xf32, #tpu.memory_space<vmem>>, vector<16xf32>,
        %get3A_336 = arith.index_cast %add3A_325 : i32 to index
        %get3A_337 = arith.constant 16 : index
        %get3A_338 = tpu.vector_load %arg14[%get3A_336, %get3A_337] {strides = array<i32>} : memref<40x128xf32, #tpu.memory_space<vmem>>, vector<16xf32>,
        %mul3A_339 = arith.mulf %get3A_335, %get3A_338 : vector<16xf32>
        %add3A_340 = arith.addf %mul3A_332, %mul3A_339 : vector<16xf32>
        %swap3A_341 = arith.index_cast %add3A_325 : i32 to index
        %swap3A_342 = arith.constant 0 : index
        %swap3A_343 = tpu.vector_load %arg16[%swap3A_341, %swap3A_342] {strides = array<i32>} : memref<40x64xf32, #tpu.memory_space<vmem>>, vector<16xf32>,
        tpu.vector_store %arg16[%swap3A_341, %swap3A_342], %add3A_340 {strides = array<i32>} : memref<40x64xf32, #tpu.memory_space<vmem>>, vector<16xf32>,
        %get3A_344 = arith.index_cast %add3A_325 : i32 to index
        %get3A_345 = arith.constant 32 : index
        %get3A_346 = tpu.vector_load %arg13[%get3A_344, %get3A_345] {strides = array<i32>} : memref<40x128xf32, #tpu.memory_space<vmem>>, vector<16xf32>,
        %get3A_347 = arith.index_cast %add3A_325 : i32 to index
        %get3A_348 = arith.constant 32 : index
        %get3A_349 = tpu.vector_load %arg14[%get3A_347, %get3A_348] {strides = array<i32>} : memref<40x128xf32, #tpu.memory_space<vmem>>, vector<16xf32>,
        %mul3A_350 = arith.mulf %get3A_346, %get3A_349 : vector<16xf32>
        %get3A_351 = arith.index_cast %add3A_325 : i32 to index
        %get3A_352 = arith.constant 48 : index
        %get3A_353 = tpu.vector_load %arg13[%get3A_351, %get3A_352] {strides = array<i32>} : memref<40x128xf32, #tpu.memory_space<vmem>>, vector<16xf32>,
        %get3A_354 = arith.index_cast %add3A_325 : i32 to index
        %get3A_355 = arith.constant 48 : index
        %get3A_356 = tpu.vector_load %arg14[%get3A_354, %get3A_355] {strides = array<i32>} : memref<40x128xf32, #tpu.memory_space<vmem>>, vector<16xf32>,
        %mul3A_357 = arith.mulf %get3A_353, %get3A_356 : vector<16xf32>
        %add3A_358 = arith.addf %mul3A_350, %mul3A_357 : vector<16xf32>
        %swap3A_359 = arith.index_cast %add3A_325 : i32 to index
        %swap3A_360 = arith.constant 16 : index
        %swap3A_361 = tpu.vector_load %arg16[%swap3A_359, %swap3A_360] {strides = array<i32>} : memref<40x64xf32, #tpu.memory_space<vmem>>, vector<16xf32>,
        tpu.vector_store %arg16[%swap3A_359, %swap3A_360], %add3A_358 {strides = array<i32>} : memref<40x64xf32, #tpu.memory_space<vmem>>, vector<16xf32>,
        %get3A_362 = arith.index_cast %add3A_325 : i32 to index
        %get3A_363 = arith.constant 64 : index
        %get3A_364 = tpu.vector_load %arg13[%get3A_362, %get3A_363] {strides = array<i32>} : memref<40x128xf32, #tpu.memory_space<vmem>>, vector<16xf32>,
        %get3A_365 = arith.index_cast %add3A_325 : i32 to index
        %get3A_366 = arith.constant 64 : index
        %get3A_367 = tpu.vector_load %arg14[%get3A_365, %get3A_366] {strides = array<i32>} : memref<40x128xf32, #tpu.memory_space<vmem>>, vector<16xf32>,
        %mul3A_368 = arith.mulf %get3A_364, %get3A_367 : vector<16xf32>
        %get3A_369 = arith.index_cast %add3A_325 : i32 to index
        %get3A_370 = arith.constant 80 : index
        %get3A_371 = tpu.vector_load %arg13[%get3A_369, %get3A_370] {strides = array<i32>} : memref<40x128xf32, #tpu.memory_space<vmem>>, vector<16xf32>,
        %get3A_372 = arith.index_cast %add3A_325 : i32 to index
        %get3A_373 = arith.constant 80 : index
        %get3A_374 = tpu.vector_load %arg14[%get3A_372, %get3A_373] {strides = array<i32>} : memref<40x128xf32, #tpu.memory_space<vmem>>, vector<16xf32>,
        %mul3A_375 = arith.mulf %get3A_371, %get3A_374 : vector<16xf32>
        %add3A_376 = arith.addf %mul3A_368, %mul3A_375 : vector<16xf32>
        %swap3A_377 = arith.index_cast %add3A_325 : i32 to index
        %swap3A_378 = arith.constant 32 : index
        %swap3A_379 = tpu.vector_load %arg16[%swap3A_377, %swap3A_378] {strides = array<i32>} : memref<40x64xf32, #tpu.memory_space<vmem>>, vector<16xf32>,
        tpu.vector_store %arg16[%swap3A_377, %swap3A_378], %add3A_376 {strides = array<i32>} : memref<40x64xf32, #tpu.memory_space<vmem>>, vector<16xf32>,
        %get3A_380 = arith.index_cast %add3A_325 : i32 to index
        %get3A_381 = arith.constant 96 : index
        %get3A_382 = tpu.vector_load %arg13[%get3A_380, %get3A_381] {strides = array<i32>} : memref<40x128xf32, #tpu.memory_space<vmem>>, vector<16xf32>,
        %get3A_383 = arith.index_cast %add3A_325 : i32 to index
        %get3A_384 = arith.constant 96 : index
        %get3A_385 = tpu.vector_load %arg14[%get3A_383, %get3A_384] {strides = array<i32>} : memref<40x128xf32, #tpu.memory_space<vmem>>, vector<16xf32>,
        %mul3A_386 = arith.mulf %get3A_382, %get3A_385 : vector<16xf32>
        %get3A_387 = arith.index_cast %add3A_325 : i32 to index
        %get3A_388 = arith.constant 112 : index
        %get3A_389 = tpu.vector_load %arg13[%get3A_387, %get3A_388] {strides = array<i32>} : memref<40x128xf32, #tpu.memory_space<vmem>>, vector<16xf32>,
        %get3A_390 = arith.index_cast %add3A_325 : i32 to index
        %get3A_391 = arith.constant 112 : index
        %get3A_392 = tpu.vector_load %arg14[%get3A_390, %get3A_391] {strides = array<i32>} : memref<40x128xf32, #tpu.memory_space<vmem>>, vector<16xf32>,
        %mul3A_393 = arith.mulf %get3A_389, %get3A_392 : vector<16xf32>
        %add3A_394 = arith.addf %mul3A_386, %mul3A_393 : vector<16xf32>
        %swap3A_395 = arith.index_cast %add3A_325 : i32 to index
        %swap3A_396 = arith.constant 48 : index
        %swap3A_397 = tpu.vector_load %arg16[%swap3A_395, %swap3A_396] {strides = array<i32>} : memref<40x64xf32, #tpu.memory_space<vmem>>, vector<16xf32>,
        tpu.vector_store %arg16[%swap3A_395, %swap3A_396], %add3A_394 {strides = array<i32>} : memref<40x64xf32, #tpu.memory_space<vmem>>, vector<16xf32>,
        %scan3A_398 = arith.constant 3 : i32
        %scan3A_399 = arith.addi %scan3A_165, %scan3A_398 : i32
        %mul3A_400 = arith.constant 1 : i32
        %mul3A_401 = arith.muli %scan3A_399, %mul3A_400 : i32
        %add3A_402 = arith.constant 0 : i32
        %add3A_403 = arith.addi %add3A_402, %mul3A_401 : i32
        %get3A_404 = arith.index_cast %add3A_403 : i32 to index
        %get3A_405 = arith.constant 0 : index
        %get3A_406 = tpu.vector_load %arg13[%get3A_404, %get3A_405] {strides = array<i32>} : memref<40x128xf32, #tpu.memory_space<vmem>>, vector<16xf32>,
        %get3A_407 = arith.index_cast %add3A_403 : i32 to index
        %get3A_408 = arith.constant 0 : index
        %get3A_409 = tpu.vector_load %arg14[%get3A_407, %get3A_408] {strides = array<i32>} : memref<40x128xf32, #tpu.memory_space<vmem>>, vector<16xf32>,
        %mul3A_410 = arith.mulf %get3A_406, %get3A_409 : vector<16xf32>
        %get3A_411 = arith.index_cast %add3A_403 : i32 to index
        %get3A_412 = arith.constant 16 : index
        %get3A_413 = tpu.vector_load %arg13[%get3A_411, %get3A_412] {strides = array<i32>} : memref<40x128xf32, #tpu.memory_space<vmem>>, vector<16xf32>,
        %get3A_414 = arith.index_cast %add3A_403 : i32 to index
        %get3A_415 = arith.constant 16 : index
        %get3A_416 = tpu.vector_load %arg14[%get3A_414, %get3A_415] {strides = array<i32>} : memref<40x128xf32, #tpu.memory_space<vmem>>, vector<16xf32>,
        %mul3A_417 = arith.mulf %get3A_413, %get3A_416 : vector<16xf32>
        %add3A_418 = arith.addf %mul3A_410, %mul3A_417 : vector<16xf32>
        %swap3A_419 = arith.index_cast %add3A_403 : i32 to index
        %swap3A_420 = arith.constant 0 : index
        %swap3A_421 = tpu.vector_load %arg16[%swap3A_419, %swap3A_420] {strides = array<i32>} : memref<40x64xf32, #tpu.memory_space<vmem>>, vector<16xf32>,
        tpu.vector_store %arg16[%swap3A_419, %swap3A_420], %add3A_418 {strides = array<i32>} : memref<40x64xf32, #tpu.memory_space<vmem>>, vector<16xf32>,
        %get3A_422 = arith.index_cast %add3A_403 : i32 to index
        %get3A_423 = arith.constant 32 : index
        %get3A_424 = tpu.vector_load %arg13[%get3A_422, %get3A_423] {strides = array<i32>} : memref<40x128xf32, #tpu.memory_space<vmem>>, vector<16xf32>,
        %get3A_425 = arith.index_cast %add3A_403 : i32 to index
        %get3A_426 = arith.constant 32 : index
        %get3A_427 = tpu.vector_load %arg14[%get3A_425, %get3A_426] {strides = array<i32>} : memref<40x128xf32, #tpu.memory_space<vmem>>, vector<16xf32>,
        %mul3A_428 = arith.mulf %get3A_424, %get3A_427 : vector<16xf32>
        %get3A_429 = arith.index_cast %add3A_403 : i32 to index
        %get3A_430 = arith.constant 48 : index
        %get3A_431 = tpu.vector_load %arg13[%get3A_429, %get3A_430] {strides = array<i32>} : memref<40x128xf32, #tpu.memory_space<vmem>>, vector<16xf32>,
        %get3A_432 = arith.index_cast %add3A_403 : i32 to index
        %get3A_433 = arith.constant 48 : index
        %get3A_434 = tpu.vector_load %arg14[%get3A_432, %get3A_433] {strides = array<i32>} : memref<40x128xf32, #tpu.memory_space<vmem>>, vector<16xf32>,
        %mul3A_435 = arith.mulf %get3A_431, %get3A_434 : vector<16xf32>
        %add3A_436 = arith.addf %mul3A_428, %mul3A_435 : vector<16xf32>
        %swap3A_437 = arith.index_cast %add3A_403 : i32 to index
        %swap3A_438 = arith.constant 16 : index
        %swap3A_439 = tpu.vector_load %arg16[%swap3A_437, %swap3A_438] {strides = array<i32>} : memref<40x64xf32, #tpu.memory_space<vmem>>, vector<16xf32>,
        tpu.vector_store %arg16[%swap3A_437, %swap3A_438], %add3A_436 {strides = array<i32>} : memref<40x64xf32, #tpu.memory_space<vmem>>, vector<16xf32>,
        %get3A_440 = arith.index_cast %add3A_403 : i32 to index
        %get3A_441 = arith.constant 64 : index
        %get3A_442 = tpu.vector_load %arg13[%get3A_440, %get3A_441] {strides = array<i32>} : memref<40x128xf32, #tpu.memory_space<vmem>>, vector<16xf32>,
        %get3A_443 = arith.index_cast %add3A_403 : i32 to index
        %get3A_444 = arith.constant 64 : index
        %get3A_445 = tpu.vector_load %arg14[%get3A_443, %get3A_444] {strides = array<i32>} : memref<40x128xf32, #tpu.memory_space<vmem>>, vector<16xf32>,
        %mul3A_446 = arith.mulf %get3A_442, %get3A_445 : vector<16xf32>
        %get3A_447 = arith.index_cast %add3A_403 : i32 to index
        %get3A_448 = arith.constant 80 : index
        %get3A_449 = tpu.vector_load %arg13[%get3A_447, %get3A_448] {strides = array<i32>} : memref<40x128xf32, #tpu.memory_space<vmem>>, vector<16xf32>,
        %get3A_450 = arith.index_cast %add3A_403 : i32 to index
        %get3A_451 = arith.constant 80 : index
        %get3A_452 = tpu.vector_load %arg14[%get3A_450, %get3A_451] {strides = array<i32>} : memref<40x128xf32, #tpu.memory_space<vmem>>, vector<16xf32>,
        %mul3A_453 = arith.mulf %get3A_449, %get3A_452 : vector<16xf32>
        %add3A_454 = arith.addf %mul3A_446, %mul3A_453 : vector<16xf32>
        %swap3A_455 = arith.index_cast %add3A_403 : i32 to index
        %swap3A_456 = arith.constant 32 : index
        %swap3A_457 = tpu.vector_load %arg16[%swap3A_455, %swap3A_456] {strides = array<i32>} : memref<40x64xf32, #tpu.memory_space<vmem>>, vector<16xf32>,
        tpu.vector_store %arg16[%swap3A_455, %swap3A_456], %add3A_454 {strides = array<i32>} : memref<40x64xf32, #tpu.memory_space<vmem>>, vector<16xf32>,
        %get3A_458 = arith.index_cast %add3A_403 : i32 to index
        %get3A_459 = arith.constant 96 : index
        %get3A_460 = tpu.vector_load %arg13[%get3A_458, %get3A_459] {strides = array<i32>} : memref<40x128xf32, #tpu.memory_space<vmem>>, vector<16xf32>,
        %get3A_461 = arith.index_cast %add3A_403 : i32 to index
        %get3A_462 = arith.constant 96 : index
        %get3A_463 = tpu.vector_load %arg14[%get3A_461, %get3A_462] {strides = array<i32>} : memref<40x128xf32, #tpu.memory_space<vmem>>, vector<16xf32>,
        %mul3A_464 = arith.mulf %get3A_460, %get3A_463 : vector<16xf32>
        %get3A_465 = arith.index_cast %add3A_403 : i32 to index
        %get3A_466 = arith.constant 112 : index
        %get3A_467 = tpu.vector_load %arg13[%get3A_465, %get3A_466] {strides = array<i32>} : memref<40x128xf32, #tpu.memory_space<vmem>>, vector<16xf32>,
        %get3A_468 = arith.index_cast %add3A_403 : i32 to index
        %get3A_469 = arith.constant 112 : index
        %get3A_470 = tpu.vector_load %arg14[%get3A_468, %get3A_469] {strides = array<i32>} : memref<40x128xf32, #tpu.memory_space<vmem>>, vector<16xf32>,
        %mul3A_471 = arith.mulf %get3A_467, %get3A_470 : vector<16xf32>
        %add3A_472 = arith.addf %mul3A_464, %mul3A_471 : vector<16xf32>
        %swap3A_473 = arith.index_cast %add3A_403 : i32 to index
        %swap3A_474 = arith.constant 48 : index
        %swap3A_475 = tpu.vector_load %arg16[%swap3A_473, %swap3A_474] {strides = array<i32>} : memref<40x64xf32, #tpu.memory_space<vmem>>, vector<16xf32>,
        tpu.vector_store %arg16[%swap3A_473, %swap3A_474], %add3A_472 {strides = array<i32>} : memref<40x64xf32, #tpu.memory_space<vmem>>, vector<16xf32>,
      }
      %scan3A_149 = arith.constant 40 : i32
      %scan3A_150 = arith.constant 0 : i32
      %scan3A_151 = arith.constant 10 : i32
      %scan3A_152 = arith.addi %scan3A_150, %scan3A_151 : i32
      %scan3A_153 = arith.constant 2 : i32
      scf.for %scan3A_165 = %scan3A_150 to %scan3A_152 step %scan3A_153  : i32 {
        %mul3A_166 = arith.constant 1 : i32
        %mul3A_167 = arith.muli %scan3A_165, %mul3A_166 : i32
        %add3A_168 = arith.constant 0 : i32
        %add3A_169 = arith.addi %add3A_168, %mul3A_167 : i32
        %mul3A_170 = arith.constant 4 : i32
        %mul3A_171 = arith.muli %add3A_169, %mul3A_170 : i32
        %add3A_172 = vector.broadcast %mul3A_171 : i32 to vector<16xi32>
        %add3A_173 = arith.addi %add3A_172, %select_n3A : vector<16xi32>
        %mul3A_174 = arith.constant 16 : i32
        %mul3A_175 = vector.broadcast %mul3A_174 : i32 to vector<16xi32>
        %mul3A_176 = arith.muli %select_n3A_64, %mul3A_175 : vector<16xi32>
        %add3A_177 = arith.constant 0 : i32
        %add3A_178 = vector.broadcast %add3A_177 : i32 to vector<16xi32>
        %add3A_179 = arith.addi %mul3A_176, %add3A_178 : vector<16xi32>
        %gather3A = tpu.vector_load_idx %arg16[%add3A_173, %add3A_179] : memref<40x64xf32, #tpu.memory_space<vmem>>[vector<16xi32>, vector<16xi32>], vector<16xf32>,
        %add3A_180 = arith.constant 1 : i32
        %add3A_181 = vector.broadcast %add3A_180 : i32 to vector<16xi32>
        %add3A_182 = arith.addi %mul3A_176, %add3A_181 : vector<16xi32>
        %gather3A_183 = tpu.vector_load_idx %arg16[%add3A_173, %add3A_182] : memref<40x64xf32, #tpu.memory_space<vmem>>[vector<16xi32>, vector<16xi32>], vector<16xf32>,
        %add3A_184 = arith.constant 2 : i32
        %add3A_185 = vector.broadcast %add3A_184 : i32 to vector<16xi32>
        %add3A_186 = arith.addi %mul3A_176, %add3A_185 : vector<16xi32>
        %gather3A_187 = tpu.vector_load_idx %arg16[%add3A_173, %add3A_186] : memref<40x64xf32, #tpu.memory_space<vmem>>[vector<16xi32>, vector<16xi32>], vector<16xf32>,
        %add3A_188 = arith.constant 3 : i32
        %add3A_189 = vector.broadcast %add3A_188 : i32 to vector<16xi32>
        %add3A_190 = arith.addi %mul3A_176, %add3A_189 : vector<16xi32>
        %gather3A_191 = tpu.vector_load_idx %arg16[%add3A_173, %add3A_190] : memref<40x64xf32, #tpu.memory_space<vmem>>[vector<16xi32>, vector<16xi32>], vector<16xf32>,
        %add3A_192 = arith.constant 4 : i32
        %add3A_193 = vector.broadcast %add3A_192 : i32 to vector<16xi32>
        %add3A_194 = arith.addi %mul3A_176, %add3A_193 : vector<16xi32>
        %gather3A_195 = tpu.vector_load_idx %arg16[%add3A_173, %add3A_194] : memref<40x64xf32, #tpu.memory_space<vmem>>[vector<16xi32>, vector<16xi32>], vector<16xf32>,
        %add3A_196 = arith.constant 5 : i32
        %add3A_197 = vector.broadcast %add3A_196 : i32 to vector<16xi32>
        %add3A_198 = arith.addi %mul3A_176, %add3A_197 : vector<16xi32>
        %gather3A_199 = tpu.vector_load_idx %arg16[%add3A_173, %add3A_198] : memref<40x64xf32, #tpu.memory_space<vmem>>[vector<16xi32>, vector<16xi32>], vector<16xf32>,
        %add3A_200 = arith.constant 6 : i32
        %add3A_201 = vector.broadcast %add3A_200 : i32 to vector<16xi32>
        %add3A_202 = arith.addi %mul3A_176, %add3A_201 : vector<16xi32>
        %gather3A_203 = tpu.vector_load_idx %arg16[%add3A_173, %add3A_202] : memref<40x64xf32, #tpu.memory_space<vmem>>[vector<16xi32>, vector<16xi32>], vector<16xf32>,
        %add3A_204 = arith.constant 7 : i32
        %add3A_205 = vector.broadcast %add3A_204 : i32 to vector<16xi32>
        %add3A_206 = arith.addi %mul3A_176, %add3A_205 : vector<16xi32>
        %gather3A_207 = tpu.vector_load_idx %arg16[%add3A_173, %add3A_206] : memref<40x64xf32, #tpu.memory_space<vmem>>[vector<16xi32>, vector<16xi32>], vector<16xf32>,
        %add3A_208 = arith.constant 8 : i32
        %add3A_209 = vector.broadcast %add3A_208 : i32 to vector<16xi32>
        %add3A_210 = arith.addi %mul3A_176, %add3A_209 : vector<16xi32>
        %gather3A_211 = tpu.vector_load_idx %arg16[%add3A_173, %add3A_210] : memref<40x64xf32, #tpu.memory_space<vmem>>[vector<16xi32>, vector<16xi32>], vector<16xf32>,
        %add3A_212 = arith.constant 9 : i32
        %add3A_213 = vector.broadcast %add3A_212 : i32 to vector<16xi32>
        %add3A_214 = arith.addi %mul3A_176, %add3A_213 : vector<16xi32>
        %gather3A_215 = tpu.vector_load_idx %arg16[%add3A_173, %add3A_214] : memref<40x64xf32, #tpu.memory_space<vmem>>[vector<16xi32>, vector<16xi32>], vector<16xf32>,
        %add3A_216 = arith.constant 10 : i32
        %add3A_217 = vector.broadcast %add3A_216 : i32 to vector<16xi32>
        %add3A_218 = arith.addi %mul3A_176, %add3A_217 : vector<16xi32>
        %gather3A_219 = tpu.vector_load_idx %arg16[%add3A_173, %add3A_218] : memref<40x64xf32, #tpu.memory_space<vmem>>[vector<16xi32>, vector<16xi32>], vector<16xf32>,
        %add3A_220 = arith.constant 11 : i32
        %add3A_221 = vector.broadcast %add3A_220 : i32 to vector<16xi32>
        %add3A_222 = arith.addi %mul3A_176, %add3A_221 : vector<16xi32>
        %gather3A_223 = tpu.vector_load_idx %arg16[%add3A_173, %add3A_222] : memref<40x64xf32, #tpu.memory_space<vmem>>[vector<16xi32>, vector<16xi32>], vector<16xf32>,
        %add3A_224 = arith.constant 12 : i32
        %add3A_225 = vector.broadcast %add3A_224 : i32 to vector<16xi32>
        %add3A_226 = arith.addi %mul3A_176, %add3A_225 : vector<16xi32>
        %gather3A_227 = tpu.vector_load_idx %arg16[%add3A_173, %add3A_226] : memref<40x64xf32, #tpu.memory_space<vmem>>[vector<16xi32>, vector<16xi32>], vector<16xf32>,
        %add3A_228 = arith.constant 13 : i32
        %add3A_229 = vector.broadcast %add3A_228 : i32 to vector<16xi32>
        %add3A_230 = arith.addi %mul3A_176, %add3A_229 : vector<16xi32>
        %gather3A_231 = tpu.vector_load_idx %arg16[%add3A_173, %add3A_230] : memref<40x64xf32, #tpu.memory_space<vmem>>[vector<16xi32>, vector<16xi32>], vector<16xf32>,
        %add3A_232 = arith.constant 14 : i32
        %add3A_233 = vector.broadcast %add3A_232 : i32 to vector<16xi32>
        %add3A_234 = arith.addi %mul3A_176, %add3A_233 : vector<16xi32>
        %gather3A_235 = tpu.vector_load_idx %arg16[%add3A_173, %add3A_234] : memref<40x64xf32, #tpu.memory_space<vmem>>[vector<16xi32>, vector<16xi32>], vector<16xf32>,
        %add3A_236 = arith.constant 15 : i32
        %add3A_237 = vector.broadcast %add3A_236 : i32 to vector<16xi32>
        %add3A_238 = arith.addi %mul3A_176, %add3A_237 : vector<16xi32>
        %gather3A_239 = tpu.vector_load_idx %arg16[%add3A_173, %add3A_238] : memref<40x64xf32, #tpu.memory_space<vmem>>[vector<16xi32>, vector<16xi32>], vector<16xf32>,
        %add3A_240 = arith.addf %gather3A, %gather3A_183 : vector<16xf32>
        %add3A_241 = arith.addf %gather3A_187, %gather3A_191 : vector<16xf32>
        %add3A_242 = arith.addf %gather3A_195, %gather3A_199 : vector<16xf32>
        %add3A_243 = arith.addf %gather3A_203, %gather3A_207 : vector<16xf32>
        %add3A_244 = arith.addf %gather3A_211, %gather3A_215 : vector<16xf32>
        %add3A_245 = arith.addf %gather3A_219, %gather3A_223 : vector<16xf32>
        %add3A_246 = arith.addf %gather3A_227, %gather3A_231 : vector<16xf32>
        %add3A_247 = arith.addf %gather3A_235, %gather3A_239 : vector<16xf32>
        %add3A_248 = arith.addf %add3A_240, %add3A_241 : vector<16xf32>
        %add3A_249 = arith.addf %add3A_242, %add3A_243 : vector<16xf32>
        %add3A_250 = arith.addf %add3A_244, %add3A_245 : vector<16xf32>
        %add3A_251 = arith.addf %add3A_246, %add3A_247 : vector<16xf32>
        %add3A_252 = arith.addf %add3A_248, %add3A_249 : vector<16xf32>
        %add3A_253 = arith.addf %add3A_250, %add3A_251 : vector<16xf32>
        %add3A_254 = arith.addf %add3A_252, %add3A_253 : vector<16xf32>
        %jit3A_255 = arith.constant -1.000000e+01 : f32
        %jit3A_256 = arith.constant 1.000000e+01 : f32
        %max3A = vector.broadcast %jit3A_255 : f32 to vector<16xf32>
        %max3A_257 = arith.maximumf %max3A, %add3A_254 : vector<16xf32>
        %min3A = vector.broadcast %jit3A_256 : f32 to vector<16xf32>
        %min3A_258 = arith.minimumf %min3A, %max3A_257 : vector<16xf32>
        %exp3A = math.exp %min3A_258 : vector<16xf32>
        %gather3A_259 = tpu.vector_load_idx %arg8[%add3A_173] : memref<40xi32, #tpu.memory_space<vmem>>[vector<16xi32>], vector<16xi32>,
        %and3A_260 = arith.constant 7 : i32
        %and3A_261 = vector.broadcast %and3A_260 : i32 to vector<16xi32>
        %and3A_262 = arith.andi %gather3A_259, %and3A_261 : vector<16xi32>
        %shift_left3A = arith.constant 4 : i32
        %shift_left3A_263 = vector.broadcast %shift_left3A : i32 to vector<16xi32>
        %shift_left3A_264 = arith.shli %and3A_262, %shift_left3A_263 : vector<16xi32>
        %add3A_265 = arith.addi %shift_left3A_264, %select_n3A_64 : vector<16xi32>
        tpu.vector_store_idx %arg17[%add3A_173, %add3A_265], %exp3A : memref<40x128xf32, #tpu.memory_space<vmem>>[vector<16xi32>, vector<16xi32>], vector<16xf32>,
        tpu.vector_store_idx %arg16[%add3A_173, %select_n3A_64], %exp3A : memref<40x64xf32, #tpu.memory_space<vmem>>[vector<16xi32>, vector<16xi32>], vector<16xf32>,
        %scan3A_266 = arith.constant 1 : i32
        %scan3A_267 = arith.addi %scan3A_165, %scan3A_266 : i32
        %mul3A_268 = arith.constant 1 : i32
        %mul3A_269 = arith.muli %scan3A_267, %mul3A_268 : i32
        %add3A_270 = arith.constant 0 : i32
        %add3A_271 = arith.addi %add3A_270, %mul3A_269 : i32
        %mul3A_272 = arith.constant 4 : i32
        %mul3A_273 = arith.muli %add3A_271, %mul3A_272 : i32
        %add3A_274 = vector.broadcast %mul3A_273 : i32 to vector<16xi32>
        %add3A_275 = arith.addi %add3A_274, %select_n3A : vector<16xi32>
        %mul3A_276 = arith.constant 16 : i32
        %mul3A_277 = vector.broadcast %mul3A_276 : i32 to vector<16xi32>
        %mul3A_278 = arith.muli %select_n3A_64, %mul3A_277 : vector<16xi32>
        %add3A_279 = arith.constant 0 : i32
        %add3A_280 = vector.broadcast %add3A_279 : i32 to vector<16xi32>
        %add3A_281 = arith.addi %mul3A_278, %add3A_280 : vector<16xi32>
        %gather3A_282 = tpu.vector_load_idx %arg16[%add3A_275, %add3A_281] : memref<40x64xf32, #tpu.memory_space<vmem>>[vector<16xi32>, vector<16xi32>], vector<16xf32>,
        %add3A_283 = arith.constant 1 : i32
        %add3A_284 = vector.broadcast %add3A_283 : i32 to vector<16xi32>
        %add3A_285 = arith.addi %mul3A_278, %add3A_284 : vector<16xi32>
        %gather3A_286 = tpu.vector_load_idx %arg16[%add3A_275, %add3A_285] : memref<40x64xf32, #tpu.memory_space<vmem>>[vector<16xi32>, vector<16xi32>], vector<16xf32>,
        %add3A_287 = arith.constant 2 : i32
        %add3A_288 = vector.broadcast %add3A_287 : i32 to vector<16xi32>
        %add3A_289 = arith.addi %mul3A_278, %add3A_288 : vector<16xi32>
        %gather3A_290 = tpu.vector_load_idx %arg16[%add3A_275, %add3A_289] : memref<40x64xf32, #tpu.memory_space<vmem>>[vector<16xi32>, vector<16xi32>], vector<16xf32>,
        %add3A_291 = arith.constant 3 : i32
        %add3A_292 = vector.broadcast %add3A_291 : i32 to vector<16xi32>
        %add3A_293 = arith.addi %mul3A_278, %add3A_292 : vector<16xi32>
        %gather3A_294 = tpu.vector_load_idx %arg16[%add3A_275, %add3A_293] : memref<40x64xf32, #tpu.memory_space<vmem>>[vector<16xi32>, vector<16xi32>], vector<16xf32>,
        %add3A_295 = arith.constant 4 : i32
        %add3A_296 = vector.broadcast %add3A_295 : i32 to vector<16xi32>
        %add3A_297 = arith.addi %mul3A_278, %add3A_296 : vector<16xi32>
        %gather3A_298 = tpu.vector_load_idx %arg16[%add3A_275, %add3A_297] : memref<40x64xf32, #tpu.memory_space<vmem>>[vector<16xi32>, vector<16xi32>], vector<16xf32>,
        %add3A_299 = arith.constant 5 : i32
        %add3A_300 = vector.broadcast %add3A_299 : i32 to vector<16xi32>
        %add3A_301 = arith.addi %mul3A_278, %add3A_300 : vector<16xi32>
        %gather3A_302 = tpu.vector_load_idx %arg16[%add3A_275, %add3A_301] : memref<40x64xf32, #tpu.memory_space<vmem>>[vector<16xi32>, vector<16xi32>], vector<16xf32>,
        %add3A_303 = arith.constant 6 : i32
        %add3A_304 = vector.broadcast %add3A_303 : i32 to vector<16xi32>
        %add3A_305 = arith.addi %mul3A_278, %add3A_304 : vector<16xi32>
        %gather3A_306 = tpu.vector_load_idx %arg16[%add3A_275, %add3A_305] : memref<40x64xf32, #tpu.memory_space<vmem>>[vector<16xi32>, vector<16xi32>], vector<16xf32>,
        %add3A_307 = arith.constant 7 : i32
        %add3A_308 = vector.broadcast %add3A_307 : i32 to vector<16xi32>
        %add3A_309 = arith.addi %mul3A_278, %add3A_308 : vector<16xi32>
        %gather3A_310 = tpu.vector_load_idx %arg16[%add3A_275, %add3A_309] : memref<40x64xf32, #tpu.memory_space<vmem>>[vector<16xi32>, vector<16xi32>], vector<16xf32>,
        %add3A_311 = arith.constant 8 : i32
        %add3A_312 = vector.broadcast %add3A_311 : i32 to vector<16xi32>
        %add3A_313 = arith.addi %mul3A_278, %add3A_312 : vector<16xi32>
        %gather3A_314 = tpu.vector_load_idx %arg16[%add3A_275, %add3A_313] : memref<40x64xf32, #tpu.memory_space<vmem>>[vector<16xi32>, vector<16xi32>], vector<16xf32>,
        %add3A_315 = arith.constant 9 : i32
        %add3A_316 = vector.broadcast %add3A_315 : i32 to vector<16xi32>
        %add3A_317 = arith.addi %mul3A_278, %add3A_316 : vector<16xi32>
        %gather3A_318 = tpu.vector_load_idx %arg16[%add3A_275, %add3A_317] : memref<40x64xf32, #tpu.memory_space<vmem>>[vector<16xi32>, vector<16xi32>], vector<16xf32>,
        %add3A_319 = arith.constant 10 : i32
        %add3A_320 = vector.broadcast %add3A_319 : i32 to vector<16xi32>
        %add3A_321 = arith.addi %mul3A_278, %add3A_320 : vector<16xi32>
        %gather3A_322 = tpu.vector_load_idx %arg16[%add3A_275, %add3A_321] : memref<40x64xf32, #tpu.memory_space<vmem>>[vector<16xi32>, vector<16xi32>], vector<16xf32>,
        %add3A_323 = arith.constant 11 : i32
        %add3A_324 = vector.broadcast %add3A_323 : i32 to vector<16xi32>
        %add3A_325 = arith.addi %mul3A_278, %add3A_324 : vector<16xi32>
        %gather3A_326 = tpu.vector_load_idx %arg16[%add3A_275, %add3A_325] : memref<40x64xf32, #tpu.memory_space<vmem>>[vector<16xi32>, vector<16xi32>], vector<16xf32>,
        %add3A_327 = arith.constant 12 : i32
        %add3A_328 = vector.broadcast %add3A_327 : i32 to vector<16xi32>
        %add3A_329 = arith.addi %mul3A_278, %add3A_328 : vector<16xi32>
        %gather3A_330 = tpu.vector_load_idx %arg16[%add3A_275, %add3A_329] : memref<40x64xf32, #tpu.memory_space<vmem>>[vector<16xi32>, vector<16xi32>], vector<16xf32>,
        %add3A_331 = arith.constant 13 : i32
        %add3A_332 = vector.broadcast %add3A_331 : i32 to vector<16xi32>
        %add3A_333 = arith.addi %mul3A_278, %add3A_332 : vector<16xi32>
        %gather3A_334 = tpu.vector_load_idx %arg16[%add3A_275, %add3A_333] : memref<40x64xf32, #tpu.memory_space<vmem>>[vector<16xi32>, vector<16xi32>], vector<16xf32>,
        %add3A_335 = arith.constant 14 : i32
        %add3A_336 = vector.broadcast %add3A_335 : i32 to vector<16xi32>
        %add3A_337 = arith.addi %mul3A_278, %add3A_336 : vector<16xi32>
        %gather3A_338 = tpu.vector_load_idx %arg16[%add3A_275, %add3A_337] : memref<40x64xf32, #tpu.memory_space<vmem>>[vector<16xi32>, vector<16xi32>], vector<16xf32>,
        %add3A_339 = arith.constant 15 : i32
        %add3A_340 = vector.broadcast %add3A_339 : i32 to vector<16xi32>
        %add3A_341 = arith.addi %mul3A_278, %add3A_340 : vector<16xi32>
        %gather3A_342 = tpu.vector_load_idx %arg16[%add3A_275, %add3A_341] : memref<40x64xf32, #tpu.memory_space<vmem>>[vector<16xi32>, vector<16xi32>], vector<16xf32>,
        %add3A_343 = arith.addf %gather3A_282, %gather3A_286 : vector<16xf32>
        %add3A_344 = arith.addf %gather3A_290, %gather3A_294 : vector<16xf32>
        %add3A_345 = arith.addf %gather3A_298, %gather3A_302 : vector<16xf32>
        %add3A_346 = arith.addf %gather3A_306, %gather3A_310 : vector<16xf32>
        %add3A_347 = arith.addf %gather3A_314, %gather3A_318 : vector<16xf32>
        %add3A_348 = arith.addf %gather3A_322, %gather3A_326 : vector<16xf32>
        %add3A_349 = arith.addf %gather3A_330, %gather3A_334 : vector<16xf32>
        %add3A_350 = arith.addf %gather3A_338, %gather3A_342 : vector<16xf32>
        %add3A_351 = arith.addf %add3A_343, %add3A_344 : vector<16xf32>
        %add3A_352 = arith.addf %add3A_345, %add3A_346 : vector<16xf32>
        %add3A_353 = arith.addf %add3A_347, %add3A_348 : vector<16xf32>
        %add3A_354 = arith.addf %add3A_349, %add3A_350 : vector<16xf32>
        %add3A_355 = arith.addf %add3A_351, %add3A_352 : vector<16xf32>
        %add3A_356 = arith.addf %add3A_353, %add3A_354 : vector<16xf32>
        %add3A_357 = arith.addf %add3A_355, %add3A_356 : vector<16xf32>
        %jit3A_358 = arith.constant -1.000000e+01 : f32
        %jit3A_359 = arith.constant 1.000000e+01 : f32
        %max3A_360 = vector.broadcast %jit3A_358 : f32 to vector<16xf32>
        %max3A_361 = arith.maximumf %max3A_360, %add3A_357 : vector<16xf32>
        %min3A_362 = vector.broadcast %jit3A_359 : f32 to vector<16xf32>
        %min3A_363 = arith.minimumf %min3A_362, %max3A_361 : vector<16xf32>
        %exp3A_364 = math.exp %min3A_363 : vector<16xf32>
        %gather3A_365 = tpu.vector_load_idx %arg8[%add3A_275] : memref<40xi32, #tpu.memory_space<vmem>>[vector<16xi32>], vector<16xi32>,
        %and3A_366 = arith.constant 7 : i32
        %and3A_367 = vector.broadcast %and3A_366 : i32 to vector<16xi32>
        %and3A_368 = arith.andi %gather3A_365, %and3A_367 : vector<16xi32>
        %shift_left3A_369 = arith.constant 4 : i32
        %shift_left3A_370 = vector.broadcast %shift_left3A_369 : i32 to vector<16xi32>
        %shift_left3A_371 = arith.shli %and3A_368, %shift_left3A_370 : vector<16xi32>
        %add3A_372 = arith.addi %shift_left3A_371, %select_n3A_64 : vector<16xi32>
        tpu.vector_store_idx %arg17[%add3A_275, %add3A_372], %exp3A_364 : memref<40x128xf32, #tpu.memory_space<vmem>>[vector<16xi32>, vector<16xi32>], vector<16xf32>,
        tpu.vector_store_idx %arg16[%add3A_275, %select_n3A_64], %exp3A_364 : memref<40x64xf32, #tpu.memory_space<vmem>>[vector<16xi32>, vector<16xi32>], vector<16xf32>,
      }
      %scan3A_154 = arith.constant 10 : i32
      %scan3A_155 = arith.constant 0 : i32
      %scan3A_156 = arith.constant 40 : i32
      %scan3A_157 = arith.addi %scan3A_155, %scan3A_156 : i32
      %scan3A_158 = arith.constant 4 : i32
      scf.for %scan3A_165 = %scan3A_155 to %scan3A_157 step %scan3A_158  : i32 {
        %mul3A_166 = arith.constant 1 : i32
        %mul3A_167 = arith.muli %scan3A_165, %mul3A_166 : i32
        %add3A_168 = arith.constant 0 : i32
        %add3A_169 = arith.addi %add3A_168, %mul3A_167 : i32
        %get3A_170 = arith.index_cast %add3A_169 : i32 to index
        %get3A_171 = arith.constant 0 : index
        %get3A_172 = tpu.vector_load %arg16[%get3A_170, %get3A_171] {strides = array<i32>} : memref<40x64xf32, #tpu.memory_space<vmem>>, vector<16xf32>,
        %slice3A = vector.extract_strided_slice %get3A_172 {offsets = [0], sizes = [1], strides = [1]} : vector<16xf32> to vector<1xf32>
        %squeeze3A = vector.extract %slice3A[0] : f32 from vector<1xf32>
        %broadcast_in_dim3A_173 = vector.broadcast %squeeze3A : f32 to vector<16xf32>
        %get3A_174 = arith.index_cast %add3A_169 : i32 to index
        %get3A_175 = arith.constant 0 : index
        %get3A_176 = tpu.vector_load %arg15[%get3A_174, %get3A_175] {strides = array<i32>} : memref<40x128xf32, #tpu.memory_space<vmem>>, vector<16xf32>,
        %mul3A_177 = arith.mulf %broadcast_in_dim3A_173, %get3A_176 : vector<16xf32>
        %swap3A_178 = arith.index_cast %add3A_169 : i32 to index
        %swap3A_179 = arith.constant 0 : index
        %swap3A_180 = tpu.vector_load %arg18[%swap3A_178, %swap3A_179] {strides = array<i32>} : memref<40x128xf32, #tpu.memory_space<vmem>>, vector<16xf32>,
        tpu.vector_store %arg18[%swap3A_178, %swap3A_179], %mul3A_177 {strides = array<i32>} : memref<40x128xf32, #tpu.memory_space<vmem>>, vector<16xf32>,
        %get3A_181 = arith.index_cast %add3A_169 : i32 to index
        %get3A_182 = arith.constant 16 : index
        %get3A_183 = tpu.vector_load %arg15[%get3A_181, %get3A_182] {strides = array<i32>} : memref<40x128xf32, #tpu.memory_space<vmem>>, vector<16xf32>,
        %mul3A_184 = arith.mulf %broadcast_in_dim3A_173, %get3A_183 : vector<16xf32>
        %swap3A_185 = arith.index_cast %add3A_169 : i32 to index
        %swap3A_186 = arith.constant 16 : index
        %swap3A_187 = tpu.vector_load %arg18[%swap3A_185, %swap3A_186] {strides = array<i32>} : memref<40x128xf32, #tpu.memory_space<vmem>>, vector<16xf32>,
        tpu.vector_store %arg18[%swap3A_185, %swap3A_186], %mul3A_184 {strides = array<i32>} : memref<40x128xf32, #tpu.memory_space<vmem>>, vector<16xf32>,
        %slice3A_188 = vector.extract_strided_slice %get3A_172 {offsets = [1], sizes = [1], strides = [1]} : vector<16xf32> to vector<1xf32>
        %squeeze3A_189 = vector.extract %slice3A_188[0] : f32 from vector<1xf32>
        %broadcast_in_dim3A_190 = vector.broadcast %squeeze3A_189 : f32 to vector<16xf32>
        %get3A_191 = arith.index_cast %add3A_169 : i32 to index
        %get3A_192 = arith.constant 32 : index
        %get3A_193 = tpu.vector_load %arg15[%get3A_191, %get3A_192] {strides = array<i32>} : memref<40x128xf32, #tpu.memory_space<vmem>>, vector<16xf32>,
        %mul3A_194 = arith.mulf %broadcast_in_dim3A_190, %get3A_193 : vector<16xf32>
        %swap3A_195 = arith.index_cast %add3A_169 : i32 to index
        %swap3A_196 = arith.constant 32 : index
        %swap3A_197 = tpu.vector_load %arg18[%swap3A_195, %swap3A_196] {strides = array<i32>} : memref<40x128xf32, #tpu.memory_space<vmem>>, vector<16xf32>,
        tpu.vector_store %arg18[%swap3A_195, %swap3A_196], %mul3A_194 {strides = array<i32>} : memref<40x128xf32, #tpu.memory_space<vmem>>, vector<16xf32>,
        %get3A_198 = arith.index_cast %add3A_169 : i32 to index
        %get3A_199 = arith.constant 48 : index
        %get3A_200 = tpu.vector_load %arg15[%get3A_198, %get3A_199] {strides = array<i32>} : memref<40x128xf32, #tpu.memory_space<vmem>>, vector<16xf32>,
        %mul3A_201 = arith.mulf %broadcast_in_dim3A_190, %get3A_200 : vector<16xf32>
        %swap3A_202 = arith.index_cast %add3A_169 : i32 to index
        %swap3A_203 = arith.constant 48 : index
        %swap3A_204 = tpu.vector_load %arg18[%swap3A_202, %swap3A_203] {strides = array<i32>} : memref<40x128xf32, #tpu.memory_space<vmem>>, vector<16xf32>,
        tpu.vector_store %arg18[%swap3A_202, %swap3A_203], %mul3A_201 {strides = array<i32>} : memref<40x128xf32, #tpu.memory_space<vmem>>, vector<16xf32>,
        %slice3A_205 = vector.extract_strided_slice %get3A_172 {offsets = [2], sizes = [1], strides = [1]} : vector<16xf32> to vector<1xf32>
        %squeeze3A_206 = vector.extract %slice3A_205[0] : f32 from vector<1xf32>
        %broadcast_in_dim3A_207 = vector.broadcast %squeeze3A_206 : f32 to vector<16xf32>
        %get3A_208 = arith.index_cast %add3A_169 : i32 to index
        %get3A_209 = arith.constant 64 : index
        %get3A_210 = tpu.vector_load %arg15[%get3A_208, %get3A_209] {strides = array<i32>} : memref<40x128xf32, #tpu.memory_space<vmem>>, vector<16xf32>,
        %mul3A_211 = arith.mulf %broadcast_in_dim3A_207, %get3A_210 : vector<16xf32>
        %swap3A_212 = arith.index_cast %add3A_169 : i32 to index
        %swap3A_213 = arith.constant 64 : index
        %swap3A_214 = tpu.vector_load %arg18[%swap3A_212, %swap3A_213] {strides = array<i32>} : memref<40x128xf32, #tpu.memory_space<vmem>>, vector<16xf32>,
        tpu.vector_store %arg18[%swap3A_212, %swap3A_213], %mul3A_211 {strides = array<i32>} : memref<40x128xf32, #tpu.memory_space<vmem>>, vector<16xf32>,
        %get3A_215 = arith.index_cast %add3A_169 : i32 to index
        %get3A_216 = arith.constant 80 : index
        %get3A_217 = tpu.vector_load %arg15[%get3A_215, %get3A_216] {strides = array<i32>} : memref<40x128xf32, #tpu.memory_space<vmem>>, vector<16xf32>,
        %mul3A_218 = arith.mulf %broadcast_in_dim3A_207, %get3A_217 : vector<16xf32>
        %swap3A_219 = arith.index_cast %add3A_169 : i32 to index
        %swap3A_220 = arith.constant 80 : index
        %swap3A_221 = tpu.vector_load %arg18[%swap3A_219, %swap3A_220] {strides = array<i32>} : memref<40x128xf32, #tpu.memory_space<vmem>>, vector<16xf32>,
        tpu.vector_store %arg18[%swap3A_219, %swap3A_220], %mul3A_218 {strides = array<i32>} : memref<40x128xf32, #tpu.memory_space<vmem>>, vector<16xf32>,
        %slice3A_222 = vector.extract_strided_slice %get3A_172 {offsets = [3], sizes = [1], strides = [1]} : vector<16xf32> to vector<1xf32>
        %squeeze3A_223 = vector.extract %slice3A_222[0] : f32 from vector<1xf32>
        %broadcast_in_dim3A_224 = vector.broadcast %squeeze3A_223 : f32 to vector<16xf32>
        %get3A_225 = arith.index_cast %add3A_169 : i32 to index
        %get3A_226 = arith.constant 96 : index
        %get3A_227 = tpu.vector_load %arg15[%get3A_225, %get3A_226] {strides = array<i32>} : memref<40x128xf32, #tpu.memory_space<vmem>>, vector<16xf32>,
        %mul3A_228 = arith.mulf %broadcast_in_dim3A_224, %get3A_227 : vector<16xf32>
        %swap3A_229 = arith.index_cast %add3A_169 : i32 to index
        %swap3A_230 = arith.constant 96 : index
        %swap3A_231 = tpu.vector_load %arg18[%swap3A_229, %swap3A_230] {strides = array<i32>} : memref<40x128xf32, #tpu.memory_space<vmem>>, vector<16xf32>,
        tpu.vector_store %arg18[%swap3A_229, %swap3A_230], %mul3A_228 {strides = array<i32>} : memref<40x128xf32, #tpu.memory_space<vmem>>, vector<16xf32>,
        %get3A_232 = arith.index_cast %add3A_169 : i32 to index
        %get3A_233 = arith.constant 112 : index
        %get3A_234 = tpu.vector_load %arg15[%get3A_232, %get3A_233] {strides = array<i32>} : memref<40x128xf32, #tpu.memory_space<vmem>>, vector<16xf32>,
        %mul3A_235 = arith.mulf %broadcast_in_dim3A_224, %get3A_234 : vector<16xf32>
        %swap3A_236 = arith.index_cast %add3A_169 : i32 to index
        %swap3A_237 = arith.constant 112 : index
        %swap3A_238 = tpu.vector_load %arg18[%swap3A_236, %swap3A_237] {strides = array<i32>} : memref<40x128xf32, #tpu.memory_space<vmem>>, vector<16xf32>,
        tpu.vector_store %arg18[%swap3A_236, %swap3A_237], %mul3A_235 {strides = array<i32>} : memref<40x128xf32, #tpu.memory_space<vmem>>, vector<16xf32>,
        %scan3A_239 = arith.constant 1 : i32
        %scan3A_240 = arith.addi %scan3A_165, %scan3A_239 : i32
        %mul3A_241 = arith.constant 1 : i32
        %mul3A_242 = arith.muli %scan3A_240, %mul3A_241 : i32
        %add3A_243 = arith.constant 0 : i32
        %add3A_244 = arith.addi %add3A_243, %mul3A_242 : i32
        %get3A_245 = arith.index_cast %add3A_244 : i32 to index
        %get3A_246 = arith.constant 0 : index
        %get3A_247 = tpu.vector_load %arg16[%get3A_245, %get3A_246] {strides = array<i32>} : memref<40x64xf32, #tpu.memory_space<vmem>>, vector<16xf32>,
        %slice3A_248 = vector.extract_strided_slice %get3A_247 {offsets = [0], sizes = [1], strides = [1]} : vector<16xf32> to vector<1xf32>
        %squeeze3A_249 = vector.extract %slice3A_248[0] : f32 from vector<1xf32>
        %broadcast_in_dim3A_250 = vector.broadcast %squeeze3A_249 : f32 to vector<16xf32>
        %get3A_251 = arith.index_cast %add3A_244 : i32 to index
        %get3A_252 = arith.constant 0 : index
        %get3A_253 = tpu.vector_load %arg15[%get3A_251, %get3A_252] {strides = array<i32>} : memref<40x128xf32, #tpu.memory_space<vmem>>, vector<16xf32>,
        %mul3A_254 = arith.mulf %broadcast_in_dim3A_250, %get3A_253 : vector<16xf32>
        %swap3A_255 = arith.index_cast %add3A_244 : i32 to index
        %swap3A_256 = arith.constant 0 : index
        %swap3A_257 = tpu.vector_load %arg18[%swap3A_255, %swap3A_256] {strides = array<i32>} : memref<40x128xf32, #tpu.memory_space<vmem>>, vector<16xf32>,
        tpu.vector_store %arg18[%swap3A_255, %swap3A_256], %mul3A_254 {strides = array<i32>} : memref<40x128xf32, #tpu.memory_space<vmem>>, vector<16xf32>,
        %get3A_258 = arith.index_cast %add3A_244 : i32 to index
        %get3A_259 = arith.constant 16 : index
        %get3A_260 = tpu.vector_load %arg15[%get3A_258, %get3A_259] {strides = array<i32>} : memref<40x128xf32, #tpu.memory_space<vmem>>, vector<16xf32>,
        %mul3A_261 = arith.mulf %broadcast_in_dim3A_250, %get3A_260 : vector<16xf32>
        %swap3A_262 = arith.index_cast %add3A_244 : i32 to index
        %swap3A_263 = arith.constant 16 : index
        %swap3A_264 = tpu.vector_load %arg18[%swap3A_262, %swap3A_263] {strides = array<i32>} : memref<40x128xf32, #tpu.memory_space<vmem>>, vector<16xf32>,
        tpu.vector_store %arg18[%swap3A_262, %swap3A_263], %mul3A_261 {strides = array<i32>} : memref<40x128xf32, #tpu.memory_space<vmem>>, vector<16xf32>,
        %slice3A_265 = vector.extract_strided_slice %get3A_247 {offsets = [1], sizes = [1], strides = [1]} : vector<16xf32> to vector<1xf32>
        %squeeze3A_266 = vector.extract %slice3A_265[0] : f32 from vector<1xf32>
        %broadcast_in_dim3A_267 = vector.broadcast %squeeze3A_266 : f32 to vector<16xf32>
        %get3A_268 = arith.index_cast %add3A_244 : i32 to index
        %get3A_269 = arith.constant 32 : index
        %get3A_270 = tpu.vector_load %arg15[%get3A_268, %get3A_269] {strides = array<i32>} : memref<40x128xf32, #tpu.memory_space<vmem>>, vector<16xf32>,
        %mul3A_271 = arith.mulf %broadcast_in_dim3A_267, %get3A_270 : vector<16xf32>
        %swap3A_272 = arith.index_cast %add3A_244 : i32 to index
        %swap3A_273 = arith.constant 32 : index
        %swap3A_274 = tpu.vector_load %arg18[%swap3A_272, %swap3A_273] {strides = array<i32>} : memref<40x128xf32, #tpu.memory_space<vmem>>, vector<16xf32>,
        tpu.vector_store %arg18[%swap3A_272, %swap3A_273], %mul3A_271 {strides = array<i32>} : memref<40x128xf32, #tpu.memory_space<vmem>>, vector<16xf32>,
        %get3A_275 = arith.index_cast %add3A_244 : i32 to index
        %get3A_276 = arith.constant 48 : index
        %get3A_277 = tpu.vector_load %arg15[%get3A_275, %get3A_276] {strides = array<i32>} : memref<40x128xf32, #tpu.memory_space<vmem>>, vector<16xf32>,
        %mul3A_278 = arith.mulf %broadcast_in_dim3A_267, %get3A_277 : vector<16xf32>
        %swap3A_279 = arith.index_cast %add3A_244 : i32 to index
        %swap3A_280 = arith.constant 48 : index
        %swap3A_281 = tpu.vector_load %arg18[%swap3A_279, %swap3A_280] {strides = array<i32>} : memref<40x128xf32, #tpu.memory_space<vmem>>, vector<16xf32>,
        tpu.vector_store %arg18[%swap3A_279, %swap3A_280], %mul3A_278 {strides = array<i32>} : memref<40x128xf32, #tpu.memory_space<vmem>>, vector<16xf32>,
        %slice3A_282 = vector.extract_strided_slice %get3A_247 {offsets = [2], sizes = [1], strides = [1]} : vector<16xf32> to vector<1xf32>
        %squeeze3A_283 = vector.extract %slice3A_282[0] : f32 from vector<1xf32>
        %broadcast_in_dim3A_284 = vector.broadcast %squeeze3A_283 : f32 to vector<16xf32>
        %get3A_285 = arith.index_cast %add3A_244 : i32 to index
        %get3A_286 = arith.constant 64 : index
        %get3A_287 = tpu.vector_load %arg15[%get3A_285, %get3A_286] {strides = array<i32>} : memref<40x128xf32, #tpu.memory_space<vmem>>, vector<16xf32>,
        %mul3A_288 = arith.mulf %broadcast_in_dim3A_284, %get3A_287 : vector<16xf32>
        %swap3A_289 = arith.index_cast %add3A_244 : i32 to index
        %swap3A_290 = arith.constant 64 : index
        %swap3A_291 = tpu.vector_load %arg18[%swap3A_289, %swap3A_290] {strides = array<i32>} : memref<40x128xf32, #tpu.memory_space<vmem>>, vector<16xf32>,
        tpu.vector_store %arg18[%swap3A_289, %swap3A_290], %mul3A_288 {strides = array<i32>} : memref<40x128xf32, #tpu.memory_space<vmem>>, vector<16xf32>,
        %get3A_292 = arith.index_cast %add3A_244 : i32 to index
        %get3A_293 = arith.constant 80 : index
        %get3A_294 = tpu.vector_load %arg15[%get3A_292, %get3A_293] {strides = array<i32>} : memref<40x128xf32, #tpu.memory_space<vmem>>, vector<16xf32>,
        %mul3A_295 = arith.mulf %broadcast_in_dim3A_284, %get3A_294 : vector<16xf32>
        %swap3A_296 = arith.index_cast %add3A_244 : i32 to index
        %swap3A_297 = arith.constant 80 : index
        %swap3A_298 = tpu.vector_load %arg18[%swap3A_296, %swap3A_297] {strides = array<i32>} : memref<40x128xf32, #tpu.memory_space<vmem>>, vector<16xf32>,
        tpu.vector_store %arg18[%swap3A_296, %swap3A_297], %mul3A_295 {strides = array<i32>} : memref<40x128xf32, #tpu.memory_space<vmem>>, vector<16xf32>,
        %slice3A_299 = vector.extract_strided_slice %get3A_247 {offsets = [3], sizes = [1], strides = [1]} : vector<16xf32> to vector<1xf32>
        %squeeze3A_300 = vector.extract %slice3A_299[0] : f32 from vector<1xf32>
        %broadcast_in_dim3A_301 = vector.broadcast %squeeze3A_300 : f32 to vector<16xf32>
        %get3A_302 = arith.index_cast %add3A_244 : i32 to index
        %get3A_303 = arith.constant 96 : index
        %get3A_304 = tpu.vector_load %arg15[%get3A_302, %get3A_303] {strides = array<i32>} : memref<40x128xf32, #tpu.memory_space<vmem>>, vector<16xf32>,
        %mul3A_305 = arith.mulf %broadcast_in_dim3A_301, %get3A_304 : vector<16xf32>
        %swap3A_306 = arith.index_cast %add3A_244 : i32 to index
        %swap3A_307 = arith.constant 96 : index
        %swap3A_308 = tpu.vector_load %arg18[%swap3A_306, %swap3A_307] {strides = array<i32>} : memref<40x128xf32, #tpu.memory_space<vmem>>, vector<16xf32>,
        tpu.vector_store %arg18[%swap3A_306, %swap3A_307], %mul3A_305 {strides = array<i32>} : memref<40x128xf32, #tpu.memory_space<vmem>>, vector<16xf32>,
        %get3A_309 = arith.index_cast %add3A_244 : i32 to index
        %get3A_310 = arith.constant 112 : index
        %get3A_311 = tpu.vector_load %arg15[%get3A_309, %get3A_310] {strides = array<i32>} : memref<40x128xf32, #tpu.memory_space<vmem>>, vector<16xf32>,
        %mul3A_312 = arith.mulf %broadcast_in_dim3A_301, %get3A_311 : vector<16xf32>
        %swap3A_313 = arith.index_cast %add3A_244 : i32 to index
        %swap3A_314 = arith.constant 112 : index
        %swap3A_315 = tpu.vector_load %arg18[%swap3A_313, %swap3A_314] {strides = array<i32>} : memref<40x128xf32, #tpu.memory_space<vmem>>, vector<16xf32>,
        tpu.vector_store %arg18[%swap3A_313, %swap3A_314], %mul3A_312 {strides = array<i32>} : memref<40x128xf32, #tpu.memory_space<vmem>>, vector<16xf32>,
        %scan3A_316 = arith.constant 2 : i32
        %scan3A_317 = arith.addi %scan3A_165, %scan3A_316 : i32
        %mul3A_318 = arith.constant 1 : i32
        %mul3A_319 = arith.muli %scan3A_317, %mul3A_318 : i32
        %add3A_320 = arith.constant 0 : i32
        %add3A_321 = arith.addi %add3A_320, %mul3A_319 : i32
        %get3A_322 = arith.index_cast %add3A_321 : i32 to index
        %get3A_323 = arith.constant 0 : index
        %get3A_324 = tpu.vector_load %arg16[%get3A_322, %get3A_323] {strides = array<i32>} : memref<40x64xf32, #tpu.memory_space<vmem>>, vector<16xf32>,
        %slice3A_325 = vector.extract_strided_slice %get3A_324 {offsets = [0], sizes = [1], strides = [1]} : vector<16xf32> to vector<1xf32>
        %squeeze3A_326 = vector.extract %slice3A_325[0] : f32 from vector<1xf32>
        %broadcast_in_dim3A_327 = vector.broadcast %squeeze3A_326 : f32 to vector<16xf32>
        %get3A_328 = arith.index_cast %add3A_321 : i32 to index
        %get3A_329 = arith.constant 0 : index
        %get3A_330 = tpu.vector_load %arg15[%get3A_328, %get3A_329] {strides = array<i32>} : memref<40x128xf32, #tpu.memory_space<vmem>>, vector<16xf32>,
        %mul3A_331 = arith.mulf %broadcast_in_dim3A_327, %get3A_330 : vector<16xf32>
        %swap3A_332 = arith.index_cast %add3A_321 : i32 to index
        %swap3A_333 = arith.constant 0 : index
        %swap3A_334 = tpu.vector_load %arg18[%swap3A_332, %swap3A_333] {strides = array<i32>} : memref<40x128xf32, #tpu.memory_space<vmem>>, vector<16xf32>,
        tpu.vector_store %arg18[%swap3A_332, %swap3A_333], %mul3A_331 {strides = array<i32>} : memref<40x128xf32, #tpu.memory_space<vmem>>, vector<16xf32>,
        %get3A_335 = arith.index_cast %add3A_321 : i32 to index
        %get3A_336 = arith.constant 16 : index
        %get3A_337 = tpu.vector_load %arg15[%get3A_335, %get3A_336] {strides = array<i32>} : memref<40x128xf32, #tpu.memory_space<vmem>>, vector<16xf32>,
        %mul3A_338 = arith.mulf %broadcast_in_dim3A_327, %get3A_337 : vector<16xf32>
        %swap3A_339 = arith.index_cast %add3A_321 : i32 to index
        %swap3A_340 = arith.constant 16 : index
        %swap3A_341 = tpu.vector_load %arg18[%swap3A_339, %swap3A_340] {strides = array<i32>} : memref<40x128xf32, #tpu.memory_space<vmem>>, vector<16xf32>,
        tpu.vector_store %arg18[%swap3A_339, %swap3A_340], %mul3A_338 {strides = array<i32>} : memref<40x128xf32, #tpu.memory_space<vmem>>, vector<16xf32>,
        %slice3A_342 = vector.extract_strided_slice %get3A_324 {offsets = [1], sizes = [1], strides = [1]} : vector<16xf32> to vector<1xf32>
        %squeeze3A_343 = vector.extract %slice3A_342[0] : f32 from vector<1xf32>
        %broadcast_in_dim3A_344 = vector.broadcast %squeeze3A_343 : f32 to vector<16xf32>
        %get3A_345 = arith.index_cast %add3A_321 : i32 to index
        %get3A_346 = arith.constant 32 : index
        %get3A_347 = tpu.vector_load %arg15[%get3A_345, %get3A_346] {strides = array<i32>} : memref<40x128xf32, #tpu.memory_space<vmem>>, vector<16xf32>,
        %mul3A_348 = arith.mulf %broadcast_in_dim3A_344, %get3A_347 : vector<16xf32>
        %swap3A_349 = arith.index_cast %add3A_321 : i32 to index
        %swap3A_350 = arith.constant 32 : index
        %swap3A_351 = tpu.vector_load %arg18[%swap3A_349, %swap3A_350] {strides = array<i32>} : memref<40x128xf32, #tpu.memory_space<vmem>>, vector<16xf32>,
        tpu.vector_store %arg18[%swap3A_349, %swap3A_350], %mul3A_348 {strides = array<i32>} : memref<40x128xf32, #tpu.memory_space<vmem>>, vector<16xf32>,
        %get3A_352 = arith.index_cast %add3A_321 : i32 to index
        %get3A_353 = arith.constant 48 : index
        %get3A_354 = tpu.vector_load %arg15[%get3A_352, %get3A_353] {strides = array<i32>} : memref<40x128xf32, #tpu.memory_space<vmem>>, vector<16xf32>,
        %mul3A_355 = arith.mulf %broadcast_in_dim3A_344, %get3A_354 : vector<16xf32>
        %swap3A_356 = arith.index_cast %add3A_321 : i32 to index
        %swap3A_357 = arith.constant 48 : index
        %swap3A_358 = tpu.vector_load %arg18[%swap3A_356, %swap3A_357] {strides = array<i32>} : memref<40x128xf32, #tpu.memory_space<vmem>>, vector<16xf32>,
        tpu.vector_store %arg18[%swap3A_356, %swap3A_357], %mul3A_355 {strides = array<i32>} : memref<40x128xf32, #tpu.memory_space<vmem>>, vector<16xf32>,
        %slice3A_359 = vector.extract_strided_slice %get3A_324 {offsets = [2], sizes = [1], strides = [1]} : vector<16xf32> to vector<1xf32>
        %squeeze3A_360 = vector.extract %slice3A_359[0] : f32 from vector<1xf32>
        %broadcast_in_dim3A_361 = vector.broadcast %squeeze3A_360 : f32 to vector<16xf32>
        %get3A_362 = arith.index_cast %add3A_321 : i32 to index
        %get3A_363 = arith.constant 64 : index
        %get3A_364 = tpu.vector_load %arg15[%get3A_362, %get3A_363] {strides = array<i32>} : memref<40x128xf32, #tpu.memory_space<vmem>>, vector<16xf32>,
        %mul3A_365 = arith.mulf %broadcast_in_dim3A_361, %get3A_364 : vector<16xf32>
        %swap3A_366 = arith.index_cast %add3A_321 : i32 to index
        %swap3A_367 = arith.constant 64 : index
        %swap3A_368 = tpu.vector_load %arg18[%swap3A_366, %swap3A_367] {strides = array<i32>} : memref<40x128xf32, #tpu.memory_space<vmem>>, vector<16xf32>,
        tpu.vector_store %arg18[%swap3A_366, %swap3A_367], %mul3A_365 {strides = array<i32>} : memref<40x128xf32, #tpu.memory_space<vmem>>, vector<16xf32>,
        %get3A_369 = arith.index_cast %add3A_321 : i32 to index
        %get3A_370 = arith.constant 80 : index
        %get3A_371 = tpu.vector_load %arg15[%get3A_369, %get3A_370] {strides = array<i32>} : memref<40x128xf32, #tpu.memory_space<vmem>>, vector<16xf32>,
        %mul3A_372 = arith.mulf %broadcast_in_dim3A_361, %get3A_371 : vector<16xf32>
        %swap3A_373 = arith.index_cast %add3A_321 : i32 to index
        %swap3A_374 = arith.constant 80 : index
        %swap3A_375 = tpu.vector_load %arg18[%swap3A_373, %swap3A_374] {strides = array<i32>} : memref<40x128xf32, #tpu.memory_space<vmem>>, vector<16xf32>,
        tpu.vector_store %arg18[%swap3A_373, %swap3A_374], %mul3A_372 {strides = array<i32>} : memref<40x128xf32, #tpu.memory_space<vmem>>, vector<16xf32>,
        %slice3A_376 = vector.extract_strided_slice %get3A_324 {offsets = [3], sizes = [1], strides = [1]} : vector<16xf32> to vector<1xf32>
        %squeeze3A_377 = vector.extract %slice3A_376[0] : f32 from vector<1xf32>
        %broadcast_in_dim3A_378 = vector.broadcast %squeeze3A_377 : f32 to vector<16xf32>
        %get3A_379 = arith.index_cast %add3A_321 : i32 to index
        %get3A_380 = arith.constant 96 : index
        %get3A_381 = tpu.vector_load %arg15[%get3A_379, %get3A_380] {strides = array<i32>} : memref<40x128xf32, #tpu.memory_space<vmem>>, vector<16xf32>,
        %mul3A_382 = arith.mulf %broadcast_in_dim3A_378, %get3A_381 : vector<16xf32>
        %swap3A_383 = arith.index_cast %add3A_321 : i32 to index
        %swap3A_384 = arith.constant 96 : index
        %swap3A_385 = tpu.vector_load %arg18[%swap3A_383, %swap3A_384] {strides = array<i32>} : memref<40x128xf32, #tpu.memory_space<vmem>>, vector<16xf32>,
        tpu.vector_store %arg18[%swap3A_383, %swap3A_384], %mul3A_382 {strides = array<i32>} : memref<40x128xf32, #tpu.memory_space<vmem>>, vector<16xf32>,
        %get3A_386 = arith.index_cast %add3A_321 : i32 to index
        %get3A_387 = arith.constant 112 : index
        %get3A_388 = tpu.vector_load %arg15[%get3A_386, %get3A_387] {strides = array<i32>} : memref<40x128xf32, #tpu.memory_space<vmem>>, vector<16xf32>,
        %mul3A_389 = arith.mulf %broadcast_in_dim3A_378, %get3A_388 : vector<16xf32>
        %swap3A_390 = arith.index_cast %add3A_321 : i32 to index
        %swap3A_391 = arith.constant 112 : index
        %swap3A_392 = tpu.vector_load %arg18[%swap3A_390, %swap3A_391] {strides = array<i32>} : memref<40x128xf32, #tpu.memory_space<vmem>>, vector<16xf32>,
        tpu.vector_store %arg18[%swap3A_390, %swap3A_391], %mul3A_389 {strides = array<i32>} : memref<40x128xf32, #tpu.memory_space<vmem>>, vector<16xf32>,
        %scan3A_393 = arith.constant 3 : i32
        %scan3A_394 = arith.addi %scan3A_165, %scan3A_393 : i32
        %mul3A_395 = arith.constant 1 : i32
        %mul3A_396 = arith.muli %scan3A_394, %mul3A_395 : i32
        %add3A_397 = arith.constant 0 : i32
        %add3A_398 = arith.addi %add3A_397, %mul3A_396 : i32
        %get3A_399 = arith.index_cast %add3A_398 : i32 to index
        %get3A_400 = arith.constant 0 : index
        %get3A_401 = tpu.vector_load %arg16[%get3A_399, %get3A_400] {strides = array<i32>} : memref<40x64xf32, #tpu.memory_space<vmem>>, vector<16xf32>,
        %slice3A_402 = vector.extract_strided_slice %get3A_401 {offsets = [0], sizes = [1], strides = [1]} : vector<16xf32> to vector<1xf32>
        %squeeze3A_403 = vector.extract %slice3A_402[0] : f32 from vector<1xf32>
        %broadcast_in_dim3A_404 = vector.broadcast %squeeze3A_403 : f32 to vector<16xf32>
        %get3A_405 = arith.index_cast %add3A_398 : i32 to index
        %get3A_406 = arith.constant 0 : index
        %get3A_407 = tpu.vector_load %arg15[%get3A_405, %get3A_406] {strides = array<i32>} : memref<40x128xf32, #tpu.memory_space<vmem>>, vector<16xf32>,
        %mul3A_408 = arith.mulf %broadcast_in_dim3A_404, %get3A_407 : vector<16xf32>
        %swap3A_409 = arith.index_cast %add3A_398 : i32 to index
        %swap3A_410 = arith.constant 0 : index
        %swap3A_411 = tpu.vector_load %arg18[%swap3A_409, %swap3A_410] {strides = array<i32>} : memref<40x128xf32, #tpu.memory_space<vmem>>, vector<16xf32>,
        tpu.vector_store %arg18[%swap3A_409, %swap3A_410], %mul3A_408 {strides = array<i32>} : memref<40x128xf32, #tpu.memory_space<vmem>>, vector<16xf32>,
        %get3A_412 = arith.index_cast %add3A_398 : i32 to index
        %get3A_413 = arith.constant 16 : index
        %get3A_414 = tpu.vector_load %arg15[%get3A_412, %get3A_413] {strides = array<i32>} : memref<40x128xf32, #tpu.memory_space<vmem>>, vector<16xf32>,
        %mul3A_415 = arith.mulf %broadcast_in_dim3A_404, %get3A_414 : vector<16xf32>
        %swap3A_416 = arith.index_cast %add3A_398 : i32 to index
        %swap3A_417 = arith.constant 16 : index
        %swap3A_418 = tpu.vector_load %arg18[%swap3A_416, %swap3A_417] {strides = array<i32>} : memref<40x128xf32, #tpu.memory_space<vmem>>, vector<16xf32>,
        tpu.vector_store %arg18[%swap3A_416, %swap3A_417], %mul3A_415 {strides = array<i32>} : memref<40x128xf32, #tpu.memory_space<vmem>>, vector<16xf32>,
        %slice3A_419 = vector.extract_strided_slice %get3A_401 {offsets = [1], sizes = [1], strides = [1]} : vector<16xf32> to vector<1xf32>
        %squeeze3A_420 = vector.extract %slice3A_419[0] : f32 from vector<1xf32>
        %broadcast_in_dim3A_421 = vector.broadcast %squeeze3A_420 : f32 to vector<16xf32>
        %get3A_422 = arith.index_cast %add3A_398 : i32 to index
        %get3A_423 = arith.constant 32 : index
        %get3A_424 = tpu.vector_load %arg15[%get3A_422, %get3A_423] {strides = array<i32>} : memref<40x128xf32, #tpu.memory_space<vmem>>, vector<16xf32>,
        %mul3A_425 = arith.mulf %broadcast_in_dim3A_421, %get3A_424 : vector<16xf32>
        %swap3A_426 = arith.index_cast %add3A_398 : i32 to index
        %swap3A_427 = arith.constant 32 : index
        %swap3A_428 = tpu.vector_load %arg18[%swap3A_426, %swap3A_427] {strides = array<i32>} : memref<40x128xf32, #tpu.memory_space<vmem>>, vector<16xf32>,
        tpu.vector_store %arg18[%swap3A_426, %swap3A_427], %mul3A_425 {strides = array<i32>} : memref<40x128xf32, #tpu.memory_space<vmem>>, vector<16xf32>,
        %get3A_429 = arith.index_cast %add3A_398 : i32 to index
        %get3A_430 = arith.constant 48 : index
        %get3A_431 = tpu.vector_load %arg15[%get3A_429, %get3A_430] {strides = array<i32>} : memref<40x128xf32, #tpu.memory_space<vmem>>, vector<16xf32>,
        %mul3A_432 = arith.mulf %broadcast_in_dim3A_421, %get3A_431 : vector<16xf32>
        %swap3A_433 = arith.index_cast %add3A_398 : i32 to index
        %swap3A_434 = arith.constant 48 : index
        %swap3A_435 = tpu.vector_load %arg18[%swap3A_433, %swap3A_434] {strides = array<i32>} : memref<40x128xf32, #tpu.memory_space<vmem>>, vector<16xf32>,
        tpu.vector_store %arg18[%swap3A_433, %swap3A_434], %mul3A_432 {strides = array<i32>} : memref<40x128xf32, #tpu.memory_space<vmem>>, vector<16xf32>,
        %slice3A_436 = vector.extract_strided_slice %get3A_401 {offsets = [2], sizes = [1], strides = [1]} : vector<16xf32> to vector<1xf32>
        %squeeze3A_437 = vector.extract %slice3A_436[0] : f32 from vector<1xf32>
        %broadcast_in_dim3A_438 = vector.broadcast %squeeze3A_437 : f32 to vector<16xf32>
        %get3A_439 = arith.index_cast %add3A_398 : i32 to index
        %get3A_440 = arith.constant 64 : index
        %get3A_441 = tpu.vector_load %arg15[%get3A_439, %get3A_440] {strides = array<i32>} : memref<40x128xf32, #tpu.memory_space<vmem>>, vector<16xf32>,
        %mul3A_442 = arith.mulf %broadcast_in_dim3A_438, %get3A_441 : vector<16xf32>
        %swap3A_443 = arith.index_cast %add3A_398 : i32 to index
        %swap3A_444 = arith.constant 64 : index
        %swap3A_445 = tpu.vector_load %arg18[%swap3A_443, %swap3A_444] {strides = array<i32>} : memref<40x128xf32, #tpu.memory_space<vmem>>, vector<16xf32>,
        tpu.vector_store %arg18[%swap3A_443, %swap3A_444], %mul3A_442 {strides = array<i32>} : memref<40x128xf32, #tpu.memory_space<vmem>>, vector<16xf32>,
        %get3A_446 = arith.index_cast %add3A_398 : i32 to index
        %get3A_447 = arith.constant 80 : index
        %get3A_448 = tpu.vector_load %arg15[%get3A_446, %get3A_447] {strides = array<i32>} : memref<40x128xf32, #tpu.memory_space<vmem>>, vector<16xf32>,
        %mul3A_449 = arith.mulf %broadcast_in_dim3A_438, %get3A_448 : vector<16xf32>
        %swap3A_450 = arith.index_cast %add3A_398 : i32 to index
        %swap3A_451 = arith.constant 80 : index
        %swap3A_452 = tpu.vector_load %arg18[%swap3A_450, %swap3A_451] {strides = array<i32>} : memref<40x128xf32, #tpu.memory_space<vmem>>, vector<16xf32>,
        tpu.vector_store %arg18[%swap3A_450, %swap3A_451], %mul3A_449 {strides = array<i32>} : memref<40x128xf32, #tpu.memory_space<vmem>>, vector<16xf32>,
        %slice3A_453 = vector.extract_strided_slice %get3A_401 {offsets = [3], sizes = [1], strides = [1]} : vector<16xf32> to vector<1xf32>
        %squeeze3A_454 = vector.extract %slice3A_453[0] : f32 from vector<1xf32>
        %broadcast_in_dim3A_455 = vector.broadcast %squeeze3A_454 : f32 to vector<16xf32>
        %get3A_456 = arith.index_cast %add3A_398 : i32 to index
        %get3A_457 = arith.constant 96 : index
        %get3A_458 = tpu.vector_load %arg15[%get3A_456, %get3A_457] {strides = array<i32>} : memref<40x128xf32, #tpu.memory_space<vmem>>, vector<16xf32>,
        %mul3A_459 = arith.mulf %broadcast_in_dim3A_455, %get3A_458 : vector<16xf32>
        %swap3A_460 = arith.index_cast %add3A_398 : i32 to index
        %swap3A_461 = arith.constant 96 : index
        %swap3A_462 = tpu.vector_load %arg18[%swap3A_460, %swap3A_461] {strides = array<i32>} : memref<40x128xf32, #tpu.memory_space<vmem>>, vector<16xf32>,
        tpu.vector_store %arg18[%swap3A_460, %swap3A_461], %mul3A_459 {strides = array<i32>} : memref<40x128xf32, #tpu.memory_space<vmem>>, vector<16xf32>,
        %get3A_463 = arith.index_cast %add3A_398 : i32 to index
        %get3A_464 = arith.constant 112 : index
        %get3A_465 = tpu.vector_load %arg15[%get3A_463, %get3A_464] {strides = array<i32>} : memref<40x128xf32, #tpu.memory_space<vmem>>, vector<16xf32>,
        %mul3A_466 = arith.mulf %broadcast_in_dim3A_455, %get3A_465 : vector<16xf32>
        %swap3A_467 = arith.index_cast %add3A_398 : i32 to index
        %swap3A_468 = arith.constant 112 : index
        %swap3A_469 = tpu.vector_load %arg18[%swap3A_467, %swap3A_468] {strides = array<i32>} : memref<40x128xf32, #tpu.memory_space<vmem>>, vector<16xf32>,
        tpu.vector_store %arg18[%swap3A_467, %swap3A_468], %mul3A_466 {strides = array<i32>} : memref<40x128xf32, #tpu.memory_space<vmem>>, vector<16xf32>,
      }
      %scan3A_159 = arith.constant 40 : i32
      "tpu.region"() ({
        %run_scoped3A = tpu.sem_alloc : memref<!tpu.dma_semaphore, #tpu.memory_space<semaphore_mem>>
        %dma_start3A_165 = arith.constant 0 : i32
        %dma_start3A_166 = arith.constant 0 : i32
        %dma_start3A_167 = tpu.memref_slice %arg21[%dma_start3A_165, %dma_start3A_166] : memref<11520x128xf32, #tpu.memory_space<vmem_shared>> -> memref<11520x128xf32, #tpu.memory_space<vmem_shared>>
        tpu.enqueue_indirect_dma source(%arg18 : memref<40x128xf32, #tpu.memory_space<vmem>>) target(%dma_start3A_167 : memref<11520x128xf32, #tpu.memory_space<vmem_shared>>) offsets(%arg8 : memref<40xi32, #tpu.memory_space<vmem>>) semaphore(%run_scoped3A : memref<!tpu.dma_semaphore, #tpu.memory_space<semaphore_mem>>) {add = true}
        %dma_wait3A_168 = arith.constant 0 : i32
        %dma_wait3A_169 = arith.constant 0 : i32
        %dma_wait3A_170 = tpu.memref_slice %arg21[%dma_wait3A_168, %dma_wait3A_169] : memref<11520x128xf32, #tpu.memory_space<vmem_shared>> -> memref<11520x128xf32, #tpu.memory_space<vmem_shared>>
        tpu.wait_indirect_dma semaphore(%run_scoped3A : memref<!tpu.dma_semaphore, #tpu.memory_space<semaphore_mem>>) src(%arg18 : memref<40x128xf32, #tpu.memory_space<vmem>>) dst(%dma_wait3A_170 : memref<11520x128xf32, #tpu.memory_space<vmem_shared>>)
        tpu.yield
      }) : () -> ()
      "tpu.region"() ({
        %run_scoped3A = tpu.sem_alloc : memref<!tpu.dma_semaphore, #tpu.memory_space<semaphore_mem>>
        %dma_start3A_165 = arith.constant 0 : i32
        %dma_start3A_166 = arith.constant 0 : i32
        %dma_start3A_167 = tpu.memref_slice %arg21[%dma_start3A_165, %dma_start3A_166] : memref<11520x128xf32, #tpu.memory_space<vmem_shared>> -> memref<11520x128xf32, #tpu.memory_space<vmem_shared>>
        tpu.enqueue_indirect_dma source(%arg17 : memref<40x128xf32, #tpu.memory_space<vmem>>) target(%dma_start3A_167 : memref<11520x128xf32, #tpu.memory_space<vmem_shared>>) offsets(%arg12 : memref<40xi32, #tpu.memory_space<vmem>>) semaphore(%run_scoped3A : memref<!tpu.dma_semaphore, #tpu.memory_space<semaphore_mem>>) {add = true}
        %dma_wait3A_168 = arith.constant 0 : i32
        %dma_wait3A_169 = arith.constant 0 : i32
        %dma_wait3A_170 = tpu.memref_slice %arg21[%dma_wait3A_168, %dma_wait3A_169] : memref<11520x128xf32, #tpu.memory_space<vmem_shared>> -> memref<11520x128xf32, #tpu.memory_space<vmem_shared>>
        tpu.wait_indirect_dma semaphore(%run_scoped3A : memref<!tpu.dma_semaphore, #tpu.memory_space<semaphore_mem>>) src(%arg17 : memref<40x128xf32, #tpu.memory_space<vmem>>) dst(%dma_wait3A_170 : memref<11520x128xf32, #tpu.memory_space<vmem_shared>>)
        tpu.yield
      }) : () -> ()
      %scan3A_160 = arith.constant 0 : i32
      %scan3A_161 = arith.constant 10 : i32
      %scan3A_162 = arith.addi %scan3A_160, %scan3A_161 : i32
      %scan3A_163 = arith.constant 2 : i32
      scf.for %scan3A_165 = %scan3A_160 to %scan3A_162 step %scan3A_163  : i32 {
        %mul3A_166 = arith.constant 1 : i32
        %mul3A_167 = arith.muli %scan3A_165, %mul3A_166 : i32
        %add3A_168 = arith.constant 0 : i32
        %add3A_169 = arith.addi %add3A_168, %mul3A_167 : i32
        %mul3A_170 = arith.constant 4 : i32
        %mul3A_171 = arith.muli %add3A_169, %mul3A_170 : i32
        %add3A_172 = vector.broadcast %mul3A_171 : i32 to vector<16xi32>
        %add3A_173 = arith.addi %add3A_172, %select_n3A : vector<16xi32>
        %gather3A = tpu.vector_load_idx %arg8[%add3A_173] : memref<40xi32, #tpu.memory_space<vmem>>[vector<16xi32>], vector<16xi32>,
        %and3A_174 = arith.constant 7 : i32
        %and3A_175 = vector.broadcast %and3A_174 : i32 to vector<16xi32>
        %and3A_176 = arith.andi %gather3A, %and3A_175 : vector<16xi32>
        %shift_left3A = arith.constant 4 : i32
        %shift_left3A_177 = vector.broadcast %shift_left3A : i32 to vector<16xi32>
        %shift_left3A_178 = arith.shli %and3A_176, %shift_left3A_177 : vector<16xi32>
        %add3A_179 = arith.addi %shift_left3A_178, %select_n3A_64 : vector<16xi32>
        tpu.vector_store_idx %arg17[%add3A_173, %add3A_179], %broadcast_in_dim3A_0 : memref<40x128xf32, #tpu.memory_space<vmem>>[vector<16xi32>, vector<16xi32>], vector<16xf32>,
        %scan3A_180 = arith.constant 1 : i32
        %scan3A_181 = arith.addi %scan3A_165, %scan3A_180 : i32
        %mul3A_182 = arith.constant 1 : i32
        %mul3A_183 = arith.muli %scan3A_181, %mul3A_182 : i32
        %add3A_184 = arith.constant 0 : i32
        %add3A_185 = arith.addi %add3A_184, %mul3A_183 : i32
        %mul3A_186 = arith.constant 4 : i32
        %mul3A_187 = arith.muli %add3A_185, %mul3A_186 : i32
        %add3A_188 = vector.broadcast %mul3A_187 : i32 to vector<16xi32>
        %add3A_189 = arith.addi %add3A_188, %select_n3A : vector<16xi32>
        %gather3A_190 = tpu.vector_load_idx %arg8[%add3A_189] : memref<40xi32, #tpu.memory_space<vmem>>[vector<16xi32>], vector<16xi32>,
        %and3A_191 = arith.constant 7 : i32
        %and3A_192 = vector.broadcast %and3A_191 : i32 to vector<16xi32>
        %and3A_193 = arith.andi %gather3A_190, %and3A_192 : vector<16xi32>
        %shift_left3A_194 = arith.constant 4 : i32
        %shift_left3A_195 = vector.broadcast %shift_left3A_194 : i32 to vector<16xi32>
        %shift_left3A_196 = arith.shli %and3A_193, %shift_left3A_195 : vector<16xi32>
        %add3A_197 = arith.addi %shift_left3A_196, %select_n3A_64 : vector<16xi32>
        tpu.vector_store_idx %arg17[%add3A_189, %add3A_197], %broadcast_in_dim3A_0 : memref<40x128xf32, #tpu.memory_space<vmem>>[vector<16xi32>, vector<16xi32>], vector<16xf32>,
      }
      %scan3A_164 = arith.constant 10 : i32
    }
    %scan3A_69 = arith.constant 250 : i32
    %barrier3A_70 = arith.constant 0 : index
    tpu.barrier barrier_id(%barrier3A_70)
    %scan3A_71 = arith.constant 0 : i32
    %scan3A_72 = arith.constant 40 : i32
    %scan3A_73 = arith.addi %scan3A_71, %scan3A_72 : i32
    %scan3A_74 = arith.constant 1 : i32
    scf.for %scan3A_76 = %scan3A_71 to %scan3A_73 step %scan3A_74  : i32 {
      %mul3A_77 = arith.constant 1 : i32
      %mul3A_78 = arith.muli %scan3A_76, %mul3A_77 : i32
      %add3A_79 = arith.constant 0 : i32
      %add3A_80 = arith.addi %add3A_79, %mul3A_78 : i32
      %mul3A_81 = arith.constant 16 : i32
      %mul3A_82 = arith.muli %add3A_80, %mul3A_81 : i32
      %add3A_83 = arith.addi %mul3A_1, %mul3A_82 : i32
      "tpu.region"() ({
        %run_scoped3A = tpu.sem_alloc : memref<!tpu.dma_semaphore, #tpu.memory_space<semaphore_mem>>
        %dma_start3A = arith.constant 0 : i32
        %dma_start3A_1690 = tpu.memref_slice %arg21[%add3A_83, %dma_start3A] : memref<11520x128xf32, #tpu.memory_space<vmem_shared>> -> memref<16x128xf32, #tpu.memory_space<vmem_shared>>
        %dma_start3A_1691 = arith.constant 0 : i32
        %dma_start3A_1692 = tpu.memref_slice %arg21[%add3A_83, %dma_start3A_1691] : memref<11520x128xf32, #tpu.memory_space<vmem_shared>> -> memref<16x128xf32, #tpu.memory_space<vmem_shared>>
        tpu.enqueue_dma source(%dma_start3A_1692 : memref<16x128xf32, #tpu.memory_space<vmem_shared>>) target(%arg19 : memref<16x128xf32, #tpu.memory_space<vmem>>) target_semaphore(%run_scoped3A : memref<!tpu.dma_semaphore, #tpu.memory_space<semaphore_mem>>)
        %dma_wait3A = arith.constant 0 : i32
        %dma_wait3A_1693 = tpu.memref_slice %arg21[%add3A_83, %dma_wait3A] : memref<11520x128xf32, #tpu.memory_space<vmem_shared>> -> memref<16x128xf32, #tpu.memory_space<vmem_shared>>
        %dma_wait3A_1694 = arith.constant 0 : i32
        %dma_wait3A_1695 = tpu.memref_slice %arg21[%add3A_83, %dma_wait3A_1694] : memref<11520x128xf32, #tpu.memory_space<vmem_shared>> -> memref<16x128xf32, #tpu.memory_space<vmem_shared>>
        tpu.wait_dma2 semaphore(%run_scoped3A : memref<!tpu.dma_semaphore, #tpu.memory_space<semaphore_mem>>) src(%dma_wait3A_1695 : memref<16x128xf32, #tpu.memory_space<vmem_shared>>) dst(%arg19 : memref<16x128xf32, #tpu.memory_space<vmem>>)
        tpu.yield
      }) : () -> ()
      %mul3A_84 = arith.constant 80 : i32
      %mul3A_85 = arith.muli %arg1, %mul3A_84 : i32
      %add3A_86 = arith.constant 10240 : i32
      %add3A_87 = arith.addi %add3A_86, %mul3A_85 : i32
      %mul3A_88 = arith.constant 2 : i32
      %mul3A_89 = arith.muli %add3A_80, %mul3A_88 : i32
      %add3A_90 = arith.addi %add3A_87, %mul3A_89 : i32
      "tpu.region"() ({
        %run_scoped3A = tpu.sem_alloc : memref<!tpu.dma_semaphore, #tpu.memory_space<semaphore_mem>>
        %dma_start3A = arith.constant 0 : i32
        %dma_start3A_1690 = tpu.memref_slice %arg21[%add3A_90, %dma_start3A] : memref<11520x128xf32, #tpu.memory_space<vmem_shared>> -> memref<2x128xf32, #tpu.memory_space<vmem_shared>>
        %dma_start3A_1691 = arith.constant 0 : i32
        %dma_start3A_1692 = tpu.memref_slice %arg21[%add3A_90, %dma_start3A_1691] : memref<11520x128xf32, #tpu.memory_space<vmem_shared>> -> memref<2x128xf32, #tpu.memory_space<vmem_shared>>
        tpu.enqueue_dma source(%dma_start3A_1692 : memref<2x128xf32, #tpu.memory_space<vmem_shared>>) target(%arg20 : memref<2x128xf32, #tpu.memory_space<vmem>>) target_semaphore(%run_scoped3A : memref<!tpu.dma_semaphore, #tpu.memory_space<semaphore_mem>>)
        %dma_wait3A = arith.constant 0 : i32
        %dma_wait3A_1693 = tpu.memref_slice %arg21[%add3A_90, %dma_wait3A] : memref<11520x128xf32, #tpu.memory_space<vmem_shared>> -> memref<2x128xf32, #tpu.memory_space<vmem_shared>>
        %dma_wait3A_1694 = arith.constant 0 : i32
        %dma_wait3A_1695 = tpu.memref_slice %arg21[%add3A_90, %dma_wait3A_1694] : memref<11520x128xf32, #tpu.memory_space<vmem_shared>> -> memref<2x128xf32, #tpu.memory_space<vmem_shared>>
        tpu.wait_dma2 semaphore(%run_scoped3A : memref<!tpu.dma_semaphore, #tpu.memory_space<semaphore_mem>>) src(%dma_wait3A_1695 : memref<2x128xf32, #tpu.memory_space<vmem_shared>>) dst(%arg20 : memref<2x128xf32, #tpu.memory_space<vmem>>)
        tpu.yield
      }) : () -> ()
      %get3A = arith.constant 0 : i32
      %get3A_91 = arith.index_cast %get3A : i32 to index
      %get3A_92 = arith.constant 0 : index
      %get3A_93 = tpu.vector_load %arg20[%get3A_91, %get3A_92] {strides = array<i32>} : memref<2x128xf32, #tpu.memory_space<vmem>>, vector<16xf32>,
      %slice3A = vector.extract_strided_slice %get3A_93 {offsets = [0], sizes = [1], strides = [1]} : vector<16xf32> to vector<1xf32>
      %squeeze3A = vector.extract %slice3A[0] : f32 from vector<1xf32>
      %broadcast_in_dim3A_94 = vector.broadcast %squeeze3A : f32 to vector<16xf32>
      %add3A_95 = arith.constant 9.99999993E-9 : f32
      %add3A_96 = vector.broadcast %add3A_95 : f32 to vector<16xf32>
      %add3A_97 = arith.addf %broadcast_in_dim3A_94, %add3A_96 : vector<16xf32>
      %get3A_98 = arith.constant 0 : i32
      %get3A_99 = arith.index_cast %get3A_98 : i32 to index
      %get3A_100 = arith.constant 0 : index
      %get3A_101 = tpu.vector_load %arg19[%get3A_99, %get3A_100] {strides = array<i32>} : memref<16x128xf32, #tpu.memory_space<vmem>>, vector<16xf32>,
      %div3A_102 = arith.divf %get3A_101, %add3A_97 : vector<16xf32>
      %swap3A = arith.constant 0 : i32
      %swap3A_103 = arith.index_cast %swap3A : i32 to index
      %swap3A_104 = arith.constant 0 : index
      %swap3A_105 = tpu.vector_load %arg19[%swap3A_103, %swap3A_104] {strides = array<i32>} : memref<16x128xf32, #tpu.memory_space<vmem>>, vector<16xf32>,
      tpu.vector_store %arg19[%swap3A_103, %swap3A_104], %div3A_102 {strides = array<i32>} : memref<16x128xf32, #tpu.memory_space<vmem>>, vector<16xf32>,
      %get3A_106 = arith.constant 0 : i32
      %get3A_107 = arith.index_cast %get3A_106 : i32 to index
      %get3A_108 = arith.constant 16 : index
      %get3A_109 = tpu.vector_load %arg19[%get3A_107, %get3A_108] {strides = array<i32>} : memref<16x128xf32, #tpu.memory_space<vmem>>, vector<16xf32>,
      %div3A_110 = arith.divf %get3A_109, %add3A_97 : vector<16xf32>
      %swap3A_111 = arith.constant 0 : i32
      %swap3A_112 = arith.index_cast %swap3A_111 : i32 to index
      %swap3A_113 = arith.constant 16 : index
      %swap3A_114 = tpu.vector_load %arg19[%swap3A_112, %swap3A_113] {strides = array<i32>} : memref<16x128xf32, #tpu.memory_space<vmem>>, vector<16xf32>,
      tpu.vector_store %arg19[%swap3A_112, %swap3A_113], %div3A_110 {strides = array<i32>} : memref<16x128xf32, #tpu.memory_space<vmem>>, vector<16xf32>,
      %slice3A_115 = vector.extract_strided_slice %get3A_93 {offsets = [1], sizes = [1], strides = [1]} : vector<16xf32> to vector<1xf32>
      %squeeze3A_116 = vector.extract %slice3A_115[0] : f32 from vector<1xf32>
      %broadcast_in_dim3A_117 = vector.broadcast %squeeze3A_116 : f32 to vector<16xf32>
      %add3A_118 = arith.constant 9.99999993E-9 : f32
      %add3A_119 = vector.broadcast %add3A_118 : f32 to vector<16xf32>
      %add3A_120 = arith.addf %broadcast_in_dim3A_117, %add3A_119 : vector<16xf32>
      %get3A_121 = arith.constant 0 : i32
      %get3A_122 = arith.index_cast %get3A_121 : i32 to index
      %get3A_123 = arith.constant 32 : index
      %get3A_124 = tpu.vector_load %arg19[%get3A_122, %get3A_123] {strides = array<i32>} : memref<16x128xf32, #tpu.memory_space<vmem>>, vector<16xf32>,
      %div3A_125 = arith.divf %get3A_124, %add3A_120 : vector<16xf32>
      %swap3A_126 = arith.constant 0 : i32
      %swap3A_127 = arith.index_cast %swap3A_126 : i32 to index
      %swap3A_128 = arith.constant 32 : index
      %swap3A_129 = tpu.vector_load %arg19[%swap3A_127, %swap3A_128] {strides = array<i32>} : memref<16x128xf32, #tpu.memory_space<vmem>>, vector<16xf32>,
      tpu.vector_store %arg19[%swap3A_127, %swap3A_128], %div3A_125 {strides = array<i32>} : memref<16x128xf32, #tpu.memory_space<vmem>>, vector<16xf32>,
      %get3A_130 = arith.constant 0 : i32
      %get3A_131 = arith.index_cast %get3A_130 : i32 to index
      %get3A_132 = arith.constant 48 : index
      %get3A_133 = tpu.vector_load %arg19[%get3A_131, %get3A_132] {strides = array<i32>} : memref<16x128xf32, #tpu.memory_space<vmem>>, vector<16xf32>,
      %div3A_134 = arith.divf %get3A_133, %add3A_120 : vector<16xf32>
      %swap3A_135 = arith.constant 0 : i32
      %swap3A_136 = arith.index_cast %swap3A_135 : i32 to index
      %swap3A_137 = arith.constant 48 : index
      %swap3A_138 = tpu.vector_load %arg19[%swap3A_136, %swap3A_137] {strides = array<i32>} : memref<16x128xf32, #tpu.memory_space<vmem>>, vector<16xf32>,
      tpu.vector_store %arg19[%swap3A_136, %swap3A_137], %div3A_134 {strides = array<i32>} : memref<16x128xf32, #tpu.memory_space<vmem>>, vector<16xf32>,
      %slice3A_139 = vector.extract_strided_slice %get3A_93 {offsets = [2], sizes = [1], strides = [1]} : vector<16xf32> to vector<1xf32>
      %squeeze3A_140 = vector.extract %slice3A_139[0] : f32 from vector<1xf32>
      %broadcast_in_dim3A_141 = vector.broadcast %squeeze3A_140 : f32 to vector<16xf32>
      %add3A_142 = arith.constant 9.99999993E-9 : f32
      %add3A_143 = vector.broadcast %add3A_142 : f32 to vector<16xf32>
      %add3A_144 = arith.addf %broadcast_in_dim3A_141, %add3A_143 : vector<16xf32>
      %get3A_145 = arith.constant 0 : i32
      %get3A_146 = arith.index_cast %get3A_145 : i32 to index
      %get3A_147 = arith.constant 64 : index
      %get3A_148 = tpu.vector_load %arg19[%get3A_146, %get3A_147] {strides = array<i32>} : memref<16x128xf32, #tpu.memory_space<vmem>>, vector<16xf32>,
      %div3A_149 = arith.divf %get3A_148, %add3A_144 : vector<16xf32>
      %swap3A_150 = arith.constant 0 : i32
      %swap3A_151 = arith.index_cast %swap3A_150 : i32 to index
      %swap3A_152 = arith.constant 64 : index
      %swap3A_153 = tpu.vector_load %arg19[%swap3A_151, %swap3A_152] {strides = array<i32>} : memref<16x128xf32, #tpu.memory_space<vmem>>, vector<16xf32>,
      tpu.vector_store %arg19[%swap3A_151, %swap3A_152], %div3A_149 {strides = array<i32>} : memref<16x128xf32, #tpu.memory_space<vmem>>, vector<16xf32>,
      %get3A_154 = arith.constant 0 : i32
      %get3A_155 = arith.index_cast %get3A_154 : i32 to index
      %get3A_156 = arith.constant 80 : index
      %get3A_157 = tpu.vector_load %arg19[%get3A_155, %get3A_156] {strides = array<i32>} : memref<16x128xf32, #tpu.memory_space<vmem>>, vector<16xf32>,
      %div3A_158 = arith.divf %get3A_157, %add3A_144 : vector<16xf32>
      %swap3A_159 = arith.constant 0 : i32
      %swap3A_160 = arith.index_cast %swap3A_159 : i32 to index
      %swap3A_161 = arith.constant 80 : index
      %swap3A_162 = tpu.vector_load %arg19[%swap3A_160, %swap3A_161] {strides = array<i32>} : memref<16x128xf32, #tpu.memory_space<vmem>>, vector<16xf32>,
      tpu.vector_store %arg19[%swap3A_160, %swap3A_161], %div3A_158 {strides = array<i32>} : memref<16x128xf32, #tpu.memory_space<vmem>>, vector<16xf32>,
      %slice3A_163 = vector.extract_strided_slice %get3A_93 {offsets = [3], sizes = [1], strides = [1]} : vector<16xf32> to vector<1xf32>
      %squeeze3A_164 = vector.extract %slice3A_163[0] : f32 from vector<1xf32>
      %broadcast_in_dim3A_165 = vector.broadcast %squeeze3A_164 : f32 to vector<16xf32>
      %add3A_166 = arith.constant 9.99999993E-9 : f32
      %add3A_167 = vector.broadcast %add3A_166 : f32 to vector<16xf32>
      %add3A_168 = arith.addf %broadcast_in_dim3A_165, %add3A_167 : vector<16xf32>
      %get3A_169 = arith.constant 0 : i32
      %get3A_170 = arith.index_cast %get3A_169 : i32 to index
      %get3A_171 = arith.constant 96 : index
      %get3A_172 = tpu.vector_load %arg19[%get3A_170, %get3A_171] {strides = array<i32>} : memref<16x128xf32, #tpu.memory_space<vmem>>, vector<16xf32>,
      %div3A_173 = arith.divf %get3A_172, %add3A_168 : vector<16xf32>
      %swap3A_174 = arith.constant 0 : i32
      %swap3A_175 = arith.index_cast %swap3A_174 : i32 to index
      %swap3A_176 = arith.constant 96 : index
      %swap3A_177 = tpu.vector_load %arg19[%swap3A_175, %swap3A_176] {strides = array<i32>} : memref<16x128xf32, #tpu.memory_space<vmem>>, vector<16xf32>,
      tpu.vector_store %arg19[%swap3A_175, %swap3A_176], %div3A_173 {strides = array<i32>} : memref<16x128xf32, #tpu.memory_space<vmem>>, vector<16xf32>,
      %get3A_178 = arith.constant 0 : i32
      %get3A_179 = arith.index_cast %get3A_178 : i32 to index
      %get3A_180 = arith.constant 112 : index
      %get3A_181 = tpu.vector_load %arg19[%get3A_179, %get3A_180] {strides = array<i32>} : memref<16x128xf32, #tpu.memory_space<vmem>>, vector<16xf32>,
      %div3A_182 = arith.divf %get3A_181, %add3A_168 : vector<16xf32>
      %swap3A_183 = arith.constant 0 : i32
      %swap3A_184 = arith.index_cast %swap3A_183 : i32 to index
      %swap3A_185 = arith.constant 112 : index
      %swap3A_186 = tpu.vector_load %arg19[%swap3A_184, %swap3A_185] {strides = array<i32>} : memref<16x128xf32, #tpu.memory_space<vmem>>, vector<16xf32>,
      tpu.vector_store %arg19[%swap3A_184, %swap3A_185], %div3A_182 {strides = array<i32>} : memref<16x128xf32, #tpu.memory_space<vmem>>, vector<16xf32>,
      %get3A_187 = arith.constant 0 : i32
      %get3A_188 = arith.index_cast %get3A_187 : i32 to index
      %get3A_189 = arith.constant 16 : index
      %get3A_190 = tpu.vector_load %arg20[%get3A_188, %get3A_189] {strides = array<i32>} : memref<2x128xf32, #tpu.memory_space<vmem>>, vector<16xf32>,
      %slice3A_191 = vector.extract_strided_slice %get3A_190 {offsets = [0], sizes = [1], strides = [1]} : vector<16xf32> to vector<1xf32>
      %squeeze3A_192 = vector.extract %slice3A_191[0] : f32 from vector<1xf32>
      %broadcast_in_dim3A_193 = vector.broadcast %squeeze3A_192 : f32 to vector<16xf32>
      %add3A_194 = arith.constant 9.99999993E-9 : f32
      %add3A_195 = vector.broadcast %add3A_194 : f32 to vector<16xf32>
      %add3A_196 = arith.addf %broadcast_in_dim3A_193, %add3A_195 : vector<16xf32>
      %get3A_197 = arith.constant 1 : i32
      %get3A_198 = arith.index_cast %get3A_197 : i32 to index
      %get3A_199 = arith.constant 0 : index
      %get3A_200 = tpu.vector_load %arg19[%get3A_198, %get3A_199] {strides = array<i32>} : memref<16x128xf32, #tpu.memory_space<vmem>>, vector<16xf32>,
      %div3A_201 = arith.divf %get3A_200, %add3A_196 : vector<16xf32>
      %swap3A_202 = arith.constant 1 : i32
      %swap3A_203 = arith.index_cast %swap3A_202 : i32 to index
      %swap3A_204 = arith.constant 0 : index
      %swap3A_205 = tpu.vector_load %arg19[%swap3A_203, %swap3A_204] {strides = array<i32>} : memref<16x128xf32, #tpu.memory_space<vmem>>, vector<16xf32>,
      tpu.vector_store %arg19[%swap3A_203, %swap3A_204], %div3A_201 {strides = array<i32>} : memref<16x128xf32, #tpu.memory_space<vmem>>, vector<16xf32>,
      %get3A_206 = arith.constant 1 : i32
      %get3A_207 = arith.index_cast %get3A_206 : i32 to index
      %get3A_208 = arith.constant 16 : index
      %get3A_209 = tpu.vector_load %arg19[%get3A_207, %get3A_208] {strides = array<i32>} : memref<16x128xf32, #tpu.memory_space<vmem>>, vector<16xf32>,
      %div3A_210 = arith.divf %get3A_209, %add3A_196 : vector<16xf32>
      %swap3A_211 = arith.constant 1 : i32
      %swap3A_212 = arith.index_cast %swap3A_211 : i32 to index
      %swap3A_213 = arith.constant 16 : index
      %swap3A_214 = tpu.vector_load %arg19[%swap3A_212, %swap3A_213] {strides = array<i32>} : memref<16x128xf32, #tpu.memory_space<vmem>>, vector<16xf32>,
      tpu.vector_store %arg19[%swap3A_212, %swap3A_213], %div3A_210 {strides = array<i32>} : memref<16x128xf32, #tpu.memory_space<vmem>>, vector<16xf32>,
      %slice3A_215 = vector.extract_strided_slice %get3A_190 {offsets = [1], sizes = [1], strides = [1]} : vector<16xf32> to vector<1xf32>
      %squeeze3A_216 = vector.extract %slice3A_215[0] : f32 from vector<1xf32>
      %broadcast_in_dim3A_217 = vector.broadcast %squeeze3A_216 : f32 to vector<16xf32>
      %add3A_218 = arith.constant 9.99999993E-9 : f32
      %add3A_219 = vector.broadcast %add3A_218 : f32 to vector<16xf32>
      %add3A_220 = arith.addf %broadcast_in_dim3A_217, %add3A_219 : vector<16xf32>
      %get3A_221 = arith.constant 1 : i32
      %get3A_222 = arith.index_cast %get3A_221 : i32 to index
      %get3A_223 = arith.constant 32 : index
      %get3A_224 = tpu.vector_load %arg19[%get3A_222, %get3A_223] {strides = array<i32>} : memref<16x128xf32, #tpu.memory_space<vmem>>, vector<16xf32>,
      %div3A_225 = arith.divf %get3A_224, %add3A_220 : vector<16xf32>
      %swap3A_226 = arith.constant 1 : i32
      %swap3A_227 = arith.index_cast %swap3A_226 : i32 to index
      %swap3A_228 = arith.constant 32 : index
      %swap3A_229 = tpu.vector_load %arg19[%swap3A_227, %swap3A_228] {strides = array<i32>} : memref<16x128xf32, #tpu.memory_space<vmem>>, vector<16xf32>,
      tpu.vector_store %arg19[%swap3A_227, %swap3A_228], %div3A_225 {strides = array<i32>} : memref<16x128xf32, #tpu.memory_space<vmem>>, vector<16xf32>,
      %get3A_230 = arith.constant 1 : i32
      %get3A_231 = arith.index_cast %get3A_230 : i32 to index
      %get3A_232 = arith.constant 48 : index
      %get3A_233 = tpu.vector_load %arg19[%get3A_231, %get3A_232] {strides = array<i32>} : memref<16x128xf32, #tpu.memory_space<vmem>>, vector<16xf32>,
      %div3A_234 = arith.divf %get3A_233, %add3A_220 : vector<16xf32>
      %swap3A_235 = arith.constant 1 : i32
      %swap3A_236 = arith.index_cast %swap3A_235 : i32 to index
      %swap3A_237 = arith.constant 48 : index
      %swap3A_238 = tpu.vector_load %arg19[%swap3A_236, %swap3A_237] {strides = array<i32>} : memref<16x128xf32, #tpu.memory_space<vmem>>, vector<16xf32>,
      tpu.vector_store %arg19[%swap3A_236, %swap3A_237], %div3A_234 {strides = array<i32>} : memref<16x128xf32, #tpu.memory_space<vmem>>, vector<16xf32>,
      %slice3A_239 = vector.extract_strided_slice %get3A_190 {offsets = [2], sizes = [1], strides = [1]} : vector<16xf32> to vector<1xf32>
      %squeeze3A_240 = vector.extract %slice3A_239[0] : f32 from vector<1xf32>
      %broadcast_in_dim3A_241 = vector.broadcast %squeeze3A_240 : f32 to vector<16xf32>
      %add3A_242 = arith.constant 9.99999993E-9 : f32
      %add3A_243 = vector.broadcast %add3A_242 : f32 to vector<16xf32>
      %add3A_244 = arith.addf %broadcast_in_dim3A_241, %add3A_243 : vector<16xf32>
      %get3A_245 = arith.constant 1 : i32
      %get3A_246 = arith.index_cast %get3A_245 : i32 to index
      %get3A_247 = arith.constant 64 : index
      %get3A_248 = tpu.vector_load %arg19[%get3A_246, %get3A_247] {strides = array<i32>} : memref<16x128xf32, #tpu.memory_space<vmem>>, vector<16xf32>,
      %div3A_249 = arith.divf %get3A_248, %add3A_244 : vector<16xf32>
      %swap3A_250 = arith.constant 1 : i32
      %swap3A_251 = arith.index_cast %swap3A_250 : i32 to index
      %swap3A_252 = arith.constant 64 : index
      %swap3A_253 = tpu.vector_load %arg19[%swap3A_251, %swap3A_252] {strides = array<i32>} : memref<16x128xf32, #tpu.memory_space<vmem>>, vector<16xf32>,
      tpu.vector_store %arg19[%swap3A_251, %swap3A_252], %div3A_249 {strides = array<i32>} : memref<16x128xf32, #tpu.memory_space<vmem>>, vector<16xf32>,
      %get3A_254 = arith.constant 1 : i32
      %get3A_255 = arith.index_cast %get3A_254 : i32 to index
      %get3A_256 = arith.constant 80 : index
      %get3A_257 = tpu.vector_load %arg19[%get3A_255, %get3A_256] {strides = array<i32>} : memref<16x128xf32, #tpu.memory_space<vmem>>, vector<16xf32>,
      %div3A_258 = arith.divf %get3A_257, %add3A_244 : vector<16xf32>
      %swap3A_259 = arith.constant 1 : i32
      %swap3A_260 = arith.index_cast %swap3A_259 : i32 to index
      %swap3A_261 = arith.constant 80 : index
      %swap3A_262 = tpu.vector_load %arg19[%swap3A_260, %swap3A_261] {strides = array<i32>} : memref<16x128xf32, #tpu.memory_space<vmem>>, vector<16xf32>,
      tpu.vector_store %arg19[%swap3A_260, %swap3A_261], %div3A_258 {strides = array<i32>} : memref<16x128xf32, #tpu.memory_space<vmem>>, vector<16xf32>,
      %slice3A_263 = vector.extract_strided_slice %get3A_190 {offsets = [3], sizes = [1], strides = [1]} : vector<16xf32> to vector<1xf32>
      %squeeze3A_264 = vector.extract %slice3A_263[0] : f32 from vector<1xf32>
      %broadcast_in_dim3A_265 = vector.broadcast %squeeze3A_264 : f32 to vector<16xf32>
      %add3A_266 = arith.constant 9.99999993E-9 : f32
      %add3A_267 = vector.broadcast %add3A_266 : f32 to vector<16xf32>
      %add3A_268 = arith.addf %broadcast_in_dim3A_265, %add3A_267 : vector<16xf32>
      %get3A_269 = arith.constant 1 : i32
      %get3A_270 = arith.index_cast %get3A_269 : i32 to index
      %get3A_271 = arith.constant 96 : index
      %get3A_272 = tpu.vector_load %arg19[%get3A_270, %get3A_271] {strides = array<i32>} : memref<16x128xf32, #tpu.memory_space<vmem>>, vector<16xf32>,
      %div3A_273 = arith.divf %get3A_272, %add3A_268 : vector<16xf32>
      %swap3A_274 = arith.constant 1 : i32
      %swap3A_275 = arith.index_cast %swap3A_274 : i32 to index
      %swap3A_276 = arith.constant 96 : index
      %swap3A_277 = tpu.vector_load %arg19[%swap3A_275, %swap3A_276] {strides = array<i32>} : memref<16x128xf32, #tpu.memory_space<vmem>>, vector<16xf32>,
      tpu.vector_store %arg19[%swap3A_275, %swap3A_276], %div3A_273 {strides = array<i32>} : memref<16x128xf32, #tpu.memory_space<vmem>>, vector<16xf32>,
      %get3A_278 = arith.constant 1 : i32
      %get3A_279 = arith.index_cast %get3A_278 : i32 to index
      %get3A_280 = arith.constant 112 : index
      %get3A_281 = tpu.vector_load %arg19[%get3A_279, %get3A_280] {strides = array<i32>} : memref<16x128xf32, #tpu.memory_space<vmem>>, vector<16xf32>,
      %div3A_282 = arith.divf %get3A_281, %add3A_268 : vector<16xf32>
      %swap3A_283 = arith.constant 1 : i32
      %swap3A_284 = arith.index_cast %swap3A_283 : i32 to index
      %swap3A_285 = arith.constant 112 : index
      %swap3A_286 = tpu.vector_load %arg19[%swap3A_284, %swap3A_285] {strides = array<i32>} : memref<16x128xf32, #tpu.memory_space<vmem>>, vector<16xf32>,
      tpu.vector_store %arg19[%swap3A_284, %swap3A_285], %div3A_282 {strides = array<i32>} : memref<16x128xf32, #tpu.memory_space<vmem>>, vector<16xf32>,
      %get3A_287 = arith.constant 0 : i32
      %get3A_288 = arith.index_cast %get3A_287 : i32 to index
      %get3A_289 = arith.constant 32 : index
      %get3A_290 = tpu.vector_load %arg20[%get3A_288, %get3A_289] {strides = array<i32>} : memref<2x128xf32, #tpu.memory_space<vmem>>, vector<16xf32>,
      %slice3A_291 = vector.extract_strided_slice %get3A_290 {offsets = [0], sizes = [1], strides = [1]} : vector<16xf32> to vector<1xf32>
      %squeeze3A_292 = vector.extract %slice3A_291[0] : f32 from vector<1xf32>
      %broadcast_in_dim3A_293 = vector.broadcast %squeeze3A_292 : f32 to vector<16xf32>
      %add3A_294 = arith.constant 9.99999993E-9 : f32
      %add3A_295 = vector.broadcast %add3A_294 : f32 to vector<16xf32>
      %add3A_296 = arith.addf %broadcast_in_dim3A_293, %add3A_295 : vector<16xf32>
      %get3A_297 = arith.constant 2 : i32
      %get3A_298 = arith.index_cast %get3A_297 : i32 to index
      %get3A_299 = arith.constant 0 : index
      %get3A_300 = tpu.vector_load %arg19[%get3A_298, %get3A_299] {strides = array<i32>} : memref<16x128xf32, #tpu.memory_space<vmem>>, vector<16xf32>,
      %div3A_301 = arith.divf %get3A_300, %add3A_296 : vector<16xf32>
      %swap3A_302 = arith.constant 2 : i32
      %swap3A_303 = arith.index_cast %swap3A_302 : i32 to index
      %swap3A_304 = arith.constant 0 : index
      %swap3A_305 = tpu.vector_load %arg19[%swap3A_303, %swap3A_304] {strides = array<i32>} : memref<16x128xf32, #tpu.memory_space<vmem>>, vector<16xf32>,
      tpu.vector_store %arg19[%swap3A_303, %swap3A_304], %div3A_301 {strides = array<i32>} : memref<16x128xf32, #tpu.memory_space<vmem>>, vector<16xf32>,
      %get3A_306 = arith.constant 2 : i32
      %get3A_307 = arith.index_cast %get3A_306 : i32 to index
      %get3A_308 = arith.constant 16 : index
      %get3A_309 = tpu.vector_load %arg19[%get3A_307, %get3A_308] {strides = array<i32>} : memref<16x128xf32, #tpu.memory_space<vmem>>, vector<16xf32>,
      %div3A_310 = arith.divf %get3A_309, %add3A_296 : vector<16xf32>
      %swap3A_311 = arith.constant 2 : i32
      %swap3A_312 = arith.index_cast %swap3A_311 : i32 to index
      %swap3A_313 = arith.constant 16 : index
      %swap3A_314 = tpu.vector_load %arg19[%swap3A_312, %swap3A_313] {strides = array<i32>} : memref<16x128xf32, #tpu.memory_space<vmem>>, vector<16xf32>,
      tpu.vector_store %arg19[%swap3A_312, %swap3A_313], %div3A_310 {strides = array<i32>} : memref<16x128xf32, #tpu.memory_space<vmem>>, vector<16xf32>,
      %slice3A_315 = vector.extract_strided_slice %get3A_290 {offsets = [1], sizes = [1], strides = [1]} : vector<16xf32> to vector<1xf32>
      %squeeze3A_316 = vector.extract %slice3A_315[0] : f32 from vector<1xf32>
      %broadcast_in_dim3A_317 = vector.broadcast %squeeze3A_316 : f32 to vector<16xf32>
      %add3A_318 = arith.constant 9.99999993E-9 : f32
      %add3A_319 = vector.broadcast %add3A_318 : f32 to vector<16xf32>
      %add3A_320 = arith.addf %broadcast_in_dim3A_317, %add3A_319 : vector<16xf32>
      %get3A_321 = arith.constant 2 : i32
      %get3A_322 = arith.index_cast %get3A_321 : i32 to index
      %get3A_323 = arith.constant 32 : index
      %get3A_324 = tpu.vector_load %arg19[%get3A_322, %get3A_323] {strides = array<i32>} : memref<16x128xf32, #tpu.memory_space<vmem>>, vector<16xf32>,
      %div3A_325 = arith.divf %get3A_324, %add3A_320 : vector<16xf32>
      %swap3A_326 = arith.constant 2 : i32
      %swap3A_327 = arith.index_cast %swap3A_326 : i32 to index
      %swap3A_328 = arith.constant 32 : index
      %swap3A_329 = tpu.vector_load %arg19[%swap3A_327, %swap3A_328] {strides = array<i32>} : memref<16x128xf32, #tpu.memory_space<vmem>>, vector<16xf32>,
      tpu.vector_store %arg19[%swap3A_327, %swap3A_328], %div3A_325 {strides = array<i32>} : memref<16x128xf32, #tpu.memory_space<vmem>>, vector<16xf32>,
      %get3A_330 = arith.constant 2 : i32
      %get3A_331 = arith.index_cast %get3A_330 : i32 to index
      %get3A_332 = arith.constant 48 : index
      %get3A_333 = tpu.vector_load %arg19[%get3A_331, %get3A_332] {strides = array<i32>} : memref<16x128xf32, #tpu.memory_space<vmem>>, vector<16xf32>,
      %div3A_334 = arith.divf %get3A_333, %add3A_320 : vector<16xf32>
      %swap3A_335 = arith.constant 2 : i32
      %swap3A_336 = arith.index_cast %swap3A_335 : i32 to index
      %swap3A_337 = arith.constant 48 : index
      %swap3A_338 = tpu.vector_load %arg19[%swap3A_336, %swap3A_337] {strides = array<i32>} : memref<16x128xf32, #tpu.memory_space<vmem>>, vector<16xf32>,
      tpu.vector_store %arg19[%swap3A_336, %swap3A_337], %div3A_334 {strides = array<i32>} : memref<16x128xf32, #tpu.memory_space<vmem>>, vector<16xf32>,
      %slice3A_339 = vector.extract_strided_slice %get3A_290 {offsets = [2], sizes = [1], strides = [1]} : vector<16xf32> to vector<1xf32>
      %squeeze3A_340 = vector.extract %slice3A_339[0] : f32 from vector<1xf32>
      %broadcast_in_dim3A_341 = vector.broadcast %squeeze3A_340 : f32 to vector<16xf32>
      %add3A_342 = arith.constant 9.99999993E-9 : f32
      %add3A_343 = vector.broadcast %add3A_342 : f32 to vector<16xf32>
      %add3A_344 = arith.addf %broadcast_in_dim3A_341, %add3A_343 : vector<16xf32>
      %get3A_345 = arith.constant 2 : i32
      %get3A_346 = arith.index_cast %get3A_345 : i32 to index
      %get3A_347 = arith.constant 64 : index
      %get3A_348 = tpu.vector_load %arg19[%get3A_346, %get3A_347] {strides = array<i32>} : memref<16x128xf32, #tpu.memory_space<vmem>>, vector<16xf32>,
      %div3A_349 = arith.divf %get3A_348, %add3A_344 : vector<16xf32>
      %swap3A_350 = arith.constant 2 : i32
      %swap3A_351 = arith.index_cast %swap3A_350 : i32 to index
      %swap3A_352 = arith.constant 64 : index
      %swap3A_353 = tpu.vector_load %arg19[%swap3A_351, %swap3A_352] {strides = array<i32>} : memref<16x128xf32, #tpu.memory_space<vmem>>, vector<16xf32>,
      tpu.vector_store %arg19[%swap3A_351, %swap3A_352], %div3A_349 {strides = array<i32>} : memref<16x128xf32, #tpu.memory_space<vmem>>, vector<16xf32>,
      %get3A_354 = arith.constant 2 : i32
      %get3A_355 = arith.index_cast %get3A_354 : i32 to index
      %get3A_356 = arith.constant 80 : index
      %get3A_357 = tpu.vector_load %arg19[%get3A_355, %get3A_356] {strides = array<i32>} : memref<16x128xf32, #tpu.memory_space<vmem>>, vector<16xf32>,
      %div3A_358 = arith.divf %get3A_357, %add3A_344 : vector<16xf32>
      %swap3A_359 = arith.constant 2 : i32
      %swap3A_360 = arith.index_cast %swap3A_359 : i32 to index
      %swap3A_361 = arith.constant 80 : index
      %swap3A_362 = tpu.vector_load %arg19[%swap3A_360, %swap3A_361] {strides = array<i32>} : memref<16x128xf32, #tpu.memory_space<vmem>>, vector<16xf32>,
      tpu.vector_store %arg19[%swap3A_360, %swap3A_361], %div3A_358 {strides = array<i32>} : memref<16x128xf32, #tpu.memory_space<vmem>>, vector<16xf32>,
      %slice3A_363 = vector.extract_strided_slice %get3A_290 {offsets = [3], sizes = [1], strides = [1]} : vector<16xf32> to vector<1xf32>
      %squeeze3A_364 = vector.extract %slice3A_363[0] : f32 from vector<1xf32>
      %broadcast_in_dim3A_365 = vector.broadcast %squeeze3A_364 : f32 to vector<16xf32>
      %add3A_366 = arith.constant 9.99999993E-9 : f32
      %add3A_367 = vector.broadcast %add3A_366 : f32 to vector<16xf32>
      %add3A_368 = arith.addf %broadcast_in_dim3A_365, %add3A_367 : vector<16xf32>
      %get3A_369 = arith.constant 2 : i32
      %get3A_370 = arith.index_cast %get3A_369 : i32 to index
      %get3A_371 = arith.constant 96 : index
      %get3A_372 = tpu.vector_load %arg19[%get3A_370, %get3A_371] {strides = array<i32>} : memref<16x128xf32, #tpu.memory_space<vmem>>, vector<16xf32>,
      %div3A_373 = arith.divf %get3A_372, %add3A_368 : vector<16xf32>
      %swap3A_374 = arith.constant 2 : i32
      %swap3A_375 = arith.index_cast %swap3A_374 : i32 to index
      %swap3A_376 = arith.constant 96 : index
      %swap3A_377 = tpu.vector_load %arg19[%swap3A_375, %swap3A_376] {strides = array<i32>} : memref<16x128xf32, #tpu.memory_space<vmem>>, vector<16xf32>,
      tpu.vector_store %arg19[%swap3A_375, %swap3A_376], %div3A_373 {strides = array<i32>} : memref<16x128xf32, #tpu.memory_space<vmem>>, vector<16xf32>,
      %get3A_378 = arith.constant 2 : i32
      %get3A_379 = arith.index_cast %get3A_378 : i32 to index
      %get3A_380 = arith.constant 112 : index
      %get3A_381 = tpu.vector_load %arg19[%get3A_379, %get3A_380] {strides = array<i32>} : memref<16x128xf32, #tpu.memory_space<vmem>>, vector<16xf32>,
      %div3A_382 = arith.divf %get3A_381, %add3A_368 : vector<16xf32>
      %swap3A_383 = arith.constant 2 : i32
      %swap3A_384 = arith.index_cast %swap3A_383 : i32 to index
      %swap3A_385 = arith.constant 112 : index
      %swap3A_386 = tpu.vector_load %arg19[%swap3A_384, %swap3A_385] {strides = array<i32>} : memref<16x128xf32, #tpu.memory_space<vmem>>, vector<16xf32>,
      tpu.vector_store %arg19[%swap3A_384, %swap3A_385], %div3A_382 {strides = array<i32>} : memref<16x128xf32, #tpu.memory_space<vmem>>, vector<16xf32>,
      %get3A_387 = arith.constant 0 : i32
      %get3A_388 = arith.index_cast %get3A_387 : i32 to index
      %get3A_389 = arith.constant 48 : index
      %get3A_390 = tpu.vector_load %arg20[%get3A_388, %get3A_389] {strides = array<i32>} : memref<2x128xf32, #tpu.memory_space<vmem>>, vector<16xf32>,
      %slice3A_391 = vector.extract_strided_slice %get3A_390 {offsets = [0], sizes = [1], strides = [1]} : vector<16xf32> to vector<1xf32>
      %squeeze3A_392 = vector.extract %slice3A_391[0] : f32 from vector<1xf32>
      %broadcast_in_dim3A_393 = vector.broadcast %squeeze3A_392 : f32 to vector<16xf32>
      %add3A_394 = arith.constant 9.99999993E-9 : f32
      %add3A_395 = vector.broadcast %add3A_394 : f32 to vector<16xf32>
      %add3A_396 = arith.addf %broadcast_in_dim3A_393, %add3A_395 : vector<16xf32>
      %get3A_397 = arith.constant 3 : i32
      %get3A_398 = arith.index_cast %get3A_397 : i32 to index
      %get3A_399 = arith.constant 0 : index
      %get3A_400 = tpu.vector_load %arg19[%get3A_398, %get3A_399] {strides = array<i32>} : memref<16x128xf32, #tpu.memory_space<vmem>>, vector<16xf32>,
      %div3A_401 = arith.divf %get3A_400, %add3A_396 : vector<16xf32>
      %swap3A_402 = arith.constant 3 : i32
      %swap3A_403 = arith.index_cast %swap3A_402 : i32 to index
      %swap3A_404 = arith.constant 0 : index
      %swap3A_405 = tpu.vector_load %arg19[%swap3A_403, %swap3A_404] {strides = array<i32>} : memref<16x128xf32, #tpu.memory_space<vmem>>, vector<16xf32>,
      tpu.vector_store %arg19[%swap3A_403, %swap3A_404], %div3A_401 {strides = array<i32>} : memref<16x128xf32, #tpu.memory_space<vmem>>, vector<16xf32>,
      %get3A_406 = arith.constant 3 : i32
      %get3A_407 = arith.index_cast %get3A_406 : i32 to index
      %get3A_408 = arith.constant 16 : index
      %get3A_409 = tpu.vector_load %arg19[%get3A_407, %get3A_408] {strides = array<i32>} : memref<16x128xf32, #tpu.memory_space<vmem>>, vector<16xf32>,
      %div3A_410 = arith.divf %get3A_409, %add3A_396 : vector<16xf32>
      %swap3A_411 = arith.constant 3 : i32
      %swap3A_412 = arith.index_cast %swap3A_411 : i32 to index
      %swap3A_413 = arith.constant 16 : index
      %swap3A_414 = tpu.vector_load %arg19[%swap3A_412, %swap3A_413] {strides = array<i32>} : memref<16x128xf32, #tpu.memory_space<vmem>>, vector<16xf32>,
      tpu.vector_store %arg19[%swap3A_412, %swap3A_413], %div3A_410 {strides = array<i32>} : memref<16x128xf32, #tpu.memory_space<vmem>>, vector<16xf32>,
      %slice3A_415 = vector.extract_strided_slice %get3A_390 {offsets = [1], sizes = [1], strides = [1]} : vector<16xf32> to vector<1xf32>
      %squeeze3A_416 = vector.extract %slice3A_415[0] : f32 from vector<1xf32>
      %broadcast_in_dim3A_417 = vector.broadcast %squeeze3A_416 : f32 to vector<16xf32>
      %add3A_418 = arith.constant 9.99999993E-9 : f32
      %add3A_419 = vector.broadcast %add3A_418 : f32 to vector<16xf32>
      %add3A_420 = arith.addf %broadcast_in_dim3A_417, %add3A_419 : vector<16xf32>
      %get3A_421 = arith.constant 3 : i32
      %get3A_422 = arith.index_cast %get3A_421 : i32 to index
      %get3A_423 = arith.constant 32 : index
      %get3A_424 = tpu.vector_load %arg19[%get3A_422, %get3A_423] {strides = array<i32>} : memref<16x128xf32, #tpu.memory_space<vmem>>, vector<16xf32>,
      %div3A_425 = arith.divf %get3A_424, %add3A_420 : vector<16xf32>
      %swap3A_426 = arith.constant 3 : i32
      %swap3A_427 = arith.index_cast %swap3A_426 : i32 to index
      %swap3A_428 = arith.constant 32 : index
      %swap3A_429 = tpu.vector_load %arg19[%swap3A_427, %swap3A_428] {strides = array<i32>} : memref<16x128xf32, #tpu.memory_space<vmem>>, vector<16xf32>,
      tpu.vector_store %arg19[%swap3A_427, %swap3A_428], %div3A_425 {strides = array<i32>} : memref<16x128xf32, #tpu.memory_space<vmem>>, vector<16xf32>,
      %get3A_430 = arith.constant 3 : i32
      %get3A_431 = arith.index_cast %get3A_430 : i32 to index
      %get3A_432 = arith.constant 48 : index
      %get3A_433 = tpu.vector_load %arg19[%get3A_431, %get3A_432] {strides = array<i32>} : memref<16x128xf32, #tpu.memory_space<vmem>>, vector<16xf32>,
      %div3A_434 = arith.divf %get3A_433, %add3A_420 : vector<16xf32>
      %swap3A_435 = arith.constant 3 : i32
      %swap3A_436 = arith.index_cast %swap3A_435 : i32 to index
      %swap3A_437 = arith.constant 48 : index
      %swap3A_438 = tpu.vector_load %arg19[%swap3A_436, %swap3A_437] {strides = array<i32>} : memref<16x128xf32, #tpu.memory_space<vmem>>, vector<16xf32>,
      tpu.vector_store %arg19[%swap3A_436, %swap3A_437], %div3A_434 {strides = array<i32>} : memref<16x128xf32, #tpu.memory_space<vmem>>, vector<16xf32>,
      %slice3A_439 = vector.extract_strided_slice %get3A_390 {offsets = [2], sizes = [1], strides = [1]} : vector<16xf32> to vector<1xf32>
      %squeeze3A_440 = vector.extract %slice3A_439[0] : f32 from vector<1xf32>
      %broadcast_in_dim3A_441 = vector.broadcast %squeeze3A_440 : f32 to vector<16xf32>
      %add3A_442 = arith.constant 9.99999993E-9 : f32
      %add3A_443 = vector.broadcast %add3A_442 : f32 to vector<16xf32>
      %add3A_444 = arith.addf %broadcast_in_dim3A_441, %add3A_443 : vector<16xf32>
      %get3A_445 = arith.constant 3 : i32
      %get3A_446 = arith.index_cast %get3A_445 : i32 to index
      %get3A_447 = arith.constant 64 : index
      %get3A_448 = tpu.vector_load %arg19[%get3A_446, %get3A_447] {strides = array<i32>} : memref<16x128xf32, #tpu.memory_space<vmem>>, vector<16xf32>,
      %div3A_449 = arith.divf %get3A_448, %add3A_444 : vector<16xf32>
      %swap3A_450 = arith.constant 3 : i32
      %swap3A_451 = arith.index_cast %swap3A_450 : i32 to index
      %swap3A_452 = arith.constant 64 : index
      %swap3A_453 = tpu.vector_load %arg19[%swap3A_451, %swap3A_452] {strides = array<i32>} : memref<16x128xf32, #tpu.memory_space<vmem>>, vector<16xf32>,
      tpu.vector_store %arg19[%swap3A_451, %swap3A_452], %div3A_449 {strides = array<i32>} : memref<16x128xf32, #tpu.memory_space<vmem>>, vector<16xf32>,
      %get3A_454 = arith.constant 3 : i32
      %get3A_455 = arith.index_cast %get3A_454 : i32 to index
      %get3A_456 = arith.constant 80 : index
      %get3A_457 = tpu.vector_load %arg19[%get3A_455, %get3A_456] {strides = array<i32>} : memref<16x128xf32, #tpu.memory_space<vmem>>, vector<16xf32>,
      %div3A_458 = arith.divf %get3A_457, %add3A_444 : vector<16xf32>
      %swap3A_459 = arith.constant 3 : i32
      %swap3A_460 = arith.index_cast %swap3A_459 : i32 to index
      %swap3A_461 = arith.constant 80 : index
      %swap3A_462 = tpu.vector_load %arg19[%swap3A_460, %swap3A_461] {strides = array<i32>} : memref<16x128xf32, #tpu.memory_space<vmem>>, vector<16xf32>,
      tpu.vector_store %arg19[%swap3A_460, %swap3A_461], %div3A_458 {strides = array<i32>} : memref<16x128xf32, #tpu.memory_space<vmem>>, vector<16xf32>,
      %slice3A_463 = vector.extract_strided_slice %get3A_390 {offsets = [3], sizes = [1], strides = [1]} : vector<16xf32> to vector<1xf32>
      %squeeze3A_464 = vector.extract %slice3A_463[0] : f32 from vector<1xf32>
      %broadcast_in_dim3A_465 = vector.broadcast %squeeze3A_464 : f32 to vector<16xf32>
      %add3A_466 = arith.constant 9.99999993E-9 : f32
      %add3A_467 = vector.broadcast %add3A_466 : f32 to vector<16xf32>
      %add3A_468 = arith.addf %broadcast_in_dim3A_465, %add3A_467 : vector<16xf32>
      %get3A_469 = arith.constant 3 : i32
      %get3A_470 = arith.index_cast %get3A_469 : i32 to index
      %get3A_471 = arith.constant 96 : index
      %get3A_472 = tpu.vector_load %arg19[%get3A_470, %get3A_471] {strides = array<i32>} : memref<16x128xf32, #tpu.memory_space<vmem>>, vector<16xf32>,
      %div3A_473 = arith.divf %get3A_472, %add3A_468 : vector<16xf32>
      %swap3A_474 = arith.constant 3 : i32
      %swap3A_475 = arith.index_cast %swap3A_474 : i32 to index
      %swap3A_476 = arith.constant 96 : index
      %swap3A_477 = tpu.vector_load %arg19[%swap3A_475, %swap3A_476] {strides = array<i32>} : memref<16x128xf32, #tpu.memory_space<vmem>>, vector<16xf32>,
      tpu.vector_store %arg19[%swap3A_475, %swap3A_476], %div3A_473 {strides = array<i32>} : memref<16x128xf32, #tpu.memory_space<vmem>>, vector<16xf32>,
      %get3A_478 = arith.constant 3 : i32
      %get3A_479 = arith.index_cast %get3A_478 : i32 to index
      %get3A_480 = arith.constant 112 : index
      %get3A_481 = tpu.vector_load %arg19[%get3A_479, %get3A_480] {strides = array<i32>} : memref<16x128xf32, #tpu.memory_space<vmem>>, vector<16xf32>,
      %div3A_482 = arith.divf %get3A_481, %add3A_468 : vector<16xf32>
      %swap3A_483 = arith.constant 3 : i32
      %swap3A_484 = arith.index_cast %swap3A_483 : i32 to index
      %swap3A_485 = arith.constant 112 : index
      %swap3A_486 = tpu.vector_load %arg19[%swap3A_484, %swap3A_485] {strides = array<i32>} : memref<16x128xf32, #tpu.memory_space<vmem>>, vector<16xf32>,
      tpu.vector_store %arg19[%swap3A_484, %swap3A_485], %div3A_482 {strides = array<i32>} : memref<16x128xf32, #tpu.memory_space<vmem>>, vector<16xf32>,
      %get3A_487 = arith.constant 0 : i32
      %get3A_488 = arith.index_cast %get3A_487 : i32 to index
      %get3A_489 = arith.constant 64 : index
      %get3A_490 = tpu.vector_load %arg20[%get3A_488, %get3A_489] {strides = array<i32>} : memref<2x128xf32, #tpu.memory_space<vmem>>, vector<16xf32>,
      %slice3A_491 = vector.extract_strided_slice %get3A_490 {offsets = [0], sizes = [1], strides = [1]} : vector<16xf32> to vector<1xf32>
      %squeeze3A_492 = vector.extract %slice3A_491[0] : f32 from vector<1xf32>
      %broadcast_in_dim3A_493 = vector.broadcast %squeeze3A_492 : f32 to vector<16xf32>
      %add3A_494 = arith.constant 9.99999993E-9 : f32
      %add3A_495 = vector.broadcast %add3A_494 : f32 to vector<16xf32>
      %add3A_496 = arith.addf %broadcast_in_dim3A_493, %add3A_495 : vector<16xf32>
      %get3A_497 = arith.constant 4 : i32
      %get3A_498 = arith.index_cast %get3A_497 : i32 to index
      %get3A_499 = arith.constant 0 : index
      %get3A_500 = tpu.vector_load %arg19[%get3A_498, %get3A_499] {strides = array<i32>} : memref<16x128xf32, #tpu.memory_space<vmem>>, vector<16xf32>,
      %div3A_501 = arith.divf %get3A_500, %add3A_496 : vector<16xf32>
      %swap3A_502 = arith.constant 4 : i32
      %swap3A_503 = arith.index_cast %swap3A_502 : i32 to index
      %swap3A_504 = arith.constant 0 : index
      %swap3A_505 = tpu.vector_load %arg19[%swap3A_503, %swap3A_504] {strides = array<i32>} : memref<16x128xf32, #tpu.memory_space<vmem>>, vector<16xf32>,
      tpu.vector_store %arg19[%swap3A_503, %swap3A_504], %div3A_501 {strides = array<i32>} : memref<16x128xf32, #tpu.memory_space<vmem>>, vector<16xf32>,
      %get3A_506 = arith.constant 4 : i32
      %get3A_507 = arith.index_cast %get3A_506 : i32 to index
      %get3A_508 = arith.constant 16 : index
      %get3A_509 = tpu.vector_load %arg19[%get3A_507, %get3A_508] {strides = array<i32>} : memref<16x128xf32, #tpu.memory_space<vmem>>, vector<16xf32>,
      %div3A_510 = arith.divf %get3A_509, %add3A_496 : vector<16xf32>
      %swap3A_511 = arith.constant 4 : i32
      %swap3A_512 = arith.index_cast %swap3A_511 : i32 to index
      %swap3A_513 = arith.constant 16 : index
      %swap3A_514 = tpu.vector_load %arg19[%swap3A_512, %swap3A_513] {strides = array<i32>} : memref<16x128xf32, #tpu.memory_space<vmem>>, vector<16xf32>,
      tpu.vector_store %arg19[%swap3A_512, %swap3A_513], %div3A_510 {strides = array<i32>} : memref<16x128xf32, #tpu.memory_space<vmem>>, vector<16xf32>,
      %slice3A_515 = vector.extract_strided_slice %get3A_490 {offsets = [1], sizes = [1], strides = [1]} : vector<16xf32> to vector<1xf32>
      %squeeze3A_516 = vector.extract %slice3A_515[0] : f32 from vector<1xf32>
      %broadcast_in_dim3A_517 = vector.broadcast %squeeze3A_516 : f32 to vector<16xf32>
      %add3A_518 = arith.constant 9.99999993E-9 : f32
      %add3A_519 = vector.broadcast %add3A_518 : f32 to vector<16xf32>
      %add3A_520 = arith.addf %broadcast_in_dim3A_517, %add3A_519 : vector<16xf32>
      %get3A_521 = arith.constant 4 : i32
      %get3A_522 = arith.index_cast %get3A_521 : i32 to index
      %get3A_523 = arith.constant 32 : index
      %get3A_524 = tpu.vector_load %arg19[%get3A_522, %get3A_523] {strides = array<i32>} : memref<16x128xf32, #tpu.memory_space<vmem>>, vector<16xf32>,
      %div3A_525 = arith.divf %get3A_524, %add3A_520 : vector<16xf32>
      %swap3A_526 = arith.constant 4 : i32
      %swap3A_527 = arith.index_cast %swap3A_526 : i32 to index
      %swap3A_528 = arith.constant 32 : index
      %swap3A_529 = tpu.vector_load %arg19[%swap3A_527, %swap3A_528] {strides = array<i32>} : memref<16x128xf32, #tpu.memory_space<vmem>>, vector<16xf32>,
      tpu.vector_store %arg19[%swap3A_527, %swap3A_528], %div3A_525 {strides = array<i32>} : memref<16x128xf32, #tpu.memory_space<vmem>>, vector<16xf32>,
      %get3A_530 = arith.constant 4 : i32
      %get3A_531 = arith.index_cast %get3A_530 : i32 to index
      %get3A_532 = arith.constant 48 : index
      %get3A_533 = tpu.vector_load %arg19[%get3A_531, %get3A_532] {strides = array<i32>} : memref<16x128xf32, #tpu.memory_space<vmem>>, vector<16xf32>,
      %div3A_534 = arith.divf %get3A_533, %add3A_520 : vector<16xf32>
      %swap3A_535 = arith.constant 4 : i32
      %swap3A_536 = arith.index_cast %swap3A_535 : i32 to index
      %swap3A_537 = arith.constant 48 : index
      %swap3A_538 = tpu.vector_load %arg19[%swap3A_536, %swap3A_537] {strides = array<i32>} : memref<16x128xf32, #tpu.memory_space<vmem>>, vector<16xf32>,
      tpu.vector_store %arg19[%swap3A_536, %swap3A_537], %div3A_534 {strides = array<i32>} : memref<16x128xf32, #tpu.memory_space<vmem>>, vector<16xf32>,
      %slice3A_539 = vector.extract_strided_slice %get3A_490 {offsets = [2], sizes = [1], strides = [1]} : vector<16xf32> to vector<1xf32>
      %squeeze3A_540 = vector.extract %slice3A_539[0] : f32 from vector<1xf32>
      %broadcast_in_dim3A_541 = vector.broadcast %squeeze3A_540 : f32 to vector<16xf32>
      %add3A_542 = arith.constant 9.99999993E-9 : f32
      %add3A_543 = vector.broadcast %add3A_542 : f32 to vector<16xf32>
      %add3A_544 = arith.addf %broadcast_in_dim3A_541, %add3A_543 : vector<16xf32>
      %get3A_545 = arith.constant 4 : i32
      %get3A_546 = arith.index_cast %get3A_545 : i32 to index
      %get3A_547 = arith.constant 64 : index
      %get3A_548 = tpu.vector_load %arg19[%get3A_546, %get3A_547] {strides = array<i32>} : memref<16x128xf32, #tpu.memory_space<vmem>>, vector<16xf32>,
      %div3A_549 = arith.divf %get3A_548, %add3A_544 : vector<16xf32>
      %swap3A_550 = arith.constant 4 : i32
      %swap3A_551 = arith.index_cast %swap3A_550 : i32 to index
      %swap3A_552 = arith.constant 64 : index
      %swap3A_553 = tpu.vector_load %arg19[%swap3A_551, %swap3A_552] {strides = array<i32>} : memref<16x128xf32, #tpu.memory_space<vmem>>, vector<16xf32>,
      tpu.vector_store %arg19[%swap3A_551, %swap3A_552], %div3A_549 {strides = array<i32>} : memref<16x128xf32, #tpu.memory_space<vmem>>, vector<16xf32>,
      %get3A_554 = arith.constant 4 : i32
      %get3A_555 = arith.index_cast %get3A_554 : i32 to index
      %get3A_556 = arith.constant 80 : index
      %get3A_557 = tpu.vector_load %arg19[%get3A_555, %get3A_556] {strides = array<i32>} : memref<16x128xf32, #tpu.memory_space<vmem>>, vector<16xf32>,
      %div3A_558 = arith.divf %get3A_557, %add3A_544 : vector<16xf32>
      %swap3A_559 = arith.constant 4 : i32
      %swap3A_560 = arith.index_cast %swap3A_559 : i32 to index
      %swap3A_561 = arith.constant 80 : index
      %swap3A_562 = tpu.vector_load %arg19[%swap3A_560, %swap3A_561] {strides = array<i32>} : memref<16x128xf32, #tpu.memory_space<vmem>>, vector<16xf32>,
      tpu.vector_store %arg19[%swap3A_560, %swap3A_561], %div3A_558 {strides = array<i32>} : memref<16x128xf32, #tpu.memory_space<vmem>>, vector<16xf32>,
      %slice3A_563 = vector.extract_strided_slice %get3A_490 {offsets = [3], sizes = [1], strides = [1]} : vector<16xf32> to vector<1xf32>
      %squeeze3A_564 = vector.extract %slice3A_563[0] : f32 from vector<1xf32>
      %broadcast_in_dim3A_565 = vector.broadcast %squeeze3A_564 : f32 to vector<16xf32>
      %add3A_566 = arith.constant 9.99999993E-9 : f32
      %add3A_567 = vector.broadcast %add3A_566 : f32 to vector<16xf32>
      %add3A_568 = arith.addf %broadcast_in_dim3A_565, %add3A_567 : vector<16xf32>
      %get3A_569 = arith.constant 4 : i32
      %get3A_570 = arith.index_cast %get3A_569 : i32 to index
      %get3A_571 = arith.constant 96 : index
      %get3A_572 = tpu.vector_load %arg19[%get3A_570, %get3A_571] {strides = array<i32>} : memref<16x128xf32, #tpu.memory_space<vmem>>, vector<16xf32>,
      %div3A_573 = arith.divf %get3A_572, %add3A_568 : vector<16xf32>
      %swap3A_574 = arith.constant 4 : i32
      %swap3A_575 = arith.index_cast %swap3A_574 : i32 to index
      %swap3A_576 = arith.constant 96 : index
      %swap3A_577 = tpu.vector_load %arg19[%swap3A_575, %swap3A_576] {strides = array<i32>} : memref<16x128xf32, #tpu.memory_space<vmem>>, vector<16xf32>,
      tpu.vector_store %arg19[%swap3A_575, %swap3A_576], %div3A_573 {strides = array<i32>} : memref<16x128xf32, #tpu.memory_space<vmem>>, vector<16xf32>,
      %get3A_578 = arith.constant 4 : i32
      %get3A_579 = arith.index_cast %get3A_578 : i32 to index
      %get3A_580 = arith.constant 112 : index
      %get3A_581 = tpu.vector_load %arg19[%get3A_579, %get3A_580] {strides = array<i32>} : memref<16x128xf32, #tpu.memory_space<vmem>>, vector<16xf32>,
      %div3A_582 = arith.divf %get3A_581, %add3A_568 : vector<16xf32>
      %swap3A_583 = arith.constant 4 : i32
      %swap3A_584 = arith.index_cast %swap3A_583 : i32 to index
      %swap3A_585 = arith.constant 112 : index
      %swap3A_586 = tpu.vector_load %arg19[%swap3A_584, %swap3A_585] {strides = array<i32>} : memref<16x128xf32, #tpu.memory_space<vmem>>, vector<16xf32>,
      tpu.vector_store %arg19[%swap3A_584, %swap3A_585], %div3A_582 {strides = array<i32>} : memref<16x128xf32, #tpu.memory_space<vmem>>, vector<16xf32>,
      %get3A_587 = arith.constant 0 : i32
      %get3A_588 = arith.index_cast %get3A_587 : i32 to index
      %get3A_589 = arith.constant 80 : index
      %get3A_590 = tpu.vector_load %arg20[%get3A_588, %get3A_589] {strides = array<i32>} : memref<2x128xf32, #tpu.memory_space<vmem>>, vector<16xf32>,
      %slice3A_591 = vector.extract_strided_slice %get3A_590 {offsets = [0], sizes = [1], strides = [1]} : vector<16xf32> to vector<1xf32>
      %squeeze3A_592 = vector.extract %slice3A_591[0] : f32 from vector<1xf32>
      %broadcast_in_dim3A_593 = vector.broadcast %squeeze3A_592 : f32 to vector<16xf32>
      %add3A_594 = arith.constant 9.99999993E-9 : f32
      %add3A_595 = vector.broadcast %add3A_594 : f32 to vector<16xf32>
      %add3A_596 = arith.addf %broadcast_in_dim3A_593, %add3A_595 : vector<16xf32>
      %get3A_597 = arith.constant 5 : i32
      %get3A_598 = arith.index_cast %get3A_597 : i32 to index
      %get3A_599 = arith.constant 0 : index
      %get3A_600 = tpu.vector_load %arg19[%get3A_598, %get3A_599] {strides = array<i32>} : memref<16x128xf32, #tpu.memory_space<vmem>>, vector<16xf32>,
      %div3A_601 = arith.divf %get3A_600, %add3A_596 : vector<16xf32>
      %swap3A_602 = arith.constant 5 : i32
      %swap3A_603 = arith.index_cast %swap3A_602 : i32 to index
      %swap3A_604 = arith.constant 0 : index
      %swap3A_605 = tpu.vector_load %arg19[%swap3A_603, %swap3A_604] {strides = array<i32>} : memref<16x128xf32, #tpu.memory_space<vmem>>, vector<16xf32>,
      tpu.vector_store %arg19[%swap3A_603, %swap3A_604], %div3A_601 {strides = array<i32>} : memref<16x128xf32, #tpu.memory_space<vmem>>, vector<16xf32>,
      %get3A_606 = arith.constant 5 : i32
      %get3A_607 = arith.index_cast %get3A_606 : i32 to index
      %get3A_608 = arith.constant 16 : index
      %get3A_609 = tpu.vector_load %arg19[%get3A_607, %get3A_608] {strides = array<i32>} : memref<16x128xf32, #tpu.memory_space<vmem>>, vector<16xf32>,
      %div3A_610 = arith.divf %get3A_609, %add3A_596 : vector<16xf32>
      %swap3A_611 = arith.constant 5 : i32
      %swap3A_612 = arith.index_cast %swap3A_611 : i32 to index
      %swap3A_613 = arith.constant 16 : index
      %swap3A_614 = tpu.vector_load %arg19[%swap3A_612, %swap3A_613] {strides = array<i32>} : memref<16x128xf32, #tpu.memory_space<vmem>>, vector<16xf32>,
      tpu.vector_store %arg19[%swap3A_612, %swap3A_613], %div3A_610 {strides = array<i32>} : memref<16x128xf32, #tpu.memory_space<vmem>>, vector<16xf32>,
      %slice3A_615 = vector.extract_strided_slice %get3A_590 {offsets = [1], sizes = [1], strides = [1]} : vector<16xf32> to vector<1xf32>
      %squeeze3A_616 = vector.extract %slice3A_615[0] : f32 from vector<1xf32>
      %broadcast_in_dim3A_617 = vector.broadcast %squeeze3A_616 : f32 to vector<16xf32>
      %add3A_618 = arith.constant 9.99999993E-9 : f32
      %add3A_619 = vector.broadcast %add3A_618 : f32 to vector<16xf32>
      %add3A_620 = arith.addf %broadcast_in_dim3A_617, %add3A_619 : vector<16xf32>
      %get3A_621 = arith.constant 5 : i32
      %get3A_622 = arith.index_cast %get3A_621 : i32 to index
      %get3A_623 = arith.constant 32 : index
      %get3A_624 = tpu.vector_load %arg19[%get3A_622, %get3A_623] {strides = array<i32>} : memref<16x128xf32, #tpu.memory_space<vmem>>, vector<16xf32>,
      %div3A_625 = arith.divf %get3A_624, %add3A_620 : vector<16xf32>
      %swap3A_626 = arith.constant 5 : i32
      %swap3A_627 = arith.index_cast %swap3A_626 : i32 to index
      %swap3A_628 = arith.constant 32 : index
      %swap3A_629 = tpu.vector_load %arg19[%swap3A_627, %swap3A_628] {strides = array<i32>} : memref<16x128xf32, #tpu.memory_space<vmem>>, vector<16xf32>,
      tpu.vector_store %arg19[%swap3A_627, %swap3A_628], %div3A_625 {strides = array<i32>} : memref<16x128xf32, #tpu.memory_space<vmem>>, vector<16xf32>,
      %get3A_630 = arith.constant 5 : i32
      %get3A_631 = arith.index_cast %get3A_630 : i32 to index
      %get3A_632 = arith.constant 48 : index
      %get3A_633 = tpu.vector_load %arg19[%get3A_631, %get3A_632] {strides = array<i32>} : memref<16x128xf32, #tpu.memory_space<vmem>>, vector<16xf32>,
      %div3A_634 = arith.divf %get3A_633, %add3A_620 : vector<16xf32>
      %swap3A_635 = arith.constant 5 : i32
      %swap3A_636 = arith.index_cast %swap3A_635 : i32 to index
      %swap3A_637 = arith.constant 48 : index
      %swap3A_638 = tpu.vector_load %arg19[%swap3A_636, %swap3A_637] {strides = array<i32>} : memref<16x128xf32, #tpu.memory_space<vmem>>, vector<16xf32>,
      tpu.vector_store %arg19[%swap3A_636, %swap3A_637], %div3A_634 {strides = array<i32>} : memref<16x128xf32, #tpu.memory_space<vmem>>, vector<16xf32>,
      %slice3A_639 = vector.extract_strided_slice %get3A_590 {offsets = [2], sizes = [1], strides = [1]} : vector<16xf32> to vector<1xf32>
      %squeeze3A_640 = vector.extract %slice3A_639[0] : f32 from vector<1xf32>
      %broadcast_in_dim3A_641 = vector.broadcast %squeeze3A_640 : f32 to vector<16xf32>
      %add3A_642 = arith.constant 9.99999993E-9 : f32
      %add3A_643 = vector.broadcast %add3A_642 : f32 to vector<16xf32>
      %add3A_644 = arith.addf %broadcast_in_dim3A_641, %add3A_643 : vector<16xf32>
      %get3A_645 = arith.constant 5 : i32
      %get3A_646 = arith.index_cast %get3A_645 : i32 to index
      %get3A_647 = arith.constant 64 : index
      %get3A_648 = tpu.vector_load %arg19[%get3A_646, %get3A_647] {strides = array<i32>} : memref<16x128xf32, #tpu.memory_space<vmem>>, vector<16xf32>,
      %div3A_649 = arith.divf %get3A_648, %add3A_644 : vector<16xf32>
      %swap3A_650 = arith.constant 5 : i32
      %swap3A_651 = arith.index_cast %swap3A_650 : i32 to index
      %swap3A_652 = arith.constant 64 : index
      %swap3A_653 = tpu.vector_load %arg19[%swap3A_651, %swap3A_652] {strides = array<i32>} : memref<16x128xf32, #tpu.memory_space<vmem>>, vector<16xf32>,
      tpu.vector_store %arg19[%swap3A_651, %swap3A_652], %div3A_649 {strides = array<i32>} : memref<16x128xf32, #tpu.memory_space<vmem>>, vector<16xf32>,
      %get3A_654 = arith.constant 5 : i32
      %get3A_655 = arith.index_cast %get3A_654 : i32 to index
      %get3A_656 = arith.constant 80 : index
      %get3A_657 = tpu.vector_load %arg19[%get3A_655, %get3A_656] {strides = array<i32>} : memref<16x128xf32, #tpu.memory_space<vmem>>, vector<16xf32>,
      %div3A_658 = arith.divf %get3A_657, %add3A_644 : vector<16xf32>
      %swap3A_659 = arith.constant 5 : i32
      %swap3A_660 = arith.index_cast %swap3A_659 : i32 to index
      %swap3A_661 = arith.constant 80 : index
      %swap3A_662 = tpu.vector_load %arg19[%swap3A_660, %swap3A_661] {strides = array<i32>} : memref<16x128xf32, #tpu.memory_space<vmem>>, vector<16xf32>,
      tpu.vector_store %arg19[%swap3A_660, %swap3A_661], %div3A_658 {strides = array<i32>} : memref<16x128xf32, #tpu.memory_space<vmem>>, vector<16xf32>,
      %slice3A_663 = vector.extract_strided_slice %get3A_590 {offsets = [3], sizes = [1], strides = [1]} : vector<16xf32> to vector<1xf32>
      %squeeze3A_664 = vector.extract %slice3A_663[0] : f32 from vector<1xf32>
      %broadcast_in_dim3A_665 = vector.broadcast %squeeze3A_664 : f32 to vector<16xf32>
      %add3A_666 = arith.constant 9.99999993E-9 : f32
      %add3A_667 = vector.broadcast %add3A_666 : f32 to vector<16xf32>
      %add3A_668 = arith.addf %broadcast_in_dim3A_665, %add3A_667 : vector<16xf32>
      %get3A_669 = arith.constant 5 : i32
      %get3A_670 = arith.index_cast %get3A_669 : i32 to index
      %get3A_671 = arith.constant 96 : index
      %get3A_672 = tpu.vector_load %arg19[%get3A_670, %get3A_671] {strides = array<i32>} : memref<16x128xf32, #tpu.memory_space<vmem>>, vector<16xf32>,
      %div3A_673 = arith.divf %get3A_672, %add3A_668 : vector<16xf32>
      %swap3A_674 = arith.constant 5 : i32
      %swap3A_675 = arith.index_cast %swap3A_674 : i32 to index
      %swap3A_676 = arith.constant 96 : index
      %swap3A_677 = tpu.vector_load %arg19[%swap3A_675, %swap3A_676] {strides = array<i32>} : memref<16x128xf32, #tpu.memory_space<vmem>>, vector<16xf32>,
      tpu.vector_store %arg19[%swap3A_675, %swap3A_676], %div3A_673 {strides = array<i32>} : memref<16x128xf32, #tpu.memory_space<vmem>>, vector<16xf32>,
      %get3A_678 = arith.constant 5 : i32
      %get3A_679 = arith.index_cast %get3A_678 : i32 to index
      %get3A_680 = arith.constant 112 : index
      %get3A_681 = tpu.vector_load %arg19[%get3A_679, %get3A_680] {strides = array<i32>} : memref<16x128xf32, #tpu.memory_space<vmem>>, vector<16xf32>,
      %div3A_682 = arith.divf %get3A_681, %add3A_668 : vector<16xf32>
      %swap3A_683 = arith.constant 5 : i32
      %swap3A_684 = arith.index_cast %swap3A_683 : i32 to index
      %swap3A_685 = arith.constant 112 : index
      %swap3A_686 = tpu.vector_load %arg19[%swap3A_684, %swap3A_685] {strides = array<i32>} : memref<16x128xf32, #tpu.memory_space<vmem>>, vector<16xf32>,
      tpu.vector_store %arg19[%swap3A_684, %swap3A_685], %div3A_682 {strides = array<i32>} : memref<16x128xf32, #tpu.memory_space<vmem>>, vector<16xf32>,
      %get3A_687 = arith.constant 0 : i32
      %get3A_688 = arith.index_cast %get3A_687 : i32 to index
      %get3A_689 = arith.constant 96 : index
      %get3A_690 = tpu.vector_load %arg20[%get3A_688, %get3A_689] {strides = array<i32>} : memref<2x128xf32, #tpu.memory_space<vmem>>, vector<16xf32>,
      %slice3A_691 = vector.extract_strided_slice %get3A_690 {offsets = [0], sizes = [1], strides = [1]} : vector<16xf32> to vector<1xf32>
      %squeeze3A_692 = vector.extract %slice3A_691[0] : f32 from vector<1xf32>
      %broadcast_in_dim3A_693 = vector.broadcast %squeeze3A_692 : f32 to vector<16xf32>
      %add3A_694 = arith.constant 9.99999993E-9 : f32
      %add3A_695 = vector.broadcast %add3A_694 : f32 to vector<16xf32>
      %add3A_696 = arith.addf %broadcast_in_dim3A_693, %add3A_695 : vector<16xf32>
      %get3A_697 = arith.constant 6 : i32
      %get3A_698 = arith.index_cast %get3A_697 : i32 to index
      %get3A_699 = arith.constant 0 : index
      %get3A_700 = tpu.vector_load %arg19[%get3A_698, %get3A_699] {strides = array<i32>} : memref<16x128xf32, #tpu.memory_space<vmem>>, vector<16xf32>,
      %div3A_701 = arith.divf %get3A_700, %add3A_696 : vector<16xf32>
      %swap3A_702 = arith.constant 6 : i32
      %swap3A_703 = arith.index_cast %swap3A_702 : i32 to index
      %swap3A_704 = arith.constant 0 : index
      %swap3A_705 = tpu.vector_load %arg19[%swap3A_703, %swap3A_704] {strides = array<i32>} : memref<16x128xf32, #tpu.memory_space<vmem>>, vector<16xf32>,
      tpu.vector_store %arg19[%swap3A_703, %swap3A_704], %div3A_701 {strides = array<i32>} : memref<16x128xf32, #tpu.memory_space<vmem>>, vector<16xf32>,
      %get3A_706 = arith.constant 6 : i32
      %get3A_707 = arith.index_cast %get3A_706 : i32 to index
      %get3A_708 = arith.constant 16 : index
      %get3A_709 = tpu.vector_load %arg19[%get3A_707, %get3A_708] {strides = array<i32>} : memref<16x128xf32, #tpu.memory_space<vmem>>, vector<16xf32>,
      %div3A_710 = arith.divf %get3A_709, %add3A_696 : vector<16xf32>
      %swap3A_711 = arith.constant 6 : i32
      %swap3A_712 = arith.index_cast %swap3A_711 : i32 to index
      %swap3A_713 = arith.constant 16 : index
      %swap3A_714 = tpu.vector_load %arg19[%swap3A_712, %swap3A_713] {strides = array<i32>} : memref<16x128xf32, #tpu.memory_space<vmem>>, vector<16xf32>,
      tpu.vector_store %arg19[%swap3A_712, %swap3A_713], %div3A_710 {strides = array<i32>} : memref<16x128xf32, #tpu.memory_space<vmem>>, vector<16xf32>,
      %slice3A_715 = vector.extract_strided_slice %get3A_690 {offsets = [1], sizes = [1], strides = [1]} : vector<16xf32> to vector<1xf32>
      %squeeze3A_716 = vector.extract %slice3A_715[0] : f32 from vector<1xf32>
      %broadcast_in_dim3A_717 = vector.broadcast %squeeze3A_716 : f32 to vector<16xf32>
      %add3A_718 = arith.constant 9.99999993E-9 : f32
      %add3A_719 = vector.broadcast %add3A_718 : f32 to vector<16xf32>
      %add3A_720 = arith.addf %broadcast_in_dim3A_717, %add3A_719 : vector<16xf32>
      %get3A_721 = arith.constant 6 : i32
      %get3A_722 = arith.index_cast %get3A_721 : i32 to index
      %get3A_723 = arith.constant 32 : index
      %get3A_724 = tpu.vector_load %arg19[%get3A_722, %get3A_723] {strides = array<i32>} : memref<16x128xf32, #tpu.memory_space<vmem>>, vector<16xf32>,
      %div3A_725 = arith.divf %get3A_724, %add3A_720 : vector<16xf32>
      %swap3A_726 = arith.constant 6 : i32
      %swap3A_727 = arith.index_cast %swap3A_726 : i32 to index
      %swap3A_728 = arith.constant 32 : index
      %swap3A_729 = tpu.vector_load %arg19[%swap3A_727, %swap3A_728] {strides = array<i32>} : memref<16x128xf32, #tpu.memory_space<vmem>>, vector<16xf32>,
      tpu.vector_store %arg19[%swap3A_727, %swap3A_728], %div3A_725 {strides = array<i32>} : memref<16x128xf32, #tpu.memory_space<vmem>>, vector<16xf32>,
      %get3A_730 = arith.constant 6 : i32
      %get3A_731 = arith.index_cast %get3A_730 : i32 to index
      %get3A_732 = arith.constant 48 : index
      %get3A_733 = tpu.vector_load %arg19[%get3A_731, %get3A_732] {strides = array<i32>} : memref<16x128xf32, #tpu.memory_space<vmem>>, vector<16xf32>,
      %div3A_734 = arith.divf %get3A_733, %add3A_720 : vector<16xf32>
      %swap3A_735 = arith.constant 6 : i32
      %swap3A_736 = arith.index_cast %swap3A_735 : i32 to index
      %swap3A_737 = arith.constant 48 : index
      %swap3A_738 = tpu.vector_load %arg19[%swap3A_736, %swap3A_737] {strides = array<i32>} : memref<16x128xf32, #tpu.memory_space<vmem>>, vector<16xf32>,
      tpu.vector_store %arg19[%swap3A_736, %swap3A_737], %div3A_734 {strides = array<i32>} : memref<16x128xf32, #tpu.memory_space<vmem>>, vector<16xf32>,
      %slice3A_739 = vector.extract_strided_slice %get3A_690 {offsets = [2], sizes = [1], strides = [1]} : vector<16xf32> to vector<1xf32>
      %squeeze3A_740 = vector.extract %slice3A_739[0] : f32 from vector<1xf32>
      %broadcast_in_dim3A_741 = vector.broadcast %squeeze3A_740 : f32 to vector<16xf32>
      %add3A_742 = arith.constant 9.99999993E-9 : f32
      %add3A_743 = vector.broadcast %add3A_742 : f32 to vector<16xf32>
      %add3A_744 = arith.addf %broadcast_in_dim3A_741, %add3A_743 : vector<16xf32>
      %get3A_745 = arith.constant 6 : i32
      %get3A_746 = arith.index_cast %get3A_745 : i32 to index
      %get3A_747 = arith.constant 64 : index
      %get3A_748 = tpu.vector_load %arg19[%get3A_746, %get3A_747] {strides = array<i32>} : memref<16x128xf32, #tpu.memory_space<vmem>>, vector<16xf32>,
      %div3A_749 = arith.divf %get3A_748, %add3A_744 : vector<16xf32>
      %swap3A_750 = arith.constant 6 : i32
      %swap3A_751 = arith.index_cast %swap3A_750 : i32 to index
      %swap3A_752 = arith.constant 64 : index
      %swap3A_753 = tpu.vector_load %arg19[%swap3A_751, %swap3A_752] {strides = array<i32>} : memref<16x128xf32, #tpu.memory_space<vmem>>, vector<16xf32>,
      tpu.vector_store %arg19[%swap3A_751, %swap3A_752], %div3A_749 {strides = array<i32>} : memref<16x128xf32, #tpu.memory_space<vmem>>, vector<16xf32>,
      %get3A_754 = arith.constant 6 : i32
      %get3A_755 = arith.index_cast %get3A_754 : i32 to index
      %get3A_756 = arith.constant 80 : index
      %get3A_757 = tpu.vector_load %arg19[%get3A_755, %get3A_756] {strides = array<i32>} : memref<16x128xf32, #tpu.memory_space<vmem>>, vector<16xf32>,
      %div3A_758 = arith.divf %get3A_757, %add3A_744 : vector<16xf32>
      %swap3A_759 = arith.constant 6 : i32
      %swap3A_760 = arith.index_cast %swap3A_759 : i32 to index
      %swap3A_761 = arith.constant 80 : index
      %swap3A_762 = tpu.vector_load %arg19[%swap3A_760, %swap3A_761] {strides = array<i32>} : memref<16x128xf32, #tpu.memory_space<vmem>>, vector<16xf32>,
      tpu.vector_store %arg19[%swap3A_760, %swap3A_761], %div3A_758 {strides = array<i32>} : memref<16x128xf32, #tpu.memory_space<vmem>>, vector<16xf32>,
      %slice3A_763 = vector.extract_strided_slice %get3A_690 {offsets = [3], sizes = [1], strides = [1]} : vector<16xf32> to vector<1xf32>
      %squeeze3A_764 = vector.extract %slice3A_763[0] : f32 from vector<1xf32>
      %broadcast_in_dim3A_765 = vector.broadcast %squeeze3A_764 : f32 to vector<16xf32>
      %add3A_766 = arith.constant 9.99999993E-9 : f32
      %add3A_767 = vector.broadcast %add3A_766 : f32 to vector<16xf32>
      %add3A_768 = arith.addf %broadcast_in_dim3A_765, %add3A_767 : vector<16xf32>
      %get3A_769 = arith.constant 6 : i32
      %get3A_770 = arith.index_cast %get3A_769 : i32 to index
      %get3A_771 = arith.constant 96 : index
      %get3A_772 = tpu.vector_load %arg19[%get3A_770, %get3A_771] {strides = array<i32>} : memref<16x128xf32, #tpu.memory_space<vmem>>, vector<16xf32>,
      %div3A_773 = arith.divf %get3A_772, %add3A_768 : vector<16xf32>
      %swap3A_774 = arith.constant 6 : i32
      %swap3A_775 = arith.index_cast %swap3A_774 : i32 to index
      %swap3A_776 = arith.constant 96 : index
      %swap3A_777 = tpu.vector_load %arg19[%swap3A_775, %swap3A_776] {strides = array<i32>} : memref<16x128xf32, #tpu.memory_space<vmem>>, vector<16xf32>,
      tpu.vector_store %arg19[%swap3A_775, %swap3A_776], %div3A_773 {strides = array<i32>} : memref<16x128xf32, #tpu.memory_space<vmem>>, vector<16xf32>,
      %get3A_778 = arith.constant 6 : i32
      %get3A_779 = arith.index_cast %get3A_778 : i32 to index
      %get3A_780 = arith.constant 112 : index
      %get3A_781 = tpu.vector_load %arg19[%get3A_779, %get3A_780] {strides = array<i32>} : memref<16x128xf32, #tpu.memory_space<vmem>>, vector<16xf32>,
      %div3A_782 = arith.divf %get3A_781, %add3A_768 : vector<16xf32>
      %swap3A_783 = arith.constant 6 : i32
      %swap3A_784 = arith.index_cast %swap3A_783 : i32 to index
      %swap3A_785 = arith.constant 112 : index
      %swap3A_786 = tpu.vector_load %arg19[%swap3A_784, %swap3A_785] {strides = array<i32>} : memref<16x128xf32, #tpu.memory_space<vmem>>, vector<16xf32>,
      tpu.vector_store %arg19[%swap3A_784, %swap3A_785], %div3A_782 {strides = array<i32>} : memref<16x128xf32, #tpu.memory_space<vmem>>, vector<16xf32>,
      %get3A_787 = arith.constant 0 : i32
      %get3A_788 = arith.index_cast %get3A_787 : i32 to index
      %get3A_789 = arith.constant 112 : index
      %get3A_790 = tpu.vector_load %arg20[%get3A_788, %get3A_789] {strides = array<i32>} : memref<2x128xf32, #tpu.memory_space<vmem>>, vector<16xf32>,
      %slice3A_791 = vector.extract_strided_slice %get3A_790 {offsets = [0], sizes = [1], strides = [1]} : vector<16xf32> to vector<1xf32>
      %squeeze3A_792 = vector.extract %slice3A_791[0] : f32 from vector<1xf32>
      %broadcast_in_dim3A_793 = vector.broadcast %squeeze3A_792 : f32 to vector<16xf32>
      %add3A_794 = arith.constant 9.99999993E-9 : f32
      %add3A_795 = vector.broadcast %add3A_794 : f32 to vector<16xf32>
      %add3A_796 = arith.addf %broadcast_in_dim3A_793, %add3A_795 : vector<16xf32>
      %get3A_797 = arith.constant 7 : i32
      %get3A_798 = arith.index_cast %get3A_797 : i32 to index
      %get3A_799 = arith.constant 0 : index
      %get3A_800 = tpu.vector_load %arg19[%get3A_798, %get3A_799] {strides = array<i32>} : memref<16x128xf32, #tpu.memory_space<vmem>>, vector<16xf32>,
      %div3A_801 = arith.divf %get3A_800, %add3A_796 : vector<16xf32>
      %swap3A_802 = arith.constant 7 : i32
      %swap3A_803 = arith.index_cast %swap3A_802 : i32 to index
      %swap3A_804 = arith.constant 0 : index
      %swap3A_805 = tpu.vector_load %arg19[%swap3A_803, %swap3A_804] {strides = array<i32>} : memref<16x128xf32, #tpu.memory_space<vmem>>, vector<16xf32>,
      tpu.vector_store %arg19[%swap3A_803, %swap3A_804], %div3A_801 {strides = array<i32>} : memref<16x128xf32, #tpu.memory_space<vmem>>, vector<16xf32>,
      %get3A_806 = arith.constant 7 : i32
      %get3A_807 = arith.index_cast %get3A_806 : i32 to index
      %get3A_808 = arith.constant 16 : index
      %get3A_809 = tpu.vector_load %arg19[%get3A_807, %get3A_808] {strides = array<i32>} : memref<16x128xf32, #tpu.memory_space<vmem>>, vector<16xf32>,
      %div3A_810 = arith.divf %get3A_809, %add3A_796 : vector<16xf32>
      %swap3A_811 = arith.constant 7 : i32
      %swap3A_812 = arith.index_cast %swap3A_811 : i32 to index
      %swap3A_813 = arith.constant 16 : index
      %swap3A_814 = tpu.vector_load %arg19[%swap3A_812, %swap3A_813] {strides = array<i32>} : memref<16x128xf32, #tpu.memory_space<vmem>>, vector<16xf32>,
      tpu.vector_store %arg19[%swap3A_812, %swap3A_813], %div3A_810 {strides = array<i32>} : memref<16x128xf32, #tpu.memory_space<vmem>>, vector<16xf32>,
      %slice3A_815 = vector.extract_strided_slice %get3A_790 {offsets = [1], sizes = [1], strides = [1]} : vector<16xf32> to vector<1xf32>
      %squeeze3A_816 = vector.extract %slice3A_815[0] : f32 from vector<1xf32>
      %broadcast_in_dim3A_817 = vector.broadcast %squeeze3A_816 : f32 to vector<16xf32>
      %add3A_818 = arith.constant 9.99999993E-9 : f32
      %add3A_819 = vector.broadcast %add3A_818 : f32 to vector<16xf32>
      %add3A_820 = arith.addf %broadcast_in_dim3A_817, %add3A_819 : vector<16xf32>
      %get3A_821 = arith.constant 7 : i32
      %get3A_822 = arith.index_cast %get3A_821 : i32 to index
      %get3A_823 = arith.constant 32 : index
      %get3A_824 = tpu.vector_load %arg19[%get3A_822, %get3A_823] {strides = array<i32>} : memref<16x128xf32, #tpu.memory_space<vmem>>, vector<16xf32>,
      %div3A_825 = arith.divf %get3A_824, %add3A_820 : vector<16xf32>
      %swap3A_826 = arith.constant 7 : i32
      %swap3A_827 = arith.index_cast %swap3A_826 : i32 to index
      %swap3A_828 = arith.constant 32 : index
      %swap3A_829 = tpu.vector_load %arg19[%swap3A_827, %swap3A_828] {strides = array<i32>} : memref<16x128xf32, #tpu.memory_space<vmem>>, vector<16xf32>,
      tpu.vector_store %arg19[%swap3A_827, %swap3A_828], %div3A_825 {strides = array<i32>} : memref<16x128xf32, #tpu.memory_space<vmem>>, vector<16xf32>,
      %get3A_830 = arith.constant 7 : i32
      %get3A_831 = arith.index_cast %get3A_830 : i32 to index
      %get3A_832 = arith.constant 48 : index
      %get3A_833 = tpu.vector_load %arg19[%get3A_831, %get3A_832] {strides = array<i32>} : memref<16x128xf32, #tpu.memory_space<vmem>>, vector<16xf32>,
      %div3A_834 = arith.divf %get3A_833, %add3A_820 : vector<16xf32>
      %swap3A_835 = arith.constant 7 : i32
      %swap3A_836 = arith.index_cast %swap3A_835 : i32 to index
      %swap3A_837 = arith.constant 48 : index
      %swap3A_838 = tpu.vector_load %arg19[%swap3A_836, %swap3A_837] {strides = array<i32>} : memref<16x128xf32, #tpu.memory_space<vmem>>, vector<16xf32>,
      tpu.vector_store %arg19[%swap3A_836, %swap3A_837], %div3A_834 {strides = array<i32>} : memref<16x128xf32, #tpu.memory_space<vmem>>, vector<16xf32>,
      %slice3A_839 = vector.extract_strided_slice %get3A_790 {offsets = [2], sizes = [1], strides = [1]} : vector<16xf32> to vector<1xf32>
      %squeeze3A_840 = vector.extract %slice3A_839[0] : f32 from vector<1xf32>
      %broadcast_in_dim3A_841 = vector.broadcast %squeeze3A_840 : f32 to vector<16xf32>
      %add3A_842 = arith.constant 9.99999993E-9 : f32
      %add3A_843 = vector.broadcast %add3A_842 : f32 to vector<16xf32>
      %add3A_844 = arith.addf %broadcast_in_dim3A_841, %add3A_843 : vector<16xf32>
      %get3A_845 = arith.constant 7 : i32
      %get3A_846 = arith.index_cast %get3A_845 : i32 to index
      %get3A_847 = arith.constant 64 : index
      %get3A_848 = tpu.vector_load %arg19[%get3A_846, %get3A_847] {strides = array<i32>} : memref<16x128xf32, #tpu.memory_space<vmem>>, vector<16xf32>,
      %div3A_849 = arith.divf %get3A_848, %add3A_844 : vector<16xf32>
      %swap3A_850 = arith.constant 7 : i32
      %swap3A_851 = arith.index_cast %swap3A_850 : i32 to index
      %swap3A_852 = arith.constant 64 : index
      %swap3A_853 = tpu.vector_load %arg19[%swap3A_851, %swap3A_852] {strides = array<i32>} : memref<16x128xf32, #tpu.memory_space<vmem>>, vector<16xf32>,
      tpu.vector_store %arg19[%swap3A_851, %swap3A_852], %div3A_849 {strides = array<i32>} : memref<16x128xf32, #tpu.memory_space<vmem>>, vector<16xf32>,
      %get3A_854 = arith.constant 7 : i32
      %get3A_855 = arith.index_cast %get3A_854 : i32 to index
      %get3A_856 = arith.constant 80 : index
      %get3A_857 = tpu.vector_load %arg19[%get3A_855, %get3A_856] {strides = array<i32>} : memref<16x128xf32, #tpu.memory_space<vmem>>, vector<16xf32>,
      %div3A_858 = arith.divf %get3A_857, %add3A_844 : vector<16xf32>
      %swap3A_859 = arith.constant 7 : i32
      %swap3A_860 = arith.index_cast %swap3A_859 : i32 to index
      %swap3A_861 = arith.constant 80 : index
      %swap3A_862 = tpu.vector_load %arg19[%swap3A_860, %swap3A_861] {strides = array<i32>} : memref<16x128xf32, #tpu.memory_space<vmem>>, vector<16xf32>,
      tpu.vector_store %arg19[%swap3A_860, %swap3A_861], %div3A_858 {strides = array<i32>} : memref<16x128xf32, #tpu.memory_space<vmem>>, vector<16xf32>,
      %slice3A_863 = vector.extract_strided_slice %get3A_790 {offsets = [3], sizes = [1], strides = [1]} : vector<16xf32> to vector<1xf32>
      %squeeze3A_864 = vector.extract %slice3A_863[0] : f32 from vector<1xf32>
      %broadcast_in_dim3A_865 = vector.broadcast %squeeze3A_864 : f32 to vector<16xf32>
      %add3A_866 = arith.constant 9.99999993E-9 : f32
      %add3A_867 = vector.broadcast %add3A_866 : f32 to vector<16xf32>
      %add3A_868 = arith.addf %broadcast_in_dim3A_865, %add3A_867 : vector<16xf32>
      %get3A_869 = arith.constant 7 : i32
      %get3A_870 = arith.index_cast %get3A_869 : i32 to index
      %get3A_871 = arith.constant 96 : index
      %get3A_872 = tpu.vector_load %arg19[%get3A_870, %get3A_871] {strides = array<i32>} : memref<16x128xf32, #tpu.memory_space<vmem>>, vector<16xf32>,
      %div3A_873 = arith.divf %get3A_872, %add3A_868 : vector<16xf32>
      %swap3A_874 = arith.constant 7 : i32
      %swap3A_875 = arith.index_cast %swap3A_874 : i32 to index
      %swap3A_876 = arith.constant 96 : index
      %swap3A_877 = tpu.vector_load %arg19[%swap3A_875, %swap3A_876] {strides = array<i32>} : memref<16x128xf32, #tpu.memory_space<vmem>>, vector<16xf32>,
      tpu.vector_store %arg19[%swap3A_875, %swap3A_876], %div3A_873 {strides = array<i32>} : memref<16x128xf32, #tpu.memory_space<vmem>>, vector<16xf32>,
      %get3A_878 = arith.constant 7 : i32
      %get3A_879 = arith.index_cast %get3A_878 : i32 to index
      %get3A_880 = arith.constant 112 : index
      %get3A_881 = tpu.vector_load %arg19[%get3A_879, %get3A_880] {strides = array<i32>} : memref<16x128xf32, #tpu.memory_space<vmem>>, vector<16xf32>,
      %div3A_882 = arith.divf %get3A_881, %add3A_868 : vector<16xf32>
      %swap3A_883 = arith.constant 7 : i32
      %swap3A_884 = arith.index_cast %swap3A_883 : i32 to index
      %swap3A_885 = arith.constant 112 : index
      %swap3A_886 = tpu.vector_load %arg19[%swap3A_884, %swap3A_885] {strides = array<i32>} : memref<16x128xf32, #tpu.memory_space<vmem>>, vector<16xf32>,
      tpu.vector_store %arg19[%swap3A_884, %swap3A_885], %div3A_882 {strides = array<i32>} : memref<16x128xf32, #tpu.memory_space<vmem>>, vector<16xf32>,
      %get3A_887 = arith.constant 1 : i32
      %get3A_888 = arith.index_cast %get3A_887 : i32 to index
      %get3A_889 = arith.constant 0 : index
      %get3A_890 = tpu.vector_load %arg20[%get3A_888, %get3A_889] {strides = array<i32>} : memref<2x128xf32, #tpu.memory_space<vmem>>, vector<16xf32>,
      %slice3A_891 = vector.extract_strided_slice %get3A_890 {offsets = [0], sizes = [1], strides = [1]} : vector<16xf32> to vector<1xf32>
      %squeeze3A_892 = vector.extract %slice3A_891[0] : f32 from vector<1xf32>
      %broadcast_in_dim3A_893 = vector.broadcast %squeeze3A_892 : f32 to vector<16xf32>
      %add3A_894 = arith.constant 9.99999993E-9 : f32
      %add3A_895 = vector.broadcast %add3A_894 : f32 to vector<16xf32>
      %add3A_896 = arith.addf %broadcast_in_dim3A_893, %add3A_895 : vector<16xf32>
      %get3A_897 = arith.constant 8 : i32
      %get3A_898 = arith.index_cast %get3A_897 : i32 to index
      %get3A_899 = arith.constant 0 : index
      %get3A_900 = tpu.vector_load %arg19[%get3A_898, %get3A_899] {strides = array<i32>} : memref<16x128xf32, #tpu.memory_space<vmem>>, vector<16xf32>,
      %div3A_901 = arith.divf %get3A_900, %add3A_896 : vector<16xf32>
      %swap3A_902 = arith.constant 8 : i32
      %swap3A_903 = arith.index_cast %swap3A_902 : i32 to index
      %swap3A_904 = arith.constant 0 : index
      %swap3A_905 = tpu.vector_load %arg19[%swap3A_903, %swap3A_904] {strides = array<i32>} : memref<16x128xf32, #tpu.memory_space<vmem>>, vector<16xf32>,
      tpu.vector_store %arg19[%swap3A_903, %swap3A_904], %div3A_901 {strides = array<i32>} : memref<16x128xf32, #tpu.memory_space<vmem>>, vector<16xf32>,
      %get3A_906 = arith.constant 8 : i32
      %get3A_907 = arith.index_cast %get3A_906 : i32 to index
      %get3A_908 = arith.constant 16 : index
      %get3A_909 = tpu.vector_load %arg19[%get3A_907, %get3A_908] {strides = array<i32>} : memref<16x128xf32, #tpu.memory_space<vmem>>, vector<16xf32>,
      %div3A_910 = arith.divf %get3A_909, %add3A_896 : vector<16xf32>
      %swap3A_911 = arith.constant 8 : i32
      %swap3A_912 = arith.index_cast %swap3A_911 : i32 to index
      %swap3A_913 = arith.constant 16 : index
      %swap3A_914 = tpu.vector_load %arg19[%swap3A_912, %swap3A_913] {strides = array<i32>} : memref<16x128xf32, #tpu.memory_space<vmem>>, vector<16xf32>,
      tpu.vector_store %arg19[%swap3A_912, %swap3A_913], %div3A_910 {strides = array<i32>} : memref<16x128xf32, #tpu.memory_space<vmem>>, vector<16xf32>,
      %slice3A_915 = vector.extract_strided_slice %get3A_890 {offsets = [1], sizes = [1], strides = [1]} : vector<16xf32> to vector<1xf32>
      %squeeze3A_916 = vector.extract %slice3A_915[0] : f32 from vector<1xf32>
      %broadcast_in_dim3A_917 = vector.broadcast %squeeze3A_916 : f32 to vector<16xf32>
      %add3A_918 = arith.constant 9.99999993E-9 : f32
      %add3A_919 = vector.broadcast %add3A_918 : f32 to vector<16xf32>
      %add3A_920 = arith.addf %broadcast_in_dim3A_917, %add3A_919 : vector<16xf32>
      %get3A_921 = arith.constant 8 : i32
      %get3A_922 = arith.index_cast %get3A_921 : i32 to index
      %get3A_923 = arith.constant 32 : index
      %get3A_924 = tpu.vector_load %arg19[%get3A_922, %get3A_923] {strides = array<i32>} : memref<16x128xf32, #tpu.memory_space<vmem>>, vector<16xf32>,
      %div3A_925 = arith.divf %get3A_924, %add3A_920 : vector<16xf32>
      %swap3A_926 = arith.constant 8 : i32
      %swap3A_927 = arith.index_cast %swap3A_926 : i32 to index
      %swap3A_928 = arith.constant 32 : index
      %swap3A_929 = tpu.vector_load %arg19[%swap3A_927, %swap3A_928] {strides = array<i32>} : memref<16x128xf32, #tpu.memory_space<vmem>>, vector<16xf32>,
      tpu.vector_store %arg19[%swap3A_927, %swap3A_928], %div3A_925 {strides = array<i32>} : memref<16x128xf32, #tpu.memory_space<vmem>>, vector<16xf32>,
      %get3A_930 = arith.constant 8 : i32
      %get3A_931 = arith.index_cast %get3A_930 : i32 to index
      %get3A_932 = arith.constant 48 : index
      %get3A_933 = tpu.vector_load %arg19[%get3A_931, %get3A_932] {strides = array<i32>} : memref<16x128xf32, #tpu.memory_space<vmem>>, vector<16xf32>,
      %div3A_934 = arith.divf %get3A_933, %add3A_920 : vector<16xf32>
      %swap3A_935 = arith.constant 8 : i32
      %swap3A_936 = arith.index_cast %swap3A_935 : i32 to index
      %swap3A_937 = arith.constant 48 : index
      %swap3A_938 = tpu.vector_load %arg19[%swap3A_936, %swap3A_937] {strides = array<i32>} : memref<16x128xf32, #tpu.memory_space<vmem>>, vector<16xf32>,
      tpu.vector_store %arg19[%swap3A_936, %swap3A_937], %div3A_934 {strides = array<i32>} : memref<16x128xf32, #tpu.memory_space<vmem>>, vector<16xf32>,
      %slice3A_939 = vector.extract_strided_slice %get3A_890 {offsets = [2], sizes = [1], strides = [1]} : vector<16xf32> to vector<1xf32>
      %squeeze3A_940 = vector.extract %slice3A_939[0] : f32 from vector<1xf32>
      %broadcast_in_dim3A_941 = vector.broadcast %squeeze3A_940 : f32 to vector<16xf32>
      %add3A_942 = arith.constant 9.99999993E-9 : f32
      %add3A_943 = vector.broadcast %add3A_942 : f32 to vector<16xf32>
      %add3A_944 = arith.addf %broadcast_in_dim3A_941, %add3A_943 : vector<16xf32>
      %get3A_945 = arith.constant 8 : i32
      %get3A_946 = arith.index_cast %get3A_945 : i32 to index
      %get3A_947 = arith.constant 64 : index
      %get3A_948 = tpu.vector_load %arg19[%get3A_946, %get3A_947] {strides = array<i32>} : memref<16x128xf32, #tpu.memory_space<vmem>>, vector<16xf32>,
      %div3A_949 = arith.divf %get3A_948, %add3A_944 : vector<16xf32>
      %swap3A_950 = arith.constant 8 : i32
      %swap3A_951 = arith.index_cast %swap3A_950 : i32 to index
      %swap3A_952 = arith.constant 64 : index
      %swap3A_953 = tpu.vector_load %arg19[%swap3A_951, %swap3A_952] {strides = array<i32>} : memref<16x128xf32, #tpu.memory_space<vmem>>, vector<16xf32>,
      tpu.vector_store %arg19[%swap3A_951, %swap3A_952], %div3A_949 {strides = array<i32>} : memref<16x128xf32, #tpu.memory_space<vmem>>, vector<16xf32>,
      %get3A_954 = arith.constant 8 : i32
      %get3A_955 = arith.index_cast %get3A_954 : i32 to index
      %get3A_956 = arith.constant 80 : index
      %get3A_957 = tpu.vector_load %arg19[%get3A_955, %get3A_956] {strides = array<i32>} : memref<16x128xf32, #tpu.memory_space<vmem>>, vector<16xf32>,
      %div3A_958 = arith.divf %get3A_957, %add3A_944 : vector<16xf32>
      %swap3A_959 = arith.constant 8 : i32
      %swap3A_960 = arith.index_cast %swap3A_959 : i32 to index
      %swap3A_961 = arith.constant 80 : index
      %swap3A_962 = tpu.vector_load %arg19[%swap3A_960, %swap3A_961] {strides = array<i32>} : memref<16x128xf32, #tpu.memory_space<vmem>>, vector<16xf32>,
      tpu.vector_store %arg19[%swap3A_960, %swap3A_961], %div3A_958 {strides = array<i32>} : memref<16x128xf32, #tpu.memory_space<vmem>>, vector<16xf32>,
      %slice3A_963 = vector.extract_strided_slice %get3A_890 {offsets = [3], sizes = [1], strides = [1]} : vector<16xf32> to vector<1xf32>
      %squeeze3A_964 = vector.extract %slice3A_963[0] : f32 from vector<1xf32>
      %broadcast_in_dim3A_965 = vector.broadcast %squeeze3A_964 : f32 to vector<16xf32>
      %add3A_966 = arith.constant 9.99999993E-9 : f32
      %add3A_967 = vector.broadcast %add3A_966 : f32 to vector<16xf32>
      %add3A_968 = arith.addf %broadcast_in_dim3A_965, %add3A_967 : vector<16xf32>
      %get3A_969 = arith.constant 8 : i32
      %get3A_970 = arith.index_cast %get3A_969 : i32 to index
      %get3A_971 = arith.constant 96 : index
      %get3A_972 = tpu.vector_load %arg19[%get3A_970, %get3A_971] {strides = array<i32>} : memref<16x128xf32, #tpu.memory_space<vmem>>, vector<16xf32>,
      %div3A_973 = arith.divf %get3A_972, %add3A_968 : vector<16xf32>
      %swap3A_974 = arith.constant 8 : i32
      %swap3A_975 = arith.index_cast %swap3A_974 : i32 to index
      %swap3A_976 = arith.constant 96 : index
      %swap3A_977 = tpu.vector_load %arg19[%swap3A_975, %swap3A_976] {strides = array<i32>} : memref<16x128xf32, #tpu.memory_space<vmem>>, vector<16xf32>,
      tpu.vector_store %arg19[%swap3A_975, %swap3A_976], %div3A_973 {strides = array<i32>} : memref<16x128xf32, #tpu.memory_space<vmem>>, vector<16xf32>,
      %get3A_978 = arith.constant 8 : i32
      %get3A_979 = arith.index_cast %get3A_978 : i32 to index
      %get3A_980 = arith.constant 112 : index
      %get3A_981 = tpu.vector_load %arg19[%get3A_979, %get3A_980] {strides = array<i32>} : memref<16x128xf32, #tpu.memory_space<vmem>>, vector<16xf32>,
      %div3A_982 = arith.divf %get3A_981, %add3A_968 : vector<16xf32>
      %swap3A_983 = arith.constant 8 : i32
      %swap3A_984 = arith.index_cast %swap3A_983 : i32 to index
      %swap3A_985 = arith.constant 112 : index
      %swap3A_986 = tpu.vector_load %arg19[%swap3A_984, %swap3A_985] {strides = array<i32>} : memref<16x128xf32, #tpu.memory_space<vmem>>, vector<16xf32>,
      tpu.vector_store %arg19[%swap3A_984, %swap3A_985], %div3A_982 {strides = array<i32>} : memref<16x128xf32, #tpu.memory_space<vmem>>, vector<16xf32>,
      %get3A_987 = arith.constant 1 : i32
      %get3A_988 = arith.index_cast %get3A_987 : i32 to index
      %get3A_989 = arith.constant 16 : index
      %get3A_990 = tpu.vector_load %arg20[%get3A_988, %get3A_989] {strides = array<i32>} : memref<2x128xf32, #tpu.memory_space<vmem>>, vector<16xf32>,
      %slice3A_991 = vector.extract_strided_slice %get3A_990 {offsets = [0], sizes = [1], strides = [1]} : vector<16xf32> to vector<1xf32>
      %squeeze3A_992 = vector.extract %slice3A_991[0] : f32 from vector<1xf32>
      %broadcast_in_dim3A_993 = vector.broadcast %squeeze3A_992 : f32 to vector<16xf32>
      %add3A_994 = arith.constant 9.99999993E-9 : f32
      %add3A_995 = vector.broadcast %add3A_994 : f32 to vector<16xf32>
      %add3A_996 = arith.addf %broadcast_in_dim3A_993, %add3A_995 : vector<16xf32>
      %get3A_997 = arith.constant 9 : i32
      %get3A_998 = arith.index_cast %get3A_997 : i32 to index
      %get3A_999 = arith.constant 0 : index
      %get3A_1000 = tpu.vector_load %arg19[%get3A_998, %get3A_999] {strides = array<i32>} : memref<16x128xf32, #tpu.memory_space<vmem>>, vector<16xf32>,
      %div3A_1001 = arith.divf %get3A_1000, %add3A_996 : vector<16xf32>
      %swap3A_1002 = arith.constant 9 : i32
      %swap3A_1003 = arith.index_cast %swap3A_1002 : i32 to index
      %swap3A_1004 = arith.constant 0 : index
      %swap3A_1005 = tpu.vector_load %arg19[%swap3A_1003, %swap3A_1004] {strides = array<i32>} : memref<16x128xf32, #tpu.memory_space<vmem>>, vector<16xf32>,
      tpu.vector_store %arg19[%swap3A_1003, %swap3A_1004], %div3A_1001 {strides = array<i32>} : memref<16x128xf32, #tpu.memory_space<vmem>>, vector<16xf32>,
      %get3A_1006 = arith.constant 9 : i32
      %get3A_1007 = arith.index_cast %get3A_1006 : i32 to index
      %get3A_1008 = arith.constant 16 : index
      %get3A_1009 = tpu.vector_load %arg19[%get3A_1007, %get3A_1008] {strides = array<i32>} : memref<16x128xf32, #tpu.memory_space<vmem>>, vector<16xf32>,
      %div3A_1010 = arith.divf %get3A_1009, %add3A_996 : vector<16xf32>
      %swap3A_1011 = arith.constant 9 : i32
      %swap3A_1012 = arith.index_cast %swap3A_1011 : i32 to index
      %swap3A_1013 = arith.constant 16 : index
      %swap3A_1014 = tpu.vector_load %arg19[%swap3A_1012, %swap3A_1013] {strides = array<i32>} : memref<16x128xf32, #tpu.memory_space<vmem>>, vector<16xf32>,
      tpu.vector_store %arg19[%swap3A_1012, %swap3A_1013], %div3A_1010 {strides = array<i32>} : memref<16x128xf32, #tpu.memory_space<vmem>>, vector<16xf32>,
      %slice3A_1015 = vector.extract_strided_slice %get3A_990 {offsets = [1], sizes = [1], strides = [1]} : vector<16xf32> to vector<1xf32>
      %squeeze3A_1016 = vector.extract %slice3A_1015[0] : f32 from vector<1xf32>
      %broadcast_in_dim3A_1017 = vector.broadcast %squeeze3A_1016 : f32 to vector<16xf32>
      %add3A_1018 = arith.constant 9.99999993E-9 : f32
      %add3A_1019 = vector.broadcast %add3A_1018 : f32 to vector<16xf32>
      %add3A_1020 = arith.addf %broadcast_in_dim3A_1017, %add3A_1019 : vector<16xf32>
      %get3A_1021 = arith.constant 9 : i32
      %get3A_1022 = arith.index_cast %get3A_1021 : i32 to index
      %get3A_1023 = arith.constant 32 : index
      %get3A_1024 = tpu.vector_load %arg19[%get3A_1022, %get3A_1023] {strides = array<i32>} : memref<16x128xf32, #tpu.memory_space<vmem>>, vector<16xf32>,
      %div3A_1025 = arith.divf %get3A_1024, %add3A_1020 : vector<16xf32>
      %swap3A_1026 = arith.constant 9 : i32
      %swap3A_1027 = arith.index_cast %swap3A_1026 : i32 to index
      %swap3A_1028 = arith.constant 32 : index
      %swap3A_1029 = tpu.vector_load %arg19[%swap3A_1027, %swap3A_1028] {strides = array<i32>} : memref<16x128xf32, #tpu.memory_space<vmem>>, vector<16xf32>,
      tpu.vector_store %arg19[%swap3A_1027, %swap3A_1028], %div3A_1025 {strides = array<i32>} : memref<16x128xf32, #tpu.memory_space<vmem>>, vector<16xf32>,
      %get3A_1030 = arith.constant 9 : i32
      %get3A_1031 = arith.index_cast %get3A_1030 : i32 to index
      %get3A_1032 = arith.constant 48 : index
      %get3A_1033 = tpu.vector_load %arg19[%get3A_1031, %get3A_1032] {strides = array<i32>} : memref<16x128xf32, #tpu.memory_space<vmem>>, vector<16xf32>,
      %div3A_1034 = arith.divf %get3A_1033, %add3A_1020 : vector<16xf32>
      %swap3A_1035 = arith.constant 9 : i32
      %swap3A_1036 = arith.index_cast %swap3A_1035 : i32 to index
      %swap3A_1037 = arith.constant 48 : index
      %swap3A_1038 = tpu.vector_load %arg19[%swap3A_1036, %swap3A_1037] {strides = array<i32>} : memref<16x128xf32, #tpu.memory_space<vmem>>, vector<16xf32>,
      tpu.vector_store %arg19[%swap3A_1036, %swap3A_1037], %div3A_1034 {strides = array<i32>} : memref<16x128xf32, #tpu.memory_space<vmem>>, vector<16xf32>,
      %slice3A_1039 = vector.extract_strided_slice %get3A_990 {offsets = [2], sizes = [1], strides = [1]} : vector<16xf32> to vector<1xf32>
      %squeeze3A_1040 = vector.extract %slice3A_1039[0] : f32 from vector<1xf32>
      %broadcast_in_dim3A_1041 = vector.broadcast %squeeze3A_1040 : f32 to vector<16xf32>
      %add3A_1042 = arith.constant 9.99999993E-9 : f32
      %add3A_1043 = vector.broadcast %add3A_1042 : f32 to vector<16xf32>
      %add3A_1044 = arith.addf %broadcast_in_dim3A_1041, %add3A_1043 : vector<16xf32>
      %get3A_1045 = arith.constant 9 : i32
      %get3A_1046 = arith.index_cast %get3A_1045 : i32 to index
      %get3A_1047 = arith.constant 64 : index
      %get3A_1048 = tpu.vector_load %arg19[%get3A_1046, %get3A_1047] {strides = array<i32>} : memref<16x128xf32, #tpu.memory_space<vmem>>, vector<16xf32>,
      %div3A_1049 = arith.divf %get3A_1048, %add3A_1044 : vector<16xf32>
      %swap3A_1050 = arith.constant 9 : i32
      %swap3A_1051 = arith.index_cast %swap3A_1050 : i32 to index
      %swap3A_1052 = arith.constant 64 : index
      %swap3A_1053 = tpu.vector_load %arg19[%swap3A_1051, %swap3A_1052] {strides = array<i32>} : memref<16x128xf32, #tpu.memory_space<vmem>>, vector<16xf32>,
      tpu.vector_store %arg19[%swap3A_1051, %swap3A_1052], %div3A_1049 {strides = array<i32>} : memref<16x128xf32, #tpu.memory_space<vmem>>, vector<16xf32>,
      %get3A_1054 = arith.constant 9 : i32
      %get3A_1055 = arith.index_cast %get3A_1054 : i32 to index
      %get3A_1056 = arith.constant 80 : index
      %get3A_1057 = tpu.vector_load %arg19[%get3A_1055, %get3A_1056] {strides = array<i32>} : memref<16x128xf32, #tpu.memory_space<vmem>>, vector<16xf32>,
      %div3A_1058 = arith.divf %get3A_1057, %add3A_1044 : vector<16xf32>
      %swap3A_1059 = arith.constant 9 : i32
      %swap3A_1060 = arith.index_cast %swap3A_1059 : i32 to index
      %swap3A_1061 = arith.constant 80 : index
      %swap3A_1062 = tpu.vector_load %arg19[%swap3A_1060, %swap3A_1061] {strides = array<i32>} : memref<16x128xf32, #tpu.memory_space<vmem>>, vector<16xf32>,
      tpu.vector_store %arg19[%swap3A_1060, %swap3A_1061], %div3A_1058 {strides = array<i32>} : memref<16x128xf32, #tpu.memory_space<vmem>>, vector<16xf32>,
      %slice3A_1063 = vector.extract_strided_slice %get3A_990 {offsets = [3], sizes = [1], strides = [1]} : vector<16xf32> to vector<1xf32>
      %squeeze3A_1064 = vector.extract %slice3A_1063[0] : f32 from vector<1xf32>
      %broadcast_in_dim3A_1065 = vector.broadcast %squeeze3A_1064 : f32 to vector<16xf32>
      %add3A_1066 = arith.constant 9.99999993E-9 : f32
      %add3A_1067 = vector.broadcast %add3A_1066 : f32 to vector<16xf32>
      %add3A_1068 = arith.addf %broadcast_in_dim3A_1065, %add3A_1067 : vector<16xf32>
      %get3A_1069 = arith.constant 9 : i32
      %get3A_1070 = arith.index_cast %get3A_1069 : i32 to index
      %get3A_1071 = arith.constant 96 : index
      %get3A_1072 = tpu.vector_load %arg19[%get3A_1070, %get3A_1071] {strides = array<i32>} : memref<16x128xf32, #tpu.memory_space<vmem>>, vector<16xf32>,
      %div3A_1073 = arith.divf %get3A_1072, %add3A_1068 : vector<16xf32>
      %swap3A_1074 = arith.constant 9 : i32
      %swap3A_1075 = arith.index_cast %swap3A_1074 : i32 to index
      %swap3A_1076 = arith.constant 96 : index
      %swap3A_1077 = tpu.vector_load %arg19[%swap3A_1075, %swap3A_1076] {strides = array<i32>} : memref<16x128xf32, #tpu.memory_space<vmem>>, vector<16xf32>,
      tpu.vector_store %arg19[%swap3A_1075, %swap3A_1076], %div3A_1073 {strides = array<i32>} : memref<16x128xf32, #tpu.memory_space<vmem>>, vector<16xf32>,
      %get3A_1078 = arith.constant 9 : i32
      %get3A_1079 = arith.index_cast %get3A_1078 : i32 to index
      %get3A_1080 = arith.constant 112 : index
      %get3A_1081 = tpu.vector_load %arg19[%get3A_1079, %get3A_1080] {strides = array<i32>} : memref<16x128xf32, #tpu.memory_space<vmem>>, vector<16xf32>,
      %div3A_1082 = arith.divf %get3A_1081, %add3A_1068 : vector<16xf32>
      %swap3A_1083 = arith.constant 9 : i32
      %swap3A_1084 = arith.index_cast %swap3A_1083 : i32 to index
      %swap3A_1085 = arith.constant 112 : index
      %swap3A_1086 = tpu.vector_load %arg19[%swap3A_1084, %swap3A_1085] {strides = array<i32>} : memref<16x128xf32, #tpu.memory_space<vmem>>, vector<16xf32>,
      tpu.vector_store %arg19[%swap3A_1084, %swap3A_1085], %div3A_1082 {strides = array<i32>} : memref<16x128xf32, #tpu.memory_space<vmem>>, vector<16xf32>,
      %get3A_1087 = arith.constant 1 : i32
      %get3A_1088 = arith.index_cast %get3A_1087 : i32 to index
      %get3A_1089 = arith.constant 32 : index
      %get3A_1090 = tpu.vector_load %arg20[%get3A_1088, %get3A_1089] {strides = array<i32>} : memref<2x128xf32, #tpu.memory_space<vmem>>, vector<16xf32>,
      %slice3A_1091 = vector.extract_strided_slice %get3A_1090 {offsets = [0], sizes = [1], strides = [1]} : vector<16xf32> to vector<1xf32>
      %squeeze3A_1092 = vector.extract %slice3A_1091[0] : f32 from vector<1xf32>
      %broadcast_in_dim3A_1093 = vector.broadcast %squeeze3A_1092 : f32 to vector<16xf32>
      %add3A_1094 = arith.constant 9.99999993E-9 : f32
      %add3A_1095 = vector.broadcast %add3A_1094 : f32 to vector<16xf32>
      %add3A_1096 = arith.addf %broadcast_in_dim3A_1093, %add3A_1095 : vector<16xf32>
      %get3A_1097 = arith.constant 10 : i32
      %get3A_1098 = arith.index_cast %get3A_1097 : i32 to index
      %get3A_1099 = arith.constant 0 : index
      %get3A_1100 = tpu.vector_load %arg19[%get3A_1098, %get3A_1099] {strides = array<i32>} : memref<16x128xf32, #tpu.memory_space<vmem>>, vector<16xf32>,
      %div3A_1101 = arith.divf %get3A_1100, %add3A_1096 : vector<16xf32>
      %swap3A_1102 = arith.constant 10 : i32
      %swap3A_1103 = arith.index_cast %swap3A_1102 : i32 to index
      %swap3A_1104 = arith.constant 0 : index
      %swap3A_1105 = tpu.vector_load %arg19[%swap3A_1103, %swap3A_1104] {strides = array<i32>} : memref<16x128xf32, #tpu.memory_space<vmem>>, vector<16xf32>,
      tpu.vector_store %arg19[%swap3A_1103, %swap3A_1104], %div3A_1101 {strides = array<i32>} : memref<16x128xf32, #tpu.memory_space<vmem>>, vector<16xf32>,
      %get3A_1106 = arith.constant 10 : i32
      %get3A_1107 = arith.index_cast %get3A_1106 : i32 to index
      %get3A_1108 = arith.constant 16 : index
      %get3A_1109 = tpu.vector_load %arg19[%get3A_1107, %get3A_1108] {strides = array<i32>} : memref<16x128xf32, #tpu.memory_space<vmem>>, vector<16xf32>,
      %div3A_1110 = arith.divf %get3A_1109, %add3A_1096 : vector<16xf32>
      %swap3A_1111 = arith.constant 10 : i32
      %swap3A_1112 = arith.index_cast %swap3A_1111 : i32 to index
      %swap3A_1113 = arith.constant 16 : index
      %swap3A_1114 = tpu.vector_load %arg19[%swap3A_1112, %swap3A_1113] {strides = array<i32>} : memref<16x128xf32, #tpu.memory_space<vmem>>, vector<16xf32>,
      tpu.vector_store %arg19[%swap3A_1112, %swap3A_1113], %div3A_1110 {strides = array<i32>} : memref<16x128xf32, #tpu.memory_space<vmem>>, vector<16xf32>,
      %slice3A_1115 = vector.extract_strided_slice %get3A_1090 {offsets = [1], sizes = [1], strides = [1]} : vector<16xf32> to vector<1xf32>
      %squeeze3A_1116 = vector.extract %slice3A_1115[0] : f32 from vector<1xf32>
      %broadcast_in_dim3A_1117 = vector.broadcast %squeeze3A_1116 : f32 to vector<16xf32>
      %add3A_1118 = arith.constant 9.99999993E-9 : f32
      %add3A_1119 = vector.broadcast %add3A_1118 : f32 to vector<16xf32>
      %add3A_1120 = arith.addf %broadcast_in_dim3A_1117, %add3A_1119 : vector<16xf32>
      %get3A_1121 = arith.constant 10 : i32
      %get3A_1122 = arith.index_cast %get3A_1121 : i32 to index
      %get3A_1123 = arith.constant 32 : index
      %get3A_1124 = tpu.vector_load %arg19[%get3A_1122, %get3A_1123] {strides = array<i32>} : memref<16x128xf32, #tpu.memory_space<vmem>>, vector<16xf32>,
      %div3A_1125 = arith.divf %get3A_1124, %add3A_1120 : vector<16xf32>
      %swap3A_1126 = arith.constant 10 : i32
      %swap3A_1127 = arith.index_cast %swap3A_1126 : i32 to index
      %swap3A_1128 = arith.constant 32 : index
      %swap3A_1129 = tpu.vector_load %arg19[%swap3A_1127, %swap3A_1128] {strides = array<i32>} : memref<16x128xf32, #tpu.memory_space<vmem>>, vector<16xf32>,
      tpu.vector_store %arg19[%swap3A_1127, %swap3A_1128], %div3A_1125 {strides = array<i32>} : memref<16x128xf32, #tpu.memory_space<vmem>>, vector<16xf32>,
      %get3A_1130 = arith.constant 10 : i32
      %get3A_1131 = arith.index_cast %get3A_1130 : i32 to index
      %get3A_1132 = arith.constant 48 : index
      %get3A_1133 = tpu.vector_load %arg19[%get3A_1131, %get3A_1132] {strides = array<i32>} : memref<16x128xf32, #tpu.memory_space<vmem>>, vector<16xf32>,
      %div3A_1134 = arith.divf %get3A_1133, %add3A_1120 : vector<16xf32>
      %swap3A_1135 = arith.constant 10 : i32
      %swap3A_1136 = arith.index_cast %swap3A_1135 : i32 to index
      %swap3A_1137 = arith.constant 48 : index
      %swap3A_1138 = tpu.vector_load %arg19[%swap3A_1136, %swap3A_1137] {strides = array<i32>} : memref<16x128xf32, #tpu.memory_space<vmem>>, vector<16xf32>,
      tpu.vector_store %arg19[%swap3A_1136, %swap3A_1137], %div3A_1134 {strides = array<i32>} : memref<16x128xf32, #tpu.memory_space<vmem>>, vector<16xf32>,
      %slice3A_1139 = vector.extract_strided_slice %get3A_1090 {offsets = [2], sizes = [1], strides = [1]} : vector<16xf32> to vector<1xf32>
      %squeeze3A_1140 = vector.extract %slice3A_1139[0] : f32 from vector<1xf32>
      %broadcast_in_dim3A_1141 = vector.broadcast %squeeze3A_1140 : f32 to vector<16xf32>
      %add3A_1142 = arith.constant 9.99999993E-9 : f32
      %add3A_1143 = vector.broadcast %add3A_1142 : f32 to vector<16xf32>
      %add3A_1144 = arith.addf %broadcast_in_dim3A_1141, %add3A_1143 : vector<16xf32>
      %get3A_1145 = arith.constant 10 : i32
      %get3A_1146 = arith.index_cast %get3A_1145 : i32 to index
      %get3A_1147 = arith.constant 64 : index
      %get3A_1148 = tpu.vector_load %arg19[%get3A_1146, %get3A_1147] {strides = array<i32>} : memref<16x128xf32, #tpu.memory_space<vmem>>, vector<16xf32>,
      %div3A_1149 = arith.divf %get3A_1148, %add3A_1144 : vector<16xf32>
      %swap3A_1150 = arith.constant 10 : i32
      %swap3A_1151 = arith.index_cast %swap3A_1150 : i32 to index
      %swap3A_1152 = arith.constant 64 : index
      %swap3A_1153 = tpu.vector_load %arg19[%swap3A_1151, %swap3A_1152] {strides = array<i32>} : memref<16x128xf32, #tpu.memory_space<vmem>>, vector<16xf32>,
      tpu.vector_store %arg19[%swap3A_1151, %swap3A_1152], %div3A_1149 {strides = array<i32>} : memref<16x128xf32, #tpu.memory_space<vmem>>, vector<16xf32>,
      %get3A_1154 = arith.constant 10 : i32
      %get3A_1155 = arith.index_cast %get3A_1154 : i32 to index
      %get3A_1156 = arith.constant 80 : index
      %get3A_1157 = tpu.vector_load %arg19[%get3A_1155, %get3A_1156] {strides = array<i32>} : memref<16x128xf32, #tpu.memory_space<vmem>>, vector<16xf32>,
      %div3A_1158 = arith.divf %get3A_1157, %add3A_1144 : vector<16xf32>
      %swap3A_1159 = arith.constant 10 : i32
      %swap3A_1160 = arith.index_cast %swap3A_1159 : i32 to index
      %swap3A_1161 = arith.constant 80 : index
      %swap3A_1162 = tpu.vector_load %arg19[%swap3A_1160, %swap3A_1161] {strides = array<i32>} : memref<16x128xf32, #tpu.memory_space<vmem>>, vector<16xf32>,
      tpu.vector_store %arg19[%swap3A_1160, %swap3A_1161], %div3A_1158 {strides = array<i32>} : memref<16x128xf32, #tpu.memory_space<vmem>>, vector<16xf32>,
      %slice3A_1163 = vector.extract_strided_slice %get3A_1090 {offsets = [3], sizes = [1], strides = [1]} : vector<16xf32> to vector<1xf32>
      %squeeze3A_1164 = vector.extract %slice3A_1163[0] : f32 from vector<1xf32>
      %broadcast_in_dim3A_1165 = vector.broadcast %squeeze3A_1164 : f32 to vector<16xf32>
      %add3A_1166 = arith.constant 9.99999993E-9 : f32
      %add3A_1167 = vector.broadcast %add3A_1166 : f32 to vector<16xf32>
      %add3A_1168 = arith.addf %broadcast_in_dim3A_1165, %add3A_1167 : vector<16xf32>
      %get3A_1169 = arith.constant 10 : i32
      %get3A_1170 = arith.index_cast %get3A_1169 : i32 to index
      %get3A_1171 = arith.constant 96 : index
      %get3A_1172 = tpu.vector_load %arg19[%get3A_1170, %get3A_1171] {strides = array<i32>} : memref<16x128xf32, #tpu.memory_space<vmem>>, vector<16xf32>,
      %div3A_1173 = arith.divf %get3A_1172, %add3A_1168 : vector<16xf32>
      %swap3A_1174 = arith.constant 10 : i32
      %swap3A_1175 = arith.index_cast %swap3A_1174 : i32 to index
      %swap3A_1176 = arith.constant 96 : index
      %swap3A_1177 = tpu.vector_load %arg19[%swap3A_1175, %swap3A_1176] {strides = array<i32>} : memref<16x128xf32, #tpu.memory_space<vmem>>, vector<16xf32>,
      tpu.vector_store %arg19[%swap3A_1175, %swap3A_1176], %div3A_1173 {strides = array<i32>} : memref<16x128xf32, #tpu.memory_space<vmem>>, vector<16xf32>,
      %get3A_1178 = arith.constant 10 : i32
      %get3A_1179 = arith.index_cast %get3A_1178 : i32 to index
      %get3A_1180 = arith.constant 112 : index
      %get3A_1181 = tpu.vector_load %arg19[%get3A_1179, %get3A_1180] {strides = array<i32>} : memref<16x128xf32, #tpu.memory_space<vmem>>, vector<16xf32>,
      %div3A_1182 = arith.divf %get3A_1181, %add3A_1168 : vector<16xf32>
      %swap3A_1183 = arith.constant 10 : i32
      %swap3A_1184 = arith.index_cast %swap3A_1183 : i32 to index
      %swap3A_1185 = arith.constant 112 : index
      %swap3A_1186 = tpu.vector_load %arg19[%swap3A_1184, %swap3A_1185] {strides = array<i32>} : memref<16x128xf32, #tpu.memory_space<vmem>>, vector<16xf32>,
      tpu.vector_store %arg19[%swap3A_1184, %swap3A_1185], %div3A_1182 {strides = array<i32>} : memref<16x128xf32, #tpu.memory_space<vmem>>, vector<16xf32>,
      %get3A_1187 = arith.constant 1 : i32
      %get3A_1188 = arith.index_cast %get3A_1187 : i32 to index
      %get3A_1189 = arith.constant 48 : index
      %get3A_1190 = tpu.vector_load %arg20[%get3A_1188, %get3A_1189] {strides = array<i32>} : memref<2x128xf32, #tpu.memory_space<vmem>>, vector<16xf32>,
      %slice3A_1191 = vector.extract_strided_slice %get3A_1190 {offsets = [0], sizes = [1], strides = [1]} : vector<16xf32> to vector<1xf32>
      %squeeze3A_1192 = vector.extract %slice3A_1191[0] : f32 from vector<1xf32>
      %broadcast_in_dim3A_1193 = vector.broadcast %squeeze3A_1192 : f32 to vector<16xf32>
      %add3A_1194 = arith.constant 9.99999993E-9 : f32
      %add3A_1195 = vector.broadcast %add3A_1194 : f32 to vector<16xf32>
      %add3A_1196 = arith.addf %broadcast_in_dim3A_1193, %add3A_1195 : vector<16xf32>
      %get3A_1197 = arith.constant 11 : i32
      %get3A_1198 = arith.index_cast %get3A_1197 : i32 to index
      %get3A_1199 = arith.constant 0 : index
      %get3A_1200 = tpu.vector_load %arg19[%get3A_1198, %get3A_1199] {strides = array<i32>} : memref<16x128xf32, #tpu.memory_space<vmem>>, vector<16xf32>,
      %div3A_1201 = arith.divf %get3A_1200, %add3A_1196 : vector<16xf32>
      %swap3A_1202 = arith.constant 11 : i32
      %swap3A_1203 = arith.index_cast %swap3A_1202 : i32 to index
      %swap3A_1204 = arith.constant 0 : index
      %swap3A_1205 = tpu.vector_load %arg19[%swap3A_1203, %swap3A_1204] {strides = array<i32>} : memref<16x128xf32, #tpu.memory_space<vmem>>, vector<16xf32>,
      tpu.vector_store %arg19[%swap3A_1203, %swap3A_1204], %div3A_1201 {strides = array<i32>} : memref<16x128xf32, #tpu.memory_space<vmem>>, vector<16xf32>,
      %get3A_1206 = arith.constant 11 : i32
      %get3A_1207 = arith.index_cast %get3A_1206 : i32 to index
      %get3A_1208 = arith.constant 16 : index
      %get3A_1209 = tpu.vector_load %arg19[%get3A_1207, %get3A_1208] {strides = array<i32>} : memref<16x128xf32, #tpu.memory_space<vmem>>, vector<16xf32>,
      %div3A_1210 = arith.divf %get3A_1209, %add3A_1196 : vector<16xf32>
      %swap3A_1211 = arith.constant 11 : i32
      %swap3A_1212 = arith.index_cast %swap3A_1211 : i32 to index
      %swap3A_1213 = arith.constant 16 : index
      %swap3A_1214 = tpu.vector_load %arg19[%swap3A_1212, %swap3A_1213] {strides = array<i32>} : memref<16x128xf32, #tpu.memory_space<vmem>>, vector<16xf32>,
      tpu.vector_store %arg19[%swap3A_1212, %swap3A_1213], %div3A_1210 {strides = array<i32>} : memref<16x128xf32, #tpu.memory_space<vmem>>, vector<16xf32>,
      %slice3A_1215 = vector.extract_strided_slice %get3A_1190 {offsets = [1], sizes = [1], strides = [1]} : vector<16xf32> to vector<1xf32>
      %squeeze3A_1216 = vector.extract %slice3A_1215[0] : f32 from vector<1xf32>
      %broadcast_in_dim3A_1217 = vector.broadcast %squeeze3A_1216 : f32 to vector<16xf32>
      %add3A_1218 = arith.constant 9.99999993E-9 : f32
      %add3A_1219 = vector.broadcast %add3A_1218 : f32 to vector<16xf32>
      %add3A_1220 = arith.addf %broadcast_in_dim3A_1217, %add3A_1219 : vector<16xf32>
      %get3A_1221 = arith.constant 11 : i32
      %get3A_1222 = arith.index_cast %get3A_1221 : i32 to index
      %get3A_1223 = arith.constant 32 : index
      %get3A_1224 = tpu.vector_load %arg19[%get3A_1222, %get3A_1223] {strides = array<i32>} : memref<16x128xf32, #tpu.memory_space<vmem>>, vector<16xf32>,
      %div3A_1225 = arith.divf %get3A_1224, %add3A_1220 : vector<16xf32>
      %swap3A_1226 = arith.constant 11 : i32
      %swap3A_1227 = arith.index_cast %swap3A_1226 : i32 to index
      %swap3A_1228 = arith.constant 32 : index
      %swap3A_1229 = tpu.vector_load %arg19[%swap3A_1227, %swap3A_1228] {strides = array<i32>} : memref<16x128xf32, #tpu.memory_space<vmem>>, vector<16xf32>,
      tpu.vector_store %arg19[%swap3A_1227, %swap3A_1228], %div3A_1225 {strides = array<i32>} : memref<16x128xf32, #tpu.memory_space<vmem>>, vector<16xf32>,
      %get3A_1230 = arith.constant 11 : i32
      %get3A_1231 = arith.index_cast %get3A_1230 : i32 to index
      %get3A_1232 = arith.constant 48 : index
      %get3A_1233 = tpu.vector_load %arg19[%get3A_1231, %get3A_1232] {strides = array<i32>} : memref<16x128xf32, #tpu.memory_space<vmem>>, vector<16xf32>,
      %div3A_1234 = arith.divf %get3A_1233, %add3A_1220 : vector<16xf32>
      %swap3A_1235 = arith.constant 11 : i32
      %swap3A_1236 = arith.index_cast %swap3A_1235 : i32 to index
      %swap3A_1237 = arith.constant 48 : index
      %swap3A_1238 = tpu.vector_load %arg19[%swap3A_1236, %swap3A_1237] {strides = array<i32>} : memref<16x128xf32, #tpu.memory_space<vmem>>, vector<16xf32>,
      tpu.vector_store %arg19[%swap3A_1236, %swap3A_1237], %div3A_1234 {strides = array<i32>} : memref<16x128xf32, #tpu.memory_space<vmem>>, vector<16xf32>,
      %slice3A_1239 = vector.extract_strided_slice %get3A_1190 {offsets = [2], sizes = [1], strides = [1]} : vector<16xf32> to vector<1xf32>
      %squeeze3A_1240 = vector.extract %slice3A_1239[0] : f32 from vector<1xf32>
      %broadcast_in_dim3A_1241 = vector.broadcast %squeeze3A_1240 : f32 to vector<16xf32>
      %add3A_1242 = arith.constant 9.99999993E-9 : f32
      %add3A_1243 = vector.broadcast %add3A_1242 : f32 to vector<16xf32>
      %add3A_1244 = arith.addf %broadcast_in_dim3A_1241, %add3A_1243 : vector<16xf32>
      %get3A_1245 = arith.constant 11 : i32
      %get3A_1246 = arith.index_cast %get3A_1245 : i32 to index
      %get3A_1247 = arith.constant 64 : index
      %get3A_1248 = tpu.vector_load %arg19[%get3A_1246, %get3A_1247] {strides = array<i32>} : memref<16x128xf32, #tpu.memory_space<vmem>>, vector<16xf32>,
      %div3A_1249 = arith.divf %get3A_1248, %add3A_1244 : vector<16xf32>
      %swap3A_1250 = arith.constant 11 : i32
      %swap3A_1251 = arith.index_cast %swap3A_1250 : i32 to index
      %swap3A_1252 = arith.constant 64 : index
      %swap3A_1253 = tpu.vector_load %arg19[%swap3A_1251, %swap3A_1252] {strides = array<i32>} : memref<16x128xf32, #tpu.memory_space<vmem>>, vector<16xf32>,
      tpu.vector_store %arg19[%swap3A_1251, %swap3A_1252], %div3A_1249 {strides = array<i32>} : memref<16x128xf32, #tpu.memory_space<vmem>>, vector<16xf32>,
      %get3A_1254 = arith.constant 11 : i32
      %get3A_1255 = arith.index_cast %get3A_1254 : i32 to index
      %get3A_1256 = arith.constant 80 : index
      %get3A_1257 = tpu.vector_load %arg19[%get3A_1255, %get3A_1256] {strides = array<i32>} : memref<16x128xf32, #tpu.memory_space<vmem>>, vector<16xf32>,
      %div3A_1258 = arith.divf %get3A_1257, %add3A_1244 : vector<16xf32>
      %swap3A_1259 = arith.constant 11 : i32
      %swap3A_1260 = arith.index_cast %swap3A_1259 : i32 to index
      %swap3A_1261 = arith.constant 80 : index
      %swap3A_1262 = tpu.vector_load %arg19[%swap3A_1260, %swap3A_1261] {strides = array<i32>} : memref<16x128xf32, #tpu.memory_space<vmem>>, vector<16xf32>,
      tpu.vector_store %arg19[%swap3A_1260, %swap3A_1261], %div3A_1258 {strides = array<i32>} : memref<16x128xf32, #tpu.memory_space<vmem>>, vector<16xf32>,
      %slice3A_1263 = vector.extract_strided_slice %get3A_1190 {offsets = [3], sizes = [1], strides = [1]} : vector<16xf32> to vector<1xf32>
      %squeeze3A_1264 = vector.extract %slice3A_1263[0] : f32 from vector<1xf32>
      %broadcast_in_dim3A_1265 = vector.broadcast %squeeze3A_1264 : f32 to vector<16xf32>
      %add3A_1266 = arith.constant 9.99999993E-9 : f32
      %add3A_1267 = vector.broadcast %add3A_1266 : f32 to vector<16xf32>
      %add3A_1268 = arith.addf %broadcast_in_dim3A_1265, %add3A_1267 : vector<16xf32>
      %get3A_1269 = arith.constant 11 : i32
      %get3A_1270 = arith.index_cast %get3A_1269 : i32 to index
      %get3A_1271 = arith.constant 96 : index
      %get3A_1272 = tpu.vector_load %arg19[%get3A_1270, %get3A_1271] {strides = array<i32>} : memref<16x128xf32, #tpu.memory_space<vmem>>, vector<16xf32>,
      %div3A_1273 = arith.divf %get3A_1272, %add3A_1268 : vector<16xf32>
      %swap3A_1274 = arith.constant 11 : i32
      %swap3A_1275 = arith.index_cast %swap3A_1274 : i32 to index
      %swap3A_1276 = arith.constant 96 : index
      %swap3A_1277 = tpu.vector_load %arg19[%swap3A_1275, %swap3A_1276] {strides = array<i32>} : memref<16x128xf32, #tpu.memory_space<vmem>>, vector<16xf32>,
      tpu.vector_store %arg19[%swap3A_1275, %swap3A_1276], %div3A_1273 {strides = array<i32>} : memref<16x128xf32, #tpu.memory_space<vmem>>, vector<16xf32>,
      %get3A_1278 = arith.constant 11 : i32
      %get3A_1279 = arith.index_cast %get3A_1278 : i32 to index
      %get3A_1280 = arith.constant 112 : index
      %get3A_1281 = tpu.vector_load %arg19[%get3A_1279, %get3A_1280] {strides = array<i32>} : memref<16x128xf32, #tpu.memory_space<vmem>>, vector<16xf32>,
      %div3A_1282 = arith.divf %get3A_1281, %add3A_1268 : vector<16xf32>
      %swap3A_1283 = arith.constant 11 : i32
      %swap3A_1284 = arith.index_cast %swap3A_1283 : i32 to index
      %swap3A_1285 = arith.constant 112 : index
      %swap3A_1286 = tpu.vector_load %arg19[%swap3A_1284, %swap3A_1285] {strides = array<i32>} : memref<16x128xf32, #tpu.memory_space<vmem>>, vector<16xf32>,
      tpu.vector_store %arg19[%swap3A_1284, %swap3A_1285], %div3A_1282 {strides = array<i32>} : memref<16x128xf32, #tpu.memory_space<vmem>>, vector<16xf32>,
      %get3A_1287 = arith.constant 1 : i32
      %get3A_1288 = arith.index_cast %get3A_1287 : i32 to index
      %get3A_1289 = arith.constant 64 : index
      %get3A_1290 = tpu.vector_load %arg20[%get3A_1288, %get3A_1289] {strides = array<i32>} : memref<2x128xf32, #tpu.memory_space<vmem>>, vector<16xf32>,
      %slice3A_1291 = vector.extract_strided_slice %get3A_1290 {offsets = [0], sizes = [1], strides = [1]} : vector<16xf32> to vector<1xf32>
      %squeeze3A_1292 = vector.extract %slice3A_1291[0] : f32 from vector<1xf32>
      %broadcast_in_dim3A_1293 = vector.broadcast %squeeze3A_1292 : f32 to vector<16xf32>
      %add3A_1294 = arith.constant 9.99999993E-9 : f32
      %add3A_1295 = vector.broadcast %add3A_1294 : f32 to vector<16xf32>
      %add3A_1296 = arith.addf %broadcast_in_dim3A_1293, %add3A_1295 : vector<16xf32>
      %get3A_1297 = arith.constant 12 : i32
      %get3A_1298 = arith.index_cast %get3A_1297 : i32 to index
      %get3A_1299 = arith.constant 0 : index
      %get3A_1300 = tpu.vector_load %arg19[%get3A_1298, %get3A_1299] {strides = array<i32>} : memref<16x128xf32, #tpu.memory_space<vmem>>, vector<16xf32>,
      %div3A_1301 = arith.divf %get3A_1300, %add3A_1296 : vector<16xf32>
      %swap3A_1302 = arith.constant 12 : i32
      %swap3A_1303 = arith.index_cast %swap3A_1302 : i32 to index
      %swap3A_1304 = arith.constant 0 : index
      %swap3A_1305 = tpu.vector_load %arg19[%swap3A_1303, %swap3A_1304] {strides = array<i32>} : memref<16x128xf32, #tpu.memory_space<vmem>>, vector<16xf32>,
      tpu.vector_store %arg19[%swap3A_1303, %swap3A_1304], %div3A_1301 {strides = array<i32>} : memref<16x128xf32, #tpu.memory_space<vmem>>, vector<16xf32>,
      %get3A_1306 = arith.constant 12 : i32
      %get3A_1307 = arith.index_cast %get3A_1306 : i32 to index
      %get3A_1308 = arith.constant 16 : index
      %get3A_1309 = tpu.vector_load %arg19[%get3A_1307, %get3A_1308] {strides = array<i32>} : memref<16x128xf32, #tpu.memory_space<vmem>>, vector<16xf32>,
      %div3A_1310 = arith.divf %get3A_1309, %add3A_1296 : vector<16xf32>
      %swap3A_1311 = arith.constant 12 : i32
      %swap3A_1312 = arith.index_cast %swap3A_1311 : i32 to index
      %swap3A_1313 = arith.constant 16 : index
      %swap3A_1314 = tpu.vector_load %arg19[%swap3A_1312, %swap3A_1313] {strides = array<i32>} : memref<16x128xf32, #tpu.memory_space<vmem>>, vector<16xf32>,
      tpu.vector_store %arg19[%swap3A_1312, %swap3A_1313], %div3A_1310 {strides = array<i32>} : memref<16x128xf32, #tpu.memory_space<vmem>>, vector<16xf32>,
      %slice3A_1315 = vector.extract_strided_slice %get3A_1290 {offsets = [1], sizes = [1], strides = [1]} : vector<16xf32> to vector<1xf32>
      %squeeze3A_1316 = vector.extract %slice3A_1315[0] : f32 from vector<1xf32>
      %broadcast_in_dim3A_1317 = vector.broadcast %squeeze3A_1316 : f32 to vector<16xf32>
      %add3A_1318 = arith.constant 9.99999993E-9 : f32
      %add3A_1319 = vector.broadcast %add3A_1318 : f32 to vector<16xf32>
      %add3A_1320 = arith.addf %broadcast_in_dim3A_1317, %add3A_1319 : vector<16xf32>
      %get3A_1321 = arith.constant 12 : i32
      %get3A_1322 = arith.index_cast %get3A_1321 : i32 to index
      %get3A_1323 = arith.constant 32 : index
      %get3A_1324 = tpu.vector_load %arg19[%get3A_1322, %get3A_1323] {strides = array<i32>} : memref<16x128xf32, #tpu.memory_space<vmem>>, vector<16xf32>,
      %div3A_1325 = arith.divf %get3A_1324, %add3A_1320 : vector<16xf32>
      %swap3A_1326 = arith.constant 12 : i32
      %swap3A_1327 = arith.index_cast %swap3A_1326 : i32 to index
      %swap3A_1328 = arith.constant 32 : index
      %swap3A_1329 = tpu.vector_load %arg19[%swap3A_1327, %swap3A_1328] {strides = array<i32>} : memref<16x128xf32, #tpu.memory_space<vmem>>, vector<16xf32>,
      tpu.vector_store %arg19[%swap3A_1327, %swap3A_1328], %div3A_1325 {strides = array<i32>} : memref<16x128xf32, #tpu.memory_space<vmem>>, vector<16xf32>,
      %get3A_1330 = arith.constant 12 : i32
      %get3A_1331 = arith.index_cast %get3A_1330 : i32 to index
      %get3A_1332 = arith.constant 48 : index
      %get3A_1333 = tpu.vector_load %arg19[%get3A_1331, %get3A_1332] {strides = array<i32>} : memref<16x128xf32, #tpu.memory_space<vmem>>, vector<16xf32>,
      %div3A_1334 = arith.divf %get3A_1333, %add3A_1320 : vector<16xf32>
      %swap3A_1335 = arith.constant 12 : i32
      %swap3A_1336 = arith.index_cast %swap3A_1335 : i32 to index
      %swap3A_1337 = arith.constant 48 : index
      %swap3A_1338 = tpu.vector_load %arg19[%swap3A_1336, %swap3A_1337] {strides = array<i32>} : memref<16x128xf32, #tpu.memory_space<vmem>>, vector<16xf32>,
      tpu.vector_store %arg19[%swap3A_1336, %swap3A_1337], %div3A_1334 {strides = array<i32>} : memref<16x128xf32, #tpu.memory_space<vmem>>, vector<16xf32>,
      %slice3A_1339 = vector.extract_strided_slice %get3A_1290 {offsets = [2], sizes = [1], strides = [1]} : vector<16xf32> to vector<1xf32>
      %squeeze3A_1340 = vector.extract %slice3A_1339[0] : f32 from vector<1xf32>
      %broadcast_in_dim3A_1341 = vector.broadcast %squeeze3A_1340 : f32 to vector<16xf32>
      %add3A_1342 = arith.constant 9.99999993E-9 : f32
      %add3A_1343 = vector.broadcast %add3A_1342 : f32 to vector<16xf32>
      %add3A_1344 = arith.addf %broadcast_in_dim3A_1341, %add3A_1343 : vector<16xf32>
      %get3A_1345 = arith.constant 12 : i32
      %get3A_1346 = arith.index_cast %get3A_1345 : i32 to index
      %get3A_1347 = arith.constant 64 : index
      %get3A_1348 = tpu.vector_load %arg19[%get3A_1346, %get3A_1347] {strides = array<i32>} : memref<16x128xf32, #tpu.memory_space<vmem>>, vector<16xf32>,
      %div3A_1349 = arith.divf %get3A_1348, %add3A_1344 : vector<16xf32>
      %swap3A_1350 = arith.constant 12 : i32
      %swap3A_1351 = arith.index_cast %swap3A_1350 : i32 to index
      %swap3A_1352 = arith.constant 64 : index
      %swap3A_1353 = tpu.vector_load %arg19[%swap3A_1351, %swap3A_1352] {strides = array<i32>} : memref<16x128xf32, #tpu.memory_space<vmem>>, vector<16xf32>,
      tpu.vector_store %arg19[%swap3A_1351, %swap3A_1352], %div3A_1349 {strides = array<i32>} : memref<16x128xf32, #tpu.memory_space<vmem>>, vector<16xf32>,
      %get3A_1354 = arith.constant 12 : i32
      %get3A_1355 = arith.index_cast %get3A_1354 : i32 to index
      %get3A_1356 = arith.constant 80 : index
      %get3A_1357 = tpu.vector_load %arg19[%get3A_1355, %get3A_1356] {strides = array<i32>} : memref<16x128xf32, #tpu.memory_space<vmem>>, vector<16xf32>,
      %div3A_1358 = arith.divf %get3A_1357, %add3A_1344 : vector<16xf32>
      %swap3A_1359 = arith.constant 12 : i32
      %swap3A_1360 = arith.index_cast %swap3A_1359 : i32 to index
      %swap3A_1361 = arith.constant 80 : index
      %swap3A_1362 = tpu.vector_load %arg19[%swap3A_1360, %swap3A_1361] {strides = array<i32>} : memref<16x128xf32, #tpu.memory_space<vmem>>, vector<16xf32>,
      tpu.vector_store %arg19[%swap3A_1360, %swap3A_1361], %div3A_1358 {strides = array<i32>} : memref<16x128xf32, #tpu.memory_space<vmem>>, vector<16xf32>,
      %slice3A_1363 = vector.extract_strided_slice %get3A_1290 {offsets = [3], sizes = [1], strides = [1]} : vector<16xf32> to vector<1xf32>
      %squeeze3A_1364 = vector.extract %slice3A_1363[0] : f32 from vector<1xf32>
      %broadcast_in_dim3A_1365 = vector.broadcast %squeeze3A_1364 : f32 to vector<16xf32>
      %add3A_1366 = arith.constant 9.99999993E-9 : f32
      %add3A_1367 = vector.broadcast %add3A_1366 : f32 to vector<16xf32>
      %add3A_1368 = arith.addf %broadcast_in_dim3A_1365, %add3A_1367 : vector<16xf32>
      %get3A_1369 = arith.constant 12 : i32
      %get3A_1370 = arith.index_cast %get3A_1369 : i32 to index
      %get3A_1371 = arith.constant 96 : index
      %get3A_1372 = tpu.vector_load %arg19[%get3A_1370, %get3A_1371] {strides = array<i32>} : memref<16x128xf32, #tpu.memory_space<vmem>>, vector<16xf32>,
      %div3A_1373 = arith.divf %get3A_1372, %add3A_1368 : vector<16xf32>
      %swap3A_1374 = arith.constant 12 : i32
      %swap3A_1375 = arith.index_cast %swap3A_1374 : i32 to index
      %swap3A_1376 = arith.constant 96 : index
      %swap3A_1377 = tpu.vector_load %arg19[%swap3A_1375, %swap3A_1376] {strides = array<i32>} : memref<16x128xf32, #tpu.memory_space<vmem>>, vector<16xf32>,
      tpu.vector_store %arg19[%swap3A_1375, %swap3A_1376], %div3A_1373 {strides = array<i32>} : memref<16x128xf32, #tpu.memory_space<vmem>>, vector<16xf32>,
      %get3A_1378 = arith.constant 12 : i32
      %get3A_1379 = arith.index_cast %get3A_1378 : i32 to index
      %get3A_1380 = arith.constant 112 : index
      %get3A_1381 = tpu.vector_load %arg19[%get3A_1379, %get3A_1380] {strides = array<i32>} : memref<16x128xf32, #tpu.memory_space<vmem>>, vector<16xf32>,
      %div3A_1382 = arith.divf %get3A_1381, %add3A_1368 : vector<16xf32>
      %swap3A_1383 = arith.constant 12 : i32
      %swap3A_1384 = arith.index_cast %swap3A_1383 : i32 to index
      %swap3A_1385 = arith.constant 112 : index
      %swap3A_1386 = tpu.vector_load %arg19[%swap3A_1384, %swap3A_1385] {strides = array<i32>} : memref<16x128xf32, #tpu.memory_space<vmem>>, vector<16xf32>,
      tpu.vector_store %arg19[%swap3A_1384, %swap3A_1385], %div3A_1382 {strides = array<i32>} : memref<16x128xf32, #tpu.memory_space<vmem>>, vector<16xf32>,
      %get3A_1387 = arith.constant 1 : i32
      %get3A_1388 = arith.index_cast %get3A_1387 : i32 to index
      %get3A_1389 = arith.constant 80 : index
      %get3A_1390 = tpu.vector_load %arg20[%get3A_1388, %get3A_1389] {strides = array<i32>} : memref<2x128xf32, #tpu.memory_space<vmem>>, vector<16xf32>,
      %slice3A_1391 = vector.extract_strided_slice %get3A_1390 {offsets = [0], sizes = [1], strides = [1]} : vector<16xf32> to vector<1xf32>
      %squeeze3A_1392 = vector.extract %slice3A_1391[0] : f32 from vector<1xf32>
      %broadcast_in_dim3A_1393 = vector.broadcast %squeeze3A_1392 : f32 to vector<16xf32>
      %add3A_1394 = arith.constant 9.99999993E-9 : f32
      %add3A_1395 = vector.broadcast %add3A_1394 : f32 to vector<16xf32>
      %add3A_1396 = arith.addf %broadcast_in_dim3A_1393, %add3A_1395 : vector<16xf32>
      %get3A_1397 = arith.constant 13 : i32
      %get3A_1398 = arith.index_cast %get3A_1397 : i32 to index
      %get3A_1399 = arith.constant 0 : index
      %get3A_1400 = tpu.vector_load %arg19[%get3A_1398, %get3A_1399] {strides = array<i32>} : memref<16x128xf32, #tpu.memory_space<vmem>>, vector<16xf32>,
      %div3A_1401 = arith.divf %get3A_1400, %add3A_1396 : vector<16xf32>
      %swap3A_1402 = arith.constant 13 : i32
      %swap3A_1403 = arith.index_cast %swap3A_1402 : i32 to index
      %swap3A_1404 = arith.constant 0 : index
      %swap3A_1405 = tpu.vector_load %arg19[%swap3A_1403, %swap3A_1404] {strides = array<i32>} : memref<16x128xf32, #tpu.memory_space<vmem>>, vector<16xf32>,
      tpu.vector_store %arg19[%swap3A_1403, %swap3A_1404], %div3A_1401 {strides = array<i32>} : memref<16x128xf32, #tpu.memory_space<vmem>>, vector<16xf32>,
      %get3A_1406 = arith.constant 13 : i32
      %get3A_1407 = arith.index_cast %get3A_1406 : i32 to index
      %get3A_1408 = arith.constant 16 : index
      %get3A_1409 = tpu.vector_load %arg19[%get3A_1407, %get3A_1408] {strides = array<i32>} : memref<16x128xf32, #tpu.memory_space<vmem>>, vector<16xf32>,
      %div3A_1410 = arith.divf %get3A_1409, %add3A_1396 : vector<16xf32>
      %swap3A_1411 = arith.constant 13 : i32
      %swap3A_1412 = arith.index_cast %swap3A_1411 : i32 to index
      %swap3A_1413 = arith.constant 16 : index
      %swap3A_1414 = tpu.vector_load %arg19[%swap3A_1412, %swap3A_1413] {strides = array<i32>} : memref<16x128xf32, #tpu.memory_space<vmem>>, vector<16xf32>,
      tpu.vector_store %arg19[%swap3A_1412, %swap3A_1413], %div3A_1410 {strides = array<i32>} : memref<16x128xf32, #tpu.memory_space<vmem>>, vector<16xf32>,
      %slice3A_1415 = vector.extract_strided_slice %get3A_1390 {offsets = [1], sizes = [1], strides = [1]} : vector<16xf32> to vector<1xf32>
      %squeeze3A_1416 = vector.extract %slice3A_1415[0] : f32 from vector<1xf32>
      %broadcast_in_dim3A_1417 = vector.broadcast %squeeze3A_1416 : f32 to vector<16xf32>
      %add3A_1418 = arith.constant 9.99999993E-9 : f32
      %add3A_1419 = vector.broadcast %add3A_1418 : f32 to vector<16xf32>
      %add3A_1420 = arith.addf %broadcast_in_dim3A_1417, %add3A_1419 : vector<16xf32>
      %get3A_1421 = arith.constant 13 : i32
      %get3A_1422 = arith.index_cast %get3A_1421 : i32 to index
      %get3A_1423 = arith.constant 32 : index
      %get3A_1424 = tpu.vector_load %arg19[%get3A_1422, %get3A_1423] {strides = array<i32>} : memref<16x128xf32, #tpu.memory_space<vmem>>, vector<16xf32>,
      %div3A_1425 = arith.divf %get3A_1424, %add3A_1420 : vector<16xf32>
      %swap3A_1426 = arith.constant 13 : i32
      %swap3A_1427 = arith.index_cast %swap3A_1426 : i32 to index
      %swap3A_1428 = arith.constant 32 : index
      %swap3A_1429 = tpu.vector_load %arg19[%swap3A_1427, %swap3A_1428] {strides = array<i32>} : memref<16x128xf32, #tpu.memory_space<vmem>>, vector<16xf32>,
      tpu.vector_store %arg19[%swap3A_1427, %swap3A_1428], %div3A_1425 {strides = array<i32>} : memref<16x128xf32, #tpu.memory_space<vmem>>, vector<16xf32>,
      %get3A_1430 = arith.constant 13 : i32
      %get3A_1431 = arith.index_cast %get3A_1430 : i32 to index
      %get3A_1432 = arith.constant 48 : index
      %get3A_1433 = tpu.vector_load %arg19[%get3A_1431, %get3A_1432] {strides = array<i32>} : memref<16x128xf32, #tpu.memory_space<vmem>>, vector<16xf32>,
      %div3A_1434 = arith.divf %get3A_1433, %add3A_1420 : vector<16xf32>
      %swap3A_1435 = arith.constant 13 : i32
      %swap3A_1436 = arith.index_cast %swap3A_1435 : i32 to index
      %swap3A_1437 = arith.constant 48 : index
      %swap3A_1438 = tpu.vector_load %arg19[%swap3A_1436, %swap3A_1437] {strides = array<i32>} : memref<16x128xf32, #tpu.memory_space<vmem>>, vector<16xf32>,
      tpu.vector_store %arg19[%swap3A_1436, %swap3A_1437], %div3A_1434 {strides = array<i32>} : memref<16x128xf32, #tpu.memory_space<vmem>>, vector<16xf32>,
      %slice3A_1439 = vector.extract_strided_slice %get3A_1390 {offsets = [2], sizes = [1], strides = [1]} : vector<16xf32> to vector<1xf32>
      %squeeze3A_1440 = vector.extract %slice3A_1439[0] : f32 from vector<1xf32>
      %broadcast_in_dim3A_1441 = vector.broadcast %squeeze3A_1440 : f32 to vector<16xf32>
      %add3A_1442 = arith.constant 9.99999993E-9 : f32
      %add3A_1443 = vector.broadcast %add3A_1442 : f32 to vector<16xf32>
      %add3A_1444 = arith.addf %broadcast_in_dim3A_1441, %add3A_1443 : vector<16xf32>
      %get3A_1445 = arith.constant 13 : i32
      %get3A_1446 = arith.index_cast %get3A_1445 : i32 to index
      %get3A_1447 = arith.constant 64 : index
      %get3A_1448 = tpu.vector_load %arg19[%get3A_1446, %get3A_1447] {strides = array<i32>} : memref<16x128xf32, #tpu.memory_space<vmem>>, vector<16xf32>,
      %div3A_1449 = arith.divf %get3A_1448, %add3A_1444 : vector<16xf32>
      %swap3A_1450 = arith.constant 13 : i32
      %swap3A_1451 = arith.index_cast %swap3A_1450 : i32 to index
      %swap3A_1452 = arith.constant 64 : index
      %swap3A_1453 = tpu.vector_load %arg19[%swap3A_1451, %swap3A_1452] {strides = array<i32>} : memref<16x128xf32, #tpu.memory_space<vmem>>, vector<16xf32>,
      tpu.vector_store %arg19[%swap3A_1451, %swap3A_1452], %div3A_1449 {strides = array<i32>} : memref<16x128xf32, #tpu.memory_space<vmem>>, vector<16xf32>,
      %get3A_1454 = arith.constant 13 : i32
      %get3A_1455 = arith.index_cast %get3A_1454 : i32 to index
      %get3A_1456 = arith.constant 80 : index
      %get3A_1457 = tpu.vector_load %arg19[%get3A_1455, %get3A_1456] {strides = array<i32>} : memref<16x128xf32, #tpu.memory_space<vmem>>, vector<16xf32>,
      %div3A_1458 = arith.divf %get3A_1457, %add3A_1444 : vector<16xf32>
      %swap3A_1459 = arith.constant 13 : i32
      %swap3A_1460 = arith.index_cast %swap3A_1459 : i32 to index
      %swap3A_1461 = arith.constant 80 : index
      %swap3A_1462 = tpu.vector_load %arg19[%swap3A_1460, %swap3A_1461] {strides = array<i32>} : memref<16x128xf32, #tpu.memory_space<vmem>>, vector<16xf32>,
      tpu.vector_store %arg19[%swap3A_1460, %swap3A_1461], %div3A_1458 {strides = array<i32>} : memref<16x128xf32, #tpu.memory_space<vmem>>, vector<16xf32>,
      %slice3A_1463 = vector.extract_strided_slice %get3A_1390 {offsets = [3], sizes = [1], strides = [1]} : vector<16xf32> to vector<1xf32>
      %squeeze3A_1464 = vector.extract %slice3A_1463[0] : f32 from vector<1xf32>
      %broadcast_in_dim3A_1465 = vector.broadcast %squeeze3A_1464 : f32 to vector<16xf32>
      %add3A_1466 = arith.constant 9.99999993E-9 : f32
      %add3A_1467 = vector.broadcast %add3A_1466 : f32 to vector<16xf32>
      %add3A_1468 = arith.addf %broadcast_in_dim3A_1465, %add3A_1467 : vector<16xf32>
      %get3A_1469 = arith.constant 13 : i32
      %get3A_1470 = arith.index_cast %get3A_1469 : i32 to index
      %get3A_1471 = arith.constant 96 : index
      %get3A_1472 = tpu.vector_load %arg19[%get3A_1470, %get3A_1471] {strides = array<i32>} : memref<16x128xf32, #tpu.memory_space<vmem>>, vector<16xf32>,
      %div3A_1473 = arith.divf %get3A_1472, %add3A_1468 : vector<16xf32>
      %swap3A_1474 = arith.constant 13 : i32
      %swap3A_1475 = arith.index_cast %swap3A_1474 : i32 to index
      %swap3A_1476 = arith.constant 96 : index
      %swap3A_1477 = tpu.vector_load %arg19[%swap3A_1475, %swap3A_1476] {strides = array<i32>} : memref<16x128xf32, #tpu.memory_space<vmem>>, vector<16xf32>,
      tpu.vector_store %arg19[%swap3A_1475, %swap3A_1476], %div3A_1473 {strides = array<i32>} : memref<16x128xf32, #tpu.memory_space<vmem>>, vector<16xf32>,
      %get3A_1478 = arith.constant 13 : i32
      %get3A_1479 = arith.index_cast %get3A_1478 : i32 to index
      %get3A_1480 = arith.constant 112 : index
      %get3A_1481 = tpu.vector_load %arg19[%get3A_1479, %get3A_1480] {strides = array<i32>} : memref<16x128xf32, #tpu.memory_space<vmem>>, vector<16xf32>,
      %div3A_1482 = arith.divf %get3A_1481, %add3A_1468 : vector<16xf32>
      %swap3A_1483 = arith.constant 13 : i32
      %swap3A_1484 = arith.index_cast %swap3A_1483 : i32 to index
      %swap3A_1485 = arith.constant 112 : index
      %swap3A_1486 = tpu.vector_load %arg19[%swap3A_1484, %swap3A_1485] {strides = array<i32>} : memref<16x128xf32, #tpu.memory_space<vmem>>, vector<16xf32>,
      tpu.vector_store %arg19[%swap3A_1484, %swap3A_1485], %div3A_1482 {strides = array<i32>} : memref<16x128xf32, #tpu.memory_space<vmem>>, vector<16xf32>,
      %get3A_1487 = arith.constant 1 : i32
      %get3A_1488 = arith.index_cast %get3A_1487 : i32 to index
      %get3A_1489 = arith.constant 96 : index
      %get3A_1490 = tpu.vector_load %arg20[%get3A_1488, %get3A_1489] {strides = array<i32>} : memref<2x128xf32, #tpu.memory_space<vmem>>, vector<16xf32>,
      %slice3A_1491 = vector.extract_strided_slice %get3A_1490 {offsets = [0], sizes = [1], strides = [1]} : vector<16xf32> to vector<1xf32>
      %squeeze3A_1492 = vector.extract %slice3A_1491[0] : f32 from vector<1xf32>
      %broadcast_in_dim3A_1493 = vector.broadcast %squeeze3A_1492 : f32 to vector<16xf32>
      %add3A_1494 = arith.constant 9.99999993E-9 : f32
      %add3A_1495 = vector.broadcast %add3A_1494 : f32 to vector<16xf32>
      %add3A_1496 = arith.addf %broadcast_in_dim3A_1493, %add3A_1495 : vector<16xf32>
      %get3A_1497 = arith.constant 14 : i32
      %get3A_1498 = arith.index_cast %get3A_1497 : i32 to index
      %get3A_1499 = arith.constant 0 : index
      %get3A_1500 = tpu.vector_load %arg19[%get3A_1498, %get3A_1499] {strides = array<i32>} : memref<16x128xf32, #tpu.memory_space<vmem>>, vector<16xf32>,
      %div3A_1501 = arith.divf %get3A_1500, %add3A_1496 : vector<16xf32>
      %swap3A_1502 = arith.constant 14 : i32
      %swap3A_1503 = arith.index_cast %swap3A_1502 : i32 to index
      %swap3A_1504 = arith.constant 0 : index
      %swap3A_1505 = tpu.vector_load %arg19[%swap3A_1503, %swap3A_1504] {strides = array<i32>} : memref<16x128xf32, #tpu.memory_space<vmem>>, vector<16xf32>,
      tpu.vector_store %arg19[%swap3A_1503, %swap3A_1504], %div3A_1501 {strides = array<i32>} : memref<16x128xf32, #tpu.memory_space<vmem>>, vector<16xf32>,
      %get3A_1506 = arith.constant 14 : i32
      %get3A_1507 = arith.index_cast %get3A_1506 : i32 to index
      %get3A_1508 = arith.constant 16 : index
      %get3A_1509 = tpu.vector_load %arg19[%get3A_1507, %get3A_1508] {strides = array<i32>} : memref<16x128xf32, #tpu.memory_space<vmem>>, vector<16xf32>,
      %div3A_1510 = arith.divf %get3A_1509, %add3A_1496 : vector<16xf32>
      %swap3A_1511 = arith.constant 14 : i32
      %swap3A_1512 = arith.index_cast %swap3A_1511 : i32 to index
      %swap3A_1513 = arith.constant 16 : index
      %swap3A_1514 = tpu.vector_load %arg19[%swap3A_1512, %swap3A_1513] {strides = array<i32>} : memref<16x128xf32, #tpu.memory_space<vmem>>, vector<16xf32>,
      tpu.vector_store %arg19[%swap3A_1512, %swap3A_1513], %div3A_1510 {strides = array<i32>} : memref<16x128xf32, #tpu.memory_space<vmem>>, vector<16xf32>,
      %slice3A_1515 = vector.extract_strided_slice %get3A_1490 {offsets = [1], sizes = [1], strides = [1]} : vector<16xf32> to vector<1xf32>
      %squeeze3A_1516 = vector.extract %slice3A_1515[0] : f32 from vector<1xf32>
      %broadcast_in_dim3A_1517 = vector.broadcast %squeeze3A_1516 : f32 to vector<16xf32>
      %add3A_1518 = arith.constant 9.99999993E-9 : f32
      %add3A_1519 = vector.broadcast %add3A_1518 : f32 to vector<16xf32>
      %add3A_1520 = arith.addf %broadcast_in_dim3A_1517, %add3A_1519 : vector<16xf32>
      %get3A_1521 = arith.constant 14 : i32
      %get3A_1522 = arith.index_cast %get3A_1521 : i32 to index
      %get3A_1523 = arith.constant 32 : index
      %get3A_1524 = tpu.vector_load %arg19[%get3A_1522, %get3A_1523] {strides = array<i32>} : memref<16x128xf32, #tpu.memory_space<vmem>>, vector<16xf32>,
      %div3A_1525 = arith.divf %get3A_1524, %add3A_1520 : vector<16xf32>
      %swap3A_1526 = arith.constant 14 : i32
      %swap3A_1527 = arith.index_cast %swap3A_1526 : i32 to index
      %swap3A_1528 = arith.constant 32 : index
      %swap3A_1529 = tpu.vector_load %arg19[%swap3A_1527, %swap3A_1528] {strides = array<i32>} : memref<16x128xf32, #tpu.memory_space<vmem>>, vector<16xf32>,
      tpu.vector_store %arg19[%swap3A_1527, %swap3A_1528], %div3A_1525 {strides = array<i32>} : memref<16x128xf32, #tpu.memory_space<vmem>>, vector<16xf32>,
      %get3A_1530 = arith.constant 14 : i32
      %get3A_1531 = arith.index_cast %get3A_1530 : i32 to index
      %get3A_1532 = arith.constant 48 : index
      %get3A_1533 = tpu.vector_load %arg19[%get3A_1531, %get3A_1532] {strides = array<i32>} : memref<16x128xf32, #tpu.memory_space<vmem>>, vector<16xf32>,
      %div3A_1534 = arith.divf %get3A_1533, %add3A_1520 : vector<16xf32>
      %swap3A_1535 = arith.constant 14 : i32
      %swap3A_1536 = arith.index_cast %swap3A_1535 : i32 to index
      %swap3A_1537 = arith.constant 48 : index
      %swap3A_1538 = tpu.vector_load %arg19[%swap3A_1536, %swap3A_1537] {strides = array<i32>} : memref<16x128xf32, #tpu.memory_space<vmem>>, vector<16xf32>,
      tpu.vector_store %arg19[%swap3A_1536, %swap3A_1537], %div3A_1534 {strides = array<i32>} : memref<16x128xf32, #tpu.memory_space<vmem>>, vector<16xf32>,
      %slice3A_1539 = vector.extract_strided_slice %get3A_1490 {offsets = [2], sizes = [1], strides = [1]} : vector<16xf32> to vector<1xf32>
      %squeeze3A_1540 = vector.extract %slice3A_1539[0] : f32 from vector<1xf32>
      %broadcast_in_dim3A_1541 = vector.broadcast %squeeze3A_1540 : f32 to vector<16xf32>
      %add3A_1542 = arith.constant 9.99999993E-9 : f32
      %add3A_1543 = vector.broadcast %add3A_1542 : f32 to vector<16xf32>
      %add3A_1544 = arith.addf %broadcast_in_dim3A_1541, %add3A_1543 : vector<16xf32>
      %get3A_1545 = arith.constant 14 : i32
      %get3A_1546 = arith.index_cast %get3A_1545 : i32 to index
      %get3A_1547 = arith.constant 64 : index
      %get3A_1548 = tpu.vector_load %arg19[%get3A_1546, %get3A_1547] {strides = array<i32>} : memref<16x128xf32, #tpu.memory_space<vmem>>, vector<16xf32>,
      %div3A_1549 = arith.divf %get3A_1548, %add3A_1544 : vector<16xf32>
      %swap3A_1550 = arith.constant 14 : i32
      %swap3A_1551 = arith.index_cast %swap3A_1550 : i32 to index
      %swap3A_1552 = arith.constant 64 : index
      %swap3A_1553 = tpu.vector_load %arg19[%swap3A_1551, %swap3A_1552] {strides = array<i32>} : memref<16x128xf32, #tpu.memory_space<vmem>>, vector<16xf32>,
      tpu.vector_store %arg19[%swap3A_1551, %swap3A_1552], %div3A_1549 {strides = array<i32>} : memref<16x128xf32, #tpu.memory_space<vmem>>, vector<16xf32>,
      %get3A_1554 = arith.constant 14 : i32
      %get3A_1555 = arith.index_cast %get3A_1554 : i32 to index
      %get3A_1556 = arith.constant 80 : index
      %get3A_1557 = tpu.vector_load %arg19[%get3A_1555, %get3A_1556] {strides = array<i32>} : memref<16x128xf32, #tpu.memory_space<vmem>>, vector<16xf32>,
      %div3A_1558 = arith.divf %get3A_1557, %add3A_1544 : vector<16xf32>
      %swap3A_1559 = arith.constant 14 : i32
      %swap3A_1560 = arith.index_cast %swap3A_1559 : i32 to index
      %swap3A_1561 = arith.constant 80 : index
      %swap3A_1562 = tpu.vector_load %arg19[%swap3A_1560, %swap3A_1561] {strides = array<i32>} : memref<16x128xf32, #tpu.memory_space<vmem>>, vector<16xf32>,
      tpu.vector_store %arg19[%swap3A_1560, %swap3A_1561], %div3A_1558 {strides = array<i32>} : memref<16x128xf32, #tpu.memory_space<vmem>>, vector<16xf32>,
      %slice3A_1563 = vector.extract_strided_slice %get3A_1490 {offsets = [3], sizes = [1], strides = [1]} : vector<16xf32> to vector<1xf32>
      %squeeze3A_1564 = vector.extract %slice3A_1563[0] : f32 from vector<1xf32>
      %broadcast_in_dim3A_1565 = vector.broadcast %squeeze3A_1564 : f32 to vector<16xf32>
      %add3A_1566 = arith.constant 9.99999993E-9 : f32
      %add3A_1567 = vector.broadcast %add3A_1566 : f32 to vector<16xf32>
      %add3A_1568 = arith.addf %broadcast_in_dim3A_1565, %add3A_1567 : vector<16xf32>
      %get3A_1569 = arith.constant 14 : i32
      %get3A_1570 = arith.index_cast %get3A_1569 : i32 to index
      %get3A_1571 = arith.constant 96 : index
      %get3A_1572 = tpu.vector_load %arg19[%get3A_1570, %get3A_1571] {strides = array<i32>} : memref<16x128xf32, #tpu.memory_space<vmem>>, vector<16xf32>,
      %div3A_1573 = arith.divf %get3A_1572, %add3A_1568 : vector<16xf32>
      %swap3A_1574 = arith.constant 14 : i32
      %swap3A_1575 = arith.index_cast %swap3A_1574 : i32 to index
      %swap3A_1576 = arith.constant 96 : index
      %swap3A_1577 = tpu.vector_load %arg19[%swap3A_1575, %swap3A_1576] {strides = array<i32>} : memref<16x128xf32, #tpu.memory_space<vmem>>, vector<16xf32>,
      tpu.vector_store %arg19[%swap3A_1575, %swap3A_1576], %div3A_1573 {strides = array<i32>} : memref<16x128xf32, #tpu.memory_space<vmem>>, vector<16xf32>,
      %get3A_1578 = arith.constant 14 : i32
      %get3A_1579 = arith.index_cast %get3A_1578 : i32 to index
      %get3A_1580 = arith.constant 112 : index
      %get3A_1581 = tpu.vector_load %arg19[%get3A_1579, %get3A_1580] {strides = array<i32>} : memref<16x128xf32, #tpu.memory_space<vmem>>, vector<16xf32>,
      %div3A_1582 = arith.divf %get3A_1581, %add3A_1568 : vector<16xf32>
      %swap3A_1583 = arith.constant 14 : i32
      %swap3A_1584 = arith.index_cast %swap3A_1583 : i32 to index
      %swap3A_1585 = arith.constant 112 : index
      %swap3A_1586 = tpu.vector_load %arg19[%swap3A_1584, %swap3A_1585] {strides = array<i32>} : memref<16x128xf32, #tpu.memory_space<vmem>>, vector<16xf32>,
      tpu.vector_store %arg19[%swap3A_1584, %swap3A_1585], %div3A_1582 {strides = array<i32>} : memref<16x128xf32, #tpu.memory_space<vmem>>, vector<16xf32>,
      %get3A_1587 = arith.constant 1 : i32
      %get3A_1588 = arith.index_cast %get3A_1587 : i32 to index
      %get3A_1589 = arith.constant 112 : index
      %get3A_1590 = tpu.vector_load %arg20[%get3A_1588, %get3A_1589] {strides = array<i32>} : memref<2x128xf32, #tpu.memory_space<vmem>>, vector<16xf32>,
      %slice3A_1591 = vector.extract_strided_slice %get3A_1590 {offsets = [0], sizes = [1], strides = [1]} : vector<16xf32> to vector<1xf32>
      %squeeze3A_1592 = vector.extract %slice3A_1591[0] : f32 from vector<1xf32>
      %broadcast_in_dim3A_1593 = vector.broadcast %squeeze3A_1592 : f32 to vector<16xf32>
      %add3A_1594 = arith.constant 9.99999993E-9 : f32
      %add3A_1595 = vector.broadcast %add3A_1594 : f32 to vector<16xf32>
      %add3A_1596 = arith.addf %broadcast_in_dim3A_1593, %add3A_1595 : vector<16xf32>
      %get3A_1597 = arith.constant 15 : i32
      %get3A_1598 = arith.index_cast %get3A_1597 : i32 to index
      %get3A_1599 = arith.constant 0 : index
      %get3A_1600 = tpu.vector_load %arg19[%get3A_1598, %get3A_1599] {strides = array<i32>} : memref<16x128xf32, #tpu.memory_space<vmem>>, vector<16xf32>,
      %div3A_1601 = arith.divf %get3A_1600, %add3A_1596 : vector<16xf32>
      %swap3A_1602 = arith.constant 15 : i32
      %swap3A_1603 = arith.index_cast %swap3A_1602 : i32 to index
      %swap3A_1604 = arith.constant 0 : index
      %swap3A_1605 = tpu.vector_load %arg19[%swap3A_1603, %swap3A_1604] {strides = array<i32>} : memref<16x128xf32, #tpu.memory_space<vmem>>, vector<16xf32>,
      tpu.vector_store %arg19[%swap3A_1603, %swap3A_1604], %div3A_1601 {strides = array<i32>} : memref<16x128xf32, #tpu.memory_space<vmem>>, vector<16xf32>,
      %get3A_1606 = arith.constant 15 : i32
      %get3A_1607 = arith.index_cast %get3A_1606 : i32 to index
      %get3A_1608 = arith.constant 16 : index
      %get3A_1609 = tpu.vector_load %arg19[%get3A_1607, %get3A_1608] {strides = array<i32>} : memref<16x128xf32, #tpu.memory_space<vmem>>, vector<16xf32>,
      %div3A_1610 = arith.divf %get3A_1609, %add3A_1596 : vector<16xf32>
      %swap3A_1611 = arith.constant 15 : i32
      %swap3A_1612 = arith.index_cast %swap3A_1611 : i32 to index
      %swap3A_1613 = arith.constant 16 : index
      %swap3A_1614 = tpu.vector_load %arg19[%swap3A_1612, %swap3A_1613] {strides = array<i32>} : memref<16x128xf32, #tpu.memory_space<vmem>>, vector<16xf32>,
      tpu.vector_store %arg19[%swap3A_1612, %swap3A_1613], %div3A_1610 {strides = array<i32>} : memref<16x128xf32, #tpu.memory_space<vmem>>, vector<16xf32>,
      %slice3A_1615 = vector.extract_strided_slice %get3A_1590 {offsets = [1], sizes = [1], strides = [1]} : vector<16xf32> to vector<1xf32>
      %squeeze3A_1616 = vector.extract %slice3A_1615[0] : f32 from vector<1xf32>
      %broadcast_in_dim3A_1617 = vector.broadcast %squeeze3A_1616 : f32 to vector<16xf32>
      %add3A_1618 = arith.constant 9.99999993E-9 : f32
      %add3A_1619 = vector.broadcast %add3A_1618 : f32 to vector<16xf32>
      %add3A_1620 = arith.addf %broadcast_in_dim3A_1617, %add3A_1619 : vector<16xf32>
      %get3A_1621 = arith.constant 15 : i32
      %get3A_1622 = arith.index_cast %get3A_1621 : i32 to index
      %get3A_1623 = arith.constant 32 : index
      %get3A_1624 = tpu.vector_load %arg19[%get3A_1622, %get3A_1623] {strides = array<i32>} : memref<16x128xf32, #tpu.memory_space<vmem>>, vector<16xf32>,
      %div3A_1625 = arith.divf %get3A_1624, %add3A_1620 : vector<16xf32>
      %swap3A_1626 = arith.constant 15 : i32
      %swap3A_1627 = arith.index_cast %swap3A_1626 : i32 to index
      %swap3A_1628 = arith.constant 32 : index
      %swap3A_1629 = tpu.vector_load %arg19[%swap3A_1627, %swap3A_1628] {strides = array<i32>} : memref<16x128xf32, #tpu.memory_space<vmem>>, vector<16xf32>,
      tpu.vector_store %arg19[%swap3A_1627, %swap3A_1628], %div3A_1625 {strides = array<i32>} : memref<16x128xf32, #tpu.memory_space<vmem>>, vector<16xf32>,
      %get3A_1630 = arith.constant 15 : i32
      %get3A_1631 = arith.index_cast %get3A_1630 : i32 to index
      %get3A_1632 = arith.constant 48 : index
      %get3A_1633 = tpu.vector_load %arg19[%get3A_1631, %get3A_1632] {strides = array<i32>} : memref<16x128xf32, #tpu.memory_space<vmem>>, vector<16xf32>,
      %div3A_1634 = arith.divf %get3A_1633, %add3A_1620 : vector<16xf32>
      %swap3A_1635 = arith.constant 15 : i32
      %swap3A_1636 = arith.index_cast %swap3A_1635 : i32 to index
      %swap3A_1637 = arith.constant 48 : index
      %swap3A_1638 = tpu.vector_load %arg19[%swap3A_1636, %swap3A_1637] {strides = array<i32>} : memref<16x128xf32, #tpu.memory_space<vmem>>, vector<16xf32>,
      tpu.vector_store %arg19[%swap3A_1636, %swap3A_1637], %div3A_1634 {strides = array<i32>} : memref<16x128xf32, #tpu.memory_space<vmem>>, vector<16xf32>,
      %slice3A_1639 = vector.extract_strided_slice %get3A_1590 {offsets = [2], sizes = [1], strides = [1]} : vector<16xf32> to vector<1xf32>
      %squeeze3A_1640 = vector.extract %slice3A_1639[0] : f32 from vector<1xf32>
      %broadcast_in_dim3A_1641 = vector.broadcast %squeeze3A_1640 : f32 to vector<16xf32>
      %add3A_1642 = arith.constant 9.99999993E-9 : f32
      %add3A_1643 = vector.broadcast %add3A_1642 : f32 to vector<16xf32>
      %add3A_1644 = arith.addf %broadcast_in_dim3A_1641, %add3A_1643 : vector<16xf32>
      %get3A_1645 = arith.constant 15 : i32
      %get3A_1646 = arith.index_cast %get3A_1645 : i32 to index
      %get3A_1647 = arith.constant 64 : index
      %get3A_1648 = tpu.vector_load %arg19[%get3A_1646, %get3A_1647] {strides = array<i32>} : memref<16x128xf32, #tpu.memory_space<vmem>>, vector<16xf32>,
      %div3A_1649 = arith.divf %get3A_1648, %add3A_1644 : vector<16xf32>
      %swap3A_1650 = arith.constant 15 : i32
      %swap3A_1651 = arith.index_cast %swap3A_1650 : i32 to index
      %swap3A_1652 = arith.constant 64 : index
      %swap3A_1653 = tpu.vector_load %arg19[%swap3A_1651, %swap3A_1652] {strides = array<i32>} : memref<16x128xf32, #tpu.memory_space<vmem>>, vector<16xf32>,
      tpu.vector_store %arg19[%swap3A_1651, %swap3A_1652], %div3A_1649 {strides = array<i32>} : memref<16x128xf32, #tpu.memory_space<vmem>>, vector<16xf32>,
      %get3A_1654 = arith.constant 15 : i32
      %get3A_1655 = arith.index_cast %get3A_1654 : i32 to index
      %get3A_1656 = arith.constant 80 : index
      %get3A_1657 = tpu.vector_load %arg19[%get3A_1655, %get3A_1656] {strides = array<i32>} : memref<16x128xf32, #tpu.memory_space<vmem>>, vector<16xf32>,
      %div3A_1658 = arith.divf %get3A_1657, %add3A_1644 : vector<16xf32>
      %swap3A_1659 = arith.constant 15 : i32
      %swap3A_1660 = arith.index_cast %swap3A_1659 : i32 to index
      %swap3A_1661 = arith.constant 80 : index
      %swap3A_1662 = tpu.vector_load %arg19[%swap3A_1660, %swap3A_1661] {strides = array<i32>} : memref<16x128xf32, #tpu.memory_space<vmem>>, vector<16xf32>,
      tpu.vector_store %arg19[%swap3A_1660, %swap3A_1661], %div3A_1658 {strides = array<i32>} : memref<16x128xf32, #tpu.memory_space<vmem>>, vector<16xf32>,
      %slice3A_1663 = vector.extract_strided_slice %get3A_1590 {offsets = [3], sizes = [1], strides = [1]} : vector<16xf32> to vector<1xf32>
      %squeeze3A_1664 = vector.extract %slice3A_1663[0] : f32 from vector<1xf32>
      %broadcast_in_dim3A_1665 = vector.broadcast %squeeze3A_1664 : f32 to vector<16xf32>
      %add3A_1666 = arith.constant 9.99999993E-9 : f32
      %add3A_1667 = vector.broadcast %add3A_1666 : f32 to vector<16xf32>
      %add3A_1668 = arith.addf %broadcast_in_dim3A_1665, %add3A_1667 : vector<16xf32>
      %get3A_1669 = arith.constant 15 : i32
      %get3A_1670 = arith.index_cast %get3A_1669 : i32 to index
      %get3A_1671 = arith.constant 96 : index
      %get3A_1672 = tpu.vector_load %arg19[%get3A_1670, %get3A_1671] {strides = array<i32>} : memref<16x128xf32, #tpu.memory_space<vmem>>, vector<16xf32>,
      %div3A_1673 = arith.divf %get3A_1672, %add3A_1668 : vector<16xf32>
      %swap3A_1674 = arith.constant 15 : i32
      %swap3A_1675 = arith.index_cast %swap3A_1674 : i32 to index
      %swap3A_1676 = arith.constant 96 : index
      %swap3A_1677 = tpu.vector_load %arg19[%swap3A_1675, %swap3A_1676] {strides = array<i32>} : memref<16x128xf32, #tpu.memory_space<vmem>>, vector<16xf32>,
      tpu.vector_store %arg19[%swap3A_1675, %swap3A_1676], %div3A_1673 {strides = array<i32>} : memref<16x128xf32, #tpu.memory_space<vmem>>, vector<16xf32>,
      %get3A_1678 = arith.constant 15 : i32
      %get3A_1679 = arith.index_cast %get3A_1678 : i32 to index
      %get3A_1680 = arith.constant 112 : index
      %get3A_1681 = tpu.vector_load %arg19[%get3A_1679, %get3A_1680] {strides = array<i32>} : memref<16x128xf32, #tpu.memory_space<vmem>>, vector<16xf32>,
      %div3A_1682 = arith.divf %get3A_1681, %add3A_1668 : vector<16xf32>
      %swap3A_1683 = arith.constant 15 : i32
      %swap3A_1684 = arith.index_cast %swap3A_1683 : i32 to index
      %swap3A_1685 = arith.constant 112 : index
      %swap3A_1686 = tpu.vector_load %arg19[%swap3A_1684, %swap3A_1685] {strides = array<i32>} : memref<16x128xf32, #tpu.memory_space<vmem>>, vector<16xf32>,
      tpu.vector_store %arg19[%swap3A_1684, %swap3A_1685], %div3A_1682 {strides = array<i32>} : memref<16x128xf32, #tpu.memory_space<vmem>>, vector<16xf32>,
      %mul3A_1687 = arith.constant 10240 : i32
      %mul3A_1688 = arith.muli %arg0, %mul3A_1687 : i32
      %add3A_1689 = arith.addi %mul3A_1688, %add3A_83 : i32
      "tpu.region"() ({
        %run_scoped3A = tpu.sem_alloc : memref<!tpu.dma_semaphore, #tpu.memory_space<semaphore_mem>>
        %dma_start3A = arith.constant 0 : i32
        %dma_start3A_1690 = tpu.memref_slice %arg7[%add3A_1689, %dma_start3A] : memref<20480x128xf32, #tpu.memory_space<hbm>> -> memref<16x128xf32, #tpu.memory_space<hbm>>
        %dma_start3A_1691 = arith.constant 0 : i32
        %dma_start3A_1692 = tpu.memref_slice %arg7[%add3A_1689, %dma_start3A_1691] : memref<20480x128xf32, #tpu.memory_space<hbm>> -> memref<16x128xf32, #tpu.memory_space<hbm>>
        tpu.enqueue_dma source(%arg19 : memref<16x128xf32, #tpu.memory_space<vmem>>) target(%dma_start3A_1692 : memref<16x128xf32, #tpu.memory_space<hbm>>) target_semaphore(%run_scoped3A : memref<!tpu.dma_semaphore, #tpu.memory_space<semaphore_mem>>)
        %dma_wait3A = arith.constant 0 : i32
        %dma_wait3A_1693 = tpu.memref_slice %arg7[%add3A_1689, %dma_wait3A] : memref<20480x128xf32, #tpu.memory_space<hbm>> -> memref<16x128xf32, #tpu.memory_space<hbm>>
        %dma_wait3A_1694 = arith.constant 0 : i32
        %dma_wait3A_1695 = tpu.memref_slice %arg7[%add3A_1689, %dma_wait3A_1694] : memref<20480x128xf32, #tpu.memory_space<hbm>> -> memref<16x128xf32, #tpu.memory_space<hbm>>
        tpu.wait_dma2 semaphore(%run_scoped3A : memref<!tpu.dma_semaphore, #tpu.memory_space<semaphore_mem>>) src(%arg19 : memref<16x128xf32, #tpu.memory_space<vmem>>) dst(%dma_wait3A_1695 : memref<16x128xf32, #tpu.memory_space<hbm>>)
        tpu.yield
      }) : () -> ()
    }
    %scan3A_75 = arith.constant 40 : i32
    return
  }
}

module attributes {stable_mosaic.version = 14 : i64} {
  func.func @_qkv_body(%arg0: i32, %arg1: memref<1000x256xf32, #tpu.memory_space<vmem>>, %arg2: memref<256x256xf32, #tpu.memory_space<vmem>>, %arg3: memref<256x256xf32, #tpu.memory_space<vmem>>, %arg4: memref<256x256xf32, #tpu.memory_space<vmem>>, %arg5: memref<2x1000x128xf32, #tpu.memory_space<vmem>>, %arg6: memref<2x1000x128xf32, #tpu.memory_space<vmem>>, %arg7: memref<2x1000x128xf32, #tpu.memory_space<vmem>>) attributes {dimension_semantics = [#tpu.dimension_semantics<arbitrary>], iteration_bounds = array<i64: 10>, scalar_prefetch = 0 : i64, scratch_operands = 0 : i64, tpu.core_type = #tpu.core_type<tc>, window_params = [{transform_indices = @transform_0, window_bounds = array<i64: 1000, 256>}, {pipeline_mode = #tpu.pipeline_mode<synchronous>, transform_indices = @transform_1, window_bounds = array<i64: 256, 256>}, {pipeline_mode = #tpu.pipeline_mode<synchronous>, transform_indices = @transform_2, window_bounds = array<i64: 256, 256>}, {pipeline_mode = #tpu.pipeline_mode<synchronous>, transform_indices = @transform_3, window_bounds = array<i64: 256, 256>}, {transform_indices = @transform_4, window_bounds = array<i64: 2, 1000, 128>}, {transform_indices = @transform_5, window_bounds = array<i64: 2, 1000, 128>}, {transform_indices = @transform_6, window_bounds = array<i64: 2, 1000, 128>}]} {
    %get3A = arith.constant 0 : index
    %get3A_0 = arith.constant 0 : index
    %get3A_1 = vector.load %arg1[%get3A, %get3A_0] : memref<1000x256xf32, #tpu.memory_space<vmem>>, vector<1000x256xf32>
    %get3A_2 = arith.constant 0 : index
    %get3A_3 = arith.constant 0 : index
    %get3A_4 = vector.load %arg2[%get3A_2, %get3A_3] : memref<256x256xf32, #tpu.memory_space<vmem>>, vector<256x256xf32>
    %dot_general3A = arith.constant dense<0.000000e+00> : vector<1000x256xf32>
    %dot_general3A_5 = tpu.matmul %get3A_1, %get3A_4, %dot_general3A {dimension_numbers = #tpu.dot_dimension_numbers<[1], [0], [0], [1], [0, 0, 1, 1], [], []>, transpose_lhs_hint = false} : vector<1000x256xf32>, vector<256x256xf32>, vector<1000x256xf32> -> vector<1000x256xf32>
    %get3A_6 = arith.constant 0 : index
    %get3A_7 = arith.constant 0 : index
    %get3A_8 = vector.load %arg3[%get3A_6, %get3A_7] : memref<256x256xf32, #tpu.memory_space<vmem>>, vector<256x256xf32>
    %dot_general3A_9 = arith.constant dense<0.000000e+00> : vector<1000x256xf32>
    %dot_general3A_10 = tpu.matmul %get3A_1, %get3A_8, %dot_general3A_9 {dimension_numbers = #tpu.dot_dimension_numbers<[1], [0], [0], [1], [0, 0, 1, 1], [], []>, transpose_lhs_hint = false} : vector<1000x256xf32>, vector<256x256xf32>, vector<1000x256xf32> -> vector<1000x256xf32>
    %get3A_11 = arith.constant 0 : index
    %get3A_12 = arith.constant 0 : index
    %get3A_13 = vector.load %arg4[%get3A_11, %get3A_12] : memref<256x256xf32, #tpu.memory_space<vmem>>, vector<256x256xf32>
    %dot_general3A_14 = arith.constant dense<0.000000e+00> : vector<1000x256xf32>
    %dot_general3A_15 = tpu.matmul %get3A_1, %get3A_13, %dot_general3A_14 {dimension_numbers = #tpu.dot_dimension_numbers<[1], [0], [0], [1], [0, 0, 1, 1], [], []>, transpose_lhs_hint = false} : vector<1000x256xf32>, vector<256x256xf32>, vector<1000x256xf32> -> vector<1000x256xf32>
    %slice3A = vector.extract_strided_slice %dot_general3A_5 {offsets = [0, 0], sizes = [1000, 128], strides = [1, 1]} : vector<1000x256xf32> to vector<1000x128xf32>
    %swap3A = arith.constant 0 : index
    %swap3A_16 = arith.constant 0 : index
    %swap3A_17 = arith.constant 0 : index
    %swap3A_18 = vector.load %arg5[%swap3A, %swap3A_16, %swap3A_17] : memref<2x1000x128xf32, #tpu.memory_space<vmem>>, vector<1x1000x128xf32>
    %swap3A_19 = vector.shape_cast %swap3A_18 : vector<1x1000x128xf32> to vector<1000x128xf32>
    %swap3A_20 = vector.shape_cast %slice3A : vector<1000x128xf32> to vector<1x1000x128xf32>
    tpu.vector_store %arg5[%swap3A, %swap3A_16, %swap3A_17], %swap3A_20 {strides = array<i32>} : memref<2x1000x128xf32, #tpu.memory_space<vmem>>, vector<1x1000x128xf32>,
    %slice3A_21 = vector.extract_strided_slice %dot_general3A_10 {offsets = [0, 0], sizes = [1000, 128], strides = [1, 1]} : vector<1000x256xf32> to vector<1000x128xf32>
    %swap3A_22 = arith.constant 0 : index
    %swap3A_23 = arith.constant 0 : index
    %swap3A_24 = arith.constant 0 : index
    %swap3A_25 = vector.load %arg6[%swap3A_22, %swap3A_23, %swap3A_24] : memref<2x1000x128xf32, #tpu.memory_space<vmem>>, vector<1x1000x128xf32>
    %swap3A_26 = vector.shape_cast %swap3A_25 : vector<1x1000x128xf32> to vector<1000x128xf32>
    %swap3A_27 = vector.shape_cast %slice3A_21 : vector<1000x128xf32> to vector<1x1000x128xf32>
    tpu.vector_store %arg6[%swap3A_22, %swap3A_23, %swap3A_24], %swap3A_27 {strides = array<i32>} : memref<2x1000x128xf32, #tpu.memory_space<vmem>>, vector<1x1000x128xf32>,
    %slice3A_28 = vector.extract_strided_slice %dot_general3A_15 {offsets = [0, 0], sizes = [1000, 128], strides = [1, 1]} : vector<1000x256xf32> to vector<1000x128xf32>
    %swap3A_29 = arith.constant 0 : index
    %swap3A_30 = arith.constant 0 : index
    %swap3A_31 = arith.constant 0 : index
    %swap3A_32 = vector.load %arg7[%swap3A_29, %swap3A_30, %swap3A_31] : memref<2x1000x128xf32, #tpu.memory_space<vmem>>, vector<1x1000x128xf32>
    %swap3A_33 = vector.shape_cast %swap3A_32 : vector<1x1000x128xf32> to vector<1000x128xf32>
    %swap3A_34 = vector.shape_cast %slice3A_28 : vector<1000x128xf32> to vector<1x1000x128xf32>
    tpu.vector_store %arg7[%swap3A_29, %swap3A_30, %swap3A_31], %swap3A_34 {strides = array<i32>} : memref<2x1000x128xf32, #tpu.memory_space<vmem>>, vector<1x1000x128xf32>,
    %slice3A_35 = vector.extract_strided_slice %dot_general3A_5 {offsets = [0, 128], sizes = [1000, 128], strides = [1, 1]} : vector<1000x256xf32> to vector<1000x128xf32>
    %swap3A_36 = arith.constant 1 : index
    %swap3A_37 = arith.constant 0 : index
    %swap3A_38 = arith.constant 0 : index
    %swap3A_39 = vector.load %arg5[%swap3A_36, %swap3A_37, %swap3A_38] : memref<2x1000x128xf32, #tpu.memory_space<vmem>>, vector<1x1000x128xf32>
    %swap3A_40 = vector.shape_cast %swap3A_39 : vector<1x1000x128xf32> to vector<1000x128xf32>
    %swap3A_41 = vector.shape_cast %slice3A_35 : vector<1000x128xf32> to vector<1x1000x128xf32>
    tpu.vector_store %arg5[%swap3A_36, %swap3A_37, %swap3A_38], %swap3A_41 {strides = array<i32>} : memref<2x1000x128xf32, #tpu.memory_space<vmem>>, vector<1x1000x128xf32>,
    %slice3A_42 = vector.extract_strided_slice %dot_general3A_10 {offsets = [0, 128], sizes = [1000, 128], strides = [1, 1]} : vector<1000x256xf32> to vector<1000x128xf32>
    %swap3A_43 = arith.constant 1 : index
    %swap3A_44 = arith.constant 0 : index
    %swap3A_45 = arith.constant 0 : index
    %swap3A_46 = vector.load %arg6[%swap3A_43, %swap3A_44, %swap3A_45] : memref<2x1000x128xf32, #tpu.memory_space<vmem>>, vector<1x1000x128xf32>
    %swap3A_47 = vector.shape_cast %swap3A_46 : vector<1x1000x128xf32> to vector<1000x128xf32>
    %swap3A_48 = vector.shape_cast %slice3A_42 : vector<1000x128xf32> to vector<1x1000x128xf32>
    tpu.vector_store %arg6[%swap3A_43, %swap3A_44, %swap3A_45], %swap3A_48 {strides = array<i32>} : memref<2x1000x128xf32, #tpu.memory_space<vmem>>, vector<1x1000x128xf32>,
    %slice3A_49 = vector.extract_strided_slice %dot_general3A_15 {offsets = [0, 128], sizes = [1000, 128], strides = [1, 1]} : vector<1000x256xf32> to vector<1000x128xf32>
    %swap3A_50 = arith.constant 1 : index
    %swap3A_51 = arith.constant 0 : index
    %swap3A_52 = arith.constant 0 : index
    %swap3A_53 = vector.load %arg7[%swap3A_50, %swap3A_51, %swap3A_52] : memref<2x1000x128xf32, #tpu.memory_space<vmem>>, vector<1x1000x128xf32>
    %swap3A_54 = vector.shape_cast %swap3A_53 : vector<1x1000x128xf32> to vector<1000x128xf32>
    %swap3A_55 = vector.shape_cast %slice3A_49 : vector<1000x128xf32> to vector<1x1000x128xf32>
    tpu.vector_store %arg7[%swap3A_50, %swap3A_51, %swap3A_52], %swap3A_55 {strides = array<i32>} : memref<2x1000x128xf32, #tpu.memory_space<vmem>>, vector<1x1000x128xf32>,
    return
  }
  func.func @transform_0(%arg0: i32) -> (i32, i32) {
    %c0_i32 = arith.constant 0 : i32
    %c0_i32_0 = arith.constant 0 : i32
    return %arg0, %c0_i32 : i32, i32
  }
  func.func @transform_1(%arg0: i32) -> (i32, i32) {
    %c0_i32 = arith.constant 0 : i32
    %c0_i32_0 = arith.constant 0 : i32
    %c0_i32_1 = arith.constant 0 : i32
    return %c0_i32, %c0_i32_0 : i32, i32
  }
  func.func @transform_2(%arg0: i32) -> (i32, i32) {
    %c0_i32 = arith.constant 0 : i32
    %c0_i32_0 = arith.constant 0 : i32
    %c0_i32_1 = arith.constant 0 : i32
    return %c0_i32, %c0_i32_0 : i32, i32
  }
  func.func @transform_3(%arg0: i32) -> (i32, i32) {
    %c0_i32 = arith.constant 0 : i32
    %c0_i32_0 = arith.constant 0 : i32
    %c0_i32_1 = arith.constant 0 : i32
    return %c0_i32, %c0_i32_0 : i32, i32
  }
  func.func @transform_4(%arg0: i32) -> (i32, i32, i32) {
    %c0_i32 = arith.constant 0 : i32
    %c0_i32_0 = arith.constant 0 : i32
    %c0_i32_1 = arith.constant 0 : i32
    return %c0_i32, %arg0, %c0_i32_0 : i32, i32, i32
  }
  func.func @transform_5(%arg0: i32) -> (i32, i32, i32) {
    %c0_i32 = arith.constant 0 : i32
    %c0_i32_0 = arith.constant 0 : i32
    %c0_i32_1 = arith.constant 0 : i32
    return %c0_i32, %arg0, %c0_i32_0 : i32, i32, i32
  }
  func.func @transform_6(%arg0: i32) -> (i32, i32, i32) {
    %c0_i32 = arith.constant 0 : i32
    %c0_i32_0 = arith.constant 0 : i32
    %c0_i32_1 = arith.constant 0 : i32
    return %c0_i32, %arg0, %c0_i32_0 : i32, i32, i32
  }
}

</mosaic_0001>

<sc_bundles>
// kernel: kernel.4.cloned.1.call-start
scs
__scs_entry_jumppad:
0x0: {  	(pc) =	sbr.rel $0x88, $3  }
0x1: {  	(tag) =	ssettag $0x0;
	lr =	simm.s32 $0x1  }
0x2: {  	[smem:$0x3F9C] =	sst lr;
	_ =	strace $0xD0000000  }
0x3: {  	_ = 	snop  }
0x4: {  	_ = 	snop  }
0x5: {  	_ = 	snop  }
0x6: {  	_ = 	snop  }
0x7: {  	_ = 	snop  }
__scs_overlays_trampoline_lowered:
0x8: {  	[smem:$0x3FAB] =	sst s0  }
0x9: {  	[smem:$0x3FAC] =	sst s1  }
0xa: {  	[smem:$0x3FAD] =	sst s2  }
0xb: {  	[smem:$0x3FAE] =	sst s3  }
0xc: {  	[smem:$0x3FAF] =	sst s4  }
0xd: {  	[smem:$0x3FB0] =	sst s5  }
0xe: {  	[smem:$0x3FB1] =	sst s6  }
0xf: {  	[smem:$0x3FB2] =	sst s7  }
0x10: {  	[smem:$0x3FB3] =	sst s8  }
0x11: {  	[smem:$0x3FB4] =	sst s9;
	s0 =	simm.s32 @!p0 $0x0  }
0x12: {  	s1 =	sld [smem:$0x3F9A];
	s0 =	simm.s32 @p0 $0x1  }
0x13: {  	[smem:$0x3FB5] =	sst s0;
	s0 =	simm.s32 @!p1 $0x0  }
0x14: {  	s2 =	sld [smem:$0x3F99];
	s0 =	simm.s32 @p1 $0x1  }
0x15: {  	[smem:$0x3FB6] =	sst s0;
	s0 =	simm.s32 @!p2 $0x0  }
0x16: {  	s3 =	sld [smem:$0x3FDB];
	s0 =	simm.s32 @p2 $0x1  }
0x17: {  	s4 =	simm.s32 $0x1BF5;
	[smem:$0x3FB8] =	sst s0  }
0x18: {  	s0 =	sld [smem:$0x3F9B];
	_ =	swait.ge [sflag:s4], $0x0  }
0x19: {  	s7 =	sld [smem:$0x3F9C]  }
0x1a: {  	s8 =	sadd.s32 $0xFFFFE003, lr  }
0x1b: {  	s9 =	sadd.s32 $0xFFFFFEF7, lr;
	s5 =	simm.s32 $0xFFFFFFFF;
	p2 =	slt.u32 s8, $0xFFFFF086  }
0x1c: {  	p1 =	slt.u32 s9, $0xF7A;
	s5 =	simm.s32 @!p2 $0x0  }
0x1d: {  	s5 =	simm.s32 @p1 $0x1;
	p0 =	seq.s32 s7, s2  }
0x1e: {  	s7 =	smul.u32 @!p0 $0xF7A, s2;
	p2 =	seq.s32 @!p0 s5, $0x0  }
0x1f: {  	s9 =	smul.u32 $0xF7A, s1;
	s8 =	simm.s32 @!p0 $0x1BF5;
	p2 =	por !p2, p0  }
0x20: {  	[sflag:s8] =	ssyncset.s32 @!p0 $0xFFFFF086;
	s6 =	sadd.s32 @!p0 s3, s7;
	s7 =	simm.s32 @!p0 $0x108  }
0x21: {  	s3 =	sadd.s32 s3, s9;
	s6 =	sadd.s32 @!p0 $0x88, s6;
	s7 =	simm.s32 @p2 $0x1082  }
0x22: {  	[simem:s7], [sflag:s8] =	dma.local @!p0 [hbm:s6], $0xF7A  }
0x23: {  	s9 =	sor.u32 $0xD0000000, s2;
	s6 =	simm.s32 $0x108;
	_ =	swait.ge @!p0 [sflag:s8], $0x0  }
0x24: {  	s3 =	sadd.s32 $0x88, s3;
	s6 =	simm.s32 @!p1 $0x1082;
	[sflag:s4] =	ssyncset.s32 $0xFFFFF086  }
0x25: {  	[simem:s6], [sflag:s4] =	dma.local [hbm:s3], $0xF7A  }
0x26: {  	[smem:$0x3F9C] =	sst s1;
	(tag) =	ssettag s2;
	_ =	strace s9  }
0x27: {  	s1 =	sld [smem:$0x3FAC]  }
0x28: {  	s2 =	sld [smem:$0x3FAD]  }
0x29: {  	s4 =	sld [smem:$0x3FAF]  }
0x2a: {  	p0 =	seq.s32 s5, $0x0;
	s5 =	sld [smem:$0x3FB0]  }
0x2b: {  	s6 =	sld [smem:$0x3FB1]  }
0x2c: {  	s7 =	sld [smem:$0x3FB2]  }
0x2d: {  	s3 =	simm.s32 $0x108;
	s8 =	sld [smem:$0x3FB3]  }
0x2e: {  	s3 =	simm.s32 @!p0 $0x1082;
	s9 =	sld [smem:$0x3FB4]  }
0x2f: {  	lr =	sadd.s32 s0, s3;
	s0 =	sld [smem:$0x3FAB]  }
0x30: {  	s3 =	sld [smem:$0x3FAE]  }
0x31: {  	[smem:$0x3FB7] =	sst s10  }
0x32: {  	s10 =	sld [smem:$0x3FB5];
	_ =	sdelay $0x3  }
0x33: {  	p0 =	seq.s32 s10, $0x1;
	s10 =	sld [smem:$0x3FB7];
	_ =	sdelay $0x3  }
0x34: {  	[smem:$0x3FB7] =	sst s10  }
0x35: {  	s10 =	sld [smem:$0x3FB6];
	_ =	sdelay $0x3  }
0x36: {  	p1 =	seq.s32 s10, $0x1;
	s10 =	sld [smem:$0x3FB7];
	_ =	sdelay $0x3  }
0x37: {  	[smem:$0x3FB7] =	sst s10  }
0x38: {  	s10 =	sld [smem:$0x3FB8]  }
0x39: {  	_ = 	snop;
	(pc) =	sbr.ind lr, $3  }
0x3a: {  	_ = 	snop  }
0x3b: {  	_ = 	snop  }
0x3c: {  	p2 =	seq.s32 s10, $0x1;
	s10 =	sld [smem:$0x3FB7]  }
0x3d: {  	_ =	shalt  }
0x3e: {  	_ =	shalt  }
0x3f: {  	_ =	shalt  }
0x40: {  	_ =	shalt  }
0x41: {  	_ =	shalt  }
0x42: {  	_ =	shalt  }
0x43: {  	_ =	shalt  }
0x44: {  	_ =	shalt  }
0x45: {  	_ =	shalt  }
0x46: {  	_ =	shalt  }
0x47: {  	_ =	shalt  }
0x48: {  	_ =	shalt  }
0x49: {  	_ =	shalt  }
0x4a: {  	_ =	shalt  }
0x4b: {  	_ =	shalt  }
0x4c: {  	_ =	shalt  }
0x4d: {  	_ =	shalt  }
0x4e: {  	_ =	shalt  }
0x4f: {  	_ =	shalt  }
0x50: {  	_ =	shalt  }
0x51: {  	_ =	shalt  }
0x52: {  	_ =	shalt  }
0x53: {  	_ =	shalt  }
0x54: {  	_ =	shalt  }
0x55: {  	_ =	shalt  }
0x56: {  	_ =	shalt  }
0x57: {  	_ =	shalt  }
0x58: {  	_ =	shalt  }
0x59: {  	_ =	shalt  }
0x5a: {  	_ =	shalt  }
0x5b: {  	_ =	shalt  }
0x5c: {  	_ =	shalt  }
0x5d: {  	_ =	shalt  }
0x5e: {  	_ =	shalt  }
0x5f: {  	_ =	shalt  }
0x60: {  	_ =	shalt  }
0x61: {  	_ =	shalt  }
0x62: {  	_ =	shalt  }
0x63: {  	_ =	shalt  }
0x64: {  	_ =	shalt  }
0x65: {  	_ =	shalt  }
0x66: {  	_ =	shalt  }
0x67: {  	_ =	shalt  }
0x68: {  	_ =	shalt  }
0x69: {  	_ =	shalt  }
0x6a: {  	_ =	shalt  }
0x6b: {  	_ =	shalt  }
0x6c: {  	_ =	shalt  }
0x6d: {  	_ =	shalt  }
0x6e: {  	_ =	shalt  }
0x6f: {  	_ =	shalt  }
0x70: {  	_ =	shalt  }
0x71: {  	_ =	shalt  }
0x72: {  	_ =	shalt  }
0x73: {  	_ =	shalt  }
0x74: {  	_ =	shalt  }
0x75: {  	_ =	shalt  }
0x76: {  	_ =	shalt  }
0x77: {  	_ =	shalt  }
0x78: {  	_ =	shalt  }
0x79: {  	_ =	shalt  }
0x7a: {  	_ =	shalt  }
0x7b: {  	_ =	shalt  }
0x7c: {  	_ =	shalt  }
0x7d: {  	_ =	shalt  }
0x7e: {  	_ =	shalt  }
0x7f: {  	_ =	shalt  }
0x80: {  	_ =	shalt  }
0x81: {  	_ =	shalt  }
0x82: {  	_ =	shalt  }
0x83: {  	_ =	shalt  }
0x84: {  	_ =	shalt  }
0x85: {  	_ =	shalt  }
0x86: {  	_ =	shalt  }
0x87: {  	_ =	shalt  }
.Lfunc_end0:
.L_simem_size_0:
called_computation_lowered:
.L_overlay_start_0:
0x88: {  	s2 =	sld [smem:$0x3FD9]  }
0x89: {  	s3 =	sld [smem:$0x3FFE];
	_ =	sdelay $0x1  }
0x8a: {  	s1 =	srdreg.scid  }
0x8b: {  	s0 =	sand.u32 $0x1, s1  }
0x8c: {  	s17 =	sshll.u32 s0, $0xA;
	s2 =	sadd.s32 s3, s2  }
0x8d: {  	s2 =	sadd.s32 s2, s17  }
0x8e: {  	[smem:$0x3FC3] =	sst s2  }
0x8f: {  	_ = 	snop  }
0x90: {  	s2 =	sld [smem:$0x3FD0];
	(tm) =	ssettm $0x1  }
0x91: {  	s18 =	sld [smem:$0x3FFB];
	_ =	sdelay $0x3  }
0x92: {  	_ =	strace s18  }
0x93: {  	s3 =	sld [smem:$0x3FFC];
	_ =	sdelay $0x3  }
0x94: {  	_ =	strace s3  }
0x95: {  	s3 =	sld [smem:$0x3FFD];
	_ =	sdelay $0x3  }
0x96: {  	_ =	strace s3  }
0x97: {  	_ =	strace $0x8FFFFFFF  }
0x98: {  	s19 =	sld [smem:$0x3FDB];
	_ =	sdelay $0x1  }
0x99: {  	s4 =	simm.s32 $_scs_section_size  }
0x9a: {  	s5 =	simm.s32 $_size__tile_overlayer_lowered;
	s6 =	simm.s32 $_tile_overlayer_lowered  }
0x9b: {  	s22 =	simm.s32 $0x1BFF;
	s21 =	sshll.u32 s6, $0x1;
	s3 =	sadd.s32 s4, s19  }
0x9c: {  	s7 =	simm.s32 $0x0;
	s20 =	sshll.u32 s5, $0x1;
	s5 =	sadd.s32 s21, s3  }
0x9d: {  	[timem:s7], [sflag:s22] =	dma.local [hbm:s5], s20  }
0x9e: {  	_ =	swait.ge [sflag:s22], s20  }
0x9f: {  	s4 =	ssub.s32 $0x0, s20;
	[sflag:s22] =	ssyncset.done $0x0  }
0xa0: {  	[sflag:s22] =	ssyncadd.s32 s4;
	_ =	sdelay $0x1  }
0xa1: {  	s23 =	simm.s32 $0x1B8B  }
0xa2: {  	_ =	swait.ge [sflag:s23], $0x1  }
0xa3: {  	[sflag:s23] =	ssyncset.done $0x0  }
0xa4: {  	s25 =	simm.s32 $0x1B8E;
	s24 =	sld [smem:$0x3FFE];
	[sflag:s23] =	ssyncadd.s32 $0xFFFFFFFF  }
0xa5: {  	s26 =	simm.s32 $execute0_lowered;
	[smem:$0x3FD2] =	sst s25  }
0xa6: {  	s5 =	sshll.u32 s26, $0x1;
	_ =	strace $0x80000046;
	[dreg:$0x1] =	wrdreg $0xFFFFFFFF  }
0xa7: {  	s28 =	simm.s32 $_size_execute0_lowered;
	s3 =	sadd.s32 s3, s5;
	[dreg:$0x0] =	wrdreg $0x0  }
0xa8: {  	s5 =	sshll.u32 s28, $0x1;
	[dreg:$0x2] =	wrdreg s3  }
0xa9: {  	[dreg:$0x3] =	wrdreg s5  }
0xaa: {  	[dreg:$0x4] =	wrdreg $0xC0  }
0xab: {  	_ =	task [dreg:s7], $0x5FFFF  }
0xac: {  	[dreg:$0x1] =	wrdreg $0xFFFFFFFF  }
0xad: {  	[dreg:$0x0] =	wrdreg $0x60  }
0xae: {  	[dreg:$0x2] =	wrdreg s24  }
0xaf: {  	[dreg:$0x3] =	wrdreg s2  }
0xb0: {  	[dreg:$0x4] =	wrdreg $0x83800  }
0xb1: {  	[dreg:$0x5] =	wrdreg $0x9  }
0xb2: {  	_ =	task.clear_ibuf [dreg:s7], $0x6FFFF;
	_ =	strace $0x90000046  }
0xb3: {  	s29 =	simm.s32 $0x9;
	_ =	strace $0x80000048  }
0xb4: {  	_ =	swait.ge [sflag:s29], $0x1  }
0xb5: {  	[sflag:s29] =	ssyncadd.s32 $0xFFFFFFFF  }
0xb6: {  	_ =	strace $0x90000048  }
0xb7: {  	_ =	sfence  }
0xb8: {  	s30 =	sld [smem:$0x0];
	_ =	sdelay $0x2  }
0xb9: {  	s31 =	sshll.u32 s1, $0xD;
	s1 =	sshrl.u32 s1, $0x2  }
0xba: {  	s3 =	sand.u32 $0x4000, s31;
	s1 =	sadd.s32 s1, s30  }
0xbb: {  	s0 =	sor.u32 s3, s0;
	s1 =	sshll.u32 s1, $0x11  }
0xbc: {  	s0 =	sor.u32 s1, s0  }
0xbd: {  	s0 =	sadd.s32 $0x8F2B, s0  }
0xbe: {  	[sflag:s0] =	ssyncadd.remote.s32 $0x1  }
0xbf: {  	_ =	sfence.sel $0xFFFF  }
0xc0: {  	[dreg:$0x0] =	wrdreg $0xFFFFFFFF;
	(pc) =	sbr.abs _section_cstart, $3  }
0xc1: {  	[dreg:$0x1] =	wrdreg $0xFFFFFFFF  }
0xc2: {  	_ =	task.clear_ibuf [dreg:s7], $0x2FFFF;
	_ =	strace $0x9FFFFFFF  }
0xc3: {  	(tm) =	ssettm $0x7FFFFFFF  }
tec
execute0_lowered:
.L_overlay_start_1:
0x0: {  	(tag) =	ssettag $0x1  }
0x1: {  	s0 =	rddreg [dreg:$0x0]  }
0x2: {  	s2 =	rddreg [dreg:$0x2]  }
0x3: {  	s3 =	simm.s32 $0x0;
	s1 =	srdreg.scid;
	s14 =	stileid.u32  }
0x4: {  	s15 =	simm.s32 $0x7A80;
	s16 =	simm.s32 $0x4;
	s18 =	simm.s32 $0x28  }
0x5: {  	s21 =	simm.s32 $0x180;
	s28 =	simm.s32 $0x3E80;
	s10 =	smul.u32 $0x5A000, s14  }
0x6: {  	s29 =	simm.s32 $0x5280;
	s30 =	simm.s32 $0x6680;
	s9 =	smul.u32 $0x2710, s14  }
0x7: {  	s31 =	simm.s32 $0x200;
	[smem:$0x7FF] =	sst s3;
	s11 =	smul.u32 $0xA000, s14  }
0x8: {  	s1 =	sand.u32 $0x1, s1;
	s5 =	sadd.s32 $0xAA00, s0;
	s13 =	smul.u32 $0x50000, s14  }
0x9: {  	s6 =	sadd.s32 $0x58C00, s0;
	s7 =	sadd.s32 $0x5A00, s0;
	s23 =	smul.u32 $0x2800, s14  }
0xa: {  	v4 =	vlaneseq.u32;
	s8 =	sadd.s32 $0xA00, s0;
	s4 =	smul.u32 $0x28000, s1;
	s22 =	ssub.s32 $0x2, s1  }
0xb: {  	v0 =	vand.u32 $0x3, v4;
	_ =	strace $0x80000047;
	s1 =	smul.u32 $0x2710, s1;
	s12 =	sshrl.u32 s22, $0x1  }
0xc: {  	v1 =	vmul.u32 $0x10, v0;
	s10 =	sshrl.u32 s10, $0x2;
	s24 =	sshrl.u32 s11, $0x2;
	s25 =	sshrl.u32 s13, $0x2  }
0xd: {  	v3 =	vimm.f32 $0.0e+00;
	v4 =	vshrl.u32 v4, $0x2;
	s0 =	sadd.s32 s4, s0;
	s4 =	ssub.s32 s22, s12;
	s10 =	sadd.s32 s10, s2;
	v2 =	vmov s1  }
0xe: {  	s26 =	sadd.s32 s25, s2;
	v5 =	vor.u32 $0x1, v1;
	v6 =	vor.u32 $0x2, v1;
	v7 =	vor.u32 $0x3, v1;
	s25 =	simm.s32 $0x2;
	s4 =	smax.u32 s4, $0x1  }
0xf: {  	v8 =	vor.u32 $0x4, v1;
	v9 =	vor.u32 $0x5, v1;
	v10 =	vor.u32 $0x6, v1;
	s0 =	sadd.s32 s23, s0;
	[dreg:$0x6] =	wrdreg s26;
	s23 =	simm.s32 $0x2A80  }
0x10: {  	v11 =	vor.u32 $0x7, v1;
	v12 =	vor.u32 $0x8, v1;
	v13 =	vor.u32 $0x9, v1;
	s26 =	simm.s32 $0x3;
	[dreg:$0x4] =	wrdreg s4;
	s4 =	sadd.s32 s24, s2  }
0x11: {  	v14 =	vor.u32 $0xA, v1;
	v15 =	vor.u32 $0xB, v1;
	v16 =	vor.u32 $0xC, v1;
	s14 =	sadd.s32 $0xA6E00, s0;
	s24 =	simm.s32 $0x1;
	s4 =	sadd.s32 $0x140000, s4  }
0x12: {  	v17 =	vor.u32 $0xD, v1;
	v18 =	vor.u32 $0xE, v1;
	v19 =	vor.u32 $0xF, v1;
	s0 =	simm.s32 $0x8280;
	[dreg:$0x5] =	wrdreg s4;
	s4 =	simm.s32 $0x0  }
.LBB2_1:
0x13: {  	[dreg:$0x7] =	wrdreg s4;
	s1 =	simm.s32 $0x0;
	s4 =	simm.s32 $0x200  }
.LBB2_2:
0x14: {  	p0 =	sne.s32 s4, $0x1E00;
	[tilespmem:s1+$0x7AF0] =	vst v3  }
0x15: {  	[tilespmem:s1+$0x7A80] =	vst v3  }
0x16: {  	[tilespmem:s1+$0x7A90] =	vst v3  }
.Ltmp0:
0x17: {  	[tilespmem:s1+$0x7AA0] =	vst v3;
	(pc) =	sbr.rel @p0 .LBB2_2-.Ltmp0, $4  }
0x18: {  	[tilespmem:s1+$0x7AB0] =	vst v3  }
0x19: {  	[tilespmem:s1+$0x7AC0] =	vst v3  }
0x1a: {  	[tilespmem:s1+$0x7AD0] =	vst v3  }
0x1b: {  	[tilespmem:s1+$0x7AE0] =	vst v3;
	s1 =	sshra.s32 s4, $0x2;
	s4 =	sadd.s32 $0x200, s4  }
0x1c: {  	[tilespmem:s1+$0x7AF0] =	vst v3  }
0x1d: {  	[tilespmem:s1+$0x7A80] =	vst v3  }
0x1e: {  	[tilespmem:s1+$0x7A90] =	vst v3  }
0x1f: {  	[tilespmem:s1+$0x7AA0] =	vst v3  }
0x20: {  	[tilespmem:s1+$0x7AB0] =	vst v3  }
0x21: {  	[tilespmem:s1+$0x7AC0] =	vst v3  }
0x22: {  	[tilespmem:s1+$0x7AD0] =	vst v3  }
0x23: {  	[tilespmem:s1+$0x7AE0] =	vst v3;
	s1 =	simm.s32 $0x0;
	s4 =	simm.s32 $0x200  }
.LBB2_4:
0x24: {  	p0 =	sne.s32 s4, $0x4E00;
	[tilespmem:s1+$0x52F0] =	vst v3  }
0x25: {  	[tilespmem:s1+$0x5280] =	vst v3  }
0x26: {  	[tilespmem:s1+$0x5290] =	vst v3  }
.Ltmp1:
0x27: {  	[tilespmem:s1+$0x52A0] =	vst v3;
	(pc) =	sbr.rel @p0 .LBB2_4-.Ltmp1, $4  }
0x28: {  	[tilespmem:s1+$0x52B0] =	vst v3  }
0x29: {  	[tilespmem:s1+$0x52C0] =	vst v3  }
0x2a: {  	[tilespmem:s1+$0x52D0] =	vst v3  }
0x2b: {  	[tilespmem:s1+$0x52E0] =	vst v3;
	s1 =	sshra.s32 s4, $0x2;
	s4 =	sadd.s32 $0x200, s4  }
0x2c: {  	[tilespmem:s1+$0x52F0] =	vst v3  }
0x2d: {  	[tilespmem:s1+$0x5280] =	vst v3  }
0x2e: {  	[tilespmem:s1+$0x5290] =	vst v3  }
0x2f: {  	[tilespmem:s1+$0x52A0] =	vst v3  }
0x30: {  	[tilespmem:s1+$0x52B0] =	vst v3  }
0x31: {  	[tilespmem:s1+$0x52C0] =	vst v3  }
0x32: {  	[tilespmem:s1+$0x52D0] =	vst v3  }
0x33: {  	[tilespmem:s1+$0x52E0] =	vst v3;
	s22 =	sadd.s32 $0x0, s10  }
0x34: {  	[spmem:s22] =	stream.linear.scatter [tilespmem:s15], [sflag:$0x4], $0x800, $0x38;
	[tilespmem:$0x1EB80] =	vst v63  }
0x35: {  	s1 =	simm.s32 $0x2000;
	_ =	swait.ge [sflag:s16], $0x800  }
.LBB2_6:
0x36: {  	s4 =	sshra.s32 s1, $0x2;
	[sflag:s16] =	ssyncset.done $0x0;
	p0 =	sne.s32 s1, $0x58000  }
.Ltmp2:
0x37: {  	s4 =	sadd.s32 s4, s10;
	[sflag:s16] =	ssyncadd.s32 $0xFFFFF800;
	(pc) =	sbr.rel @p0 .LBB2_6-.Ltmp2, $3  }
0x38: {  	[spmem:s4] =	stream.linear.scatter [tilespmem:s15], [sflag:$0x4], $0x800, $0x38;
	[tilespmem:$0x1EB80] =	vst v63  }
0x39: {  	s1 =	sadd.s32 $0x2000, s1;
	_ =	sdelay $0x1  }
0x3a: {  	_ =	swait.ge [sflag:s16], $0x800  }
0x3b: {  	[sflag:s16] =	ssyncset.done $0x0  }
0x3c: {  	[sflag:s16] =	ssyncadd.s32 $0xFFFFF800  }
0x3d: {  	s11 =	simm.s32 $0x0;
	[bflag:$0x0] =	sbarrier.arrive $0xFFFF  }
.LBB2_8:
0x3e: {  	s1 =	smul.u32 $0x28, s11;
	_ =	sdelay $0x1  }
0x3f: {  	s1 =	sadd.s32 s9, s1  }
0x40: {  	s1 =	sshrl.u32 s1, $0x3  }
0x41: {  	s4 =	sadd.s32 s7, s1  }
0x42: {  	[tilespmem:s3], [sflag:$0x4] =	stream.linear.gather [hbm4b:s4+s3], $0x28, $0x38;
	[tilespmem:$0x1EB80] =	vst v63  }
0x43: {  	_ =	swait.ge [sflag:s16], $0x28  }
0x44: {  	[sflag:s16] =	ssyncset.done $0x0  }
0x45: {  	s13 =	simm.s32 $0x100;
	s1 =	sadd.s32 s8, s1;
	[sflag:s16] =	ssyncadd.s32 $0xFFFFFFD8  }
0x46: {  	[tilespmem:s13], [sflag:$0x4] =	stream.linear.gather [hbm4b:s1+s3], $0x28, $0x38;
	[tilespmem:$0x1EB80] =	vst v63  }
0x47: {  	_ =	swait.ge [sflag:s16], $0x28  }
0x48: {  	[sflag:s16] =	ssyncset.done $0x0  }
0x49: {  	[sflag:s16] =	ssyncadd.s32 $0xFFFFFFD8  }
0x4a: {  	v20 =	vld [tilespmem:$0x0];
	_ =	sdelay $0x1  }
0x4b: {  	v21 =	vld [tilespmem:$0x100]  }
0x4c: {  	v22 =	vld [tilespmem:$0x10];
	_ =	sdelay $0x1  }
0x4d: {  	v24 =	vld [tilespmem:$0x110];
	v23 =	vadd.s32 v2, v20;
	v20 =	vshrl.u32 v20, $0x3  }
0x4e: {  	[tilespmem:$0x80] =	vst v23;
	v20 =	vadd.s32 $0x2800, v20;
	v23 =	vld [tilespmem:$0x18]  }
0x4f: {  	[tilespmem:$0x200] =	vst v20;
	v20 =	vadd.s32 v2, v21  }
0x50: {  	v21 =	vshrl.u32 v22, $0x3;
	[tilespmem:$0x180] =	vst v20;
	v20 =	vadd.s32 v2, v22;
	v22 =	vld [tilespmem:$0x118]  }
0x51: {  	[tilespmem:$0x90] =	vst v20;
	v20 =	vadd.s32 $0x2800, v21  }
0x52: {  	[tilespmem:$0x210] =	vst v20;
	v20 =	vadd.s32 v2, v24  }
0x53: {  	[tilespmem:$0x190] =	vst v20;
	v20 =	vadd.s32 v2, v23;
	v21 =	vshrl.u32 v23, $0x3  }
0x54: {  	[tilespmem:$0x98] =	vst v20;
	v20 =	vadd.s32 $0x2800, v21  }
0x55: {  	[tilespmem:$0x218] =	vst v20;
	v20 =	vadd.s32 v2, v22  }
0x56: {  	s17 =	simm.s32 $0x80;
	s19 =	simm.s32 $0x280;
	[tilespmem:$0x198] =	vst v20  }
0x57: {  	[tilespmem:s19], [sflag:$0x1] =	stream.indirect.gather [hbm4b:s5+s18], $0x80, s17, s18, $0xb8;
	[tilespmem:$0x1EB80] =	vst v63  }
0x58: {  	s20 =	simm.s32 $0x1680  }
0x59: {  	[tilespmem:s20], [sflag:$0x2] =	stream.indirect.gather [hbm4b:s6+s18], $0x80, s21, s18, $0xb8;
	[tilespmem:$0x1EB80] =	vst v63  }
0x5a: {  	s22 =	rddreg [dreg:$0x1]  }
0x5b: {  	[tilespmem:s23], [sflag:$0x3] =	stream.indirect.gather [hbm4b:s22+s18], $0x80, s21, s18, $0xb8;
	[tilespmem:$0x1EB80] =	vst v63  }
0x5c: {  	_ =	swait.ge [sflag:s24], $0x1400  }
0x5d: {  	[sflag:s24] =	ssyncset.done $0x0  }
0x5e: {  	[sflag:s24] =	ssyncadd.s32 $0xFFFFEC00  }
0x5f: {  	_ =	swait.ge [sflag:s25], $0x1400  }
0x60: {  	[sflag:s25] =	ssyncset.done $0x0  }
0x61: {  	[sflag:s25] =	ssyncadd.s32 $0xFFFFEC00  }
0x62: {  	_ =	swait.ge [sflag:s26], $0x1400  }
0x63: {  	[sflag:s26] =	ssyncset.done $0x0  }
0x64: {  	s13 =	simm.s32 $0x380;
	[sflag:s26] =	ssyncadd.s32 $0xFFFFEC00  }
0x65: {  	s4 =	simm.s32 $0x1780;
	v20 =	vld [tilespmem:s13+$0xFFFFFF00]  }
0x66: {  	v21 =	vld [tilespmem:s4+$0xFFFFFF10]  }
0x67: {  	v22 =	vld [tilespmem:s13+$0xFFFFFF10]  }
0x68: {  	v23 =	vld [tilespmem:s4+$0xFFFFFF00];
	_ =	sdelay $0x4  }
0x69: {  	v21 =	vmul.f32 v21, v22;
	v20 =	vmul.f32 v23, v20;
	_ =	sdelay $0x1  }
0x6a: {  	v20 =	vadd.f32 v21, v20  }
0x6b: {  	s12 =	simm.s32 $0x3F80  }
0x6c: {  	[tilespmem:s12+$0xFFFFFF00] =	vst v20  }
0x6d: {  	v20 =	vld [tilespmem:s4+$0xFFFFFF30]  }
0x6e: {  	v21 =	vld [tilespmem:s13+$0xFFFFFF20]  }
0x6f: {  	v22 =	vld [tilespmem:s13+$0xFFFFFF30]  }
0x70: {  	v23 =	vld [tilespmem:s4+$0xFFFFFF20];
	_ =	sdelay $0x4  }
0x71: {  	v20 =	vmul.f32 v20, v22;
	v21 =	vmul.f32 v23, v21;
	_ =	sdelay $0x1  }
0x72: {  	v20 =	vadd.f32 v20, v21;
	_ =	sdelay $0x1  }
0x73: {  	[tilespmem:s12+$0xFFFFFF10] =	vst v20  }
0x74: {  	v20 =	vld [tilespmem:s13+$0xFFFFFF40]  }
0x75: {  	v21 =	vld [tilespmem:s4+$0xFFFFFF40]  }
0x76: {  	v22 =	vld [tilespmem:s13+$0xFFFFFF50]  }
0x77: {  	v23 =	vld [tilespmem:s4+$0xFFFFFF50];
	_ =	sdelay $0x4  }
0x78: {  	v20 =	vmul.f32 v21, v20;
	v21 =	vmul.f32 v23, v22;
	_ =	sdelay $0x1  }
0x79: {  	v20 =	vadd.f32 v21, v20;
	_ =	sdelay $0x1  }
0x7a: {  	[tilespmem:s12+$0xFFFFFF20] =	vst v20  }
0x7b: {  	v20 =	vld [tilespmem:s13+$0xFFFFFF70]  }
0x7c: {  	v21 =	vld [tilespmem:s4+$0xFFFFFF60]  }
0x7d: {  	v22 =	vld [tilespmem:s13+$0xFFFFFF60]  }
0x7e: {  	v23 =	vld [tilespmem:s4+$0xFFFFFF70];
	_ =	sdelay $0x4  }
0x7f: {  	v21 =	vmul.f32 v21, v22;
	v20 =	vmul.f32 v23, v20;
	_ =	sdelay $0x1  }
0x80: {  	v20 =	vadd.f32 v20, v21;
	_ =	sdelay $0x1  }
0x81: {  	[tilespmem:s12+$0xFFFFFF30] =	vst v20  }
0x82: {  	v20 =	vld [tilespmem:s4+$0xFFFFFF90]  }
0x83: {  	v21 =	vld [tilespmem:s4+$0xFFFFFF80]  }
0x84: {  	v22 =	vld [tilespmem:s13+$0xFFFFFF80]  }
0x85: {  	v23 =	vld [tilespmem:s13+$0xFFFFFF90];
	_ =	sdelay $0x4  }
0x86: {  	v21 =	vmul.f32 v21, v22;
	v20 =	vmul.f32 v20, v23;
	_ =	sdelay $0x1  }
0x87: {  	v20 =	vadd.f32 v20, v21;
	_ =	sdelay $0x1  }
0x88: {  	[tilespmem:s12+$0xFFFFFF80] =	vst v20  }
0x89: {  	v20 =	vld [tilespmem:s4+$0xFFFFFFA0]  }
0x8a: {  	v21 =	vld [tilespmem:s4+$0xFFFFFFB0]  }
0x8b: {  	v22 =	vld [tilespmem:s13+$0xFFFFFFA0]  }
0x8c: {  	v23 =	vld [tilespmem:s13+$0xFFFFFFB0];
	_ =	sdelay $0x4  }
0x8d: {  	v20 =	vmul.f32 v20, v22;
	v21 =	vmul.f32 v21, v23;
	_ =	sdelay $0x1  }
0x8e: {  	v20 =	vadd.f32 v21, v20;
	_ =	sdelay $0x1  }
0x8f: {  	[tilespmem:s12+$0xFFFFFF90] =	vst v20  }
0x90: {  	v20 =	vld [tilespmem:s4+$0xFFFFFFC0]  }
0x91: {  	v21 =	vld [tilespmem:s4+$0xFFFFFFD0]  }
0x92: {  	v22 =	vld [tilespmem:s13+$0xFFFFFFC0]  }
0x93: {  	v23 =	vld [tilespmem:s13+$0xFFFFFFD0];
	_ =	sdelay $0x4  }
0x94: {  	v20 =	vmul.f32 v20, v22;
	v21 =	vmul.f32 v21, v23;
	_ =	sdelay $0x1  }
0x95: {  	v20 =	vadd.f32 v21, v20;
	_ =	sdelay $0x1  }
0x96: {  	[tilespmem:s12+$0xFFFFFFA0] =	vst v20  }
0x97: {  	v20 =	vld [tilespmem:s4+$0xFFFFFFE0]  }
0x98: {  	v21 =	vld [tilespmem:s4+$0xFFFFFFF0]  }
0x99: {  	v22 =	vld [tilespmem:s13+$0xFFFFFFE0]  }
0x9a: {  	v23 =	vld [tilespmem:s13+$0xFFFFFFF0];
	_ =	sdelay $0x4  }
0x9b: {  	v20 =	vmul.f32 v20, v22;
	v21 =	vmul.f32 v21, v23;
	_ =	sdelay $0x1  }
0x9c: {  	v20 =	vadd.f32 v21, v20;
	_ =	sdelay $0x1  }
0x9d: {  	[tilespmem:s12+$0xFFFFFFB0] =	vst v20  }
0x9e: {  	v20 =	vld [tilespmem:s4+$0x0]  }
0x9f: {  	v21 =	vld [tilespmem:s4+$0x10]  }
0xa0: {  	v22 =	vld [tilespmem:s13+$0x0]  }
0xa1: {  	v23 =	vld [tilespmem:s13+$0x10];
	_ =	sdelay $0x4  }
0xa2: {  	v20 =	vmul.f32 v20, v22;
	v21 =	vmul.f32 v21, v23;
	_ =	sdelay $0x1  }
0xa3: {  	v20 =	vadd.f32 v21, v20;
	_ =	sdelay $0x1  }
0xa4: {  	[tilespmem:s12+$0x0] =	vst v20  }
0xa5: {  	v20 =	vld [tilespmem:s4+$0x20]  }
0xa6: {  	v21 =	vld [tilespmem:s4+$0x30]  }
0xa7: {  	v22 =	vld [tilespmem:s13+$0x20]  }
0xa8: {  	v23 =	vld [tilespmem:s13+$0x30];
	_ =	sdelay $0x4  }
0xa9: {  	v20 =	vmul.f32 v20, v22;
	v21 =	vmul.f32 v21, v23;
	_ =	sdelay $0x1  }
0xaa: {  	v20 =	vadd.f32 v21, v20;
	_ =	sdelay $0x1  }
0xab: {  	[tilespmem:s12+$0x10] =	vst v20  }
0xac: {  	v20 =	vld [tilespmem:s4+$0x40]  }
0xad: {  	v21 =	vld [tilespmem:s4+$0x50]  }
0xae: {  	v22 =	vld [tilespmem:s13+$0x40]  }
0xaf: {  	v23 =	vld [tilespmem:s13+$0x50];
	_ =	sdelay $0x4  }
0xb0: {  	v20 =	vmul.f32 v20, v22;
	v21 =	vmul.f32 v21, v23;
	_ =	sdelay $0x1  }
0xb1: {  	v20 =	vadd.f32 v21, v20;
	_ =	sdelay $0x1  }
0xb2: {  	[tilespmem:s12+$0x20] =	vst v20  }
0xb3: {  	v20 =	vld [tilespmem:s4+$0x60]  }
0xb4: {  	v21 =	vld [tilespmem:s4+$0x70]  }
0xb5: {  	v22 =	vld [tilespmem:s13+$0x60]  }
0xb6: {  	v23 =	vld [tilespmem:s13+$0x70];
	_ =	sdelay $0x4  }
0xb7: {  	v20 =	vmul.f32 v20, v22;
	v21 =	vmul.f32 v21, v23;
	_ =	sdelay $0x1  }
0xb8: {  	v20 =	vadd.f32 v21, v20;
	_ =	sdelay $0x1  }
0xb9: {  	[tilespmem:s12+$0x30] =	vst v20  }
0xba: {  	v22 =	vld [tilespmem:s13+$0x90]  }
0xbb: {  	v23 =	vld [tilespmem:s4+$0x90]  }
0xbc: {  	s1 =	simm.s32 $0x1780;
	v20 =	vld [tilespmem:s13+$0x80]  }
0xbd: {  	s19 =	simm.s32 $0x0;
	s17 =	simm.s32 $0x380;
	s20 =	simm.s32 $0x4180;
	v21 =	vld [tilespmem:s4+$0x80]  }
.LBB2_9:
0xbe: {  	s19 =	sadd.s32 $0x4, s19;
	s13 =	sadd.s32 $0x200, s13;
	s4 =	sadd.s32 $0x200, s4  }
0xbf: {  	p0 =	slt.u32 s19, $0x24  }
0xc0: {  	v22 =	vmul.f32 v23, v22;
	_ =	sdelay $0x3  }
0xc1: {  	v20 =	vmul.f32 v21, v20;
	_ =	sdelay $0x1  }
0xc2: {  	v20 =	vadd.f32 v22, v20;
	_ =	sdelay $0x1  }
0xc3: {  	[tilespmem:s12+$0x80] =	vst v20  }
0xc4: {  	v20 =	vld [tilespmem:s1+$0xB0]  }
0xc5: {  	v21 =	vld [tilespmem:s17+$0xA0]  }
0xc6: {  	v22 =	vld [tilespmem:s17+$0xB0]  }
0xc7: {  	v23 =	vld [tilespmem:s1+$0xA0];
	_ =	sdelay $0x3  }
0xc8: {  	v20 =	vmul.f32 v20, v22  }
0xc9: {  	v21 =	vmul.f32 v23, v21;
	_ =	sdelay $0x1  }
0xca: {  	v20 =	vadd.f32 v20, v21;
	_ =	sdelay $0x1  }
0xcb: {  	[tilespmem:s12+$0x90] =	vst v20  }
0xcc: {  	v20 =	vld [tilespmem:s17+$0xC0]  }
0xcd: {  	v21 =	vld [tilespmem:s1+$0xC0]  }
0xce: {  	v22 =	vld [tilespmem:s17+$0xD0]  }
0xcf: {  	v23 =	vld [tilespmem:s1+$0xD0];
	_ =	sdelay $0x2  }
0xd0: {  	v20 =	vmul.f32 v21, v20;
	_ =	sdelay $0x1  }
0xd1: {  	v21 =	vmul.f32 v23, v22;
	_ =	sdelay $0x1  }
0xd2: {  	v20 =	vadd.f32 v21, v20;
	_ =	sdelay $0x1  }
0xd3: {  	[tilespmem:s12+$0xA0] =	vst v20  }
0xd4: {  	v20 =	vld [tilespmem:s17+$0xE0]  }
0xd5: {  	v21 =	vld [tilespmem:s1+$0xF0]  }
0xd6: {  	v22 =	vld [tilespmem:s1+$0xE0];
	s1 =	smov.u32 s4  }
0xd7: {  	v23 =	vld [tilespmem:s17+$0xF0];
	s17 =	smov.u32 s13;
	_ =	sdelay $0x3  }
0xd8: {  	v20 =	vmul.f32 v22, v20  }
0xd9: {  	v21 =	vmul.f32 v21, v23;
	_ =	sdelay $0x1  }
0xda: {  	v20 =	vadd.f32 v21, v20;
	_ =	sdelay $0x1  }
0xdb: {  	[tilespmem:s12+$0xB0] =	vst v20;
	s12 =	smov.u32 s20  }
0xdc: {  	v20 =	vld [tilespmem:s13+$0xFFFFFF00]  }
0xdd: {  	v21 =	vld [tilespmem:s4+$0xFFFFFF10]  }
0xde: {  	v22 =	vld [tilespmem:s13+$0xFFFFFF10]  }
0xdf: {  	v23 =	vld [tilespmem:s4+$0xFFFFFF00];
	_ =	sdelay $0x3  }
0xe0: {  	v21 =	vmul.f32 v21, v22  }
0xe1: {  	v20 =	vmul.f32 v23, v20;
	_ =	sdelay $0x1  }
0xe2: {  	v20 =	vadd.f32 v21, v20;
	_ =	sdelay $0x1  }
0xe3: {  	[tilespmem:s20+$0xFFFFFF00] =	vst v20  }
0xe4: {  	v20 =	vld [tilespmem:s4+$0xFFFFFF30]  }
0xe5: {  	v21 =	vld [tilespmem:s13+$0xFFFFFF20]  }
0xe6: {  	v22 =	vld [tilespmem:s13+$0xFFFFFF30]  }
0xe7: {  	v23 =	vld [tilespmem:s4+$0xFFFFFF20];
	_ =	sdelay $0x3  }
0xe8: {  	v20 =	vmul.f32 v20, v22  }
0xe9: {  	v21 =	vmul.f32 v23, v21;
	_ =	sdelay $0x1  }
0xea: {  	v20 =	vadd.f32 v20, v21;
	_ =	sdelay $0x1  }
0xeb: {  	[tilespmem:s20+$0xFFFFFF10] =	vst v20  }
0xec: {  	v20 =	vld [tilespmem:s13+$0xFFFFFF40]  }
0xed: {  	v21 =	vld [tilespmem:s4+$0xFFFFFF40]  }
0xee: {  	v22 =	vld [tilespmem:s13+$0xFFFFFF50]  }
0xef: {  	v23 =	vld [tilespmem:s4+$0xFFFFFF50];
	_ =	sdelay $0x2  }
0xf0: {  	v20 =	vmul.f32 v21, v20;
	_ =	sdelay $0x1  }
0xf1: {  	v21 =	vmul.f32 v23, v22;
	_ =	sdelay $0x1  }
0xf2: {  	v20 =	vadd.f32 v21, v20;
	_ =	sdelay $0x1  }
0xf3: {  	[tilespmem:s20+$0xFFFFFF20] =	vst v20  }
0xf4: {  	v20 =	vld [tilespmem:s13+$0xFFFFFF70]  }
0xf5: {  	v21 =	vld [tilespmem:s4+$0xFFFFFF60]  }
0xf6: {  	v22 =	vld [tilespmem:s13+$0xFFFFFF60]  }
0xf7: {  	v23 =	vld [tilespmem:s4+$0xFFFFFF70];
	_ =	sdelay $0x3  }
0xf8: {  	v21 =	vmul.f32 v21, v22  }
0xf9: {  	v20 =	vmul.f32 v23, v20;
	_ =	sdelay $0x1  }
0xfa: {  	v20 =	vadd.f32 v20, v21;
	_ =	sdelay $0x1  }
0xfb: {  	[tilespmem:s20+$0xFFFFFF30] =	vst v20  }
0xfc: {  	v20 =	vld [tilespmem:s4+$0xFFFFFF90]  }
0xfd: {  	v21 =	vld [tilespmem:s4+$0xFFFFFF80]  }
0xfe: {  	v22 =	vld [tilespmem:s13+$0xFFFFFF80]  }
0xff: {  	v23 =	vld [tilespmem:s13+$0xFFFFFF90];
	_ =	sdelay $0x3  }
0x100: {  	v21 =	vmul.f32 v21, v22  }
0x101: {  	v20 =	vmul.f32 v20, v23;
	_ =	sdelay $0x1  }
0x102: {  	v20 =	vadd.f32 v20, v21;
	_ =	sdelay $0x1  }
0x103: {  	[tilespmem:s20+$0xFFFFFF80] =	vst v20  }
0x104: {  	v20 =	vld [tilespmem:s4+$0xFFFFFFA0]  }
0x105: {  	v21 =	vld [tilespmem:s4+$0xFFFFFFB0]  }
0x106: {  	v22 =	vld [tilespmem:s13+$0xFFFFFFA0]  }
0x107: {  	v23 =	vld [tilespmem:s13+$0xFFFFFFB0];
	_ =	sdelay $0x3  }
0x108: {  	v20 =	vmul.f32 v20, v22  }
0x109: {  	v21 =	vmul.f32 v21, v23;
	_ =	sdelay $0x1  }
0x10a: {  	v20 =	vadd.f32 v21, v20;
	_ =	sdelay $0x1  }
0x10b: {  	[tilespmem:s20+$0xFFFFFF90] =	vst v20  }
0x10c: {  	v20 =	vld [tilespmem:s4+$0xFFFFFFC0]  }
0x10d: {  	v21 =	vld [tilespmem:s4+$0xFFFFFFD0]  }
0x10e: {  	v22 =	vld [tilespmem:s13+$0xFFFFFFC0]  }
0x10f: {  	v23 =	vld [tilespmem:s13+$0xFFFFFFD0];
	_ =	sdelay $0x3  }
0x110: {  	v20 =	vmul.f32 v20, v22  }
0x111: {  	v21 =	vmul.f32 v21, v23;
	_ =	sdelay $0x1  }
0x112: {  	v20 =	vadd.f32 v21, v20;
	_ =	sdelay $0x1  }
0x113: {  	[tilespmem:s20+$0xFFFFFFA0] =	vst v20  }
0x114: {  	v20 =	vld [tilespmem:s4+$0xFFFFFFE0]  }
0x115: {  	v21 =	vld [tilespmem:s4+$0xFFFFFFF0]  }
0x116: {  	v22 =	vld [tilespmem:s13+$0xFFFFFFE0]  }
0x117: {  	v23 =	vld [tilespmem:s13+$0xFFFFFFF0];
	_ =	sdelay $0x3  }
0x118: {  	v20 =	vmul.f32 v20, v22  }
0x119: {  	v21 =	vmul.f32 v21, v23;
	_ =	sdelay $0x1  }
0x11a: {  	v20 =	vadd.f32 v21, v20;
	_ =	sdelay $0x1  }
0x11b: {  	[tilespmem:s20+$0xFFFFFFB0] =	vst v20  }
0x11c: {  	v20 =	vld [tilespmem:s4+$0x0]  }
0x11d: {  	v21 =	vld [tilespmem:s4+$0x10]  }
0x11e: {  	v22 =	vld [tilespmem:s13+$0x0]  }
0x11f: {  	v23 =	vld [tilespmem:s13+$0x10];
	_ =	sdelay $0x3  }
0x120: {  	v20 =	vmul.f32 v20, v22  }
0x121: {  	v21 =	vmul.f32 v21, v23;
	_ =	sdelay $0x1  }
0x122: {  	v20 =	vadd.f32 v21, v20;
	_ =	sdelay $0x1  }
0x123: {  	[tilespmem:s20+$0x0] =	vst v20  }
0x124: {  	v20 =	vld [tilespmem:s4+$0x20]  }
0x125: {  	v21 =	vld [tilespmem:s4+$0x30]  }
0x126: {  	v22 =	vld [tilespmem:s13+$0x20]  }
0x127: {  	v23 =	vld [tilespmem:s13+$0x30];
	_ =	sdelay $0x3  }
0x128: {  	v20 =	vmul.f32 v20, v22  }
0x129: {  	v21 =	vmul.f32 v21, v23;
	_ =	sdelay $0x1  }
0x12a: {  	v20 =	vadd.f32 v21, v20;
	_ =	sdelay $0x1  }
0x12b: {  	[tilespmem:s20+$0x10] =	vst v20  }
0x12c: {  	v20 =	vld [tilespmem:s4+$0x40]  }
0x12d: {  	v21 =	vld [tilespmem:s4+$0x50]  }
0x12e: {  	v22 =	vld [tilespmem:s13+$0x40]  }
0x12f: {  	v23 =	vld [tilespmem:s13+$0x50];
	_ =	sdelay $0x3  }
0x130: {  	v20 =	vmul.f32 v20, v22  }
0x131: {  	v21 =	vmul.f32 v21, v23;
	_ =	sdelay $0x1  }
0x132: {  	v20 =	vadd.f32 v21, v20;
	_ =	sdelay $0x1  }
0x133: {  	[tilespmem:s20+$0x20] =	vst v20  }
0x134: {  	v20 =	vld [tilespmem:s4+$0x60]  }
0x135: {  	v21 =	vld [tilespmem:s4+$0x70]  }
0x136: {  	v22 =	vld [tilespmem:s13+$0x60]  }
0x137: {  	v23 =	vld [tilespmem:s13+$0x70];
	_ =	sdelay $0x3  }
0x138: {  	v20 =	vmul.f32 v20, v22  }
0x139: {  	v21 =	vmul.f32 v21, v23;
	_ =	sdelay $0x1  }
0x13a: {  	v20 =	vadd.f32 v21, v20;
	_ =	sdelay $0x1  }
0x13b: {  	[tilespmem:s20+$0x30] =	vst v20  }
0x13c: {  	v20 =	vld [tilespmem:s13+$0x80]  }
.Ltmp3:
0x13d: {  	v21 =	vld [tilespmem:s4+$0x80];
	(pc) =	sbr.rel @p0 .LBB2_9-.Ltmp3, $3  }
0x13e: {  	v22 =	vld [tilespmem:s13+$0x90]  }
0x13f: {  	v23 =	vld [tilespmem:s4+$0x90];
	_ =	sdelay $0x1  }
0x140: {  	s22 =	simm.s32 $0x4;
	s20 =	sadd.s32 $0x200, s20  }
0x141: {  	_ =	sdelay $0x1  }
0x142: {  	v20 =	vmul.f32 v21, v20;
	v22 =	vmul.f32 v23, v22;
	_ =	sdelay $0x1  }
0x143: {  	v20 =	vadd.f32 v22, v20;
	_ =	sdelay $0x1  }
0x144: {  	[tilespmem:s12+$0x80] =	vst v20  }
0x145: {  	v20 =	vld [tilespmem:s1+$0xB0]  }
0x146: {  	v21 =	vld [tilespmem:s17+$0xA0]  }
0x147: {  	v22 =	vld [tilespmem:s17+$0xB0]  }
0x148: {  	v23 =	vld [tilespmem:s1+$0xA0];
	_ =	sdelay $0x4  }
0x149: {  	v20 =	vmul.f32 v20, v22;
	v21 =	vmul.f32 v23, v21;
	_ =	sdelay $0x1  }
0x14a: {  	v20 =	vadd.f32 v20, v21;
	_ =	sdelay $0x1  }
0x14b: {  	[tilespmem:s12+$0x90] =	vst v20  }
0x14c: {  	v20 =	vld [tilespmem:s17+$0xC0]  }
0x14d: {  	v21 =	vld [tilespmem:s1+$0xC0]  }
0x14e: {  	v22 =	vld [tilespmem:s17+$0xD0]  }
0x14f: {  	v23 =	vld [tilespmem:s1+$0xD0];
	_ =	sdelay $0x4  }
0x150: {  	v20 =	vmul.f32 v21, v20;
	v21 =	vmul.f32 v23, v22;
	_ =	sdelay $0x1  }
0x151: {  	v20 =	vadd.f32 v21, v20;
	_ =	sdelay $0x1  }
0x152: {  	[tilespmem:s12+$0xA0] =	vst v20  }
0x153: {  	v20 =	vld [tilespmem:s17+$0xE0]  }
0x154: {  	v21 =	vld [tilespmem:s1+$0xF0]  }
0x155: {  	v22 =	vld [tilespmem:s1+$0xE0]  }
0x156: {  	v23 =	vld [tilespmem:s17+$0xF0];
	_ =	sdelay $0x1  }
0x157: {  	s20 =	simm.s32 $0x0  }
0x158: {  	v24 =	vor.u32 s20, v4  }
0x159: {  	v25 =	vshll.u32 v24, $0x7  }
0x15a: {  	v20 =	vmul.f32 v22, v20;
	v21 =	vmul.f32 v21, v23;
	v22 =	vor.u32 v1, v25  }
0x15b: {  	v23 =	vor.u32 v19, v25  }
0x15c: {  	v26 =	vor.u32 v16, v25;
	v20 =	vadd.f32 v21, v20  }
0x15d: {  	v27 =	vor.u32 v11, v25  }
0x15e: {  	v28 =	vor.u32 v9, v25;
	[tilespmem:s12+$0xB0] =	vst v20  }
0x15f: {  	v29 =	vor.u32 v12, v25;
	v22 =	vld.idx.msk [tilespmem:v22+s28+$0x0], $0xffff  }
0x160: {  	v30 =	vor.u32 v8, v25;
	v23 =	vld.idx.msk [tilespmem:v23+s28+$0x0], $0xffff  }
0x161: {  	v31 =	vor.u32 v15, v25;
	v26 =	vld.idx.msk [tilespmem:v26+s28+$0x0], $0xffff  }
0x162: {  	v32 =	vor.u32 v14, v25;
	v27 =	vld.idx.msk [tilespmem:v27+s28+$0x0], $0xffff  }
0x163: {  	v33 =	vor.u32 v6, v25;
	v28 =	vld.idx.msk [tilespmem:v28+s28+$0x0], $0xffff  }
0x164: {  	v34 =	vor.u32 v7, v25;
	v29 =	vld.idx.msk [tilespmem:v29+s28+$0x0], $0xffff  }
0x165: {  	v35 =	vor.u32 v13, v25;
	v30 =	vld.idx.msk [tilespmem:v30+s28+$0x0], $0xffff  }
0x166: {  	v36 =	vor.u32 v18, v25;
	v31 =	vld.idx.msk [tilespmem:v31+s28+$0x0], $0xffff  }
0x167: {  	v37 =	vor.u32 v17, v25;
	v32 =	vld.idx.msk [tilespmem:v32+s28+$0x0], $0xffff  }
0x168: {  	v21 =	vor.u32 v5, v25;
	v33 =	vld.idx.msk [tilespmem:v33+s28+$0x0], $0xffff  }
0x169: {  	v20 =	vor.u32 v10, v25;
	v34 =	vld.idx.msk [tilespmem:v34+s28+$0x0], $0xffff  }
0x16a: {  	v35 =	vld.idx.msk [tilespmem:v35+s28+$0x0], $0xffff  }
0x16b: {  	v36 =	vld.idx.msk [tilespmem:v36+s28+$0x0], $0xffff  }
0x16c: {  	v37 =	vld.idx.msk [tilespmem:v37+s28+$0x0], $0xffff  }
0x16d: {  	v21 =	vld.idx.msk [tilespmem:v21+s28+$0x0], $0xffff  }
0x16e: {  	v20 =	vld.idx.msk [tilespmem:v20+s28+$0x0], $0xffff;
	_ =	sdelay $0x1  }
0x16f: {  	v28 =	vadd.f32 v28, v30;
	v29 =	vadd.f32 v35, v29  }
0x170: {  	v26 =	vadd.f32 v37, v26;
	v23 =	vadd.f32 v23, v36  }
0x171: {  	v21 =	vadd.f32 v21, v22;
	v22 =	vadd.f32 v31, v32  }
0x172: {  	v20 =	vadd.f32 v27, v20;
	v27 =	vadd.f32 v34, v33  }
0x173: {  	v23 =	vadd.f32 v23, v26;
	v22 =	vadd.f32 v22, v29  }
0x174: {  	v21 =	vadd.f32 v27, v21;
	v20 =	vadd.f32 v20, v28;
	_ =	sdelay $0x1  }
0x175: {  	v20 =	vadd.f32 v20, v21;
	v21 =	vadd.f32 v23, v22;
	_ =	sdelay $0x1  }
0x176: {  	v20 =	vadd.f32 v21, v20;
	_ =	sdelay $0x1  }
0x177: {  	v20 =	vmax.f32 v20, $-1.000000000e+01  }
0x178: {  	v20 =	vmin.f32 v20, $1.000000000e+01  }
0x179: {  	v21 =	vld.idx.msk [tilespmem:v24+s3+$0x0], $0xffff;
	v20 =	vmul.f32 $1.442695020e+00, v20;
	_ =	sdelay $0x1  }
0x17a: {  	(erf) = vpow2.f32 v20;
	_ =	sdelay $0x2  }
0x17b: {  	v20 =	vshll.u32 v21, $0x4  }
0x17c: {  	v22 =	vor.u32 v0, v25;
	v20 =	vand.u32 $0x70, v20  }
0x17d: {  	v21 =	vor.u32 s22, v4;
	v23 =	vor.u32 v20, v22  }
0x17e: {  	v20 =	vshll.u32 v21, $0x7  }
0x17f: {  	v24 =	vor.u32 v1, v20  }
0x180: {  	v25 =	vor.u32 v19, v20  }
0x181: {  	v26 =	vor.u32 v9, v20;
	v27 =	vpop (erf)  }
0x182: {  	v28 =	vor.u32 v18, v20;
	[tilespmem:v23+s29+$0x0] =	vst.idx.msk $0xffff, v27  }
0x183: {  	v30 =	vor.u32 v11, v20;
	[tilespmem:v22+s28+$0x0] =	vst.idx.msk $0xffff, v27  }
0x184: {  	v31 =	vor.u32 v7, v20;
	v22 =	vld.idx.msk [tilespmem:v24+s28+$0x0], $0xffff  }
0x185: {  	v61 =	vor.u32 v16, v20;
	v23 =	vld.idx.msk [tilespmem:v25+s28+$0x0], $0xffff  }
0x186: {  	v27 =	vor.u32 v8, v20;
	v59 =	vld.idx.msk [tilespmem:v26+s28+$0x0], $0xffff  }
0x187: {  	v29 =	vor.u32 v17, v20;
	v24 =	vld.idx.msk [tilespmem:v28+s28+$0x0], $0xffff  }
0x188: {  	v62 =	vor.u32 v15, v20;
	v25 =	vld.idx.msk [tilespmem:v30+s28+$0x0], $0xffff  }
0x189: {  	v63 =	vor.u32 v5, v20;
	v28 =	vld.idx.msk [tilespmem:v31+s28+$0x0], $0xffff  }
0x18a: {  	v38 =	vor.u32 v14, v20;
	v32 =	vld.idx.msk [tilespmem:v61+s28+$0x0], $0xffff  }
0x18b: {  	v26 =	vor.u32 v13, v20;
	v60 =	vld.idx.msk [tilespmem:v27+s28+$0x0], $0xffff  }
0x18c: {  	v27 =	vld.idx.msk [tilespmem:v29+s28+$0x0], $0xffff;
	v29 =	vor.u32 v6, v20  }
0x18d: {  	v36 =	vor.u32 v10, v20;
	v30 =	vld.idx.msk [tilespmem:v62+s28+$0x0], $0xffff  }
0x18e: {  	v35 =	vor.u32 v12, v20;
	v33 =	vld.idx.msk [tilespmem:v63+s28+$0x0], $0xffff  }
0x18f: {  	v34 =	vld.idx.msk [tilespmem:v38+s28+$0x0], $0xffff  }
0x190: {  	v26 =	vld.idx.msk [tilespmem:v26+s28+$0x0], $0xffff  }
0x191: {  	s13 =	simm.s32 $0x2B80;
	s1 =	simm.s32 $0x0;
	s12 =	simm.s32 $0x6780;
	v31 =	vld.idx.msk [tilespmem:v29+s28+$0x0], $0xffff;
	v29 =	vadd.f32 v59, v60  }
.LBB2_11:
0x192: {  	s1 =	sadd.s32 $0x2, s1;
	v36 =	vld.idx.msk [tilespmem:v36+s28+$0x0], $0xffff;
	s22 =	sadd.s32 $0x8, s22  }
0x193: {  	v27 =	vadd.f32 v27, v32;
	p0 =	slt.u32 s1, $0x8;
	v35 =	vld.idx.msk [tilespmem:v35+s28+$0x0], $0xffff;
	_ =	sdelay $0x1  }
0x194: {  	v23 =	vadd.f32 v23, v24  }
0x195: {  	v22 =	vadd.f32 v33, v22  }
0x196: {  	v24 =	vadd.f32 v28, v31;
	v28 =	vadd.f32 v30, v34  }
0x197: {  	v25 =	vadd.f32 v25, v36  }
0x198: {  	v23 =	vadd.f32 v23, v27;
	v26 =	vadd.f32 v26, v35  }
0x199: {  	v22 =	vadd.f32 v24, v22;
	v24 =	vadd.f32 v25, v29  }
0x19a: {  	v25 =	vadd.f32 v28, v26  }
0x19b: {  	v22 =	vadd.f32 v24, v22  }
0x19c: {  	v23 =	vadd.f32 v23, v25;
	_ =	sdelay $0x1  }
0x19d: {  	v22 =	vadd.f32 v23, v22;
	_ =	sdelay $0x1  }
0x19e: {  	v22 =	vmax.f32 v22, $-1.000000000e+01;
	v21 =	vld.idx.msk [tilespmem:v21+s3+$0x0], $0xffff  }
0x19f: {  	v22 =	vmin.f32 v22, $1.000000000e+01  }
0x1a0: {  	v22 =	vmul.f32 $1.442695020e+00, v22;
	_ =	sdelay $0x1  }
0x1a1: {  	(erf) = vpow2.f32 v22;
	_ =	sdelay $0x1  }
0x1a2: {  	v21 =	vshll.u32 v21, $0x4  }
0x1a3: {  	v20 =	vor.u32 v0, v20;
	v21 =	vand.u32 $0x70, v21  }
0x1a4: {  	s4 =	sadd.s32 $0xFFFFFFFC, s22;
	v21 =	vor.u32 v21, v20  }
0x1a5: {  	v22 =	vor.u32 s4, v4  }
0x1a6: {  	v23 =	vshll.u32 v22, $0x7  }
0x1a7: {  	v24 =	vor.u32 v1, v23;
	v25 =	vor.u32 v5, v23;
	v26 =	vor.u32 v16, v23  }
0x1a8: {  	v27 =	vor.u32 v6, v23;
	v28 =	vor.u32 v7, v23;
	v29 =	vor.u32 v19, v23  }
0x1a9: {  	v30 =	vor.u32 v10, v23;
	v31 =	vor.u32 v17, v23;
	v32 =	vor.u32 v18, v23;
	v33 =	vpop (erf)  }
0x1aa: {  	v34 =	vor.u32 v13, v23;
	v35 =	vor.u32 v14, v23;
	[tilespmem:v21+s29+$0x0] =	vst.idx.msk $0xffff, v33  }
0x1ab: {  	v36 =	vor.u32 v9, v23;
	v21 =	vor.u32 v8, v23;
	[tilespmem:v20+s28+$0x0] =	vst.idx.msk $0xffff, v33  }
0x1ac: {  	v20 =	vld.idx.msk [tilespmem:v24+s28+$0x0], $0xffff;
	v24 =	vor.u32 v11, v23  }
0x1ad: {  	v29 =	vld.idx.msk [tilespmem:v29+s28+$0x0], $0xffff  }
0x1ae: {  	v33 =	vor.u32 v12, v23;
	v25 =	vld.idx.msk [tilespmem:v25+s28+$0x0], $0xffff  }
0x1af: {  	v26 =	vld.idx.msk [tilespmem:v26+s28+$0x0], $0xffff  }
0x1b0: {  	v37 =	vor.u32 v15, v23;
	v30 =	vld.idx.msk [tilespmem:v30+s28+$0x0], $0xffff  }
0x1b1: {  	v24 =	vld.idx.msk [tilespmem:v24+s28+$0x0], $0xffff  }
0x1b2: {  	v36 =	vld.idx.msk [tilespmem:v36+s28+$0x0], $0xffff  }
0x1b3: {  	v33 =	vld.idx.msk [tilespmem:v33+s28+$0x0], $0xffff  }
0x1b4: {  	v20 =	vadd.f32 v25, v20;
	v21 =	vld.idx.msk [tilespmem:v21+s28+$0x0], $0xffff  }
0x1b5: {  	v25 =	vld.idx.msk [tilespmem:v37+s28+$0x0], $0xffff  }
0x1b6: {  	v35 =	vld.idx.msk [tilespmem:v35+s28+$0x0], $0xffff  }
0x1b7: {  	v27 =	vld.idx.msk [tilespmem:v27+s28+$0x0], $0xffff  }
0x1b8: {  	v28 =	vld.idx.msk [tilespmem:v28+s28+$0x0], $0xffff  }
0x1b9: {  	v34 =	vld.idx.msk [tilespmem:v34+s28+$0x0], $0xffff  }
0x1ba: {  	v32 =	vld.idx.msk [tilespmem:v32+s28+$0x0], $0xffff  }
0x1bb: {  	v31 =	vld.idx.msk [tilespmem:v31+s28+$0x0], $0xffff  }
0x1bc: {  	v24 =	vadd.f32 v24, v30  }
0x1bd: {  	v25 =	vadd.f32 v25, v35  }
0x1be: {  	v21 =	vadd.f32 v36, v21;
	v27 =	vadd.f32 v28, v27  }
0x1bf: {  	v28 =	vadd.f32 v34, v33  }
0x1c0: {  	v21 =	vadd.f32 v24, v21;
	v20 =	vadd.f32 v27, v20  }
0x1c1: {  	v24 =	vadd.f32 v31, v26;
	v26 =	vadd.f32 v29, v32  }
0x1c2: {  	v25 =	vadd.f32 v25, v28;
	v20 =	vadd.f32 v21, v20  }
0x1c3: {  	v21 =	vadd.f32 v26, v24;
	_ =	sdelay $0x1  }
0x1c4: {  	v21 =	vadd.f32 v21, v25;
	_ =	sdelay $0x1  }
0x1c5: {  	v20 =	vadd.f32 v21, v20;
	_ =	sdelay $0x1  }
0x1c6: {  	v20 =	vmax.f32 v20, $-1.000000000e+01  }
0x1c7: {  	v20 =	vmin.f32 v20, $1.000000000e+01;
	v21 =	vld.idx.msk [tilespmem:v22+s3+$0x0], $0xffff  }
0x1c8: {  	v20 =	vmul.f32 $1.442695020e+00, v20;
	_ =	sdelay $0x1  }
0x1c9: {  	(erf) = vpow2.f32 v20;
	_ =	sdelay $0x2  }
0x1ca: {  	v20 =	vshll.u32 v21, $0x4  }
0x1cb: {  	v22 =	vor.u32 v0, v23;
	v20 =	vand.u32 $0x70, v20  }
0x1cc: {  	v21 =	vor.u32 s22, v4;
	v23 =	vor.u32 v20, v22  }
0x1cd: {  	v20 =	vshll.u32 v21, $0x7  }
0x1ce: {  	v24 =	vor.u32 v1, v20  }
0x1cf: {  	v25 =	vor.u32 v19, v20  }
0x1d0: {  	v26 =	vor.u32 v9, v20;
	v27 =	vpop (erf)  }
0x1d1: {  	v28 =	vor.u32 v18, v20;
	[tilespmem:v23+s29+$0x0] =	vst.idx.msk $0xffff, v27  }
0x1d2: {  	[tilespmem:v22+s28+$0x0] =	vst.idx.msk $0xffff, v27;
	v27 =	vor.u32 v8, v20  }
0x1d3: {  	v29 =	vor.u32 v17, v20;
	v22 =	vld.idx.msk [tilespmem:v24+s28+$0x0], $0xffff  }
0x1d4: {  	v30 =	vor.u32 v11, v20;
	v23 =	vld.idx.msk [tilespmem:v25+s28+$0x0], $0xffff  }
0x1d5: {  	v31 =	vld.idx.msk [tilespmem:v26+s28+$0x0], $0xffff;
	v26 =	vor.u32 v13, v20  }
0x1d6: {  	v32 =	vor.u32 v7, v20;
	v24 =	vld.idx.msk [tilespmem:v28+s28+$0x0], $0xffff  }
0x1d7: {  	v34 =	vor.u32 v16, v20;
	v33 =	vld.idx.msk [tilespmem:v27+s28+$0x0], $0xffff  }
0x1d8: {  	v37 =	vor.u32 v15, v20;
	v27 =	vld.idx.msk [tilespmem:v29+s28+$0x0], $0xffff  }
0x1d9: {  	v38 =	vor.u32 v6, v20;
	v25 =	vld.idx.msk [tilespmem:v30+s28+$0x0], $0xffff  }
0x1da: {  	v39 =	vor.u32 v5, v20;
	v26 =	vld.idx.msk [tilespmem:v26+s28+$0x0], $0xffff  }
0x1db: {  	v40 =	vor.u32 v14, v20;
	v28 =	vld.idx.msk [tilespmem:v32+s28+$0x0], $0xffff  }
.Ltmp4:
0x1dc: {  	v36 =	vor.u32 v10, v20;
	v35 =	vor.u32 v12, v20;
	v32 =	vld.idx.msk [tilespmem:v34+s28+$0x0], $0xffff;
	(pc) =	sbr.rel @p0 .LBB2_11-.Ltmp4, $4  }
0x1dd: {  	v29 =	vadd.f32 v31, v33;
	v30 =	vld.idx.msk [tilespmem:v37+s28+$0x0], $0xffff  }
0x1de: {  	v31 =	vld.idx.msk [tilespmem:v38+s28+$0x0], $0xffff  }
0x1df: {  	v33 =	vld.idx.msk [tilespmem:v39+s28+$0x0], $0xffff  }
0x1e0: {  	s4 =	simm.s32 $0x3F80;
	v34 =	vld.idx.msk [tilespmem:v40+s28+$0x0], $0xffff  }
0x1e1: {  	_ =	sdelay $0x3  }
0x1e2: {  	v36 =	vld.idx.msk [tilespmem:v36+s28+$0x0], $0xffff  }
0x1e3: {  	v35 =	vld.idx.msk [tilespmem:v35+s28+$0x0], $0xffff;
	_ =	sdelay $0x1  }
0x1e4: {  	v27 =	vadd.f32 v27, v32  }
0x1e5: {  	v23 =	vadd.f32 v23, v24;
	v60 =	vadd.f32 v28, v31  }
0x1e6: {  	v22 =	vadd.f32 v33, v22;
	v61 =	vadd.f32 v30, v34  }
0x1e7: {  	v25 =	vadd.f32 v25, v36;
	v26 =	vadd.f32 v26, v35  }
0x1e8: {  	v23 =	vadd.f32 v23, v27;
	v22 =	vadd.f32 v60, v22  }
0x1e9: {  	v62 =	vadd.f32 v25, v29;
	v63 =	vadd.f32 v61, v26;
	_ =	sdelay $0x1  }
0x1ea: {  	v22 =	vadd.f32 v62, v22;
	v23 =	vadd.f32 v23, v63;
	_ =	sdelay $0x1  }
0x1eb: {  	v22 =	vadd.f32 v23, v22;
	_ =	sdelay $0x1  }
0x1ec: {  	v22 =	vmax.f32 v22, $-1.000000000e+01  }
0x1ed: {  	v22 =	vmin.f32 v22, $1.000000000e+01  }
0x1ee: {  	v21 =	vld.idx.msk [tilespmem:v21+s3+$0x0], $0xffff;
	v22 =	vmul.f32 $1.442695020e+00, v22;
	_ =	sdelay $0x1  }
0x1ef: {  	(erf) = vpow2.f32 v22;
	_ =	sdelay $0x2  }
0x1f0: {  	v21 =	vshll.u32 v21, $0x4  }
0x1f1: {  	v20 =	vor.u32 v0, v20;
	v21 =	vand.u32 $0x70, v21  }
0x1f2: {  	v21 =	vor.u32 v21, v20;
	_ =	sdelay $0x3  }
0x1f3: {  	v22 =	vpop (erf)  }
0x1f4: {  	[tilespmem:v21+s29+$0x0] =	vst.idx.msk $0xffff, v22  }
0x1f5: {  	[tilespmem:v20+s28+$0x0] =	vst.idx.msk $0xffff, v22  }
0x1f6: {  	v20 =	vld [tilespmem:s4+$0xFFFFFF00];
	_ =	sdelay $0x1  }
0x1f7: {  	v21 =	vld [tilespmem:s13+$0xFFFFFF00];
	_ =	sdelay $0x2  }
0x1f8: {  	v22 =	vbroadcast v20, $0x0;
	_ =	sdelay $0x1  }
0x1f9: {  	v21 =	vmul.f32 v21, v22;
	_ =	sdelay $0x1  }
0x1fa: {  	[tilespmem:s12+$0xFFFFFF00] =	vst v21  }
0x1fb: {  	v21 =	vld [tilespmem:s13+$0xFFFFFF10];
	_ =	sdelay $0x4  }
0x1fc: {  	v21 =	vmul.f32 v21, v22;
	_ =	sdelay $0x1  }
0x1fd: {  	[tilespmem:s12+$0xFFFFFF10] =	vst v21  }
0x1fe: {  	v21 =	vld [tilespmem:s13+$0xFFFFFF20];
	_ =	sdelay $0x2  }
0x1ff: {  	v22 =	vbroadcast v20, $0x1;
	_ =	sdelay $0x1  }
0x200: {  	v21 =	vmul.f32 v21, v22;
	_ =	sdelay $0x1  }
0x201: {  	[tilespmem:s12+$0xFFFFFF20] =	vst v21  }
0x202: {  	v21 =	vld [tilespmem:s13+$0xFFFFFF30];
	_ =	sdelay $0x4  }
0x203: {  	v21 =	vmul.f32 v21, v22;
	_ =	sdelay $0x1  }
0x204: {  	[tilespmem:s12+$0xFFFFFF30] =	vst v21  }
0x205: {  	v21 =	vld [tilespmem:s13+$0xFFFFFF40];
	_ =	sdelay $0x2  }
0x206: {  	v22 =	vbroadcast v20, $0x2;
	_ =	sdelay $0x1  }
0x207: {  	v21 =	vmul.f32 v21, v22;
	_ =	sdelay $0x1  }
0x208: {  	[tilespmem:s12+$0xFFFFFF40] =	vst v21  }
0x209: {  	v21 =	vld [tilespmem:s13+$0xFFFFFF50];
	_ =	sdelay $0x4  }
0x20a: {  	v21 =	vmul.f32 v21, v22;
	_ =	sdelay $0x1  }
0x20b: {  	[tilespmem:s12+$0xFFFFFF50] =	vst v21  }
0x20c: {  	v21 =	vld [tilespmem:s13+$0xFFFFFF60];
	_ =	sdelay $0x2  }
0x20d: {  	v20 =	vbroadcast v20, $0x3;
	_ =	sdelay $0x1  }
0x20e: {  	v21 =	vmul.f32 v21, v20;
	_ =	sdelay $0x1  }
0x20f: {  	[tilespmem:s12+$0xFFFFFF60] =	vst v21  }
0x210: {  	v21 =	vld [tilespmem:s13+$0xFFFFFF70];
	_ =	sdelay $0x4  }
0x211: {  	v20 =	vmul.f32 v21, v20;
	_ =	sdelay $0x1  }
0x212: {  	[tilespmem:s12+$0xFFFFFF70] =	vst v20  }
0x213: {  	v20 =	vld [tilespmem:s4+$0xFFFFFF80];
	_ =	sdelay $0x1  }
0x214: {  	v21 =	vld [tilespmem:s13+$0xFFFFFF80];
	_ =	sdelay $0x2  }
0x215: {  	v22 =	vbroadcast v20, $0x0;
	_ =	sdelay $0x1  }
0x216: {  	v21 =	vmul.f32 v21, v22;
	_ =	sdelay $0x1  }
0x217: {  	[tilespmem:s12+$0xFFFFFF80] =	vst v21  }
0x218: {  	v21 =	vld [tilespmem:s13+$0xFFFFFF90];
	_ =	sdelay $0x4  }
0x219: {  	v21 =	vmul.f32 v21, v22;
	_ =	sdelay $0x1  }
0x21a: {  	[tilespmem:s12+$0xFFFFFF90] =	vst v21  }
0x21b: {  	v21 =	vld [tilespmem:s13+$0xFFFFFFA0];
	_ =	sdelay $0x2  }
0x21c: {  	v22 =	vbroadcast v20, $0x1;
	_ =	sdelay $0x1  }
0x21d: {  	v21 =	vmul.f32 v21, v22;
	_ =	sdelay $0x1  }
0x21e: {  	[tilespmem:s12+$0xFFFFFFA0] =	vst v21  }
0x21f: {  	v21 =	vld [tilespmem:s13+$0xFFFFFFB0];
	_ =	sdelay $0x4  }
0x220: {  	v21 =	vmul.f32 v21, v22;
	_ =	sdelay $0x1  }
0x221: {  	[tilespmem:s12+$0xFFFFFFB0] =	vst v21  }
0x222: {  	v21 =	vld [tilespmem:s13+$0xFFFFFFC0];
	_ =	sdelay $0x2  }
0x223: {  	v22 =	vbroadcast v20, $0x2;
	_ =	sdelay $0x1  }
0x224: {  	v21 =	vmul.f32 v21, v22;
	_ =	sdelay $0x1  }
0x225: {  	[tilespmem:s12+$0xFFFFFFC0] =	vst v21  }
0x226: {  	v21 =	vld [tilespmem:s13+$0xFFFFFFD0];
	_ =	sdelay $0x4  }
0x227: {  	v21 =	vmul.f32 v21, v22;
	_ =	sdelay $0x1  }
0x228: {  	[tilespmem:s12+$0xFFFFFFD0] =	vst v21  }
0x229: {  	v21 =	vld [tilespmem:s13+$0xFFFFFFE0];
	_ =	sdelay $0x2  }
0x22a: {  	v20 =	vbroadcast v20, $0x3;
	_ =	sdelay $0x1  }
0x22b: {  	v21 =	vmul.f32 v21, v20;
	_ =	sdelay $0x1  }
0x22c: {  	[tilespmem:s12+$0xFFFFFFE0] =	vst v21  }
0x22d: {  	v21 =	vld [tilespmem:s13+$0xFFFFFFF0];
	_ =	sdelay $0x4  }
0x22e: {  	v20 =	vmul.f32 v21, v20;
	_ =	sdelay $0x1  }
0x22f: {  	[tilespmem:s12+$0xFFFFFFF0] =	vst v20  }
0x230: {  	v20 =	vld [tilespmem:s4+$0x0];
	_ =	sdelay $0x1  }
0x231: {  	v21 =	vld [tilespmem:s13+$0x0];
	_ =	sdelay $0x2  }
0x232: {  	v22 =	vbroadcast v20, $0x0;
	_ =	sdelay $0x1  }
0x233: {  	v21 =	vmul.f32 v21, v22;
	_ =	sdelay $0x1  }
0x234: {  	[tilespmem:s12+$0x0] =	vst v21  }
0x235: {  	v21 =	vld [tilespmem:s13+$0x10];
	_ =	sdelay $0x4  }
0x236: {  	v21 =	vmul.f32 v21, v22;
	_ =	sdelay $0x1  }
0x237: {  	[tilespmem:s12+$0x10] =	vst v21  }
0x238: {  	v21 =	vld [tilespmem:s13+$0x20];
	_ =	sdelay $0x2  }
0x239: {  	v22 =	vbroadcast v20, $0x1;
	_ =	sdelay $0x1  }
0x23a: {  	v21 =	vmul.f32 v21, v22;
	_ =	sdelay $0x1  }
0x23b: {  	[tilespmem:s12+$0x20] =	vst v21  }
0x23c: {  	v21 =	vld [tilespmem:s13+$0x30];
	_ =	sdelay $0x4  }
0x23d: {  	v21 =	vmul.f32 v21, v22;
	_ =	sdelay $0x1  }
0x23e: {  	[tilespmem:s12+$0x30] =	vst v21  }
0x23f: {  	v21 =	vld [tilespmem:s13+$0x40];
	_ =	sdelay $0x2  }
0x240: {  	v22 =	vbroadcast v20, $0x2;
	_ =	sdelay $0x1  }
0x241: {  	v21 =	vmul.f32 v21, v22;
	_ =	sdelay $0x1  }
0x242: {  	[tilespmem:s12+$0x40] =	vst v21  }
0x243: {  	v21 =	vld [tilespmem:s13+$0x50];
	_ =	sdelay $0x4  }
0x244: {  	v21 =	vmul.f32 v21, v22;
	_ =	sdelay $0x1  }
0x245: {  	[tilespmem:s12+$0x50] =	vst v21  }
0x246: {  	v21 =	vld [tilespmem:s13+$0x60];
	_ =	sdelay $0x2  }
0x247: {  	v20 =	vbroadcast v20, $0x3;
	_ =	sdelay $0x1  }
0x248: {  	v21 =	vmul.f32 v21, v20;
	_ =	sdelay $0x1  }
0x249: {  	[tilespmem:s12+$0x60] =	vst v21  }
0x24a: {  	v21 =	vld [tilespmem:s13+$0x70];
	_ =	sdelay $0x4  }
0x24b: {  	v20 =	vmul.f32 v21, v20;
	_ =	sdelay $0x1  }
0x24c: {  	[tilespmem:s12+$0x70] =	vst v20  }
0x24d: {  	v20 =	vld [tilespmem:s4+$0x80];
	_ =	sdelay $0x1  }
0x24e: {  	v21 =	vld [tilespmem:s13+$0x80];
	_ =	sdelay $0x2  }
0x24f: {  	v22 =	vbroadcast v20, $0x0;
	_ =	sdelay $0x1  }
0x250: {  	v21 =	vmul.f32 v21, v22;
	_ =	sdelay $0x1  }
0x251: {  	[tilespmem:s12+$0x80] =	vst v21  }
0x252: {  	v21 =	vld [tilespmem:s13+$0x90];
	_ =	sdelay $0x4  }
0x253: {  	v21 =	vmul.f32 v21, v22;
	_ =	sdelay $0x1  }
0x254: {  	[tilespmem:s12+$0x90] =	vst v21  }
0x255: {  	v21 =	vld [tilespmem:s13+$0xA0];
	_ =	sdelay $0x2  }
0x256: {  	v22 =	vbroadcast v20, $0x1;
	_ =	sdelay $0x1  }
0x257: {  	v21 =	vmul.f32 v21, v22;
	_ =	sdelay $0x1  }
0x258: {  	[tilespmem:s12+$0xA0] =	vst v21  }
0x259: {  	v21 =	vld [tilespmem:s13+$0xB0];
	_ =	sdelay $0x4  }
0x25a: {  	v21 =	vmul.f32 v21, v22;
	_ =	sdelay $0x1  }
0x25b: {  	[tilespmem:s12+$0xB0] =	vst v21  }
0x25c: {  	v21 =	vld [tilespmem:s13+$0xC0];
	_ =	sdelay $0x2  }
0x25d: {  	v22 =	vbroadcast v20, $0x2;
	_ =	sdelay $0x1  }
0x25e: {  	v21 =	vmul.f32 v21, v22;
	_ =	sdelay $0x1  }
0x25f: {  	[tilespmem:s12+$0xC0] =	vst v21  }
0x260: {  	v21 =	vld [tilespmem:s13+$0xD0];
	_ =	sdelay $0x4  }
0x261: {  	v21 =	vmul.f32 v21, v22;
	_ =	sdelay $0x1  }
0x262: {  	[tilespmem:s12+$0xD0] =	vst v21  }
0x263: {  	v21 =	vld [tilespmem:s13+$0xE0];
	_ =	sdelay $0x2  }
0x264: {  	v20 =	vbroadcast v20, $0x3;
	_ =	sdelay $0x1  }
0x265: {  	v21 =	vmul.f32 v21, v20;
	_ =	sdelay $0x1  }
0x266: {  	[tilespmem:s12+$0xE0] =	vst v21  }
0x267: {  	v21 =	vld [tilespmem:s13+$0xF0];
	_ =	sdelay $0x4  }
0x268: {  	v20 =	vmul.f32 v21, v20  }
0x269: {  	s1 =	simm.s32 $0x4180;
	s4 =	simm.s32 $0x0  }
.LBB2_13:
0x26a: {  	s4 =	sadd.s32 $0x4, s4;
	[tilespmem:s12+$0xF0] =	vst v20;
	s13 =	sadd.s32 $0x200, s13;
	s12 =	sadd.s32 $0x200, s12  }
0x26b: {  	v20 =	vld [tilespmem:s1+$0xFFFFFF00];
	p0 =	slt.u32 s4, $0x24;
	_ =	sdelay $0x1  }
0x26c: {  	v21 =	vld [tilespmem:s13+$0xFFFFFF00];
	_ =	sdelay $0x2  }
0x26d: {  	v22 =	vbroadcast v20, $0x0;
	_ =	sdelay $0x1  }
0x26e: {  	v21 =	vmul.f32 v21, v22;
	_ =	sdelay $0x1  }
0x26f: {  	[tilespmem:s12+$0xFFFFFF00] =	vst v21  }
0x270: {  	v21 =	vld [tilespmem:s13+$0xFFFFFF10];
	_ =	sdelay $0x4  }
0x271: {  	v21 =	vmul.f32 v21, v22;
	_ =	sdelay $0x1  }
0x272: {  	[tilespmem:s12+$0xFFFFFF10] =	vst v21  }
0x273: {  	v21 =	vld [tilespmem:s13+$0xFFFFFF20];
	_ =	sdelay $0x2  }
0x274: {  	v22 =	vbroadcast v20, $0x1;
	_ =	sdelay $0x1  }
0x275: {  	v21 =	vmul.f32 v21, v22;
	_ =	sdelay $0x1  }
0x276: {  	[tilespmem:s12+$0xFFFFFF20] =	vst v21  }
0x277: {  	v21 =	vld [tilespmem:s13+$0xFFFFFF30];
	_ =	sdelay $0x4  }
0x278: {  	v21 =	vmul.f32 v21, v22;
	_ =	sdelay $0x1  }
0x279: {  	[tilespmem:s12+$0xFFFFFF30] =	vst v21  }
0x27a: {  	v21 =	vld [tilespmem:s13+$0xFFFFFF40];
	_ =	sdelay $0x2  }
0x27b: {  	v22 =	vbroadcast v20, $0x2;
	_ =	sdelay $0x1  }
0x27c: {  	v21 =	vmul.f32 v21, v22;
	_ =	sdelay $0x1  }
0x27d: {  	[tilespmem:s12+$0xFFFFFF40] =	vst v21  }
0x27e: {  	v21 =	vld [tilespmem:s13+$0xFFFFFF50];
	_ =	sdelay $0x4  }
0x27f: {  	v21 =	vmul.f32 v21, v22;
	_ =	sdelay $0x1  }
0x280: {  	[tilespmem:s12+$0xFFFFFF50] =	vst v21  }
0x281: {  	v21 =	vld [tilespmem:s13+$0xFFFFFF60];
	_ =	sdelay $0x2  }
0x282: {  	v20 =	vbroadcast v20, $0x3;
	_ =	sdelay $0x1  }
0x283: {  	v21 =	vmul.f32 v21, v20;
	_ =	sdelay $0x1  }
0x284: {  	[tilespmem:s12+$0xFFFFFF60] =	vst v21  }
0x285: {  	v21 =	vld [tilespmem:s13+$0xFFFFFF70];
	_ =	sdelay $0x4  }
0x286: {  	v20 =	vmul.f32 v21, v20;
	_ =	sdelay $0x1  }
0x287: {  	[tilespmem:s12+$0xFFFFFF70] =	vst v20  }
0x288: {  	v20 =	vld [tilespmem:s1+$0xFFFFFF80];
	_ =	sdelay $0x1  }
0x289: {  	v21 =	vld [tilespmem:s13+$0xFFFFFF80];
	_ =	sdelay $0x2  }
0x28a: {  	v22 =	vbroadcast v20, $0x0;
	_ =	sdelay $0x1  }
0x28b: {  	v21 =	vmul.f32 v21, v22;
	_ =	sdelay $0x1  }
0x28c: {  	[tilespmem:s12+$0xFFFFFF80] =	vst v21  }
0x28d: {  	v21 =	vld [tilespmem:s13+$0xFFFFFF90];
	_ =	sdelay $0x4  }
0x28e: {  	v21 =	vmul.f32 v21, v22;
	_ =	sdelay $0x1  }
0x28f: {  	[tilespmem:s12+$0xFFFFFF90] =	vst v21  }
0x290: {  	v21 =	vld [tilespmem:s13+$0xFFFFFFA0];
	_ =	sdelay $0x2  }
0x291: {  	v22 =	vbroadcast v20, $0x1;
	_ =	sdelay $0x1  }
0x292: {  	v21 =	vmul.f32 v21, v22;
	_ =	sdelay $0x1  }
0x293: {  	[tilespmem:s12+$0xFFFFFFA0] =	vst v21  }
0x294: {  	v21 =	vld [tilespmem:s13+$0xFFFFFFB0];
	_ =	sdelay $0x4  }
0x295: {  	v21 =	vmul.f32 v21, v22;
	_ =	sdelay $0x1  }
0x296: {  	[tilespmem:s12+$0xFFFFFFB0] =	vst v21  }
0x297: {  	v21 =	vld [tilespmem:s13+$0xFFFFFFC0];
	_ =	sdelay $0x2  }
0x298: {  	v22 =	vbroadcast v20, $0x2;
	_ =	sdelay $0x1  }
0x299: {  	v21 =	vmul.f32 v21, v22;
	_ =	sdelay $0x1  }
0x29a: {  	[tilespmem:s12+$0xFFFFFFC0] =	vst v21  }
0x29b: {  	v21 =	vld [tilespmem:s13+$0xFFFFFFD0];
	_ =	sdelay $0x4  }
0x29c: {  	v21 =	vmul.f32 v21, v22;
	_ =	sdelay $0x1  }
0x29d: {  	[tilespmem:s12+$0xFFFFFFD0] =	vst v21  }
0x29e: {  	v21 =	vld [tilespmem:s13+$0xFFFFFFE0];
	_ =	sdelay $0x2  }
0x29f: {  	v20 =	vbroadcast v20, $0x3;
	_ =	sdelay $0x1  }
0x2a0: {  	v21 =	vmul.f32 v21, v20;
	_ =	sdelay $0x1  }
0x2a1: {  	[tilespmem:s12+$0xFFFFFFE0] =	vst v21  }
0x2a2: {  	v21 =	vld [tilespmem:s13+$0xFFFFFFF0];
	_ =	sdelay $0x4  }
0x2a3: {  	v20 =	vmul.f32 v21, v20;
	_ =	sdelay $0x1  }
0x2a4: {  	[tilespmem:s12+$0xFFFFFFF0] =	vst v20  }
0x2a5: {  	v20 =	vld [tilespmem:s1+$0x0];
	_ =	sdelay $0x1  }
0x2a6: {  	v21 =	vld [tilespmem:s13+$0x0];
	_ =	sdelay $0x2  }
0x2a7: {  	v22 =	vbroadcast v20, $0x0;
	_ =	sdelay $0x1  }
0x2a8: {  	v21 =	vmul.f32 v21, v22;
	_ =	sdelay $0x1  }
0x2a9: {  	[tilespmem:s12+$0x0] =	vst v21  }
0x2aa: {  	v21 =	vld [tilespmem:s13+$0x10];
	_ =	sdelay $0x4  }
0x2ab: {  	v21 =	vmul.f32 v21, v22;
	_ =	sdelay $0x1  }
0x2ac: {  	[tilespmem:s12+$0x10] =	vst v21  }
0x2ad: {  	v21 =	vld [tilespmem:s13+$0x20];
	_ =	sdelay $0x2  }
0x2ae: {  	v22 =	vbroadcast v20, $0x1;
	_ =	sdelay $0x1  }
0x2af: {  	v21 =	vmul.f32 v21, v22;
	_ =	sdelay $0x1  }
0x2b0: {  	[tilespmem:s12+$0x20] =	vst v21  }
0x2b1: {  	v21 =	vld [tilespmem:s13+$0x30];
	_ =	sdelay $0x4  }
0x2b2: {  	v21 =	vmul.f32 v21, v22;
	_ =	sdelay $0x1  }
0x2b3: {  	[tilespmem:s12+$0x30] =	vst v21  }
0x2b4: {  	v21 =	vld [tilespmem:s13+$0x40];
	_ =	sdelay $0x2  }
0x2b5: {  	v22 =	vbroadcast v20, $0x2;
	_ =	sdelay $0x1  }
0x2b6: {  	v21 =	vmul.f32 v21, v22;
	_ =	sdelay $0x1  }
0x2b7: {  	[tilespmem:s12+$0x40] =	vst v21  }
0x2b8: {  	v21 =	vld [tilespmem:s13+$0x50];
	_ =	sdelay $0x4  }
0x2b9: {  	v21 =	vmul.f32 v21, v22;
	_ =	sdelay $0x1  }
0x2ba: {  	[tilespmem:s12+$0x50] =	vst v21  }
0x2bb: {  	v21 =	vld [tilespmem:s13+$0x60];
	_ =	sdelay $0x2  }
0x2bc: {  	v20 =	vbroadcast v20, $0x3;
	_ =	sdelay $0x1  }
0x2bd: {  	v21 =	vmul.f32 v21, v20;
	_ =	sdelay $0x1  }
0x2be: {  	[tilespmem:s12+$0x60] =	vst v21  }
0x2bf: {  	v21 =	vld [tilespmem:s13+$0x70];
	_ =	sdelay $0x4  }
0x2c0: {  	v20 =	vmul.f32 v21, v20;
	_ =	sdelay $0x1  }
0x2c1: {  	[tilespmem:s12+$0x70] =	vst v20  }
0x2c2: {  	v20 =	vld [tilespmem:s1+$0x80]  }
0x2c3: {  	v21 =	vld [tilespmem:s13+$0x80];
	_ =	sdelay $0x3  }
0x2c4: {  	v22 =	vbroadcast v20, $0x0;
	_ =	sdelay $0x1  }
0x2c5: {  	v21 =	vmul.f32 v21, v22;
	_ =	sdelay $0x1  }
0x2c6: {  	[tilespmem:s12+$0x80] =	vst v21  }
0x2c7: {  	v21 =	vld [tilespmem:s13+$0x90];
	_ =	sdelay $0x4  }
0x2c8: {  	v21 =	vmul.f32 v21, v22;
	_ =	sdelay $0x1  }
0x2c9: {  	[tilespmem:s12+$0x90] =	vst v21  }
0x2ca: {  	v21 =	vld [tilespmem:s13+$0xA0];
	_ =	sdelay $0x2  }
0x2cb: {  	v22 =	vbroadcast v20, $0x1;
	_ =	sdelay $0x1  }
0x2cc: {  	v21 =	vmul.f32 v21, v22;
	_ =	sdelay $0x1  }
0x2cd: {  	[tilespmem:s12+$0xA0] =	vst v21  }
0x2ce: {  	v21 =	vld [tilespmem:s13+$0xB0];
	_ =	sdelay $0x4  }
0x2cf: {  	v21 =	vmul.f32 v21, v22;
	_ =	sdelay $0x1  }
0x2d0: {  	[tilespmem:s12+$0xB0] =	vst v21  }
0x2d1: {  	v21 =	vld [tilespmem:s13+$0xC0];
	_ =	sdelay $0x2  }
0x2d2: {  	v22 =	vbroadcast v20, $0x2;
	_ =	sdelay $0x1  }
0x2d3: {  	v21 =	vmul.f32 v21, v22;
	_ =	sdelay $0x1  }
0x2d4: {  	[tilespmem:s12+$0xC0] =	vst v21  }
0x2d5: {  	v21 =	vld [tilespmem:s13+$0xD0];
	_ =	sdelay $0x4  }
0x2d6: {  	v21 =	vmul.f32 v21, v22;
	_ =	sdelay $0x1  }
0x2d7: {  	[tilespmem:s12+$0xD0] =	vst v21  }
0x2d8: {  	v21 =	vld [tilespmem:s13+$0xE0];
	_ =	sdelay $0x2  }
0x2d9: {  	v20 =	vbroadcast v20, $0x3;
	_ =	sdelay $0x1  }
0x2da: {  	v21 =	vmul.f32 v21, v20;
	_ =	sdelay $0x1  }
0x2db: {  	[tilespmem:s12+$0xE0] =	vst v21  }
0x2dc: {  	v21 =	vld [tilespmem:s13+$0xF0];
	_ =	sdelay $0x1  }
.Ltmp5:
0x2dd: {  	(pc) =	sbr.rel @p0 .LBB2_13-.Ltmp5, $3  }
0x2de: {  	_ =	sdelay $0x1  }
0x2df: {  	v20 =	vmul.f32 v21, v20  }
0x2e0: {  	s1 =	sadd.s32 $0x200, s1  }
0x2e1: {  	[tilespmem:s12+$0xF0] =	vst v20;
	s1 =	simm.s32 $0x4  }
0x2e2: {  	[spmem:s2] =	stream.indirect.scatter.add.f32 [tilespmem:s30], [sflag:$0x4], $0x80, s3, s18, $0xb8;
	[tilespmem:$0x1EB80] =	vst v63  }
0x2e3: {  	_ =	swait.ge [sflag:s1], $0x1400  }
0x2e4: {  	[sflag:s1] =	ssyncset.done $0x0  }
0x2e5: {  	[sflag:s1] =	ssyncadd.s32 $0xFFFFEC00  }
0x2e6: {  	[spmem:s2] =	stream.indirect.scatter.add.f32 [tilespmem:s29], [sflag:$0x4], $0x80, s31, s18, $0xb8;
	[tilespmem:$0x1EB80] =	vst v63  }
0x2e7: {  	_ =	swait.ge [sflag:s1], $0x1400  }
0x2e8: {  	[sflag:s1] =	ssyncset.done $0x0  }
0x2e9: {  	s4 =	simm.s32 $0xFFFFFFFE;
	[sflag:s1] =	ssyncadd.s32 $0xFFFFEC00  }
.LBB2_15:
0x2ea: {  	s12 =	sadd.s32 $0xFFFFFFFC, s1  }
0x2eb: {  	v20 =	vor.u32 s12, v4;
	_ =	sdelay $0x4  }
0x2ec: {  	v21 =	vld.idx.msk [tilespmem:v20+s3+$0x0], $0xffff;
	_ =	sdelay $0x4  }
0x2ed: {  	v21 =	vshll.u32 v21, $0x4  }
0x2ee: {  	v20 =	vshll.u32 v20, $0x7;
	v21 =	vand.u32 $0x70, v21  }
0x2ef: {  	v20 =	vor.u32 v20, v21  }
0x2f0: {  	v20 =	vor.u32 v0, v20  }
0x2f1: {  	v63 =	vor.u32 s1, v4;
	_ =	sdelay $0x3  }
0x2f2: {  	[tilespmem:v20+s29+$0x0] =	vst.idx.msk $0xffff, v3  }
0x2f3: {  	v20 =	vld.idx.msk [tilespmem:v63+s3+$0x0], $0xffff;
	_ =	sdelay $0x4  }
0x2f4: {  	v20 =	vshll.u32 v20, $0x4  }
0x2f5: {  	v21 =	vshll.u32 v63, $0x7;
	v20 =	vand.u32 $0x70, v20  }
0x2f6: {  	s4 =	sadd.s32 $0x2, s4;
	v20 =	vor.u32 v21, v20  }
0x2f7: {  	p0 =	slt.u32 s4, $0x8;
	v20 =	vor.u32 v0, v20  }
.Ltmp6:
0x2f8: {  	_ = 	snop;
	(pc) =	sbr.rel @p0 .LBB2_15-.Ltmp6, $2  }
0x2f9: {  	_ =	sdelay $0x2  }
0x2fa: {  	s1 =	sadd.s32 $0x8, s1;
	[tilespmem:v20+s29+$0x0] =	vst.idx.msk $0xffff, v3  }
0x2fb: {  	s11 =	sadd.s32 $0x1, s11  }
0x2fc: {  	p0 =	sne.s32 s11, $0xFA  }
.Ltmp7:
0x2fd: {  	_ = 	snop;
	(pc) =	sbr.rel @p0 .LBB2_8-.Ltmp7, $1  }
0x2fe: {  	_ =	sdelay $0x3  }
0x2ff: {  	[bflag:$0x0] =	sbarrier.arrive $0xFFFF  }
0x300: {  	s12 =	rddreg [dreg:$0x6]  }
0x301: {  	s13 =	rddreg [dreg:$0x5]  }
0x302: {  	s11 =	simm.s32 $0x0;
	s4 =	rddreg [dreg:$0x7]  }
.LBB2_18:
0x303: {  	[tilespmem:s15], [sflag:$0x4] =	stream.linear.gather [spmem:s12], $0x800, $0x38;
	[tilespmem:$0x1EB80] =	vst v63  }
0x304: {  	_ =	swait.ge [sflag:s16], $0x800  }
0x305: {  	[sflag:s16] =	ssyncset.done $0x0  }
0x306: {  	[sflag:s16] =	ssyncadd.s32 $0xFFFFF800  }
0x307: {  	[tilespmem:s0], [sflag:$0x4] =	stream.linear.gather [spmem:s13], $0x100, $0x38;
	[tilespmem:$0x1EB80] =	vst v63  }
0x308: {  	_ =	swait.ge [sflag:s16], $0x100  }
0x309: {  	[sflag:s16] =	ssyncset.done $0x0  }
0x30a: {  	[sflag:s16] =	ssyncadd.s32 $0xFFFFFF00  }
0x30b: {  	v20 =	vld [tilespmem:$0x8280];
	_ =	sdelay $0x1  }
0x30c: {  	v21 =	vld [tilespmem:$0x7A80]  }
0x30d: {  	v22 =	vld [tilespmem:$0x7A90]  }
0x30e: {  	v23 =	vld [tilespmem:$0x7AA0]  }
0x30f: {  	v24 =	vld [tilespmem:$0x7AB0];
	v20 =	vadd.f32 $9.999999930e-09, v20  }
0x310: {  	v25 =	vld [tilespmem:$0x7AC0]  }
0x311: {  	v26 =	vld [tilespmem:$0x7AD0];
	v29 =	vbroadcast v20, $0x0  }
0x312: {  	v27 =	vld [tilespmem:$0x7AE0]  }
0x313: {  	v30 =	vld [tilespmem:$0x8290];
	(erf) = vrcp.f32 v29  }
0x314: {  	v28 =	vld [tilespmem:$0x7AF0]  }
0x315: {  	v31 =	vld [tilespmem:$0x7B00];
	v46 =	vbroadcast v20, $0x1  }
0x316: {  	v32 =	vld [tilespmem:$0x7B10];
	v47 =	vbroadcast v20, $0x2  }
0x317: {  	v38 =	vld [tilespmem:$0x82A0];
	v20 =	vbroadcast v20, $0x3;
	(erf) = vrcp.f32 v46  }
0x318: {  	v33 =	vld [tilespmem:$0x7B20];
	v30 =	vadd.f32 $9.999999930e-09, v30;
	(erf) = vrcp.f32 v47  }
0x319: {  	v34 =	vld [tilespmem:$0x7B30];
	(erf) = vrcp.f32 v20  }
0x31a: {  	v35 =	vld [tilespmem:$0x7B40];
	v37 =	vbroadcast v30, $0x0  }
0x31b: {  	v36 =	vld [tilespmem:$0x7B60]  }
0x31c: {  	v39 =	vld [tilespmem:$0x7B80];
	v51 =	vadd.f32 $9.999999930e-09, v38;
	v40 =	vpop (erf);
	(erf) = vrcp.f32 v37  }
0x31d: {  	v41 =	vld [tilespmem:$0x7B90];
	v48 =	vbroadcast v30, $0x1;
	v49 =	vbroadcast v30, $0x2  }
0x31e: {  	v43 =	vld [tilespmem:$0x7BB0];
	v30 =	vbroadcast v30, $0x3;
	v54 =	vbroadcast v51, $0x0  }
0x31f: {  	v55 =	vld [tilespmem:$0x82B0];
	v57 =	vbroadcast v51, $0x1;
	v60 =	vbroadcast v51, $0x2  }
0x320: {  	v44 =	vld [tilespmem:$0x7BF0];
	v63 =	vbroadcast v51, $0x3;
	v42 =	vpop (erf);
	(erf) = vrcp.f32 v48  }
0x321: {  	v38 =	vld [tilespmem:$0x7BD0];
	v21 =	vmul.f32 v40, v21;
	v50 =	vpop (erf);
	(erf) = vrcp.f32 v49  }
0x322: {  	v29 =	vld [tilespmem:$0x7B50];
	v22 =	vmul.f32 v40, v22;
	v53 =	vpop (erf);
	(erf) = vrcp.f32 v30  }
0x323: {  	v20 =	vld [tilespmem:$0x7B70];
	v23 =	vmul.f32 v23, v42;
	[tilespmem:$0x7A80] =	vst v21;
	(erf) = vrcp.f32 v54  }
0x324: {  	v40 =	vld [tilespmem:$0x7BA0];
	v24 =	vmul.f32 v24, v42;
	[tilespmem:$0x7A90] =	vst v22;
	v52 =	vmul.f32 v25, v50  }
0x325: {  	v42 =	vld [tilespmem:$0x7BC0];
	v21 =	vmul.f32 v26, v50;
	v30 =	vadd.f32 $9.999999930e-09, v55;
	[tilespmem:$0x7AA0] =	vst v23;
	v59 =	vpop (erf);
	(erf) = vrcp.f32 v57  }
0x326: {  	v25 =	vld [tilespmem:$0x7BE0];
	[tilespmem:$0x7AB0] =	vst v24;
	v56 =	vmul.f32 v27, v53;
	v58 =	vmul.f32 v28, v53  }
0x327: {  	v50 =	vld [tilespmem:$0x82C0];
	[tilespmem:$0x7AC0] =	vst v52;
	v46 =	vbroadcast v30, $0x0;
	v49 =	vbroadcast v30, $0x1  }
0x328: {  	v26 =	vld [tilespmem:$0x7CA0];
	[tilespmem:$0x7AD0] =	vst v21;
	v53 =	vbroadcast v30, $0x2;
	v30 =	vbroadcast v30, $0x3  }
0x329: {  	v23 =	vld [tilespmem:$0x7C00];
	[tilespmem:$0x7AE0] =	vst v56;
	v61 =	vmul.f32 v59, v31;
	v62 =	vpop (erf);
	(erf) = vrcp.f32 v60  }
0x32a: {  	v27 =	vld [tilespmem:$0x7C10];
	[tilespmem:$0x7AF0] =	vst v58;
	v21 =	vmul.f32 v59, v32;
	v45 =	vpop (erf);
	(erf) = vrcp.f32 v63  }
0x32b: {  	v28 =	vld [tilespmem:$0x7C20];
	v37 =	vmul.f32 v33, v62;
	[tilespmem:$0x7B00] =	vst v61;
	v48 =	vpop (erf);
	(erf) = vrcp.f32 v46  }
0x32c: {  	v31 =	vld [tilespmem:$0x7C30];
	v22 =	vmul.f32 v34, v62;
	[tilespmem:$0x7B10] =	vst v21;
	v52 =	vpop (erf);
	(erf) = vrcp.f32 v49  }
0x32d: {  	v32 =	vld [tilespmem:$0x7C40];
	v47 =	vmul.f32 v35, v45;
	[tilespmem:$0x7B20] =	vst v37;
	v20 =	vmul.f32 v20, v48  }
0x32e: {  	v60 =	vld [tilespmem:$0x82D0];
	v34 =	vadd.f32 $9.999999930e-09, v50;
	v21 =	vmul.f32 v29, v45;
	[tilespmem:$0x7B30] =	vst v22;
	v55 =	vpop (erf);
	(erf) = vrcp.f32 v53  }
0x32f: {  	v33 =	vld [tilespmem:$0x7C50];
	v51 =	vmul.f32 v36, v48;
	[tilespmem:$0x7B70] =	vst v20;
	v20 =	vmul.f32 v40, v55  }
0x330: {  	v29 =	vld [tilespmem:$0x7C60];
	v59 =	vbroadcast v34, $0x0;
	v63 =	vbroadcast v34, $0x1;
	[tilespmem:$0x7B40] =	vst v47  }
0x331: {  	v35 =	vld [tilespmem:$0x7C80];
	v45 =	vbroadcast v34, $0x2;
	v48 =	vbroadcast v34, $0x3;
	[tilespmem:$0x7B50] =	vst v21  }
0x332: {  	v22 =	vld [tilespmem:$0x7C70];
	v54 =	vmul.f32 v52, v39;
	[tilespmem:$0x7B60] =	vst v51;
	v57 =	vpop (erf);
	(erf) = vrcp.f32 v30  }
0x333: {  	v37 =	vld [tilespmem:$0x7C90];
	v21 =	vmul.f32 v52, v41;
	[tilespmem:$0x7BA0] =	vst v20;
	v20 =	vpop (erf);
	(erf) = vrcp.f32 v59  }
0x334: {  	v34 =	vld [tilespmem:$0x7D20];
	[tilespmem:$0x7B80] =	vst v54;
	v61 =	vmul.f32 v25, v20;
	v20 =	vmul.f32 v44, v20;
	v62 =	vpop (erf)  }
0x335: {  	v39 =	vld [tilespmem:$0x7CB0];
	[tilespmem:$0x7B90] =	vst v21;
	v56 =	vmul.f32 v43, v55;
	v44 =	vpop (erf)  }
0x336: {  	v41 =	vld [tilespmem:$0x7CE0];
	v58 =	vmul.f32 v42, v57;
	[tilespmem:$0x7BF0] =	vst v20;
	v20 =	vmul.f32 v28, v44  }
0x337: {  	v46 =	vadd.f32 $9.999999930e-09, v60;
	v51 =	vld [tilespmem:$0x82E0];
	v36 =	vmul.f32 v38, v57;
	[tilespmem:$0x7BB0] =	vst v56;
	(erf) = vrcp.f32 v63;
	v47 =	vpop (erf)  }
0x338: {  	v54 =	vld [tilespmem:$0x7D40];
	(erf) = vrcp.f32 v45;
	[tilespmem:$0x7C20] =	vst v20;
	v20 =	vmul.f32 v33, v47  }
0x339: {  	v50 =	vbroadcast v46, $0x0;
	v53 =	vbroadcast v46, $0x1;
	v40 =	vld [tilespmem:$0x7D30];
	[tilespmem:$0x7BC0] =	vst v58  }
0x33a: {  	v30 =	vld [tilespmem:$0x7D60];
	v57 =	vbroadcast v46, $0x2;
	[tilespmem:$0x7BD0] =	vst v36;
	(erf) = vrcp.f32 v48  }
0x33b: {  	v43 =	vld [tilespmem:$0x82F0];
	v23 =	vmul.f32 v62, v23;
	[tilespmem:$0x7BE0] =	vst v61;
	v52 =	vpop (erf);
	(erf) = vrcp.f32 v50  }
0x33c: {  	v38 =	vld [tilespmem:$0x7CC0];
	v21 =	vmul.f32 v62, v27;
	v24 =	vmul.f32 v31, v44;
	[tilespmem:$0x7C50] =	vst v20;
	v20 =	vpop (erf)  }
0x33d: {  	v56 =	vld [tilespmem:$0x7D50];
	[tilespmem:$0x7C00] =	vst v23;
	v58 =	vmul.f32 v20, v35;
	v20 =	vmul.f32 v20, v37  }
0x33e: {  	v25 =	vld [tilespmem:$0x7CD0];
	v28 =	vbroadcast v46, $0x3;
	[tilespmem:$0x7C10] =	vst v21;
	v49 =	vmul.f32 v32, v47  }
0x33f: {  	v36 =	vld [tilespmem:$0x7D00];
	v23 =	vadd.f32 $9.999999930e-09, v51;
	[tilespmem:$0x7C30] =	vst v24;
	v55 =	vmul.f32 v29, v52;
	(erf) = vrcp.f32 v53  }
0x340: {  	v27 =	vld [tilespmem:$0x7CF0];
	v22 =	vmul.f32 v22, v52;
	[tilespmem:$0x7C40] =	vst v49;
	v59 =	vpop (erf);
	(erf) = vrcp.f32 v57  }
0x341: {  	v31 =	vld [tilespmem:$0x7D10];
	v61 =	vbroadcast v23, $0x0;
	[tilespmem:$0x7C90] =	vst v20;
	v20 =	vpop (erf);
	(erf) = vrcp.f32 v28  }
0x342: {  	v46 =	vld [tilespmem:$0x7DC0];
	v42 =	vbroadcast v23, $0x1;
	[tilespmem:$0x7C60] =	vst v55;
	v62 =	vmul.f32 v38, v20  }
0x343: {  	v33 =	vld [tilespmem:$0x7D70];
	[tilespmem:$0x7C70] =	vst v22;
	v20 =	vmul.f32 v25, v20;
	v63 =	vpop (erf);
	(erf) = vrcp.f32 v61  }
0x344: {  	v24 =	vld [tilespmem:$0x7E10];
	v60 =	vmul.f32 v26, v59;
	v22 =	vmul.f32 v39, v59;
	[tilespmem:$0x7C80] =	vst v58;
	v45 =	vpop (erf)  }
0x345: {  	v29 =	vld [tilespmem:$0x7D80];
	v53 =	vadd.f32 $9.999999930e-09, v43;
	(erf) = vrcp.f32 v42;
	[tilespmem:$0x7CD0] =	vst v20;
	v20 =	vmul.f32 v45, v36  }
0x346: {  	v50 =	vld [tilespmem:$0x7DE0];
	v49 =	vbroadcast v23, $0x2;
	[tilespmem:$0x7CA0] =	vst v60  }
0x347: {  	v52 =	vld [tilespmem:$0x7DF0];
	v23 =	vbroadcast v23, $0x3;
	v39 =	vbroadcast v53, $0x2;
	[tilespmem:$0x7CB0] =	vst v22  }
0x348: {  	v35 =	vld [tilespmem:$0x7DA0];
	v61 =	vbroadcast v53, $0x1;
	v44 =	vmul.f32 v41, v63;
	[tilespmem:$0x7CC0] =	vst v62;
	v48 =	vpop (erf)  }
0x349: {  	v57 =	vld [tilespmem:$0x8300];
	v22 =	vmul.f32 v27, v63;
	(erf) = vrcp.f32 v49;
	[tilespmem:$0x7D00] =	vst v20;
	v20 =	vpop (erf)  }
0x34a: {  	v25 =	vld [tilespmem:$0x7DB0];
	v47 =	vmul.f32 v45, v31;
	[tilespmem:$0x7CE0] =	vst v44;
	v55 =	vpop (erf);
	(erf) = vrcp.f32 v23  }
0x34b: {  	v37 =	vld [tilespmem:$0x7E00];
	[tilespmem:$0x7CF0] =	vst v22;
	v54 =	vmul.f32 v54, v20;
	v20 =	vmul.f32 v56, v20  }
0x34c: {  	v26 =	vld [tilespmem:$0x7D90];
	v51 =	vmul.f32 v34, v48;
	[tilespmem:$0x7D10] =	vst v47;
	v56 =	vbroadcast v53, $0x0;
	v60 =	vpop (erf)  }
0x34d: {  	v59 =	vld [tilespmem:$0x7E20];
	v31 =	vbroadcast v53, $0x3;
	[tilespmem:$0x7D50] =	vst v20;
	v20 =	vmul.f32 v60, v29  }
0x34e: {  	v28 =	vld [tilespmem:$0x7DD0];
	v32 =	vadd.f32 $9.999999930e-09, v57;
	v27 =	vmul.f32 v40, v48;
	[tilespmem:$0x7D20] =	vst v51;
	(erf) = vrcp.f32 v56;
	v63 =	vpop (erf)  }
0x34f: {  	v57 =	vld [tilespmem:$0x7ED0];
	(erf) = vrcp.f32 v61;
	[tilespmem:$0x7D80] =	vst v20;
	v20 =	vmul.f32 v25, v63  }
0x350: {  	v38 =	vld [tilespmem:$0x7F00];
	v44 =	vbroadcast v32, $0x0;
	[tilespmem:$0x7D30] =	vst v27;
	v58 =	vmul.f32 v30, v55  }
0x351: {  	v41 =	vld [tilespmem:$0x7E60];
	v49 =	vbroadcast v32, $0x1;
	[tilespmem:$0x7D40] =	vst v54;
	(erf) = vrcp.f32 v39  }
0x352: {  	v42 =	vld [tilespmem:$0x7E70];
	v22 =	vmul.f32 v33, v55;
	[tilespmem:$0x7D60] =	vst v58;
	v43 =	vpop (erf);
	(erf) = vrcp.f32 v31  }
0x353: {  	v47 =	vld [tilespmem:$0x8310];
	v21 =	vmul.f32 v60, v26;
	v40 =	vmul.f32 v35, v63;
	[tilespmem:$0x7DB0] =	vst v20;
	v20 =	vpop (erf)  }
0x354: {  	v62 =	vld [tilespmem:$0x7E30];
	[tilespmem:$0x7D70] =	vst v22;
	v50 =	vmul.f32 v50, v20;
	v20 =	vmul.f32 v52, v20  }
0x355: {  	v45 =	vld [tilespmem:$0x7E80];
	v54 =	vbroadcast v32, $0x2;
	[tilespmem:$0x7D90] =	vst v21;
	v46 =	vmul.f32 v46, v43  }
0x356: {  	v36 =	vld [tilespmem:$0x8040];
	v32 =	vbroadcast v32, $0x3;
	[tilespmem:$0x7DA0] =	vst v40;
	(erf) = vrcp.f32 v44  }
0x357: {  	v48 =	vld [tilespmem:$0x7E90];
	v21 =	vmul.f32 v28, v43;
	[tilespmem:$0x7DC0] =	vst v46;
	v52 =	vpop (erf);
	(erf) = vrcp.f32 v49  }
0x358: {  	v26 =	vld [tilespmem:$0x7E40];
	v28 =	vadd.f32 $9.999999930e-09, v47;
	v55 =	vmul.f32 v52, v37;
	[tilespmem:$0x7DF0] =	vst v20;
	v20 =	vpop (erf);
	(erf) = vrcp.f32 v54  }
0x359: {  	v51 =	vld [tilespmem:$0x7EA0];
	[tilespmem:$0x7DD0] =	vst v21;
	v58 =	vmul.f32 v59, v20;
	v20 =	vmul.f32 v62, v20  }
0x35a: {  	v29 =	vld [tilespmem:$0x7E50];
	[tilespmem:$0x7DE0] =	vst v50;
	v60 =	vpop (erf);
	(erf) = vrcp.f32 v32;
	v62 =	vbroadcast v28, $0x0  }
0x35b: {  	v53 =	vld [tilespmem:$0x7EB0];
	v21 =	vmul.f32 v52, v24;
	[tilespmem:$0x7E00] =	vst v55;
	v37 =	vpop (erf)  }
0x35c: {  	v39 =	vld [tilespmem:$0x8320];
	[tilespmem:$0x7E30] =	vst v20;
	v20 =	vmul.f32 v41, v37;
	(erf) = vrcp.f32 v62  }
0x35d: {  	v56 =	vld [tilespmem:$0x7EC0];
	v43 =	vbroadcast v28, $0x1;
	[tilespmem:$0x7E10] =	vst v21;
	v63 =	vmul.f32 v26, v60  }
0x35e: {  	v61 =	vld [tilespmem:$0x7EF0];
	v47 =	vbroadcast v28, $0x2;
	v28 =	vbroadcast v28, $0x3;
	[tilespmem:$0x7E20] =	vst v58  }
0x35f: {  	v59 =	vld [tilespmem:$0x7EE0];
	v21 =	vmul.f32 v29, v60;
	v40 =	vmul.f32 v42, v37;
	[tilespmem:$0x7E40] =	vst v63;
	v41 =	vpop (erf)  }
0x360: {  	v46 =	vld [tilespmem:$0x7F30];
	(erf) = vrcp.f32 v43;
	v44 =	vmul.f32 v41, v45;
	[tilespmem:$0x7E60] =	vst v20;
	v20 =	vpop (erf)  }
0x361: {  	v33 =	vadd.f32 $9.999999930e-09, v39;
	v42 =	vld [tilespmem:$0x7F10];
	[tilespmem:$0x7E50] =	vst v21;
	v23 =	vmul.f32 v41, v48;
	v50 =	vpop (erf);
	(erf) = vrcp.f32 v47  }
0x362: {  	v39 =	vld [tilespmem:$0x7FB0];
	[tilespmem:$0x7E70] =	vst v40;
	v48 =	vmul.f32 v51, v20;
	v20 =	vmul.f32 v53, v20  }
0x363: {  	v49 =	vld [tilespmem:$0x7F40];
	v55 =	vbroadcast v33, $0x0;
	v60 =	vbroadcast v33, $0x1;
	[tilespmem:$0x7E80] =	vst v44;
	v54 =	vpop (erf)  }
0x364: {  	v45 =	vld [tilespmem:$0x7F20];
	(erf) = vrcp.f32 v28;
	[tilespmem:$0x7EB0] =	vst v20;
	v20 =	vmul.f32 v59, v54  }
0x365: {  	v63 =	vbroadcast v33, $0x2;
	[tilespmem:$0x7E90] =	vst v23;
	v52 =	vmul.f32 v56, v50;
	v56 =	vld [tilespmem:$0x8330];
	v58 =	vpop (erf)  }
0x366: {  	v51 =	vld [tilespmem:$0x7F50];
	(erf) = vrcp.f32 v55;
	[tilespmem:$0x7EE0] =	vst v20;
	v20 =	vmul.f32 v58, v42  }
0x367: {  	v62 =	vld [tilespmem:$0x7F90];
	v40 =	vbroadcast v33, $0x3;
	[tilespmem:$0x7EA0] =	vst v48;
	v22 =	vmul.f32 v61, v54  }
0x368: {  	v37 =	vld [tilespmem:$0x7FA0];
	v21 =	vmul.f32 v57, v50;
	[tilespmem:$0x7EC0] =	vst v52;
	(erf) = vrcp.f32 v60  }
0x369: {  	v53 =	vld [tilespmem:$0x7F60];
	v61 =	vmul.f32 v58, v38;
	[tilespmem:$0x7EF0] =	vst v22;
	v38 =	vpop (erf);
	(erf) = vrcp.f32 v63  }
0x36a: {  	v57 =	vld [tilespmem:$0x7F70];
	v42 =	vmul.f32 v45, v38;
	v22 =	vmul.f32 v46, v38;
	v41 =	vadd.f32 $9.999999930e-09, v56;
	[tilespmem:$0x7F10] =	vst v20;
	v20 =	vpop (erf)  }
0x36b: {  	v59 =	vld [tilespmem:$0x7F80];
	[tilespmem:$0x7ED0] =	vst v21;
	v46 =	vmul.f32 v49, v20;
	v20 =	vmul.f32 v51, v20  }
0x36c: {  	v43 =	vld [tilespmem:$0x7FC0];
	[tilespmem:$0x7F00] =	vst v61;
	v45 =	vbroadcast v41, $0x0;
	v54 =	vbroadcast v41, $0x2  }
0x36d: {  	v44 =	vld [tilespmem:$0x7FD0];
	[tilespmem:$0x7F20] =	vst v42;
	(erf) = vrcp.f32 v40;
	v48 =	vpop (erf);
	v49 =	vbroadcast v41, $0x1  }
0x36e: {  	v50 =	vld [tilespmem:$0x8340];
	[tilespmem:$0x7F30] =	vst v22;
	(erf) = vrcp.f32 v45;
	v51 =	vmul.f32 v53, v48  }
0x36f: {  	v47 =	vld [tilespmem:$0x7FE0];
	v22 =	vmul.f32 v57, v48;
	[tilespmem:$0x7F50] =	vst v20;
	v20 =	vpop (erf);
	(erf) = vrcp.f32 v49  }
0x370: {  	v52 =	vld [tilespmem:$0x7FF0];
	[tilespmem:$0x7F40] =	vst v46;
	v55 =	vmul.f32 v20, v59;
	v20 =	vmul.f32 v20, v62  }
0x371: {  	v58 =	vld [tilespmem:$0x8020];
	[tilespmem:$0x7F60] =	vst v51;
	v57 =	vpop (erf);
	(erf) = vrcp.f32 v54;
	v59 =	vbroadcast v41, $0x3  }
0x372: {  	v56 =	vld [tilespmem:$0x8010];
	[tilespmem:$0x7F70] =	vst v22;
	v60 =	vmul.f32 v37, v57;
	v61 =	vpop (erf)  }
0x373: {  	v63 =	vadd.f32 $9.999999930e-09, v50;
	v42 =	vld [tilespmem:$0x8350];
	[tilespmem:$0x7F90] =	vst v20;
	v20 =	vmul.f32 v43, v61;
	(erf) = vrcp.f32 v59  }
0x374: {  	v53 =	vld [tilespmem:$0x8000];
	v22 =	vmul.f32 v39, v57;
	[tilespmem:$0x7F80] =	vst v55  }
0x375: {  	v40 =	vbroadcast v63, $0x0;
	v48 =	vld [tilespmem:$0x8080];
	v49 =	vbroadcast v63, $0x2;
	[tilespmem:$0x7FA0] =	vst v60  }
0x376: {  	v46 =	vld [tilespmem:$0x8070];
	v37 =	vmul.f32 v44, v61;
	v44 =	vbroadcast v63, $0x1;
	v38 =	vpop (erf);
	[tilespmem:$0x7FB0] =	vst v22  }
0x377: {  	v62 =	vld [tilespmem:$0x8030];
	(erf) = vrcp.f32 v40;
	v41 =	vmul.f32 v47, v38;
	[tilespmem:$0x7FC0] =	vst v20;
	v20 =	vpop (erf)  }
0x378: {  	v24 =	vadd.f32 $9.999999930e-09, v42;
	v51 =	vld [tilespmem:$0x8090];
	v23 =	vmul.f32 v52, v38;
	[tilespmem:$0x7FD0] =	vst v37;
	v47 =	vpop (erf);
	(erf) = vrcp.f32 v44  }
0x379: {  	v39 =	vld [tilespmem:$0x8050];
	[tilespmem:$0x7FE0] =	vst v41;
	v45 =	vmul.f32 v20, v53;
	v20 =	vmul.f32 v20, v56  }
0x37a: {  	v54 =	vbroadcast v63, $0x3;
	v57 =	vbroadcast v24, $0x0;
	v43 =	vld [tilespmem:$0x8060];
	[tilespmem:$0x7FF0] =	vst v23;
	v52 =	vpop (erf)  }
0x37b: {  	v55 =	vld [tilespmem:$0x80B0];
	(erf) = vrcp.f32 v49;
	[tilespmem:$0x8010] =	vst v20;
	v20 =	vmul.f32 v36, v52  }
0x37c: {  	v53 =	vld [tilespmem:$0x80A0];
	v50 =	vmul.f32 v58, v47;
	v22 =	vmul.f32 v62, v47;
	[tilespmem:$0x8000] =	vst v45;
	v56 =	vpop (erf)  }
0x37d: {  	v58 =	vld [tilespmem:$0x8360];
	(erf) = vrcp.f32 v54;
	[tilespmem:$0x8040] =	vst v20;
	v20 =	vmul.f32 v46, v56  }
0x37e: {  	v61 =	vbroadcast v24, $0x1;
	v21 =	vmul.f32 v39, v52;
	[tilespmem:$0x8020] =	vst v50  }
0x37f: {  	v34 =	vld [tilespmem:$0x80E0];
	v35 =	vbroadcast v24, $0x2;
	[tilespmem:$0x8030] =	vst v22;
	(erf) = vrcp.f32 v57  }
0x380: {  	v60 =	vld [tilespmem:$0x80C0];
	v59 =	vmul.f32 v43, v56;
	[tilespmem:$0x8050] =	vst v21;
	v63 =	vpop (erf);
	(erf) = vrcp.f32 v61  }
0x381: {  	v62 =	vld [tilespmem:$0x80D0];
	v36 =	vmul.f32 v63, v48;
	v21 =	vmul.f32 v63, v51;
	[tilespmem:$0x8070] =	vst v20;
	v20 =	vpop (erf)  }
0x382: {  	v37 =	vld [tilespmem:$0x80F0];
	[tilespmem:$0x8060] =	vst v59;
	v39 =	vadd.f32 $9.999999930e-09, v58;
	v40 =	vmul.f32 v53, v20;
	v20 =	vmul.f32 v55, v20  }
0x383: {  	v24 =	vbroadcast v24, $0x3;
	v38 =	vld [tilespmem:$0x8100];
	[tilespmem:$0x8080] =	vst v36;
	(erf) = vrcp.f32 v35  }
0x384: {  	v41 =	vld [tilespmem:$0x8110];
	[tilespmem:$0x8090] =	vst v21;
	v44 =	vbroadcast v39, $0x0;
	v42 =	vpop (erf)  }
0x385: {  	v48 =	vld [tilespmem:$0x8370];
	(erf) = vrcp.f32 v24;
	v45 =	vmul.f32 v60, v42;
	[tilespmem:$0x80A0] =	vst v40  }
0x386: {  	v43 =	vld [tilespmem:$0x8120];
	v21 =	vmul.f32 v62, v42;
	[tilespmem:$0x80B0] =	vst v20;
	v20 =	vpop (erf);
	(erf) = vrcp.f32 v44  }
0x387: {  	v46 =	vld [tilespmem:$0x8130];
	v47 =	vbroadcast v39, $0x1;
	[tilespmem:$0x80C0] =	vst v45;
	v49 =	vmul.f32 v34, v20  }
0x388: {  	v50 =	vld [tilespmem:$0x8140];
	v32 =	vbroadcast v39, $0x2;
	[tilespmem:$0x80D0] =	vst v21;
	v20 =	vmul.f32 v37, v20;
	v51 =	vpop (erf)  }
0x389: {  	v52 =	vld [tilespmem:$0x8150];
	(erf) = vrcp.f32 v47;
	v53 =	vmul.f32 v51, v38;
	[tilespmem:$0x80E0] =	vst v49  }
0x38a: {  	v29 =	vbroadcast v39, $0x3;
	v55 =	vld [tilespmem:$0x8160];
	v31 =	vadd.f32 $9.999999930e-09, v48;
	v54 =	vpop (erf);
	[tilespmem:$0x80F0] =	vst v20;
	v20 =	vmul.f32 v51, v41  }
0x38b: {  	v57 =	vld [tilespmem:$0x8170];
	(erf) = vrcp.f32 v32;
	v56 =	vmul.f32 v43, v54;
	[tilespmem:$0x8100] =	vst v53  }
0x38c: {  	v59 =	vld [tilespmem:$0x8180];
	v32 =	vbroadcast v31, $0x0;
	v58 =	vpop (erf);
	[tilespmem:$0x8110] =	vst v20;
	v20 =	vmul.f32 v46, v54  }
0x38d: {  	v61 =	vld [tilespmem:$0x8190];
	(erf) = vrcp.f32 v29;
	v60 =	vmul.f32 v50, v58;
	[tilespmem:$0x8120] =	vst v56  }
0x38e: {  	v63 =	vld [tilespmem:$0x81A0];
	v36 =	vbroadcast v31, $0x1;
	v62 =	vpop (erf);
	[tilespmem:$0x8130] =	vst v20;
	v20 =	vmul.f32 v52, v58  }
0x38f: {  	v35 =	vld [tilespmem:$0x81B0];
	v33 =	vmul.f32 v55, v62;
	[tilespmem:$0x8140] =	vst v60;
	v34 =	vpop (erf);
	(erf) = vrcp.f32 v32  }
0x390: {  	v38 =	vld [tilespmem:$0x81C0];
	v41 =	vbroadcast v31, $0x2;
	[tilespmem:$0x8150] =	vst v20;
	v20 =	vmul.f32 v57, v62  }
0x391: {  	v40 =	vld [tilespmem:$0x81D0];
	[tilespmem:$0x8160] =	vst v33;
	v37 =	vmul.f32 v34, v59;
	(erf) = vrcp.f32 v36  }
0x392: {  	v45 =	vbroadcast v31, $0x3;
	v43 =	vld [tilespmem:$0x81E0];
	v39 =	vpop (erf);
	[tilespmem:$0x8170] =	vst v20;
	v20 =	vmul.f32 v34, v61  }
0x393: {  	v44 =	vld [tilespmem:$0x81F0];
	v42 =	vmul.f32 v63, v39;
	(erf) = vrcp.f32 v41;
	[tilespmem:$0x8180] =	vst v37  }
0x394: {  	v47 =	vld [tilespmem:$0x8200];
	v46 =	vpop (erf);
	[tilespmem:$0x8190] =	vst v20;
	v20 =	vmul.f32 v35, v39  }
0x395: {  	v49 =	vld [tilespmem:$0x8210];
	v48 =	vmul.f32 v38, v46;
	(erf) = vrcp.f32 v45;
	[tilespmem:$0x81A0] =	vst v42  }
0x396: {  	v51 =	vld [tilespmem:$0x8220];
	v50 =	vpop (erf);
	[tilespmem:$0x81B0] =	vst v20;
	v20 =	vmul.f32 v40, v46  }
0x397: {  	v53 =	vld [tilespmem:$0x8230];
	[tilespmem:$0x81C0] =	vst v48;
	v52 =	vmul.f32 v43, v50  }
0x398: {  	v55 =	vld [tilespmem:$0x8240];
	[tilespmem:$0x81D0] =	vst v20;
	v20 =	vmul.f32 v44, v50;
	v54 =	vpop (erf)  }
0x399: {  	v57 =	vld [tilespmem:$0x8250];
	[tilespmem:$0x81E0] =	vst v52;
	v56 =	vmul.f32 v54, v47  }
0x39a: {  	v59 =	vld [tilespmem:$0x8260];
	v58 =	vpop (erf);
	[tilespmem:$0x81F0] =	vst v20;
	v20 =	vmul.f32 v54, v49  }
0x39b: {  	v60 =	vld [tilespmem:$0x8270];
	v22 =	vmul.f32 v51, v58;
	[tilespmem:$0x8200] =	vst v56  }
0x39c: {  	v61 =	vpop (erf);
	[tilespmem:$0x8210] =	vst v20;
	v20 =	vmul.f32 v53, v58  }
0x39d: {  	v21 =	vmul.f32 v55, v61;
	[tilespmem:$0x8220] =	vst v22  }
0x39e: {  	v62 =	vpop (erf);
	[tilespmem:$0x8230] =	vst v20;
	v20 =	vmul.f32 v57, v61  }
0x39f: {  	v63 =	vmul.f32 v59, v62;
	[tilespmem:$0x8240] =	vst v21  }
0x3a0: {  	[tilespmem:$0x8250] =	vst v20;
	v20 =	vmul.f32 v60, v62  }
0x3a1: {  	p0 =	sne.s32 s11, $0x2700;
	[tilespmem:$0x8260] =	vst v63  }
.Ltmp8:
0x3a2: {  	s1 =	sadd.s32 s11, s14;
	[tilespmem:$0x8270] =	vst v20;
	(pc) =	sbr.rel @p0 .LBB2_18-.Ltmp8, $4  }
0x3a3: {  	[hbm4b:s1+s3] =	stream.linear.scatter [tilespmem:s15], [sflag:$0x4], $0x800, $0x38;
	[tilespmem:$0x1EB80] =	vst v63  }
0x3a4: {  	_ =	swait.ge [sflag:s16], $0x800  }
0x3a5: {  	s12 =	sadd.s32 $0x800, s12;
	[sflag:s16] =	ssyncset.done $0x0  }
0x3a6: {  	s11 =	sadd.s32 $0x100, s11;
	s13 =	sadd.s32 $0x100, s13;
	[sflag:s16] =	ssyncadd.s32 $0xFFFFF800  }
0x3a7: {  	s4 =	sadd.s32 $0x1, s4;
	s1 =	rddreg [dreg:$0x4]  }
0x3a8: {  	p0 =	sne.s32 s4, s1  }
.Ltmp9:
0x3a9: {  	_ = 	snop;
	(pc) =	sbr.rel @p0 .LBB2_1-.Ltmp9, $1  }
0x3aa: {  	_ =	sdelay $0x3  }
0x3ab: {  	_ =	sfence.sel $0x180000  }
0x3ac: {  	[bflag:$0x0] =	sbarrier.arrive $0xFFFF  }
0x3ad: {  	_ =	strace $0x90000047  }
0x3ae: {  	s0 =	stileid.u32;
	[bflag:$0x2] =	sbarrier.arrive $0xFFFF  }
0x3af: {  	p0 =	sne.s32 s0, $0x0;
	s0 =	rddreg [dreg:$0x3]  }
0x3b0: {  	s0 =	sadd.s32 @!p0 $0x100000, s0  }
0x3b1: {  	[sflag:s0] =	ssyncadd.tile.s32 @!p0 $0x1;
	_ =	shalt  }
.Lfunc_end2:
_tile_overlayer_lowered:
.L_overlay_start_2:
0x3b2: {  	(tag) =	ssettag $0x2  }
0x3b3: {  	s0 =	rddreg [dreg:$0x0];
	s2 =	stileid.u32  }
0x3b4: {  	s1 =	rddreg [dreg:$0x1];
	p0 =	sne.s32 s2, $0x0  }
0x3b5: {  	s3 =	rddreg [dreg:$0x2];
	[bflag:$0x3] =	sbarrier.arrive $0xFFFF;
	s2 =	simm.s32 @!p0 $0x1C04  }
0x3b6: {  	[timem:s3], [sflag:s2] =	dma.local @!p0 [hbm:s0], s1  }
0x3b7: {  	s0 =	simm.s32 @!p0 $0x4  }
0x3b8: {  	_ =	swait.ge @!p0 [sflag:s0], s1  }
0x3b9: {  	s1 =	ssub.s32 @!p0 $0x0, s1;
	[sflag:s0] =	ssyncset.done @!p0 $0x0  }
0x3ba: {  	[sflag:s0] =	ssyncadd.s32 @!p0 s1  }
0x3bb: {  	[bflag:$0x3] =	sbarrier.arrive $0xFFFF  }
0x3bc: {  	_ =	shalt  }

</sc_bundles>
